<compile_context>
chip_gen: v7x
topology: tpu7x:2x2x1
jax: 0.10.2.dev20260603
libtpu: 0.0.44.dev20260713+nightly
codegen_flags: <defaults>
</compile_context>

<pallas_src>
import functools

import jax
import jax.numpy as jnp
from jax import lax
from jax.experimental import pallas as pl
from jax.experimental.pallas import tpu as pltpu
from jax.experimental.pallas import tpu_sc as plsc

N_NODES = 10000
D = 128
E = 320000
C = 128
NC, NS = 2, 16
NW = NC * NS
CPW = 80
ROWS_P = NW * CPW
E_P = ROWS_P * C
WB = 16
NB = CPW // WB
DUMMY_ROWS = 512
N_ACC = N_NODES + DUMMY_ROWS
SLICE = 656
TAIL = N_ACC - NS * SLICE
ZB = 16

_mesh = plsc.VectorSubcoreMesh(core_axis_name="c", subcore_axis_name="s")


def _fill_f32(ref, rows, cols, value):
    vec = jnp.full((16,), value, jnp.float32)

    @pl.loop(0, rows)
    def _(r):
        @pl.loop(0, cols // 16)
        def _(cc):
            ref.at[r, pl.ds(cc * 16, 16)][...] = vec


def _zero_spmem(acc_sh, zero_v, sid, width):
    base = sid * SLICE

    @pl.loop(0, SLICE // ZB)
    def _(k):
        pltpu.sync_copy(zero_v, acc_sh.at[pl.ds(base + k * ZB, ZB)])

    @pl.when(sid == NS - 1)
    def _():
        @pl.loop(0, TAIL // 8)
        def _(k):
            pltpu.sync_copy(zero_v.at[pl.ds(0, 8)],
                            acc_sh.at[pl.ds(NS * SLICE + k * 8, 8)])


def _writeback(acc_sh, acc_out, cid, sid):
    base = sid * SLICE
    pltpu.sync_copy(acc_sh.at[pl.ds(base, SLICE)],
                    acc_out.at[cid, pl.ds(base, SLICE)])

    @pl.when(sid == NS - 1)
    def _():
        pltpu.sync_copy(acc_sh.at[pl.ds(NS * SLICE, TAIL)],
                        acc_out.at[cid, pl.ds(NS * SLICE, TAIL)])


def _sc_agg_body(x_hbm, src_hbm, dst_hbm, acc_out,
                 acc_sh, src_b, dst_b, msg0, msg1, zero_v,
                 gsem0, gsem1, ssem0, ssem1, isem):
    cid = lax.axis_index("c")
    sid = lax.axis_index("s")
    wid = cid * NS + sid

    _fill_f32(zero_v, ZB, D, 0.0)
    _zero_spmem(acc_sh, zero_v, sid, D)
    plsc.subcore_barrier()

    base_chunk = wid * CPW
    msgs = (msg0, msg1)
    gsems = (gsem0, gsem1)
    ssems = (ssem0, ssem1)

    pltpu.sync_copy(src_hbm.at[pl.ds(base_chunk, WB)], src_b.at[0])
    pltpu.sync_copy(dst_hbm.at[pl.ds(base_chunk, WB)], dst_b.at[0])

    @pl.loop(0, NB)
    def _(t):
        cur = lax.rem(t, 2)
        nxt = lax.rem(t + 1, 2)

        @pl.when(t + 1 < NB)
        def _():
            c1 = base_chunk + (t + 1) * WB
            pltpu.async_copy(src_hbm.at[pl.ds(c1, WB)], src_b.at[nxt], isem)
            pltpu.async_copy(dst_hbm.at[pl.ds(c1, WB)], dst_b.at[nxt], isem)

        @pl.when(t > 0)
        def _():
            c0 = base_chunk + t * WB
            pltpu.make_async_copy(src_hbm.at[pl.ds(c0, WB)],
                                  src_b.at[cur], isem).wait()
            pltpu.make_async_copy(dst_hbm.at[pl.ds(c0, WB)],
                                  dst_b.at[cur], isem).wait()

        gd = [None, None]
        gd[0] = pltpu.async_copy(x_hbm.at[src_b.at[cur, 0]], msgs[0], gsems[0])
        gd[1] = pltpu.async_copy(x_hbm.at[src_b.at[cur, 1]], msgs[1], gsems[1])
        for j in range(WB):
            b = j % 2
            gd[b].wait()
            sd = pltpu.async_copy(msgs[b], acc_sh.at[dst_b.at[cur, j]],
                                  ssems[b], add=True)
            sd.wait()
            if j + 2 < WB:
                gd[b] = pltpu.async_copy(x_hbm.at[src_b.at[cur, j + 2]],
                                         msgs[b], gsems[b])

    plsc.subcore_barrier()
    _writeback(acc_sh, acc_out, cid, sid)


def _sc_cnt_body(dst_hbm, cnt_out, cnt_sh, dst_b, ones_v, zero_v,
                 ssem0, ssem1):
    cid = lax.axis_index("c")
    sid = lax.axis_index("s")
    wid = cid * NS + sid

    _fill_f32(zero_v, ZB, D, 0.0)
    _fill_f32(ones_v, C, D, 1.0)
    _zero_spmem(cnt_sh, zero_v, sid, D)
    plsc.subcore_barrier()

    base_chunk = wid * CPW
    ssems = (ssem0, ssem1)

    @pl.loop(0, NB)
    def _(t):
        pltpu.sync_copy(dst_hbm.at[pl.ds(base_chunk + t * WB, WB)], dst_b)
        sd = [None, None]
        for j in range(WB):
            if sd[j % 2] is not None:
                sd[j % 2].wait()
            sd[j % 2] = pltpu.async_copy(ones_v, cnt_sh.at[dst_b.at[j]],
                                         ssems[j % 2], add=True)
        sd[0].wait()
        sd[1].wait()

    plsc.subcore_barrier()
    _writeback(cnt_sh, cnt_out, cid, sid)


_sc_agg = pl.kernel(
    _sc_agg_body,
    out_type=jax.ShapeDtypeStruct((NC, N_ACC, D), jnp.float32),
    mesh=_mesh,
    scratch_types=[
        pltpu.VMEM_SHARED((N_ACC, D), jnp.float32),
        pltpu.VMEM((2, WB, C), jnp.int32),
        pltpu.VMEM((2, WB, C), jnp.int32),
        pltpu.VMEM((C, D), jnp.float32),
        pltpu.VMEM((C, D), jnp.float32),
        pltpu.VMEM((ZB, D), jnp.float32),
    ] + [pltpu.SemaphoreType.DMA] * 5,
)

_sc_cnt = pl.kernel(
    _sc_cnt_body,
    out_type=jax.ShapeDtypeStruct((NC, N_ACC, D), jnp.float32),
    mesh=_mesh,
    scratch_types=[
        pltpu.VMEM_SHARED((N_ACC, D), jnp.float32),
        pltpu.VMEM((WB, C), jnp.int32),
        pltpu.VMEM((C, D), jnp.float32),
        pltpu.VMEM((ZB, D), jnp.float32),
        pltpu.SemaphoreType.DMA,
        pltpu.SemaphoreType.DMA,
    ],
)


def _prep_body(e_ref, src_ref, dst_ref):
    src = e_ref[0].reshape(E // C, C)
    dst = e_ref[1].reshape(E // C, C)
    idx = (jax.lax.broadcasted_iota(jnp.int32, (ROWS_P - E // C, C), 0) * C
           + jax.lax.broadcasted_iota(jnp.int32, (ROWS_P - E // C, C), 1))
    pad_src = (idx * 131) % N_NODES
    pad_dst = N_NODES + idx % DUMMY_ROWS
    src_ref[...] = jnp.concatenate([src, pad_src], axis=0)
    dst_ref[...] = jnp.concatenate([dst, pad_dst], axis=0)


def _prep(edge_index):
    out = jax.ShapeDtypeStruct((ROWS_P, C), jnp.int32)
    return pl.pallas_call(
        _prep_body,
        out_shape=(out, out),
    )(edge_index)


def _combine_body(relu, acc_ref, cnt_ref, x_ref, wl_ref, wr_ref, b_ref, o_ref):
    acc = acc_ref[0] + acc_ref[1]
    cnt = cnt_ref[0, :, 0:1] + cnt_ref[1, :, 0:1]
    mean = (acc / jnp.maximum(cnt, 1.0)).astype(jnp.bfloat16)
    y = (jnp.dot(mean, wl_ref[...].astype(jnp.bfloat16),
                 preferred_element_type=jnp.float32)
         + jnp.dot(x_ref[...].astype(jnp.bfloat16),
                   wr_ref[...].astype(jnp.bfloat16),
                   preferred_element_type=jnp.float32)
         + b_ref[...])
    o_ref[...] = jnp.maximum(y, 0.0) if relu else y


def _combine(acc, cnt, x, W_l, b_l, W_r, relu):
    blk = 1000
    return pl.pallas_call(
        functools.partial(_combine_body, relu),
        grid=(N_NODES // blk,),
        in_specs=[
            pl.BlockSpec((NC, blk, D), lambda j: (0, j, 0)),
            pl.BlockSpec((NC, blk, D), lambda j: (0, j, 0)),
            pl.BlockSpec((blk, D), lambda j: (j, 0)),
            pl.BlockSpec((D, D), lambda j: (0, 0)),
            pl.BlockSpec((D, D), lambda j: (0, 0)),
            pl.BlockSpec((1, D), lambda j: (0, 0)),
        ],
        out_specs=pl.BlockSpec((blk, D), lambda j: (j, 0)),
        out_shape=jax.ShapeDtypeStruct((N_NODES, D), jnp.float32),
    )(acc, cnt, x, W_l, W_r, b_l)


def kernel(x, edge_index, W1_l, b1_l, W1_r, W2_l, b2_l, W2_r):
    src, dst = _prep(edge_index)
    b1 = b1_l.reshape(1, D)
    b2 = b2_l.reshape(1, D)

    cnt = _sc_cnt(dst)
    acc1 = _sc_agg(x, src, dst)
    h1 = _combine(acc1, cnt, x, W1_l, b1, W1_r, relu=True)
    acc2 = _sc_agg(h1, src, dst)
    return _combine(acc2, cnt, h1, W2_l, b2, W2_r, relu=False)

# --- scband reference (transcript-rebuilt; emitter-appended) ---
"""Pipeline reference for scband-sagegnn-49770081026064 (READ-ONLY COPY).

The authoritative reference and input builder live on the scoring server;
editing this copy changes nothing except your own understanding.
"""

import jax, jax.numpy as jnp
import numpy as np

N_NODES = 10000
N_EDGES = 320000
D_IN = 128
D_HID = 128
D_OUT = 128


def setup_inputs(seed: int = 0) -> dict:
    key = jax.random.key(seed)
    ks = jax.random.split(key, 8)
    x = jax.random.normal(ks[0], (N_NODES, D_IN), dtype=jnp.float32)
    edge_index = jax.random.randint(ks[1], (2, N_EDGES), 0, N_NODES, dtype=jnp.int64 if jax.config.jax_enable_x64 else jnp.int32).astype(jnp.int32)
    s1 = 1.0 / np.sqrt(D_IN)
    s2 = 1.0 / np.sqrt(D_HID)
    W1_l = jax.random.uniform(ks[2], (D_IN, D_HID), dtype=jnp.float32, minval=-s1, maxval=s1)
    b1_l = jnp.zeros((D_HID,), dtype=jnp.float32)
    W1_r = jax.random.uniform(ks[3], (D_IN, D_HID), dtype=jnp.float32, minval=-s1, maxval=s1)
    W2_l = jax.random.uniform(ks[4], (D_HID, D_OUT), dtype=jnp.float32, minval=-s2, maxval=s2)
    b2_l = jnp.zeros((D_OUT,), dtype=jnp.float32)
    W2_r = jax.random.uniform(ks[5], (D_HID, D_OUT), dtype=jnp.float32, minval=-s2, maxval=s2)
    return {"x": x, "edge_index": edge_index, "W1_l": W1_l, "b1_l": b1_l, "W1_r": W1_r, "W2_l": W2_l, "b2_l": b2_l, "W2_r": W2_r}


def _sage_conv(x, edge_index, W_l, b_l, W_r):
    # PyG SAGEConv with mean aggregation:
    # out = lin_l(mean_{j in N(i)} x_j) + lin_r(x_i)
    src = edge_index[0]
    dst = edge_index[1]
    msg = jnp.take(x, src, axis=0)                     # gather [E, d]
    agg = jax.ops.segment_sum(msg, dst, num_segments=N_NODES)  # scatter-add [N, d]
    cnt = jax.ops.segment_sum(jnp.ones((msg.shape[0],), dtype=x.dtype), dst, num_segments=N_NODES)
    agg = agg / jnp.clip(cnt, 1.0, None)[:, None]      # mean aggregation
    return agg @ W_l + b_l + x @ W_r


def reference(x, edge_index, W1_l, b1_l, W1_r, W2_l, b2_l, W2_r):
    h = jax.nn.relu(_sage_conv(x, edge_index, W1_l, b1_l, W1_r))
    h = _sage_conv(h, edge_index, W2_l, b2_l, W2_r)
    return h

if __name__ == "__main__":
    import jax
    _d = setup_inputs()
    print(jax.jit(kernel)(*tuple(_d.values())))

</pallas_src>

<mosaic_0001>
#map = affine_map<(d0, d1) -> (0, 0)>
#map1 = affine_map<(d0, d1) -> (0, 0, 0)>
module attributes {stable_mosaic.version = 14 : i64} {
  func.func @_sc_cnt_body(%arg0: i32, %arg1: i32, %arg2: memref<2560x128xi32, #tpu.memory_space<hbm>>, %arg3: memref<2x10512x128xf32, #tpu.memory_space<hbm>>, %arg4: memref<10512x128xf32, #tpu.memory_space<vmem_shared>>, %arg5: memref<16x128xi32, #tpu.memory_space<vmem>>, %arg6: memref<128x128xf32, #tpu.memory_space<vmem>>, %arg7: memref<16x128xf32, #tpu.memory_space<vmem>>, %arg8: memref<!tpu.dma_semaphore, #tpu.memory_space<semaphore_mem>>, %arg9: memref<!tpu.dma_semaphore, #tpu.memory_space<semaphore_mem>>) attributes {dimension_semantics = [#tpu.dimension_semantics<core_parallel>, #tpu.dimension_semantics<subcore_parallel>], iteration_bounds = array<i64: 2, 16>, scalar_prefetch = 0 : i64, scratch_operands = 6 : i64, tpu.core_type = #tpu.core_type<sc_vector_subcore>, window_params = [{transform_indices = #map}, {transform_indices = #map1}]} {
    %mul3A = arith.constant 16 : i32
    %mul3A_0 = arith.muli %arg0, %mul3A : i32
    %add3A = arith.addi %mul3A_0, %arg1 : i32
    %broadcast_in_dim3A = arith.constant 0.000000e+00 : f32
    %broadcast_in_dim3A_1 = vector.broadcast %broadcast_in_dim3A : f32 to vector<16xf32>
    %scan3A = arith.constant 0 : i32
    %scan3A_2 = arith.constant 16 : i32
    %scan3A_3 = arith.addi %scan3A, %scan3A_2 : i32
    %scan3A_4 = arith.constant 1 : i32
    scf.for %scan3A_37 = %scan3A to %scan3A_3 step %scan3A_4  : i32 {
      %mul3A_38 = arith.constant 1 : i32
      %mul3A_39 = arith.muli %scan3A_37, %mul3A_38 : i32
      %add3A_40 = arith.constant 0 : i32
      %add3A_41 = arith.addi %add3A_40, %mul3A_39 : i32
      %scan3A_42 = arith.constant 0 : i32
      %scan3A_43 = arith.constant 8 : i32
      %scan3A_44 = arith.addi %scan3A_42, %scan3A_43 : i32
      %scan3A_45 = arith.constant 1 : i32
      scf.for %scan3A_47 = %scan3A_42 to %scan3A_44 step %scan3A_45  : i32 {
        %mul3A_48 = arith.constant 1 : i32
        %mul3A_49 = arith.muli %scan3A_47, %mul3A_48 : i32
        %add3A_50 = arith.constant 0 : i32
        %add3A_51 = arith.addi %add3A_50, %mul3A_49 : i32
        %mul3A_52 = arith.constant 16 : i32
        %mul3A_53 = arith.muli %add3A_51, %mul3A_52 : i32
        %swap3A = arith.index_cast %add3A_41 : i32 to index
        %swap3A_54 = arith.index_cast %mul3A_53 : i32 to index
        %swap3A_55 = tpu.vector_load %arg7[%swap3A, %swap3A_54] {strides = array<i32>} : memref<16x128xf32, #tpu.memory_space<vmem>>, vector<1x16xf32>,
        %swap3A_56 = vector.shape_cast %swap3A_55 : vector<1x16xf32> to vector<16xf32>
        %swap3A_57 = vector.shape_cast %broadcast_in_dim3A_1 : vector<16xf32> to vector<1x16xf32>
        tpu.vector_store %arg7[%swap3A, %swap3A_54], %swap3A_57 {strides = array<i32>} : memref<16x128xf32, #tpu.memory_space<vmem>>, vector<1x16xf32>,
      }
      %scan3A_46 = arith.constant 8 : i32
    }
    %scan3A_5 = arith.constant 16 : i32
    %broadcast_in_dim3A_6 = arith.constant 1.000000e+00 : f32
    %broadcast_in_dim3A_7 = vector.broadcast %broadcast_in_dim3A_6 : f32 to vector<16xf32>
    %scan3A_8 = arith.constant 0 : i32
    %scan3A_9 = arith.constant 128 : i32
    %scan3A_10 = arith.addi %scan3A_8, %scan3A_9 : i32
    %scan3A_11 = arith.constant 1 : i32
    scf.for %scan3A_37 = %scan3A_8 to %scan3A_10 step %scan3A_11  : i32 {
      %mul3A_38 = arith.constant 1 : i32
      %mul3A_39 = arith.muli %scan3A_37, %mul3A_38 : i32
      %add3A_40 = arith.constant 0 : i32
      %add3A_41 = arith.addi %add3A_40, %mul3A_39 : i32
      %scan3A_42 = arith.constant 0 : i32
      %scan3A_43 = arith.constant 8 : i32
      %scan3A_44 = arith.addi %scan3A_42, %scan3A_43 : i32
      %scan3A_45 = arith.constant 1 : i32
      scf.for %scan3A_47 = %scan3A_42 to %scan3A_44 step %scan3A_45  : i32 {
        %mul3A_48 = arith.constant 1 : i32
        %mul3A_49 = arith.muli %scan3A_47, %mul3A_48 : i32
        %add3A_50 = arith.constant 0 : i32
        %add3A_51 = arith.addi %add3A_50, %mul3A_49 : i32
        %mul3A_52 = arith.constant 16 : i32
        %mul3A_53 = arith.muli %add3A_51, %mul3A_52 : i32
        %swap3A = arith.index_cast %add3A_41 : i32 to index
        %swap3A_54 = arith.index_cast %mul3A_53 : i32 to index
        %swap3A_55 = tpu.vector_load %arg6[%swap3A, %swap3A_54] {strides = array<i32>} : memref<128x128xf32, #tpu.memory_space<vmem>>, vector<1x16xf32>,
        %swap3A_56 = vector.shape_cast %swap3A_55 : vector<1x16xf32> to vector<16xf32>
        %swap3A_57 = vector.shape_cast %broadcast_in_dim3A_7 : vector<16xf32> to vector<1x16xf32>
        tpu.vector_store %arg6[%swap3A, %swap3A_54], %swap3A_57 {strides = array<i32>} : memref<128x128xf32, #tpu.memory_space<vmem>>, vector<1x16xf32>,
      }
      %scan3A_46 = arith.constant 8 : i32
    }
    %scan3A_12 = arith.constant 128 : i32
    %mul3A_13 = arith.constant 656 : i32
    %mul3A_14 = arith.muli %arg1, %mul3A_13 : i32
    %scan3A_15 = arith.constant 0 : i32
    %scan3A_16 = arith.constant 41 : i32
    %scan3A_17 = arith.addi %scan3A_15, %scan3A_16 : i32
    %scan3A_18 = arith.constant 1 : i32
    scf.for %scan3A_37 = %scan3A_15 to %scan3A_17 step %scan3A_18  : i32 {
      %mul3A_38 = arith.constant 1 : i32
      %mul3A_39 = arith.muli %scan3A_37, %mul3A_38 : i32
      %add3A_40 = arith.constant 0 : i32
      %add3A_41 = arith.addi %add3A_40, %mul3A_39 : i32
      %mul3A_42 = arith.constant 16 : i32
      %mul3A_43 = arith.muli %add3A_41, %mul3A_42 : i32
      %add3A_44 = arith.addi %mul3A_14, %mul3A_43 : i32
      "tpu.region"() ({
        %run_scoped3A = tpu.sem_alloc : memref<!tpu.dma_semaphore, #tpu.memory_space<semaphore_mem>>
        %dma_start3A = arith.constant 0 : i32
        %dma_start3A_45 = tpu.memref_slice %arg4[%add3A_44, %dma_start3A] : memref<10512x128xf32, #tpu.memory_space<vmem_shared>> -> memref<16x128xf32, #tpu.memory_space<vmem_shared>>
        %dma_start3A_46 = arith.constant 0 : i32
        %dma_start3A_47 = tpu.memref_slice %arg4[%add3A_44, %dma_start3A_46] : memref<10512x128xf32, #tpu.memory_space<vmem_shared>> -> memref<16x128xf32, #tpu.memory_space<vmem_shared>>
        tpu.enqueue_dma source(%arg7 : memref<16x128xf32, #tpu.memory_space<vmem>>) target(%dma_start3A_47 : memref<16x128xf32, #tpu.memory_space<vmem_shared>>) target_semaphore(%run_scoped3A : memref<!tpu.dma_semaphore, #tpu.memory_space<semaphore_mem>>)
        %dma_wait3A = arith.constant 0 : i32
        %dma_wait3A_48 = tpu.memref_slice %arg4[%add3A_44, %dma_wait3A] : memref<10512x128xf32, #tpu.memory_space<vmem_shared>> -> memref<16x128xf32, #tpu.memory_space<vmem_shared>>
        %dma_wait3A_49 = arith.constant 0 : i32
        %dma_wait3A_50 = tpu.memref_slice %arg4[%add3A_44, %dma_wait3A_49] : memref<10512x128xf32, #tpu.memory_space<vmem_shared>> -> memref<16x128xf32, #tpu.memory_space<vmem_shared>>
        tpu.wait_dma2 semaphore(%run_scoped3A : memref<!tpu.dma_semaphore, #tpu.memory_space<semaphore_mem>>) src(%arg7 : memref<16x128xf32, #tpu.memory_space<vmem>>) dst(%dma_wait3A_50 : memref<16x128xf32, #tpu.memory_space<vmem_shared>>)
        tpu.yield
      }) : () -> ()
    }
    %scan3A_19 = arith.constant 41 : i32
    %eq3A = arith.constant 15 : i32
    %eq3A_20 = arith.cmpi eq, %arg1, %eq3A : i32
    %convert_element_type3A = arith.extui %eq3A_20 : i1 to i32
    %cond3A = arith.constant 0 : i32
    %cond3A_21 = arith.cmpi ne, %convert_element_type3A, %cond3A : i32
    scf.if %cond3A_21 {
      %scan3A_37 = arith.constant 0 : i32
      %scan3A_38 = arith.constant 2 : i32
      %scan3A_39 = arith.addi %scan3A_37, %scan3A_38 : i32
      %scan3A_40 = arith.constant 1 : i32
      scf.for %scan3A_42 = %scan3A_37 to %scan3A_39 step %scan3A_40  : i32 {
        %mul3A_43 = arith.constant 1 : i32
        %mul3A_44 = arith.muli %scan3A_42, %mul3A_43 : i32
        %add3A_45 = arith.constant 0 : i32
        %add3A_46 = arith.addi %add3A_45, %mul3A_44 : i32
        %mul3A_47 = arith.constant 8 : i32
        %mul3A_48 = arith.muli %add3A_46, %mul3A_47 : i32
        %add3A_49 = arith.constant 10496 : i32
        %add3A_50 = arith.addi %add3A_49, %mul3A_48 : i32
        "tpu.region"() ({
          %run_scoped3A = tpu.sem_alloc : memref<!tpu.dma_semaphore, #tpu.memory_space<semaphore_mem>>
          %dma_start3A = arith.constant 0 : i32
          %dma_start3A_51 = arith.constant 0 : i32
          %dma_start3A_52 = tpu.memref_slice %arg7[%dma_start3A, %dma_start3A_51] : memref<16x128xf32, #tpu.memory_space<vmem>> -> memref<8x128xf32, #tpu.memory_space<vmem>>
          %dma_start3A_53 = arith.constant 0 : i32
          %dma_start3A_54 = tpu.memref_slice %arg4[%add3A_50, %dma_start3A_53] : memref<10512x128xf32, #tpu.memory_space<vmem_shared>> -> memref<8x128xf32, #tpu.memory_space<vmem_shared>>
          %dma_start3A_55 = arith.constant 0 : i32
          %dma_start3A_56 = tpu.memref_slice %arg4[%add3A_50, %dma_start3A_55] : memref<10512x128xf32, #tpu.memory_space<vmem_shared>> -> memref<8x128xf32, #tpu.memory_space<vmem_shared>>
          %dma_start3A_57 = arith.constant 0 : i32
          %dma_start3A_58 = arith.constant 0 : i32
          %dma_start3A_59 = tpu.memref_slice %arg7[%dma_start3A_57, %dma_start3A_58] : memref<16x128xf32, #tpu.memory_space<vmem>> -> memref<8x128xf32, #tpu.memory_space<vmem>>
          tpu.enqueue_dma source(%dma_start3A_59 : memref<8x128xf32, #tpu.memory_space<vmem>>) target(%dma_start3A_56 : memref<8x128xf32, #tpu.memory_space<vmem_shared>>) target_semaphore(%run_scoped3A : memref<!tpu.dma_semaphore, #tpu.memory_space<semaphore_mem>>)
          %dma_wait3A = arith.constant 0 : i32
          %dma_wait3A_60 = arith.constant 0 : i32
          %dma_wait3A_61 = tpu.memref_slice %arg7[%dma_wait3A, %dma_wait3A_60] : memref<16x128xf32, #tpu.memory_space<vmem>> -> memref<8x128xf32, #tpu.memory_space<vmem>>
          %dma_wait3A_62 = arith.constant 0 : i32
          %dma_wait3A_63 = tpu.memref_slice %arg4[%add3A_50, %dma_wait3A_62] : memref<10512x128xf32, #tpu.memory_space<vmem_shared>> -> memref<8x128xf32, #tpu.memory_space<vmem_shared>>
          %dma_wait3A_64 = arith.constant 0 : i32
          %dma_wait3A_65 = tpu.memref_slice %arg4[%add3A_50, %dma_wait3A_64] : memref<10512x128xf32, #tpu.memory_space<vmem_shared>> -> memref<8x128xf32, #tpu.memory_space<vmem_shared>>
          %dma_wait3A_66 = arith.constant 0 : i32
          %dma_wait3A_67 = arith.constant 0 : i32
          %dma_wait3A_68 = tpu.memref_slice %arg7[%dma_wait3A_66, %dma_wait3A_67] : memref<16x128xf32, #tpu.memory_space<vmem>> -> memref<8x128xf32, #tpu.memory_space<vmem>>
          tpu.wait_dma2 semaphore(%run_scoped3A : memref<!tpu.dma_semaphore, #tpu.memory_space<semaphore_mem>>) src(%dma_wait3A_68 : memref<8x128xf32, #tpu.memory_space<vmem>>) dst(%dma_wait3A_65 : memref<8x128xf32, #tpu.memory_space<vmem_shared>>)
          tpu.yield
        }) : () -> ()
      }
      %scan3A_41 = arith.constant 2 : i32
    } else {
    }
    %barrier3A = arith.constant 0 : index
    tpu.barrier barrier_id(%barrier3A)
    %mul3A_22 = arith.constant 80 : i32
    %mul3A_23 = arith.muli %add3A, %mul3A_22 : i32
    %scan3A_24 = arith.constant 0 : i32
    %scan3A_25 = arith.constant 5 : i32
    %scan3A_26 = arith.addi %scan3A_24, %scan3A_25 : i32
    %scan3A_27 = arith.constant 1 : i32
    scf.for %scan3A_37 = %scan3A_24 to %scan3A_26 step %scan3A_27  : i32 {
      %mul3A_38 = arith.constant 1 : i32
      %mul3A_39 = arith.muli %scan3A_37, %mul3A_38 : i32
      %add3A_40 = arith.constant 0 : i32
      %add3A_41 = arith.addi %add3A_40, %mul3A_39 : i32
      %mul3A_42 = arith.constant 16 : i32
      %mul3A_43 = arith.muli %add3A_41, %mul3A_42 : i32
      %add3A_44 = arith.addi %mul3A_23, %mul3A_43 : i32
      "tpu.region"() ({
        %run_scoped3A = tpu.sem_alloc : memref<!tpu.dma_semaphore, #tpu.memory_space<semaphore_mem>>
        %dma_start3A_267 = arith.constant 0 : i32
        %dma_start3A_268 = tpu.memref_slice %arg2[%add3A_44, %dma_start3A_267] : memref<2560x128xi32, #tpu.memory_space<hbm>> -> memref<16x128xi32, #tpu.memory_space<hbm>>
        %dma_start3A_269 = arith.constant 0 : i32
        %dma_start3A_270 = tpu.memref_slice %arg2[%add3A_44, %dma_start3A_269] : memref<2560x128xi32, #tpu.memory_space<hbm>> -> memref<16x128xi32, #tpu.memory_space<hbm>>
        tpu.enqueue_dma source(%dma_start3A_270 : memref<16x128xi32, #tpu.memory_space<hbm>>) target(%arg5 : memref<16x128xi32, #tpu.memory_space<vmem>>) target_semaphore(%run_scoped3A : memref<!tpu.dma_semaphore, #tpu.memory_space<semaphore_mem>>)
        %dma_wait3A_271 = arith.constant 0 : i32
        %dma_wait3A_272 = tpu.memref_slice %arg2[%add3A_44, %dma_wait3A_271] : memref<2560x128xi32, #tpu.memory_space<hbm>> -> memref<16x128xi32, #tpu.memory_space<hbm>>
        %dma_wait3A_273 = arith.constant 0 : i32
        %dma_wait3A_274 = tpu.memref_slice %arg2[%add3A_44, %dma_wait3A_273] : memref<2560x128xi32, #tpu.memory_space<hbm>> -> memref<16x128xi32, #tpu.memory_space<hbm>>
        tpu.wait_dma2 semaphore(%run_scoped3A : memref<!tpu.dma_semaphore, #tpu.memory_space<semaphore_mem>>) src(%dma_wait3A_274 : memref<16x128xi32, #tpu.memory_space<hbm>>) dst(%arg5 : memref<16x128xi32, #tpu.memory_space<vmem>>)
        tpu.yield
      }) : () -> ()
      %dma_start3A = arith.constant 0 : i32
      %dma_start3A_45 = arith.constant 0 : i32
      %dma_start3A_46 = tpu.memref_slice %arg5[%dma_start3A, %dma_start3A_45] : memref<16x128xi32, #tpu.memory_space<vmem>> -> memref<1x128xi32, #tpu.memory_space<vmem>>
      %dma_start3A_47 = tpu.memref_squeeze %dma_start3A_46 : memref<1x128xi32, #tpu.memory_space<vmem>> -> memref<128xi32, #tpu.memory_space<vmem>>
      %dma_start3A_48 = arith.constant 0 : i32
      %dma_start3A_49 = arith.constant 0 : i32
      %dma_start3A_50 = tpu.memref_slice %arg4[%dma_start3A_48, %dma_start3A_49] : memref<10512x128xf32, #tpu.memory_space<vmem_shared>> -> memref<10512x128xf32, #tpu.memory_space<vmem_shared>>
      tpu.enqueue_indirect_dma source(%arg6 : memref<128x128xf32, #tpu.memory_space<vmem>>) target(%dma_start3A_50 : memref<10512x128xf32, #tpu.memory_space<vmem_shared>>) offsets(%dma_start3A_47 : memref<128xi32, #tpu.memory_space<vmem>>) semaphore(%arg8 : memref<!tpu.dma_semaphore, #tpu.memory_space<semaphore_mem>>) {add = true}
      %dma_start3A_51 = arith.constant 1 : i32
      %dma_start3A_52 = arith.constant 0 : i32
      %dma_start3A_53 = tpu.memref_slice %arg5[%dma_start3A_51, %dma_start3A_52] : memref<16x128xi32, #tpu.memory_space<vmem>> -> memref<1x128xi32, #tpu.memory_space<vmem>>
      %dma_start3A_54 = tpu.memref_squeeze %dma_start3A_53 : memref<1x128xi32, #tpu.memory_space<vmem>> -> memref<128xi32, #tpu.memory_space<vmem>>
      %dma_start3A_55 = arith.constant 0 : i32
      %dma_start3A_56 = arith.constant 0 : i32
      %dma_start3A_57 = tpu.memref_slice %arg4[%dma_start3A_55, %dma_start3A_56] : memref<10512x128xf32, #tpu.memory_space<vmem_shared>> -> memref<10512x128xf32, #tpu.memory_space<vmem_shared>>
      tpu.enqueue_indirect_dma source(%arg6 : memref<128x128xf32, #tpu.memory_space<vmem>>) target(%dma_start3A_57 : memref<10512x128xf32, #tpu.memory_space<vmem_shared>>) offsets(%dma_start3A_54 : memref<128xi32, #tpu.memory_space<vmem>>) semaphore(%arg9 : memref<!tpu.dma_semaphore, #tpu.memory_space<semaphore_mem>>) {add = true}
      %dma_wait3A = arith.constant 0 : i32
      %dma_wait3A_58 = arith.constant 0 : i32
      %dma_wait3A_59 = tpu.memref_slice %arg5[%dma_wait3A, %dma_wait3A_58] : memref<16x128xi32, #tpu.memory_space<vmem>> -> memref<1x128xi32, #tpu.memory_space<vmem>>
      %dma_wait3A_60 = tpu.memref_squeeze %dma_wait3A_59 : memref<1x128xi32, #tpu.memory_space<vmem>> -> memref<128xi32, #tpu.memory_space<vmem>>
      %dma_wait3A_61 = arith.constant 0 : i32
      %dma_wait3A_62 = arith.constant 0 : i32
      %dma_wait3A_63 = tpu.memref_slice %arg4[%dma_wait3A_61, %dma_wait3A_62] : memref<10512x128xf32, #tpu.memory_space<vmem_shared>> -> memref<10512x128xf32, #tpu.memory_space<vmem_shared>>
      tpu.wait_indirect_dma semaphore(%arg8 : memref<!tpu.dma_semaphore, #tpu.memory_space<semaphore_mem>>) src(%arg6 : memref<128x128xf32, #tpu.memory_space<vmem>>) dst(%dma_wait3A_63 : memref<10512x128xf32, #tpu.memory_space<vmem_shared>>)
      %dma_start3A_64 = arith.constant 2 : i32
      %dma_start3A_65 = arith.constant 0 : i32
      %dma_start3A_66 = tpu.memref_slice %arg5[%dma_start3A_64, %dma_start3A_65] : memref<16x128xi32, #tpu.memory_space<vmem>> -> memref<1x128xi32, #tpu.memory_space<vmem>>
      %dma_start3A_67 = tpu.memref_squeeze %dma_start3A_66 : memref<1x128xi32, #tpu.memory_space<vmem>> -> memref<128xi32, #tpu.memory_space<vmem>>
      %dma_start3A_68 = arith.constant 0 : i32
      %dma_start3A_69 = arith.constant 0 : i32
      %dma_start3A_70 = tpu.memref_slice %arg4[%dma_start3A_68, %dma_start3A_69] : memref<10512x128xf32, #tpu.memory_space<vmem_shared>> -> memref<10512x128xf32, #tpu.memory_space<vmem_shared>>
      tpu.enqueue_indirect_dma source(%arg6 : memref<128x128xf32, #tpu.memory_space<vmem>>) target(%dma_start3A_70 : memref<10512x128xf32, #tpu.memory_space<vmem_shared>>) offsets(%dma_start3A_67 : memref<128xi32, #tpu.memory_space<vmem>>) semaphore(%arg8 : memref<!tpu.dma_semaphore, #tpu.memory_space<semaphore_mem>>) {add = true}
      %dma_wait3A_71 = arith.constant 1 : i32
      %dma_wait3A_72 = arith.constant 0 : i32
      %dma_wait3A_73 = tpu.memref_slice %arg5[%dma_wait3A_71, %dma_wait3A_72] : memref<16x128xi32, #tpu.memory_space<vmem>> -> memref<1x128xi32, #tpu.memory_space<vmem>>
      %dma_wait3A_74 = tpu.memref_squeeze %dma_wait3A_73 : memref<1x128xi32, #tpu.memory_space<vmem>> -> memref<128xi32, #tpu.memory_space<vmem>>
      %dma_wait3A_75 = arith.constant 0 : i32
      %dma_wait3A_76 = arith.constant 0 : i32
      %dma_wait3A_77 = tpu.memref_slice %arg4[%dma_wait3A_75, %dma_wait3A_76] : memref<10512x128xf32, #tpu.memory_space<vmem_shared>> -> memref<10512x128xf32, #tpu.memory_space<vmem_shared>>
      tpu.wait_indirect_dma semaphore(%arg9 : memref<!tpu.dma_semaphore, #tpu.memory_space<semaphore_mem>>) src(%arg6 : memref<128x128xf32, #tpu.memory_space<vmem>>) dst(%dma_wait3A_77 : memref<10512x128xf32, #tpu.memory_space<vmem_shared>>)
      %dma_start3A_78 = arith.constant 3 : i32
      %dma_start3A_79 = arith.constant 0 : i32
      %dma_start3A_80 = tpu.memref_slice %arg5[%dma_start3A_78, %dma_start3A_79] : memref<16x128xi32, #tpu.memory_space<vmem>> -> memref<1x128xi32, #tpu.memory_space<vmem>>
      %dma_start3A_81 = tpu.memref_squeeze %dma_start3A_80 : memref<1x128xi32, #tpu.memory_space<vmem>> -> memref<128xi32, #tpu.memory_space<vmem>>
      %dma_start3A_82 = arith.constant 0 : i32
      %dma_start3A_83 = arith.constant 0 : i32
      %dma_start3A_84 = tpu.memref_slice %arg4[%dma_start3A_82, %dma_start3A_83] : memref<10512x128xf32, #tpu.memory_space<vmem_shared>> -> memref<10512x128xf32, #tpu.memory_space<vmem_shared>>
      tpu.enqueue_indirect_dma source(%arg6 : memref<128x128xf32, #tpu.memory_space<vmem>>) target(%dma_start3A_84 : memref<10512x128xf32, #tpu.memory_space<vmem_shared>>) offsets(%dma_start3A_81 : memref<128xi32, #tpu.memory_space<vmem>>) semaphore(%arg9 : memref<!tpu.dma_semaphore, #tpu.memory_space<semaphore_mem>>) {add = true}
      %dma_wait3A_85 = arith.constant 2 : i32
      %dma_wait3A_86 = arith.constant 0 : i32
      %dma_wait3A_87 = tpu.memref_slice %arg5[%dma_wait3A_85, %dma_wait3A_86] : memref<16x128xi32, #tpu.memory_space<vmem>> -> memref<1x128xi32, #tpu.memory_space<vmem>>
      %dma_wait3A_88 = tpu.memref_squeeze %dma_wait3A_87 : memref<1x128xi32, #tpu.memory_space<vmem>> -> memref<128xi32, #tpu.memory_space<vmem>>
      %dma_wait3A_89 = arith.constant 0 : i32
      %dma_wait3A_90 = arith.constant 0 : i32
      %dma_wait3A_91 = tpu.memref_slice %arg4[%dma_wait3A_89, %dma_wait3A_90] : memref<10512x128xf32, #tpu.memory_space<vmem_shared>> -> memref<10512x128xf32, #tpu.memory_space<vmem_shared>>
      tpu.wait_indirect_dma semaphore(%arg8 : memref<!tpu.dma_semaphore, #tpu.memory_space<semaphore_mem>>) src(%arg6 : memref<128x128xf32, #tpu.memory_space<vmem>>) dst(%dma_wait3A_91 : memref<10512x128xf32, #tpu.memory_space<vmem_shared>>)
      %dma_start3A_92 = arith.constant 4 : i32
      %dma_start3A_93 = arith.constant 0 : i32
      %dma_start3A_94 = tpu.memref_slice %arg5[%dma_start3A_92, %dma_start3A_93] : memref<16x128xi32, #tpu.memory_space<vmem>> -> memref<1x128xi32, #tpu.memory_space<vmem>>
      %dma_start3A_95 = tpu.memref_squeeze %dma_start3A_94 : memref<1x128xi32, #tpu.memory_space<vmem>> -> memref<128xi32, #tpu.memory_space<vmem>>
      %dma_start3A_96 = arith.constant 0 : i32
      %dma_start3A_97 = arith.constant 0 : i32
      %dma_start3A_98 = tpu.memref_slice %arg4[%dma_start3A_96, %dma_start3A_97] : memref<10512x128xf32, #tpu.memory_space<vmem_shared>> -> memref<10512x128xf32, #tpu.memory_space<vmem_shared>>
      tpu.enqueue_indirect_dma source(%arg6 : memref<128x128xf32, #tpu.memory_space<vmem>>) target(%dma_start3A_98 : memref<10512x128xf32, #tpu.memory_space<vmem_shared>>) offsets(%dma_start3A_95 : memref<128xi32, #tpu.memory_space<vmem>>) semaphore(%arg8 : memref<!tpu.dma_semaphore, #tpu.memory_space<semaphore_mem>>) {add = true}
      %dma_wait3A_99 = arith.constant 3 : i32
      %dma_wait3A_100 = arith.constant 0 : i32
      %dma_wait3A_101 = tpu.memref_slice %arg5[%dma_wait3A_99, %dma_wait3A_100] : memref<16x128xi32, #tpu.memory_space<vmem>> -> memref<1x128xi32, #tpu.memory_space<vmem>>
      %dma_wait3A_102 = tpu.memref_squeeze %dma_wait3A_101 : memref<1x128xi32, #tpu.memory_space<vmem>> -> memref<128xi32, #tpu.memory_space<vmem>>
      %dma_wait3A_103 = arith.constant 0 : i32
      %dma_wait3A_104 = arith.constant 0 : i32
      %dma_wait3A_105 = tpu.memref_slice %arg4[%dma_wait3A_103, %dma_wait3A_104] : memref<10512x128xf32, #tpu.memory_space<vmem_shared>> -> memref<10512x128xf32, #tpu.memory_space<vmem_shared>>
      tpu.wait_indirect_dma semaphore(%arg9 : memref<!tpu.dma_semaphore, #tpu.memory_space<semaphore_mem>>) src(%arg6 : memref<128x128xf32, #tpu.memory_space<vmem>>) dst(%dma_wait3A_105 : memref<10512x128xf32, #tpu.memory_space<vmem_shared>>)
      %dma_start3A_106 = arith.constant 5 : i32
      %dma_start3A_107 = arith.constant 0 : i32
      %dma_start3A_108 = tpu.memref_slice %arg5[%dma_start3A_106, %dma_start3A_107] : memref<16x128xi32, #tpu.memory_space<vmem>> -> memref<1x128xi32, #tpu.memory_space<vmem>>
      %dma_start3A_109 = tpu.memref_squeeze %dma_start3A_108 : memref<1x128xi32, #tpu.memory_space<vmem>> -> memref<128xi32, #tpu.memory_space<vmem>>
      %dma_start3A_110 = arith.constant 0 : i32
      %dma_start3A_111 = arith.constant 0 : i32
      %dma_start3A_112 = tpu.memref_slice %arg4[%dma_start3A_110, %dma_start3A_111] : memref<10512x128xf32, #tpu.memory_space<vmem_shared>> -> memref<10512x128xf32, #tpu.memory_space<vmem_shared>>
      tpu.enqueue_indirect_dma source(%arg6 : memref<128x128xf32, #tpu.memory_space<vmem>>) target(%dma_start3A_112 : memref<10512x128xf32, #tpu.memory_space<vmem_shared>>) offsets(%dma_start3A_109 : memref<128xi32, #tpu.memory_space<vmem>>) semaphore(%arg9 : memref<!tpu.dma_semaphore, #tpu.memory_space<semaphore_mem>>) {add = true}
      %dma_wait3A_113 = arith.constant 4 : i32
      %dma_wait3A_114 = arith.constant 0 : i32
      %dma_wait3A_115 = tpu.memref_slice %arg5[%dma_wait3A_113, %dma_wait3A_114] : memref<16x128xi32, #tpu.memory_space<vmem>> -> memref<1x128xi32, #tpu.memory_space<vmem>>
      %dma_wait3A_116 = tpu.memref_squeeze %dma_wait3A_115 : memref<1x128xi32, #tpu.memory_space<vmem>> -> memref<128xi32, #tpu.memory_space<vmem>>
      %dma_wait3A_117 = arith.constant 0 : i32
      %dma_wait3A_118 = arith.constant 0 : i32
      %dma_wait3A_119 = tpu.memref_slice %arg4[%dma_wait3A_117, %dma_wait3A_118] : memref<10512x128xf32, #tpu.memory_space<vmem_shared>> -> memref<10512x128xf32, #tpu.memory_space<vmem_shared>>
      tpu.wait_indirect_dma semaphore(%arg8 : memref<!tpu.dma_semaphore, #tpu.memory_space<semaphore_mem>>) src(%arg6 : memref<128x128xf32, #tpu.memory_space<vmem>>) dst(%dma_wait3A_119 : memref<10512x128xf32, #tpu.memory_space<vmem_shared>>)
      %dma_start3A_120 = arith.constant 6 : i32
      %dma_start3A_121 = arith.constant 0 : i32
      %dma_start3A_122 = tpu.memref_slice %arg5[%dma_start3A_120, %dma_start3A_121] : memref<16x128xi32, #tpu.memory_space<vmem>> -> memref<1x128xi32, #tpu.memory_space<vmem>>
      %dma_start3A_123 = tpu.memref_squeeze %dma_start3A_122 : memref<1x128xi32, #tpu.memory_space<vmem>> -> memref<128xi32, #tpu.memory_space<vmem>>
      %dma_start3A_124 = arith.constant 0 : i32
      %dma_start3A_125 = arith.constant 0 : i32
      %dma_start3A_126 = tpu.memref_slice %arg4[%dma_start3A_124, %dma_start3A_125] : memref<10512x128xf32, #tpu.memory_space<vmem_shared>> -> memref<10512x128xf32, #tpu.memory_space<vmem_shared>>
      tpu.enqueue_indirect_dma source(%arg6 : memref<128x128xf32, #tpu.memory_space<vmem>>) target(%dma_start3A_126 : memref<10512x128xf32, #tpu.memory_space<vmem_shared>>) offsets(%dma_start3A_123 : memref<128xi32, #tpu.memory_space<vmem>>) semaphore(%arg8 : memref<!tpu.dma_semaphore, #tpu.memory_space<semaphore_mem>>) {add = true}
      %dma_wait3A_127 = arith.constant 5 : i32
      %dma_wait3A_128 = arith.constant 0 : i32
      %dma_wait3A_129 = tpu.memref_slice %arg5[%dma_wait3A_127, %dma_wait3A_128] : memref<16x128xi32, #tpu.memory_space<vmem>> -> memref<1x128xi32, #tpu.memory_space<vmem>>
      %dma_wait3A_130 = tpu.memref_squeeze %dma_wait3A_129 : memref<1x128xi32, #tpu.memory_space<vmem>> -> memref<128xi32, #tpu.memory_space<vmem>>
      %dma_wait3A_131 = arith.constant 0 : i32
      %dma_wait3A_132 = arith.constant 0 : i32
      %dma_wait3A_133 = tpu.memref_slice %arg4[%dma_wait3A_131, %dma_wait3A_132] : memref<10512x128xf32, #tpu.memory_space<vmem_shared>> -> memref<10512x128xf32, #tpu.memory_space<vmem_shared>>
      tpu.wait_indirect_dma semaphore(%arg9 : memref<!tpu.dma_semaphore, #tpu.memory_space<semaphore_mem>>) src(%arg6 : memref<128x128xf32, #tpu.memory_space<vmem>>) dst(%dma_wait3A_133 : memref<10512x128xf32, #tpu.memory_space<vmem_shared>>)
      %dma_start3A_134 = arith.constant 7 : i32
      %dma_start3A_135 = arith.constant 0 : i32
      %dma_start3A_136 = tpu.memref_slice %arg5[%dma_start3A_134, %dma_start3A_135] : memref<16x128xi32, #tpu.memory_space<vmem>> -> memref<1x128xi32, #tpu.memory_space<vmem>>
      %dma_start3A_137 = tpu.memref_squeeze %dma_start3A_136 : memref<1x128xi32, #tpu.memory_space<vmem>> -> memref<128xi32, #tpu.memory_space<vmem>>
      %dma_start3A_138 = arith.constant 0 : i32
      %dma_start3A_139 = arith.constant 0 : i32
      %dma_start3A_140 = tpu.memref_slice %arg4[%dma_start3A_138, %dma_start3A_139] : memref<10512x128xf32, #tpu.memory_space<vmem_shared>> -> memref<10512x128xf32, #tpu.memory_space<vmem_shared>>
      tpu.enqueue_indirect_dma source(%arg6 : memref<128x128xf32, #tpu.memory_space<vmem>>) target(%dma_start3A_140 : memref<10512x128xf32, #tpu.memory_space<vmem_shared>>) offsets(%dma_start3A_137 : memref<128xi32, #tpu.memory_space<vmem>>) semaphore(%arg9 : memref<!tpu.dma_semaphore, #tpu.memory_space<semaphore_mem>>) {add = true}
      %dma_wait3A_141 = arith.constant 6 : i32
      %dma_wait3A_142 = arith.constant 0 : i32
      %dma_wait3A_143 = tpu.memref_slice %arg5[%dma_wait3A_141, %dma_wait3A_142] : memref<16x128xi32, #tpu.memory_space<vmem>> -> memref<1x128xi32, #tpu.memory_space<vmem>>
      %dma_wait3A_144 = tpu.memref_squeeze %dma_wait3A_143 : memref<1x128xi32, #tpu.memory_space<vmem>> -> memref<128xi32, #tpu.memory_space<vmem>>
      %dma_wait3A_145 = arith.constant 0 : i32
      %dma_wait3A_146 = arith.constant 0 : i32
      %dma_wait3A_147 = tpu.memref_slice %arg4[%dma_wait3A_145, %dma_wait3A_146] : memref<10512x128xf32, #tpu.memory_space<vmem_shared>> -> memref<10512x128xf32, #tpu.memory_space<vmem_shared>>
      tpu.wait_indirect_dma semaphore(%arg8 : memref<!tpu.dma_semaphore, #tpu.memory_space<semaphore_mem>>) src(%arg6 : memref<128x128xf32, #tpu.memory_space<vmem>>) dst(%dma_wait3A_147 : memref<10512x128xf32, #tpu.memory_space<vmem_shared>>)
      %dma_start3A_148 = arith.constant 8 : i32
      %dma_start3A_149 = arith.constant 0 : i32
      %dma_start3A_150 = tpu.memref_slice %arg5[%dma_start3A_148, %dma_start3A_149] : memref<16x128xi32, #tpu.memory_space<vmem>> -> memref<1x128xi32, #tpu.memory_space<vmem>>
      %dma_start3A_151 = tpu.memref_squeeze %dma_start3A_150 : memref<1x128xi32, #tpu.memory_space<vmem>> -> memref<128xi32, #tpu.memory_space<vmem>>
      %dma_start3A_152 = arith.constant 0 : i32
      %dma_start3A_153 = arith.constant 0 : i32
      %dma_start3A_154 = tpu.memref_slice %arg4[%dma_start3A_152, %dma_start3A_153] : memref<10512x128xf32, #tpu.memory_space<vmem_shared>> -> memref<10512x128xf32, #tpu.memory_space<vmem_shared>>
      tpu.enqueue_indirect_dma source(%arg6 : memref<128x128xf32, #tpu.memory_space<vmem>>) target(%dma_start3A_154 : memref<10512x128xf32, #tpu.memory_space<vmem_shared>>) offsets(%dma_start3A_151 : memref<128xi32, #tpu.memory_space<vmem>>) semaphore(%arg8 : memref<!tpu.dma_semaphore, #tpu.memory_space<semaphore_mem>>) {add = true}
      %dma_wait3A_155 = arith.constant 7 : i32
      %dma_wait3A_156 = arith.constant 0 : i32
      %dma_wait3A_157 = tpu.memref_slice %arg5[%dma_wait3A_155, %dma_wait3A_156] : memref<16x128xi32, #tpu.memory_space<vmem>> -> memref<1x128xi32, #tpu.memory_space<vmem>>
      %dma_wait3A_158 = tpu.memref_squeeze %dma_wait3A_157 : memref<1x128xi32, #tpu.memory_space<vmem>> -> memref<128xi32, #tpu.memory_space<vmem>>
      %dma_wait3A_159 = arith.constant 0 : i32
      %dma_wait3A_160 = arith.constant 0 : i32
      %dma_wait3A_161 = tpu.memref_slice %arg4[%dma_wait3A_159, %dma_wait3A_160] : memref<10512x128xf32, #tpu.memory_space<vmem_shared>> -> memref<10512x128xf32, #tpu.memory_space<vmem_shared>>
      tpu.wait_indirect_dma semaphore(%arg9 : memref<!tpu.dma_semaphore, #tpu.memory_space<semaphore_mem>>) src(%arg6 : memref<128x128xf32, #tpu.memory_space<vmem>>) dst(%dma_wait3A_161 : memref<10512x128xf32, #tpu.memory_space<vmem_shared>>)
      %dma_start3A_162 = arith.constant 9 : i32
      %dma_start3A_163 = arith.constant 0 : i32
      %dma_start3A_164 = tpu.memref_slice %arg5[%dma_start3A_162, %dma_start3A_163] : memref<16x128xi32, #tpu.memory_space<vmem>> -> memref<1x128xi32, #tpu.memory_space<vmem>>
      %dma_start3A_165 = tpu.memref_squeeze %dma_start3A_164 : memref<1x128xi32, #tpu.memory_space<vmem>> -> memref<128xi32, #tpu.memory_space<vmem>>
      %dma_start3A_166 = arith.constant 0 : i32
      %dma_start3A_167 = arith.constant 0 : i32
      %dma_start3A_168 = tpu.memref_slice %arg4[%dma_start3A_166, %dma_start3A_167] : memref<10512x128xf32, #tpu.memory_space<vmem_shared>> -> memref<10512x128xf32, #tpu.memory_space<vmem_shared>>
      tpu.enqueue_indirect_dma source(%arg6 : memref<128x128xf32, #tpu.memory_space<vmem>>) target(%dma_start3A_168 : memref<10512x128xf32, #tpu.memory_space<vmem_shared>>) offsets(%dma_start3A_165 : memref<128xi32, #tpu.memory_space<vmem>>) semaphore(%arg9 : memref<!tpu.dma_semaphore, #tpu.memory_space<semaphore_mem>>) {add = true}
      %dma_wait3A_169 = arith.constant 8 : i32
      %dma_wait3A_170 = arith.constant 0 : i32
      %dma_wait3A_171 = tpu.memref_slice %arg5[%dma_wait3A_169, %dma_wait3A_170] : memref<16x128xi32, #tpu.memory_space<vmem>> -> memref<1x128xi32, #tpu.memory_space<vmem>>
      %dma_wait3A_172 = tpu.memref_squeeze %dma_wait3A_171 : memref<1x128xi32, #tpu.memory_space<vmem>> -> memref<128xi32, #tpu.memory_space<vmem>>
      %dma_wait3A_173 = arith.constant 0 : i32
      %dma_wait3A_174 = arith.constant 0 : i32
      %dma_wait3A_175 = tpu.memref_slice %arg4[%dma_wait3A_173, %dma_wait3A_174] : memref<10512x128xf32, #tpu.memory_space<vmem_shared>> -> memref<10512x128xf32, #tpu.memory_space<vmem_shared>>
      tpu.wait_indirect_dma semaphore(%arg8 : memref<!tpu.dma_semaphore, #tpu.memory_space<semaphore_mem>>) src(%arg6 : memref<128x128xf32, #tpu.memory_space<vmem>>) dst(%dma_wait3A_175 : memref<10512x128xf32, #tpu.memory_space<vmem_shared>>)
      %dma_start3A_176 = arith.constant 10 : i32
      %dma_start3A_177 = arith.constant 0 : i32
      %dma_start3A_178 = tpu.memref_slice %arg5[%dma_start3A_176, %dma_start3A_177] : memref<16x128xi32, #tpu.memory_space<vmem>> -> memref<1x128xi32, #tpu.memory_space<vmem>>
      %dma_start3A_179 = tpu.memref_squeeze %dma_start3A_178 : memref<1x128xi32, #tpu.memory_space<vmem>> -> memref<128xi32, #tpu.memory_space<vmem>>
      %dma_start3A_180 = arith.constant 0 : i32
      %dma_start3A_181 = arith.constant 0 : i32
      %dma_start3A_182 = tpu.memref_slice %arg4[%dma_start3A_180, %dma_start3A_181] : memref<10512x128xf32, #tpu.memory_space<vmem_shared>> -> memref<10512x128xf32, #tpu.memory_space<vmem_shared>>
      tpu.enqueue_indirect_dma source(%arg6 : memref<128x128xf32, #tpu.memory_space<vmem>>) target(%dma_start3A_182 : memref<10512x128xf32, #tpu.memory_space<vmem_shared>>) offsets(%dma_start3A_179 : memref<128xi32, #tpu.memory_space<vmem>>) semaphore(%arg8 : memref<!tpu.dma_semaphore, #tpu.memory_space<semaphore_mem>>) {add = true}
      %dma_wait3A_183 = arith.constant 9 : i32
      %dma_wait3A_184 = arith.constant 0 : i32
      %dma_wait3A_185 = tpu.memref_slice %arg5[%dma_wait3A_183, %dma_wait3A_184] : memref<16x128xi32, #tpu.memory_space<vmem>> -> memref<1x128xi32, #tpu.memory_space<vmem>>
      %dma_wait3A_186 = tpu.memref_squeeze %dma_wait3A_185 : memref<1x128xi32, #tpu.memory_space<vmem>> -> memref<128xi32, #tpu.memory_space<vmem>>
      %dma_wait3A_187 = arith.constant 0 : i32
      %dma_wait3A_188 = arith.constant 0 : i32
      %dma_wait3A_189 = tpu.memref_slice %arg4[%dma_wait3A_187, %dma_wait3A_188] : memref<10512x128xf32, #tpu.memory_space<vmem_shared>> -> memref<10512x128xf32, #tpu.memory_space<vmem_shared>>
      tpu.wait_indirect_dma semaphore(%arg9 : memref<!tpu.dma_semaphore, #tpu.memory_space<semaphore_mem>>) src(%arg6 : memref<128x128xf32, #tpu.memory_space<vmem>>) dst(%dma_wait3A_189 : memref<10512x128xf32, #tpu.memory_space<vmem_shared>>)
      %dma_start3A_190 = arith.constant 11 : i32
      %dma_start3A_191 = arith.constant 0 : i32
      %dma_start3A_192 = tpu.memref_slice %arg5[%dma_start3A_190, %dma_start3A_191] : memref<16x128xi32, #tpu.memory_space<vmem>> -> memref<1x128xi32, #tpu.memory_space<vmem>>
      %dma_start3A_193 = tpu.memref_squeeze %dma_start3A_192 : memref<1x128xi32, #tpu.memory_space<vmem>> -> memref<128xi32, #tpu.memory_space<vmem>>
      %dma_start3A_194 = arith.constant 0 : i32
      %dma_start3A_195 = arith.constant 0 : i32
      %dma_start3A_196 = tpu.memref_slice %arg4[%dma_start3A_194, %dma_start3A_195] : memref<10512x128xf32, #tpu.memory_space<vmem_shared>> -> memref<10512x128xf32, #tpu.memory_space<vmem_shared>>
      tpu.enqueue_indirect_dma source(%arg6 : memref<128x128xf32, #tpu.memory_space<vmem>>) target(%dma_start3A_196 : memref<10512x128xf32, #tpu.memory_space<vmem_shared>>) offsets(%dma_start3A_193 : memref<128xi32, #tpu.memory_space<vmem>>) semaphore(%arg9 : memref<!tpu.dma_semaphore, #tpu.memory_space<semaphore_mem>>) {add = true}
      %dma_wait3A_197 = arith.constant 10 : i32
      %dma_wait3A_198 = arith.constant 0 : i32
      %dma_wait3A_199 = tpu.memref_slice %arg5[%dma_wait3A_197, %dma_wait3A_198] : memref<16x128xi32, #tpu.memory_space<vmem>> -> memref<1x128xi32, #tpu.memory_space<vmem>>
      %dma_wait3A_200 = tpu.memref_squeeze %dma_wait3A_199 : memref<1x128xi32, #tpu.memory_space<vmem>> -> memref<128xi32, #tpu.memory_space<vmem>>
      %dma_wait3A_201 = arith.constant 0 : i32
      %dma_wait3A_202 = arith.constant 0 : i32
      %dma_wait3A_203 = tpu.memref_slice %arg4[%dma_wait3A_201, %dma_wait3A_202] : memref<10512x128xf32, #tpu.memory_space<vmem_shared>> -> memref<10512x128xf32, #tpu.memory_space<vmem_shared>>
      tpu.wait_indirect_dma semaphore(%arg8 : memref<!tpu.dma_semaphore, #tpu.memory_space<semaphore_mem>>) src(%arg6 : memref<128x128xf32, #tpu.memory_space<vmem>>) dst(%dma_wait3A_203 : memref<10512x128xf32, #tpu.memory_space<vmem_shared>>)
      %dma_start3A_204 = arith.constant 12 : i32
      %dma_start3A_205 = arith.constant 0 : i32
      %dma_start3A_206 = tpu.memref_slice %arg5[%dma_start3A_204, %dma_start3A_205] : memref<16x128xi32, #tpu.memory_space<vmem>> -> memref<1x128xi32, #tpu.memory_space<vmem>>
      %dma_start3A_207 = tpu.memref_squeeze %dma_start3A_206 : memref<1x128xi32, #tpu.memory_space<vmem>> -> memref<128xi32, #tpu.memory_space<vmem>>
      %dma_start3A_208 = arith.constant 0 : i32
      %dma_start3A_209 = arith.constant 0 : i32
      %dma_start3A_210 = tpu.memref_slice %arg4[%dma_start3A_208, %dma_start3A_209] : memref<10512x128xf32, #tpu.memory_space<vmem_shared>> -> memref<10512x128xf32, #tpu.memory_space<vmem_shared>>
      tpu.enqueue_indirect_dma source(%arg6 : memref<128x128xf32, #tpu.memory_space<vmem>>) target(%dma_start3A_210 : memref<10512x128xf32, #tpu.memory_space<vmem_shared>>) offsets(%dma_start3A_207 : memref<128xi32, #tpu.memory_space<vmem>>) semaphore(%arg8 : memref<!tpu.dma_semaphore, #tpu.memory_space<semaphore_mem>>) {add = true}
      %dma_wait3A_211 = arith.constant 11 : i32
      %dma_wait3A_212 = arith.constant 0 : i32
      %dma_wait3A_213 = tpu.memref_slice %arg5[%dma_wait3A_211, %dma_wait3A_212] : memref<16x128xi32, #tpu.memory_space<vmem>> -> memref<1x128xi32, #tpu.memory_space<vmem>>
      %dma_wait3A_214 = tpu.memref_squeeze %dma_wait3A_213 : memref<1x128xi32, #tpu.memory_space<vmem>> -> memref<128xi32, #tpu.memory_space<vmem>>
      %dma_wait3A_215 = arith.constant 0 : i32
      %dma_wait3A_216 = arith.constant 0 : i32
      %dma_wait3A_217 = tpu.memref_slice %arg4[%dma_wait3A_215, %dma_wait3A_216] : memref<10512x128xf32, #tpu.memory_space<vmem_shared>> -> memref<10512x128xf32, #tpu.memory_space<vmem_shared>>
      tpu.wait_indirect_dma semaphore(%arg9 : memref<!tpu.dma_semaphore, #tpu.memory_space<semaphore_mem>>) src(%arg6 : memref<128x128xf32, #tpu.memory_space<vmem>>) dst(%dma_wait3A_217 : memref<10512x128xf32, #tpu.memory_space<vmem_shared>>)
      %dma_start3A_218 = arith.constant 13 : i32
      %dma_start3A_219 = arith.constant 0 : i32
      %dma_start3A_220 = tpu.memref_slice %arg5[%dma_start3A_218, %dma_start3A_219] : memref<16x128xi32, #tpu.memory_space<vmem>> -> memref<1x128xi32, #tpu.memory_space<vmem>>
      %dma_start3A_221 = tpu.memref_squeeze %dma_start3A_220 : memref<1x128xi32, #tpu.memory_space<vmem>> -> memref<128xi32, #tpu.memory_space<vmem>>
      %dma_start3A_222 = arith.constant 0 : i32
      %dma_start3A_223 = arith.constant 0 : i32
      %dma_start3A_224 = tpu.memref_slice %arg4[%dma_start3A_222, %dma_start3A_223] : memref<10512x128xf32, #tpu.memory_space<vmem_shared>> -> memref<10512x128xf32, #tpu.memory_space<vmem_shared>>
      tpu.enqueue_indirect_dma source(%arg6 : memref<128x128xf32, #tpu.memory_space<vmem>>) target(%dma_start3A_224 : memref<10512x128xf32, #tpu.memory_space<vmem_shared>>) offsets(%dma_start3A_221 : memref<128xi32, #tpu.memory_space<vmem>>) semaphore(%arg9 : memref<!tpu.dma_semaphore, #tpu.memory_space<semaphore_mem>>) {add = true}
      %dma_wait3A_225 = arith.constant 12 : i32
      %dma_wait3A_226 = arith.constant 0 : i32
      %dma_wait3A_227 = tpu.memref_slice %arg5[%dma_wait3A_225, %dma_wait3A_226] : memref<16x128xi32, #tpu.memory_space<vmem>> -> memref<1x128xi32, #tpu.memory_space<vmem>>
      %dma_wait3A_228 = tpu.memref_squeeze %dma_wait3A_227 : memref<1x128xi32, #tpu.memory_space<vmem>> -> memref<128xi32, #tpu.memory_space<vmem>>
      %dma_wait3A_229 = arith.constant 0 : i32
      %dma_wait3A_230 = arith.constant 0 : i32
      %dma_wait3A_231 = tpu.memref_slice %arg4[%dma_wait3A_229, %dma_wait3A_230] : memref<10512x128xf32, #tpu.memory_space<vmem_shared>> -> memref<10512x128xf32, #tpu.memory_space<vmem_shared>>
      tpu.wait_indirect_dma semaphore(%arg8 : memref<!tpu.dma_semaphore, #tpu.memory_space<semaphore_mem>>) src(%arg6 : memref<128x128xf32, #tpu.memory_space<vmem>>) dst(%dma_wait3A_231 : memref<10512x128xf32, #tpu.memory_space<vmem_shared>>)
      %dma_start3A_232 = arith.constant 14 : i32
      %dma_start3A_233 = arith.constant 0 : i32
      %dma_start3A_234 = tpu.memref_slice %arg5[%dma_start3A_232, %dma_start3A_233] : memref<16x128xi32, #tpu.memory_space<vmem>> -> memref<1x128xi32, #tpu.memory_space<vmem>>
      %dma_start3A_235 = tpu.memref_squeeze %dma_start3A_234 : memref<1x128xi32, #tpu.memory_space<vmem>> -> memref<128xi32, #tpu.memory_space<vmem>>
      %dma_start3A_236 = arith.constant 0 : i32
      %dma_start3A_237 = arith.constant 0 : i32
      %dma_start3A_238 = tpu.memref_slice %arg4[%dma_start3A_236, %dma_start3A_237] : memref<10512x128xf32, #tpu.memory_space<vmem_shared>> -> memref<10512x128xf32, #tpu.memory_space<vmem_shared>>
      tpu.enqueue_indirect_dma source(%arg6 : memref<128x128xf32, #tpu.memory_space<vmem>>) target(%dma_start3A_238 : memref<10512x128xf32, #tpu.memory_space<vmem_shared>>) offsets(%dma_start3A_235 : memref<128xi32, #tpu.memory_space<vmem>>) semaphore(%arg8 : memref<!tpu.dma_semaphore, #tpu.memory_space<semaphore_mem>>) {add = true}
      %dma_wait3A_239 = arith.constant 13 : i32
      %dma_wait3A_240 = arith.constant 0 : i32
      %dma_wait3A_241 = tpu.memref_slice %arg5[%dma_wait3A_239, %dma_wait3A_240] : memref<16x128xi32, #tpu.memory_space<vmem>> -> memref<1x128xi32, #tpu.memory_space<vmem>>
      %dma_wait3A_242 = tpu.memref_squeeze %dma_wait3A_241 : memref<1x128xi32, #tpu.memory_space<vmem>> -> memref<128xi32, #tpu.memory_space<vmem>>
      %dma_wait3A_243 = arith.constant 0 : i32
      %dma_wait3A_244 = arith.constant 0 : i32
      %dma_wait3A_245 = tpu.memref_slice %arg4[%dma_wait3A_243, %dma_wait3A_244] : memref<10512x128xf32, #tpu.memory_space<vmem_shared>> -> memref<10512x128xf32, #tpu.memory_space<vmem_shared>>
      tpu.wait_indirect_dma semaphore(%arg9 : memref<!tpu.dma_semaphore, #tpu.memory_space<semaphore_mem>>) src(%arg6 : memref<128x128xf32, #tpu.memory_space<vmem>>) dst(%dma_wait3A_245 : memref<10512x128xf32, #tpu.memory_space<vmem_shared>>)
      %dma_start3A_246 = arith.constant 15 : i32
      %dma_start3A_247 = arith.constant 0 : i32
      %dma_start3A_248 = tpu.memref_slice %arg5[%dma_start3A_246, %dma_start3A_247] : memref<16x128xi32, #tpu.memory_space<vmem>> -> memref<1x128xi32, #tpu.memory_space<vmem>>
      %dma_start3A_249 = tpu.memref_squeeze %dma_start3A_248 : memref<1x128xi32, #tpu.memory_space<vmem>> -> memref<128xi32, #tpu.memory_space<vmem>>
      %dma_start3A_250 = arith.constant 0 : i32
      %dma_start3A_251 = arith.constant 0 : i32
      %dma_start3A_252 = tpu.memref_slice %arg4[%dma_start3A_250, %dma_start3A_251] : memref<10512x128xf32, #tpu.memory_space<vmem_shared>> -> memref<10512x128xf32, #tpu.memory_space<vmem_shared>>
      tpu.enqueue_indirect_dma source(%arg6 : memref<128x128xf32, #tpu.memory_space<vmem>>) target(%dma_start3A_252 : memref<10512x128xf32, #tpu.memory_space<vmem_shared>>) offsets(%dma_start3A_249 : memref<128xi32, #tpu.memory_space<vmem>>) semaphore(%arg9 : memref<!tpu.dma_semaphore, #tpu.memory_space<semaphore_mem>>) {add = true}
      %dma_wait3A_253 = arith.constant 14 : i32
      %dma_wait3A_254 = arith.constant 0 : i32
      %dma_wait3A_255 = tpu.memref_slice %arg5[%dma_wait3A_253, %dma_wait3A_254] : memref<16x128xi32, #tpu.memory_space<vmem>> -> memref<1x128xi32, #tpu.memory_space<vmem>>
      %dma_wait3A_256 = tpu.memref_squeeze %dma_wait3A_255 : memref<1x128xi32, #tpu.memory_space<vmem>> -> memref<128xi32, #tpu.memory_space<vmem>>
      %dma_wait3A_257 = arith.constant 0 : i32
      %dma_wait3A_258 = arith.constant 0 : i32
      %dma_wait3A_259 = tpu.memref_slice %arg4[%dma_wait3A_257, %dma_wait3A_258] : memref<10512x128xf32, #tpu.memory_space<vmem_shared>> -> memref<10512x128xf32, #tpu.memory_space<vmem_shared>>
      tpu.wait_indirect_dma semaphore(%arg8 : memref<!tpu.dma_semaphore, #tpu.memory_space<semaphore_mem>>) src(%arg6 : memref<128x128xf32, #tpu.memory_space<vmem>>) dst(%dma_wait3A_259 : memref<10512x128xf32, #tpu.memory_space<vmem_shared>>)
      %dma_wait3A_260 = arith.constant 15 : i32
      %dma_wait3A_261 = arith.constant 0 : i32
      %dma_wait3A_262 = tpu.memref_slice %arg5[%dma_wait3A_260, %dma_wait3A_261] : memref<16x128xi32, #tpu.memory_space<vmem>> -> memref<1x128xi32, #tpu.memory_space<vmem>>
      %dma_wait3A_263 = tpu.memref_squeeze %dma_wait3A_262 : memref<1x128xi32, #tpu.memory_space<vmem>> -> memref<128xi32, #tpu.memory_space<vmem>>
      %dma_wait3A_264 = arith.constant 0 : i32
      %dma_wait3A_265 = arith.constant 0 : i32
      %dma_wait3A_266 = tpu.memref_slice %arg4[%dma_wait3A_264, %dma_wait3A_265] : memref<10512x128xf32, #tpu.memory_space<vmem_shared>> -> memref<10512x128xf32, #tpu.memory_space<vmem_shared>>
      tpu.wait_indirect_dma semaphore(%arg9 : memref<!tpu.dma_semaphore, #tpu.memory_space<semaphore_mem>>) src(%arg6 : memref<128x128xf32, #tpu.memory_space<vmem>>) dst(%dma_wait3A_266 : memref<10512x128xf32, #tpu.memory_space<vmem_shared>>)
    }
    %scan3A_28 = arith.constant 5 : i32
    %barrier3A_29 = arith.constant 0 : index
    tpu.barrier barrier_id(%barrier3A_29)
    %mul3A_30 = arith.constant 656 : i32
    %mul3A_31 = arith.muli %arg1, %mul3A_30 : i32
    "tpu.region"() ({
      %run_scoped3A = tpu.sem_alloc : memref<!tpu.dma_semaphore, #tpu.memory_space<semaphore_mem>>
      %dma_start3A = arith.constant 0 : i32
      %dma_start3A_37 = tpu.memref_slice %arg3[%arg0, %mul3A_31, %dma_start3A] : memref<2x10512x128xf32, #tpu.memory_space<hbm>> -> memref<1x656x128xf32, #tpu.memory_space<hbm>>
      %dma_start3A_38 = tpu.memref_squeeze %dma_start3A_37 : memref<1x656x128xf32, #tpu.memory_space<hbm>> -> memref<656x128xf32, #tpu.memory_space<hbm>>
      %dma_start3A_39 = arith.constant 0 : i32
      %dma_start3A_40 = tpu.memref_slice %arg4[%mul3A_31, %dma_start3A_39] : memref<10512x128xf32, #tpu.memory_space<vmem_shared>> -> memref<656x128xf32, #tpu.memory_space<vmem_shared>>
      tpu.enqueue_dma source(%dma_start3A_40 : memref<656x128xf32, #tpu.memory_space<vmem_shared>>) target(%dma_start3A_38 : memref<656x128xf32, #tpu.memory_space<hbm>>) target_semaphore(%run_scoped3A : memref<!tpu.dma_semaphore, #tpu.memory_space<semaphore_mem>>)
      %dma_wait3A = arith.constant 0 : i32
      %dma_wait3A_41 = tpu.memref_slice %arg3[%arg0, %mul3A_31, %dma_wait3A] : memref<2x10512x128xf32, #tpu.memory_space<hbm>> -> memref<1x656x128xf32, #tpu.memory_space<hbm>>
      %dma_wait3A_42 = tpu.memref_squeeze %dma_wait3A_41 : memref<1x656x128xf32, #tpu.memory_space<hbm>> -> memref<656x128xf32, #tpu.memory_space<hbm>>
      %dma_wait3A_43 = arith.constant 0 : i32
      %dma_wait3A_44 = tpu.memref_slice %arg4[%mul3A_31, %dma_wait3A_43] : memref<10512x128xf32, #tpu.memory_space<vmem_shared>> -> memref<656x128xf32, #tpu.memory_space<vmem_shared>>
      tpu.wait_dma2 semaphore(%run_scoped3A : memref<!tpu.dma_semaphore, #tpu.memory_space<semaphore_mem>>) src(%dma_wait3A_44 : memref<656x128xf32, #tpu.memory_space<vmem_shared>>) dst(%dma_wait3A_42 : memref<656x128xf32, #tpu.memory_space<hbm>>)
      tpu.yield
    }) : () -> ()
    %eq3A_32 = arith.constant 15 : i32
    %eq3A_33 = arith.cmpi eq, %arg1, %eq3A_32 : i32
    %convert_element_type3A_34 = arith.extui %eq3A_33 : i1 to i32
    %cond3A_35 = arith.constant 0 : i32
    %cond3A_36 = arith.cmpi ne, %convert_element_type3A_34, %cond3A_35 : i32
    scf.if %cond3A_36 {
      "tpu.region"() ({
        %run_scoped3A = tpu.sem_alloc : memref<!tpu.dma_semaphore, #tpu.memory_space<semaphore_mem>>
        %dma_start3A = arith.constant 10496 : i32
        %dma_start3A_37 = arith.constant 0 : i32
        %dma_start3A_38 = tpu.memref_slice %arg3[%arg0, %dma_start3A, %dma_start3A_37] : memref<2x10512x128xf32, #tpu.memory_space<hbm>> -> memref<1x16x128xf32, #tpu.memory_space<hbm>>
        %dma_start3A_39 = tpu.memref_squeeze %dma_start3A_38 : memref<1x16x128xf32, #tpu.memory_space<hbm>> -> memref<16x128xf32, #tpu.memory_space<hbm>>
        %dma_start3A_40 = arith.constant 10496 : i32
        %dma_start3A_41 = arith.constant 0 : i32
        %dma_start3A_42 = tpu.memref_slice %arg4[%dma_start3A_40, %dma_start3A_41] : memref<10512x128xf32, #tpu.memory_space<vmem_shared>> -> memref<16x128xf32, #tpu.memory_space<vmem_shared>>
        tpu.enqueue_dma source(%dma_start3A_42 : memref<16x128xf32, #tpu.memory_space<vmem_shared>>) target(%dma_start3A_39 : memref<16x128xf32, #tpu.memory_space<hbm>>) target_semaphore(%run_scoped3A : memref<!tpu.dma_semaphore, #tpu.memory_space<semaphore_mem>>)
        %dma_wait3A = arith.constant 10496 : i32
        %dma_wait3A_43 = arith.constant 0 : i32
        %dma_wait3A_44 = tpu.memref_slice %arg3[%arg0, %dma_wait3A, %dma_wait3A_43] : memref<2x10512x128xf32, #tpu.memory_space<hbm>> -> memref<1x16x128xf32, #tpu.memory_space<hbm>>
        %dma_wait3A_45 = tpu.memref_squeeze %dma_wait3A_44 : memref<1x16x128xf32, #tpu.memory_space<hbm>> -> memref<16x128xf32, #tpu.memory_space<hbm>>
        %dma_wait3A_46 = arith.constant 10496 : i32
        %dma_wait3A_47 = arith.constant 0 : i32
        %dma_wait3A_48 = tpu.memref_slice %arg4[%dma_wait3A_46, %dma_wait3A_47] : memref<10512x128xf32, #tpu.memory_space<vmem_shared>> -> memref<16x128xf32, #tpu.memory_space<vmem_shared>>
        tpu.wait_dma2 semaphore(%run_scoped3A : memref<!tpu.dma_semaphore, #tpu.memory_space<semaphore_mem>>) src(%dma_wait3A_48 : memref<16x128xf32, #tpu.memory_space<vmem_shared>>) dst(%dma_wait3A_45 : memref<16x128xf32, #tpu.memory_space<hbm>>)
        tpu.yield
      }) : () -> ()
    } else {
    }
    return
  }
}

#map = affine_map<(d0, d1) -> (0, 0)>
#map1 = affine_map<(d0, d1) -> (0, 0, 0)>
module attributes {stable_mosaic.version = 14 : i64} {
  func.func @_sc_agg_body(%arg0: i32, %arg1: i32, %arg2: memref<10000x128xf32, #tpu.memory_space<hbm>>, %arg3: memref<2560x128xi32, #tpu.memory_space<hbm>>, %arg4: memref<2560x128xi32, #tpu.memory_space<hbm>>, %arg5: memref<2x10512x128xf32, #tpu.memory_space<hbm>>, %arg6: memref<10512x128xf32, #tpu.memory_space<vmem_shared>>, %arg7: memref<2x16x128xi32, #tpu.memory_space<vmem>>, %arg8: memref<2x16x128xi32, #tpu.memory_space<vmem>>, %arg9: memref<128x128xf32, #tpu.memory_space<vmem>>, %arg10: memref<128x128xf32, #tpu.memory_space<vmem>>, %arg11: memref<16x128xf32, #tpu.memory_space<vmem>>, %arg12: memref<!tpu.dma_semaphore, #tpu.memory_space<semaphore_mem>>, %arg13: memref<!tpu.dma_semaphore, #tpu.memory_space<semaphore_mem>>, %arg14: memref<!tpu.dma_semaphore, #tpu.memory_space<semaphore_mem>>, %arg15: memref<!tpu.dma_semaphore, #tpu.memory_space<semaphore_mem>>, %arg16: memref<!tpu.dma_semaphore, #tpu.memory_space<semaphore_mem>>) attributes {dimension_semantics = [#tpu.dimension_semantics<core_parallel>, #tpu.dimension_semantics<subcore_parallel>], iteration_bounds = array<i64: 2, 16>, scalar_prefetch = 0 : i64, scratch_operands = 11 : i64, tpu.core_type = #tpu.core_type<sc_vector_subcore>, window_params = [{transform_indices = #map}, {transform_indices = #map}, {transform_indices = #map}, {transform_indices = #map1}]} {
    %mul3A = arith.constant 16 : i32
    %mul3A_0 = arith.muli %arg0, %mul3A : i32
    %add3A = arith.addi %mul3A_0, %arg1 : i32
    %broadcast_in_dim3A = arith.constant 0.000000e+00 : f32
    %broadcast_in_dim3A_1 = vector.broadcast %broadcast_in_dim3A : f32 to vector<16xf32>
    %scan3A = arith.constant 0 : i32
    %scan3A_2 = arith.constant 16 : i32
    %scan3A_3 = arith.addi %scan3A, %scan3A_2 : i32
    %scan3A_4 = arith.constant 1 : i32
    scf.for %scan3A_31 = %scan3A to %scan3A_3 step %scan3A_4  : i32 {
      %mul3A_32 = arith.constant 1 : i32
      %mul3A_33 = arith.muli %scan3A_31, %mul3A_32 : i32
      %add3A_34 = arith.constant 0 : i32
      %add3A_35 = arith.addi %add3A_34, %mul3A_33 : i32
      %scan3A_36 = arith.constant 0 : i32
      %scan3A_37 = arith.constant 8 : i32
      %scan3A_38 = arith.addi %scan3A_36, %scan3A_37 : i32
      %scan3A_39 = arith.constant 1 : i32
      scf.for %scan3A_41 = %scan3A_36 to %scan3A_38 step %scan3A_39  : i32 {
        %mul3A_42 = arith.constant 1 : i32
        %mul3A_43 = arith.muli %scan3A_41, %mul3A_42 : i32
        %add3A_44 = arith.constant 0 : i32
        %add3A_45 = arith.addi %add3A_44, %mul3A_43 : i32
        %mul3A_46 = arith.constant 16 : i32
        %mul3A_47 = arith.muli %add3A_45, %mul3A_46 : i32
        %swap3A = arith.index_cast %add3A_35 : i32 to index
        %swap3A_48 = arith.index_cast %mul3A_47 : i32 to index
        %swap3A_49 = tpu.vector_load %arg11[%swap3A, %swap3A_48] {strides = array<i32>} : memref<16x128xf32, #tpu.memory_space<vmem>>, vector<1x16xf32>,
        %swap3A_50 = vector.shape_cast %swap3A_49 : vector<1x16xf32> to vector<16xf32>
        %swap3A_51 = vector.shape_cast %broadcast_in_dim3A_1 : vector<16xf32> to vector<1x16xf32>
        tpu.vector_store %arg11[%swap3A, %swap3A_48], %swap3A_51 {strides = array<i32>} : memref<16x128xf32, #tpu.memory_space<vmem>>, vector<1x16xf32>,
      }
      %scan3A_40 = arith.constant 8 : i32
    }
    %scan3A_5 = arith.constant 16 : i32
    %mul3A_6 = arith.constant 656 : i32
    %mul3A_7 = arith.muli %arg1, %mul3A_6 : i32
    %scan3A_8 = arith.constant 0 : i32
    %scan3A_9 = arith.constant 41 : i32
    %scan3A_10 = arith.addi %scan3A_8, %scan3A_9 : i32
    %scan3A_11 = arith.constant 1 : i32
    scf.for %scan3A_31 = %scan3A_8 to %scan3A_10 step %scan3A_11  : i32 {
      %mul3A_32 = arith.constant 1 : i32
      %mul3A_33 = arith.muli %scan3A_31, %mul3A_32 : i32
      %add3A_34 = arith.constant 0 : i32
      %add3A_35 = arith.addi %add3A_34, %mul3A_33 : i32
      %mul3A_36 = arith.constant 16 : i32
      %mul3A_37 = arith.muli %add3A_35, %mul3A_36 : i32
      %add3A_38 = arith.addi %mul3A_7, %mul3A_37 : i32
      "tpu.region"() ({
        %run_scoped3A_39 = tpu.sem_alloc : memref<!tpu.dma_semaphore, #tpu.memory_space<semaphore_mem>>
        %dma_start3A = arith.constant 0 : i32
        %dma_start3A_40 = tpu.memref_slice %arg6[%add3A_38, %dma_start3A] : memref<10512x128xf32, #tpu.memory_space<vmem_shared>> -> memref<16x128xf32, #tpu.memory_space<vmem_shared>>
        %dma_start3A_41 = arith.constant 0 : i32
        %dma_start3A_42 = tpu.memref_slice %arg6[%add3A_38, %dma_start3A_41] : memref<10512x128xf32, #tpu.memory_space<vmem_shared>> -> memref<16x128xf32, #tpu.memory_space<vmem_shared>>
        tpu.enqueue_dma source(%arg11 : memref<16x128xf32, #tpu.memory_space<vmem>>) target(%dma_start3A_42 : memref<16x128xf32, #tpu.memory_space<vmem_shared>>) target_semaphore(%run_scoped3A_39 : memref<!tpu.dma_semaphore, #tpu.memory_space<semaphore_mem>>)
        %dma_wait3A = arith.constant 0 : i32
        %dma_wait3A_43 = tpu.memref_slice %arg6[%add3A_38, %dma_wait3A] : memref<10512x128xf32, #tpu.memory_space<vmem_shared>> -> memref<16x128xf32, #tpu.memory_space<vmem_shared>>
        %dma_wait3A_44 = arith.constant 0 : i32
        %dma_wait3A_45 = tpu.memref_slice %arg6[%add3A_38, %dma_wait3A_44] : memref<10512x128xf32, #tpu.memory_space<vmem_shared>> -> memref<16x128xf32, #tpu.memory_space<vmem_shared>>
        tpu.wait_dma2 semaphore(%run_scoped3A_39 : memref<!tpu.dma_semaphore, #tpu.memory_space<semaphore_mem>>) src(%arg11 : memref<16x128xf32, #tpu.memory_space<vmem>>) dst(%dma_wait3A_45 : memref<16x128xf32, #tpu.memory_space<vmem_shared>>)
        tpu.yield
      }) : () -> ()
    }
    %scan3A_12 = arith.constant 41 : i32
    %eq3A = arith.constant 15 : i32
    %eq3A_13 = arith.cmpi eq, %arg1, %eq3A : i32
    %convert_element_type3A = arith.extui %eq3A_13 : i1 to i32
    %cond3A = arith.constant 0 : i32
    %cond3A_14 = arith.cmpi ne, %convert_element_type3A, %cond3A : i32
    scf.if %cond3A_14 {
      %scan3A_31 = arith.constant 0 : i32
      %scan3A_32 = arith.constant 2 : i32
      %scan3A_33 = arith.addi %scan3A_31, %scan3A_32 : i32
      %scan3A_34 = arith.constant 1 : i32
      scf.for %scan3A_36 = %scan3A_31 to %scan3A_33 step %scan3A_34  : i32 {
        %mul3A_37 = arith.constant 1 : i32
        %mul3A_38 = arith.muli %scan3A_36, %mul3A_37 : i32
        %add3A_39 = arith.constant 0 : i32
        %add3A_40 = arith.addi %add3A_39, %mul3A_38 : i32
        %mul3A_41 = arith.constant 8 : i32
        %mul3A_42 = arith.muli %add3A_40, %mul3A_41 : i32
        %add3A_43 = arith.constant 10496 : i32
        %add3A_44 = arith.addi %add3A_43, %mul3A_42 : i32
        "tpu.region"() ({
          %run_scoped3A_45 = tpu.sem_alloc : memref<!tpu.dma_semaphore, #tpu.memory_space<semaphore_mem>>
          %dma_start3A = arith.constant 0 : i32
          %dma_start3A_46 = arith.constant 0 : i32
          %dma_start3A_47 = tpu.memref_slice %arg11[%dma_start3A, %dma_start3A_46] : memref<16x128xf32, #tpu.memory_space<vmem>> -> memref<8x128xf32, #tpu.memory_space<vmem>>
          %dma_start3A_48 = arith.constant 0 : i32
          %dma_start3A_49 = tpu.memref_slice %arg6[%add3A_44, %dma_start3A_48] : memref<10512x128xf32, #tpu.memory_space<vmem_shared>> -> memref<8x128xf32, #tpu.memory_space<vmem_shared>>
          %dma_start3A_50 = arith.constant 0 : i32
          %dma_start3A_51 = tpu.memref_slice %arg6[%add3A_44, %dma_start3A_50] : memref<10512x128xf32, #tpu.memory_space<vmem_shared>> -> memref<8x128xf32, #tpu.memory_space<vmem_shared>>
          %dma_start3A_52 = arith.constant 0 : i32
          %dma_start3A_53 = arith.constant 0 : i32
          %dma_start3A_54 = tpu.memref_slice %arg11[%dma_start3A_52, %dma_start3A_53] : memref<16x128xf32, #tpu.memory_space<vmem>> -> memref<8x128xf32, #tpu.memory_space<vmem>>
          tpu.enqueue_dma source(%dma_start3A_54 : memref<8x128xf32, #tpu.memory_space<vmem>>) target(%dma_start3A_51 : memref<8x128xf32, #tpu.memory_space<vmem_shared>>) target_semaphore(%run_scoped3A_45 : memref<!tpu.dma_semaphore, #tpu.memory_space<semaphore_mem>>)
          %dma_wait3A = arith.constant 0 : i32
          %dma_wait3A_55 = arith.constant 0 : i32
          %dma_wait3A_56 = tpu.memref_slice %arg11[%dma_wait3A, %dma_wait3A_55] : memref<16x128xf32, #tpu.memory_space<vmem>> -> memref<8x128xf32, #tpu.memory_space<vmem>>
          %dma_wait3A_57 = arith.constant 0 : i32
          %dma_wait3A_58 = tpu.memref_slice %arg6[%add3A_44, %dma_wait3A_57] : memref<10512x128xf32, #tpu.memory_space<vmem_shared>> -> memref<8x128xf32, #tpu.memory_space<vmem_shared>>
          %dma_wait3A_59 = arith.constant 0 : i32
          %dma_wait3A_60 = tpu.memref_slice %arg6[%add3A_44, %dma_wait3A_59] : memref<10512x128xf32, #tpu.memory_space<vmem_shared>> -> memref<8x128xf32, #tpu.memory_space<vmem_shared>>
          %dma_wait3A_61 = arith.constant 0 : i32
          %dma_wait3A_62 = arith.constant 0 : i32
          %dma_wait3A_63 = tpu.memref_slice %arg11[%dma_wait3A_61, %dma_wait3A_62] : memref<16x128xf32, #tpu.memory_space<vmem>> -> memref<8x128xf32, #tpu.memory_space<vmem>>
          tpu.wait_dma2 semaphore(%run_scoped3A_45 : memref<!tpu.dma_semaphore, #tpu.memory_space<semaphore_mem>>) src(%dma_wait3A_63 : memref<8x128xf32, #tpu.memory_space<vmem>>) dst(%dma_wait3A_60 : memref<8x128xf32, #tpu.memory_space<vmem_shared>>)
          tpu.yield
        }) : () -> ()
      }
      %scan3A_35 = arith.constant 2 : i32
    } else {
    }
    %barrier3A = arith.constant 0 : index
    tpu.barrier barrier_id(%barrier3A)
    %mul3A_15 = arith.constant 80 : i32
    %mul3A_16 = arith.muli %add3A, %mul3A_15 : i32
    %run_scoped3A = arith.constant 0 : i32
    "tpu.region"() ({
      %run_scoped3A_31 = tpu.sem_alloc : memref<!tpu.dma_semaphore, #tpu.memory_space<semaphore_mem>>
      %dma_start3A = arith.constant 0 : i32
      %dma_start3A_32 = arith.constant 0 : i32
      %dma_start3A_33 = tpu.memref_slice %arg7[%run_scoped3A, %dma_start3A, %dma_start3A_32] : memref<2x16x128xi32, #tpu.memory_space<vmem>> -> memref<1x16x128xi32, #tpu.memory_space<vmem>>
      %dma_start3A_34 = tpu.memref_squeeze %dma_start3A_33 : memref<1x16x128xi32, #tpu.memory_space<vmem>> -> memref<16x128xi32, #tpu.memory_space<vmem>>
      %dma_start3A_35 = arith.constant 0 : i32
      %dma_start3A_36 = tpu.memref_slice %arg3[%mul3A_16, %dma_start3A_35] : memref<2560x128xi32, #tpu.memory_space<hbm>> -> memref<16x128xi32, #tpu.memory_space<hbm>>
      %dma_start3A_37 = arith.constant 0 : i32
      %dma_start3A_38 = arith.constant 0 : i32
      %dma_start3A_39 = tpu.memref_slice %arg7[%run_scoped3A, %dma_start3A_37, %dma_start3A_38] : memref<2x16x128xi32, #tpu.memory_space<vmem>> -> memref<1x16x128xi32, #tpu.memory_space<vmem>>
      %dma_start3A_40 = tpu.memref_squeeze %dma_start3A_39 : memref<1x16x128xi32, #tpu.memory_space<vmem>> -> memref<16x128xi32, #tpu.memory_space<vmem>>
      %dma_start3A_41 = arith.constant 0 : i32
      %dma_start3A_42 = tpu.memref_slice %arg3[%mul3A_16, %dma_start3A_41] : memref<2560x128xi32, #tpu.memory_space<hbm>> -> memref<16x128xi32, #tpu.memory_space<hbm>>
      tpu.enqueue_dma source(%dma_start3A_42 : memref<16x128xi32, #tpu.memory_space<hbm>>) target(%dma_start3A_40 : memref<16x128xi32, #tpu.memory_space<vmem>>) target_semaphore(%run_scoped3A_31 : memref<!tpu.dma_semaphore, #tpu.memory_space<semaphore_mem>>)
      %dma_wait3A = arith.constant 0 : i32
      %dma_wait3A_43 = arith.constant 0 : i32
      %dma_wait3A_44 = tpu.memref_slice %arg7[%run_scoped3A, %dma_wait3A, %dma_wait3A_43] : memref<2x16x128xi32, #tpu.memory_space<vmem>> -> memref<1x16x128xi32, #tpu.memory_space<vmem>>
      %dma_wait3A_45 = tpu.memref_squeeze %dma_wait3A_44 : memref<1x16x128xi32, #tpu.memory_space<vmem>> -> memref<16x128xi32, #tpu.memory_space<vmem>>
      %dma_wait3A_46 = arith.constant 0 : i32
      %dma_wait3A_47 = tpu.memref_slice %arg3[%mul3A_16, %dma_wait3A_46] : memref<2560x128xi32, #tpu.memory_space<hbm>> -> memref<16x128xi32, #tpu.memory_space<hbm>>
      %dma_wait3A_48 = arith.constant 0 : i32
      %dma_wait3A_49 = arith.constant 0 : i32
      %dma_wait3A_50 = tpu.memref_slice %arg7[%run_scoped3A, %dma_wait3A_48, %dma_wait3A_49] : memref<2x16x128xi32, #tpu.memory_space<vmem>> -> memref<1x16x128xi32, #tpu.memory_space<vmem>>
      %dma_wait3A_51 = tpu.memref_squeeze %dma_wait3A_50 : memref<1x16x128xi32, #tpu.memory_space<vmem>> -> memref<16x128xi32, #tpu.memory_space<vmem>>
      %dma_wait3A_52 = arith.constant 0 : i32
      %dma_wait3A_53 = tpu.memref_slice %arg3[%mul3A_16, %dma_wait3A_52] : memref<2560x128xi32, #tpu.memory_space<hbm>> -> memref<16x128xi32, #tpu.memory_space<hbm>>
      tpu.wait_dma2 semaphore(%run_scoped3A_31 : memref<!tpu.dma_semaphore, #tpu.memory_space<semaphore_mem>>) src(%dma_wait3A_53 : memref<16x128xi32, #tpu.memory_space<hbm>>) dst(%dma_wait3A_51 : memref<16x128xi32, #tpu.memory_space<vmem>>)
      tpu.yield
    }) : () -> ()
    %run_scoped3A_17 = arith.constant 0 : i32
    "tpu.region"() ({
      %run_scoped3A_31 = tpu.sem_alloc : memref<!tpu.dma_semaphore, #tpu.memory_space<semaphore_mem>>
      %dma_start3A = arith.constant 0 : i32
      %dma_start3A_32 = arith.constant 0 : i32
      %dma_start3A_33 = tpu.memref_slice %arg8[%run_scoped3A_17, %dma_start3A, %dma_start3A_32] : memref<2x16x128xi32, #tpu.memory_space<vmem>> -> memref<1x16x128xi32, #tpu.memory_space<vmem>>
      %dma_start3A_34 = tpu.memref_squeeze %dma_start3A_33 : memref<1x16x128xi32, #tpu.memory_space<vmem>> -> memref<16x128xi32, #tpu.memory_space<vmem>>
      %dma_start3A_35 = arith.constant 0 : i32
      %dma_start3A_36 = tpu.memref_slice %arg4[%mul3A_16, %dma_start3A_35] : memref<2560x128xi32, #tpu.memory_space<hbm>> -> memref<16x128xi32, #tpu.memory_space<hbm>>
      %dma_start3A_37 = arith.constant 0 : i32
      %dma_start3A_38 = arith.constant 0 : i32
      %dma_start3A_39 = tpu.memref_slice %arg8[%run_scoped3A_17, %dma_start3A_37, %dma_start3A_38] : memref<2x16x128xi32, #tpu.memory_space<vmem>> -> memref<1x16x128xi32, #tpu.memory_space<vmem>>
      %dma_start3A_40 = tpu.memref_squeeze %dma_start3A_39 : memref<1x16x128xi32, #tpu.memory_space<vmem>> -> memref<16x128xi32, #tpu.memory_space<vmem>>
      %dma_start3A_41 = arith.constant 0 : i32
      %dma_start3A_42 = tpu.memref_slice %arg4[%mul3A_16, %dma_start3A_41] : memref<2560x128xi32, #tpu.memory_space<hbm>> -> memref<16x128xi32, #tpu.memory_space<hbm>>
      tpu.enqueue_dma source(%dma_start3A_42 : memref<16x128xi32, #tpu.memory_space<hbm>>) target(%dma_start3A_40 : memref<16x128xi32, #tpu.memory_space<vmem>>) target_semaphore(%run_scoped3A_31 : memref<!tpu.dma_semaphore, #tpu.memory_space<semaphore_mem>>)
      %dma_wait3A = arith.constant 0 : i32
      %dma_wait3A_43 = arith.constant 0 : i32
      %dma_wait3A_44 = tpu.memref_slice %arg8[%run_scoped3A_17, %dma_wait3A, %dma_wait3A_43] : memref<2x16x128xi32, #tpu.memory_space<vmem>> -> memref<1x16x128xi32, #tpu.memory_space<vmem>>
      %dma_wait3A_45 = tpu.memref_squeeze %dma_wait3A_44 : memref<1x16x128xi32, #tpu.memory_space<vmem>> -> memref<16x128xi32, #tpu.memory_space<vmem>>
      %dma_wait3A_46 = arith.constant 0 : i32
      %dma_wait3A_47 = tpu.memref_slice %arg4[%mul3A_16, %dma_wait3A_46] : memref<2560x128xi32, #tpu.memory_space<hbm>> -> memref<16x128xi32, #tpu.memory_space<hbm>>
      %dma_wait3A_48 = arith.constant 0 : i32
      %dma_wait3A_49 = arith.constant 0 : i32
      %dma_wait3A_50 = tpu.memref_slice %arg8[%run_scoped3A_17, %dma_wait3A_48, %dma_wait3A_49] : memref<2x16x128xi32, #tpu.memory_space<vmem>> -> memref<1x16x128xi32, #tpu.memory_space<vmem>>
      %dma_wait3A_51 = tpu.memref_squeeze %dma_wait3A_50 : memref<1x16x128xi32, #tpu.memory_space<vmem>> -> memref<16x128xi32, #tpu.memory_space<vmem>>
      %dma_wait3A_52 = arith.constant 0 : i32
      %dma_wait3A_53 = tpu.memref_slice %arg4[%mul3A_16, %dma_wait3A_52] : memref<2560x128xi32, #tpu.memory_space<hbm>> -> memref<16x128xi32, #tpu.memory_space<hbm>>
      tpu.wait_dma2 semaphore(%run_scoped3A_31 : memref<!tpu.dma_semaphore, #tpu.memory_space<semaphore_mem>>) src(%dma_wait3A_53 : memref<16x128xi32, #tpu.memory_space<hbm>>) dst(%dma_wait3A_51 : memref<16x128xi32, #tpu.memory_space<vmem>>)
      tpu.yield
    }) : () -> ()
    %scan3A_18 = arith.constant 0 : i32
    %scan3A_19 = arith.constant 5 : i32
    %scan3A_20 = arith.addi %scan3A_18, %scan3A_19 : i32
    %scan3A_21 = arith.constant 1 : i32
    scf.for %scan3A_31 = %scan3A_18 to %scan3A_20 step %scan3A_21  : i32 {
      %mul3A_32 = arith.constant 1 : i32
      %mul3A_33 = arith.muli %scan3A_31, %mul3A_32 : i32
      %add3A_34 = arith.constant 0 : i32
      %add3A_35 = arith.addi %add3A_34, %mul3A_33 : i32
      %rem3A = arith.constant 2 : i32
      %rem3A_36 = arith.remsi %add3A_35, %rem3A : i32
      %add3A_37 = arith.constant 1 : i32
      %add3A_38 = arith.addi %add3A_35, %add3A_37 : i32
      %rem3A_39 = arith.constant 2 : i32
      %rem3A_40 = arith.remsi %add3A_38, %rem3A_39 : i32
      %add3A_41 = arith.constant 1 : i32
      %add3A_42 = arith.addi %add3A_35, %add3A_41 : i32
      %lt3A = arith.constant 5 : i32
      %lt3A_43 = arith.cmpi slt, %add3A_42, %lt3A : i32
      %convert_element_type3A_44 = arith.extui %lt3A_43 : i1 to i32
      %cond3A_45 = arith.constant 0 : i32
      %cond3A_46 = arith.cmpi ne, %convert_element_type3A_44, %cond3A_45 : i32
      scf.if %cond3A_46 {
        %add3A_497 = arith.constant 1 : i32
        %add3A_498 = arith.addi %add3A_35, %add3A_497 : i32
        %mul3A_499 = arith.constant 16 : i32
        %mul3A_500 = arith.muli %add3A_498, %mul3A_499 : i32
        %add3A_501 = arith.addi %mul3A_16, %mul3A_500 : i32
        %dma_start3A_502 = arith.constant 0 : i32
        %dma_start3A_503 = arith.constant 0 : i32
        %dma_start3A_504 = tpu.memref_slice %arg7[%rem3A_40, %dma_start3A_502, %dma_start3A_503] : memref<2x16x128xi32, #tpu.memory_space<vmem>> -> memref<1x16x128xi32, #tpu.memory_space<vmem>>
        %dma_start3A_505 = tpu.memref_squeeze %dma_start3A_504 : memref<1x16x128xi32, #tpu.memory_space<vmem>> -> memref<16x128xi32, #tpu.memory_space<vmem>>
        %dma_start3A_506 = arith.constant 0 : i32
        %dma_start3A_507 = tpu.memref_slice %arg3[%add3A_501, %dma_start3A_506] : memref<2560x128xi32, #tpu.memory_space<hbm>> -> memref<16x128xi32, #tpu.memory_space<hbm>>
        %dma_start3A_508 = arith.constant 0 : i32
        %dma_start3A_509 = arith.constant 0 : i32
        %dma_start3A_510 = tpu.memref_slice %arg7[%rem3A_40, %dma_start3A_508, %dma_start3A_509] : memref<2x16x128xi32, #tpu.memory_space<vmem>> -> memref<1x16x128xi32, #tpu.memory_space<vmem>>
        %dma_start3A_511 = tpu.memref_squeeze %dma_start3A_510 : memref<1x16x128xi32, #tpu.memory_space<vmem>> -> memref<16x128xi32, #tpu.memory_space<vmem>>
        %dma_start3A_512 = arith.constant 0 : i32
        %dma_start3A_513 = tpu.memref_slice %arg3[%add3A_501, %dma_start3A_512] : memref<2560x128xi32, #tpu.memory_space<hbm>> -> memref<16x128xi32, #tpu.memory_space<hbm>>
        tpu.enqueue_dma source(%dma_start3A_513 : memref<16x128xi32, #tpu.memory_space<hbm>>) target(%dma_start3A_511 : memref<16x128xi32, #tpu.memory_space<vmem>>) target_semaphore(%arg16 : memref<!tpu.dma_semaphore, #tpu.memory_space<semaphore_mem>>)
        %dma_start3A_514 = arith.constant 0 : i32
        %dma_start3A_515 = arith.constant 0 : i32
        %dma_start3A_516 = tpu.memref_slice %arg8[%rem3A_40, %dma_start3A_514, %dma_start3A_515] : memref<2x16x128xi32, #tpu.memory_space<vmem>> -> memref<1x16x128xi32, #tpu.memory_space<vmem>>
        %dma_start3A_517 = tpu.memref_squeeze %dma_start3A_516 : memref<1x16x128xi32, #tpu.memory_space<vmem>> -> memref<16x128xi32, #tpu.memory_space<vmem>>
        %dma_start3A_518 = arith.constant 0 : i32
        %dma_start3A_519 = tpu.memref_slice %arg4[%add3A_501, %dma_start3A_518] : memref<2560x128xi32, #tpu.memory_space<hbm>> -> memref<16x128xi32, #tpu.memory_space<hbm>>
        %dma_start3A_520 = arith.constant 0 : i32
        %dma_start3A_521 = arith.constant 0 : i32
        %dma_start3A_522 = tpu.memref_slice %arg8[%rem3A_40, %dma_start3A_520, %dma_start3A_521] : memref<2x16x128xi32, #tpu.memory_space<vmem>> -> memref<1x16x128xi32, #tpu.memory_space<vmem>>
        %dma_start3A_523 = tpu.memref_squeeze %dma_start3A_522 : memref<1x16x128xi32, #tpu.memory_space<vmem>> -> memref<16x128xi32, #tpu.memory_space<vmem>>
        %dma_start3A_524 = arith.constant 0 : i32
        %dma_start3A_525 = tpu.memref_slice %arg4[%add3A_501, %dma_start3A_524] : memref<2560x128xi32, #tpu.memory_space<hbm>> -> memref<16x128xi32, #tpu.memory_space<hbm>>
        tpu.enqueue_dma source(%dma_start3A_525 : memref<16x128xi32, #tpu.memory_space<hbm>>) target(%dma_start3A_523 : memref<16x128xi32, #tpu.memory_space<vmem>>) target_semaphore(%arg16 : memref<!tpu.dma_semaphore, #tpu.memory_space<semaphore_mem>>)
      } else {
      }
      %gt3A = arith.constant 0 : i32
      %gt3A_47 = arith.cmpi sgt, %add3A_35, %gt3A : i32
      %convert_element_type3A_48 = arith.extui %gt3A_47 : i1 to i32
      %cond3A_49 = arith.constant 0 : i32
      %cond3A_50 = arith.cmpi ne, %convert_element_type3A_48, %cond3A_49 : i32
      scf.if %cond3A_50 {
        %mul3A_497 = arith.constant 16 : i32
        %mul3A_498 = arith.muli %add3A_35, %mul3A_497 : i32
        %add3A_499 = arith.addi %mul3A_16, %mul3A_498 : i32
        %dma_wait3A_500 = arith.constant 0 : i32
        %dma_wait3A_501 = arith.constant 0 : i32
        %dma_wait3A_502 = tpu.memref_slice %arg7[%rem3A_36, %dma_wait3A_500, %dma_wait3A_501] : memref<2x16x128xi32, #tpu.memory_space<vmem>> -> memref<1x16x128xi32, #tpu.memory_space<vmem>>
        %dma_wait3A_503 = tpu.memref_squeeze %dma_wait3A_502 : memref<1x16x128xi32, #tpu.memory_space<vmem>> -> memref<16x128xi32, #tpu.memory_space<vmem>>
        %dma_wait3A_504 = arith.constant 0 : i32
        %dma_wait3A_505 = tpu.memref_slice %arg3[%add3A_499, %dma_wait3A_504] : memref<2560x128xi32, #tpu.memory_space<hbm>> -> memref<16x128xi32, #tpu.memory_space<hbm>>
        %dma_wait3A_506 = arith.constant 0 : i32
        %dma_wait3A_507 = arith.constant 0 : i32
        %dma_wait3A_508 = tpu.memref_slice %arg7[%rem3A_36, %dma_wait3A_506, %dma_wait3A_507] : memref<2x16x128xi32, #tpu.memory_space<vmem>> -> memref<1x16x128xi32, #tpu.memory_space<vmem>>
        %dma_wait3A_509 = tpu.memref_squeeze %dma_wait3A_508 : memref<1x16x128xi32, #tpu.memory_space<vmem>> -> memref<16x128xi32, #tpu.memory_space<vmem>>
        %dma_wait3A_510 = arith.constant 0 : i32
        %dma_wait3A_511 = tpu.memref_slice %arg3[%add3A_499, %dma_wait3A_510] : memref<2560x128xi32, #tpu.memory_space<hbm>> -> memref<16x128xi32, #tpu.memory_space<hbm>>
        tpu.wait_dma2 semaphore(%arg16 : memref<!tpu.dma_semaphore, #tpu.memory_space<semaphore_mem>>) src(%dma_wait3A_511 : memref<16x128xi32, #tpu.memory_space<hbm>>) dst(%dma_wait3A_509 : memref<16x128xi32, #tpu.memory_space<vmem>>)
        %dma_wait3A_512 = arith.constant 0 : i32
        %dma_wait3A_513 = arith.constant 0 : i32
        %dma_wait3A_514 = tpu.memref_slice %arg8[%rem3A_36, %dma_wait3A_512, %dma_wait3A_513] : memref<2x16x128xi32, #tpu.memory_space<vmem>> -> memref<1x16x128xi32, #tpu.memory_space<vmem>>
        %dma_wait3A_515 = tpu.memref_squeeze %dma_wait3A_514 : memref<1x16x128xi32, #tpu.memory_space<vmem>> -> memref<16x128xi32, #tpu.memory_space<vmem>>
        %dma_wait3A_516 = arith.constant 0 : i32
        %dma_wait3A_517 = tpu.memref_slice %arg4[%add3A_499, %dma_wait3A_516] : memref<2560x128xi32, #tpu.memory_space<hbm>> -> memref<16x128xi32, #tpu.memory_space<hbm>>
        %dma_wait3A_518 = arith.constant 0 : i32
        %dma_wait3A_519 = arith.constant 0 : i32
        %dma_wait3A_520 = tpu.memref_slice %arg8[%rem3A_36, %dma_wait3A_518, %dma_wait3A_519] : memref<2x16x128xi32, #tpu.memory_space<vmem>> -> memref<1x16x128xi32, #tpu.memory_space<vmem>>
        %dma_wait3A_521 = tpu.memref_squeeze %dma_wait3A_520 : memref<1x16x128xi32, #tpu.memory_space<vmem>> -> memref<16x128xi32, #tpu.memory_space<vmem>>
        %dma_wait3A_522 = arith.constant 0 : i32
        %dma_wait3A_523 = tpu.memref_slice %arg4[%add3A_499, %dma_wait3A_522] : memref<2560x128xi32, #tpu.memory_space<hbm>> -> memref<16x128xi32, #tpu.memory_space<hbm>>
        tpu.wait_dma2 semaphore(%arg16 : memref<!tpu.dma_semaphore, #tpu.memory_space<semaphore_mem>>) src(%dma_wait3A_523 : memref<16x128xi32, #tpu.memory_space<hbm>>) dst(%dma_wait3A_521 : memref<16x128xi32, #tpu.memory_space<vmem>>)
      } else {
      }
      %dma_start3A = arith.constant 0 : i32
      %dma_start3A_51 = arith.constant 0 : i32
      %dma_start3A_52 = tpu.memref_slice %arg7[%rem3A_36, %dma_start3A, %dma_start3A_51] : memref<2x16x128xi32, #tpu.memory_space<vmem>> -> memref<1x1x128xi32, #tpu.memory_space<vmem>>
      %dma_start3A_53 = tpu.memref_squeeze %dma_start3A_52 : memref<1x1x128xi32, #tpu.memory_space<vmem>> -> memref<128xi32, #tpu.memory_space<vmem>>
      %dma_start3A_54 = arith.constant 0 : i32
      %dma_start3A_55 = arith.constant 0 : i32
      %dma_start3A_56 = tpu.memref_slice %arg2[%dma_start3A_54, %dma_start3A_55] : memref<10000x128xf32, #tpu.memory_space<hbm>> -> memref<10000x128xf32, #tpu.memory_space<hbm>>
      tpu.enqueue_indirect_dma source(%dma_start3A_56 : memref<10000x128xf32, #tpu.memory_space<hbm>>) target(%arg9 : memref<128x128xf32, #tpu.memory_space<vmem>>) offsets(%dma_start3A_53 : memref<128xi32, #tpu.memory_space<vmem>>) semaphore(%arg12 : memref<!tpu.dma_semaphore, #tpu.memory_space<semaphore_mem>>)
      %dma_start3A_57 = arith.constant 1 : i32
      %dma_start3A_58 = arith.constant 0 : i32
      %dma_start3A_59 = tpu.memref_slice %arg7[%rem3A_36, %dma_start3A_57, %dma_start3A_58] : memref<2x16x128xi32, #tpu.memory_space<vmem>> -> memref<1x1x128xi32, #tpu.memory_space<vmem>>
      %dma_start3A_60 = tpu.memref_squeeze %dma_start3A_59 : memref<1x1x128xi32, #tpu.memory_space<vmem>> -> memref<128xi32, #tpu.memory_space<vmem>>
      %dma_start3A_61 = arith.constant 0 : i32
      %dma_start3A_62 = arith.constant 0 : i32
      %dma_start3A_63 = tpu.memref_slice %arg2[%dma_start3A_61, %dma_start3A_62] : memref<10000x128xf32, #tpu.memory_space<hbm>> -> memref<10000x128xf32, #tpu.memory_space<hbm>>
      tpu.enqueue_indirect_dma source(%dma_start3A_63 : memref<10000x128xf32, #tpu.memory_space<hbm>>) target(%arg10 : memref<128x128xf32, #tpu.memory_space<vmem>>) offsets(%dma_start3A_60 : memref<128xi32, #tpu.memory_space<vmem>>) semaphore(%arg13 : memref<!tpu.dma_semaphore, #tpu.memory_space<semaphore_mem>>)
      %dma_wait3A = arith.constant 0 : i32
      %dma_wait3A_64 = arith.constant 0 : i32
      %dma_wait3A_65 = tpu.memref_slice %arg7[%rem3A_36, %dma_wait3A, %dma_wait3A_64] : memref<2x16x128xi32, #tpu.memory_space<vmem>> -> memref<1x1x128xi32, #tpu.memory_space<vmem>>
      %dma_wait3A_66 = tpu.memref_squeeze %dma_wait3A_65 : memref<1x1x128xi32, #tpu.memory_space<vmem>> -> memref<128xi32, #tpu.memory_space<vmem>>
      %dma_wait3A_67 = arith.constant 0 : i32
      %dma_wait3A_68 = arith.constant 0 : i32
      %dma_wait3A_69 = tpu.memref_slice %arg2[%dma_wait3A_67, %dma_wait3A_68] : memref<10000x128xf32, #tpu.memory_space<hbm>> -> memref<10000x128xf32, #tpu.memory_space<hbm>>
      tpu.wait_indirect_dma semaphore(%arg12 : memref<!tpu.dma_semaphore, #tpu.memory_space<semaphore_mem>>) src(%dma_wait3A_69 : memref<10000x128xf32, #tpu.memory_space<hbm>>) dst(%arg9 : memref<128x128xf32, #tpu.memory_space<vmem>>)
      %dma_start3A_70 = arith.constant 0 : i32
      %dma_start3A_71 = arith.constant 0 : i32
      %dma_start3A_72 = tpu.memref_slice %arg8[%rem3A_36, %dma_start3A_70, %dma_start3A_71] : memref<2x16x128xi32, #tpu.memory_space<vmem>> -> memref<1x1x128xi32, #tpu.memory_space<vmem>>
      %dma_start3A_73 = tpu.memref_squeeze %dma_start3A_72 : memref<1x1x128xi32, #tpu.memory_space<vmem>> -> memref<128xi32, #tpu.memory_space<vmem>>
      %dma_start3A_74 = arith.constant 0 : i32
      %dma_start3A_75 = arith.constant 0 : i32
      %dma_start3A_76 = tpu.memref_slice %arg6[%dma_start3A_74, %dma_start3A_75] : memref<10512x128xf32, #tpu.memory_space<vmem_shared>> -> memref<10512x128xf32, #tpu.memory_space<vmem_shared>>
      tpu.enqueue_indirect_dma source(%arg9 : memref<128x128xf32, #tpu.memory_space<vmem>>) target(%dma_start3A_76 : memref<10512x128xf32, #tpu.memory_space<vmem_shared>>) offsets(%dma_start3A_73 : memref<128xi32, #tpu.memory_space<vmem>>) semaphore(%arg14 : memref<!tpu.dma_semaphore, #tpu.memory_space<semaphore_mem>>) {add = true}
      %dma_wait3A_77 = arith.constant 0 : i32
      %dma_wait3A_78 = arith.constant 0 : i32
      %dma_wait3A_79 = tpu.memref_slice %arg8[%rem3A_36, %dma_wait3A_77, %dma_wait3A_78] : memref<2x16x128xi32, #tpu.memory_space<vmem>> -> memref<1x1x128xi32, #tpu.memory_space<vmem>>
      %dma_wait3A_80 = tpu.memref_squeeze %dma_wait3A_79 : memref<1x1x128xi32, #tpu.memory_space<vmem>> -> memref<128xi32, #tpu.memory_space<vmem>>
      %dma_wait3A_81 = arith.constant 0 : i32
      %dma_wait3A_82 = arith.constant 0 : i32
      %dma_wait3A_83 = tpu.memref_slice %arg6[%dma_wait3A_81, %dma_wait3A_82] : memref<10512x128xf32, #tpu.memory_space<vmem_shared>> -> memref<10512x128xf32, #tpu.memory_space<vmem_shared>>
      tpu.wait_indirect_dma semaphore(%arg14 : memref<!tpu.dma_semaphore, #tpu.memory_space<semaphore_mem>>) src(%arg9 : memref<128x128xf32, #tpu.memory_space<vmem>>) dst(%dma_wait3A_83 : memref<10512x128xf32, #tpu.memory_space<vmem_shared>>)
      %dma_start3A_84 = arith.constant 2 : i32
      %dma_start3A_85 = arith.constant 0 : i32
      %dma_start3A_86 = tpu.memref_slice %arg7[%rem3A_36, %dma_start3A_84, %dma_start3A_85] : memref<2x16x128xi32, #tpu.memory_space<vmem>> -> memref<1x1x128xi32, #tpu.memory_space<vmem>>
      %dma_start3A_87 = tpu.memref_squeeze %dma_start3A_86 : memref<1x1x128xi32, #tpu.memory_space<vmem>> -> memref<128xi32, #tpu.memory_space<vmem>>
      %dma_start3A_88 = arith.constant 0 : i32
      %dma_start3A_89 = arith.constant 0 : i32
      %dma_start3A_90 = tpu.memref_slice %arg2[%dma_start3A_88, %dma_start3A_89] : memref<10000x128xf32, #tpu.memory_space<hbm>> -> memref<10000x128xf32, #tpu.memory_space<hbm>>
      tpu.enqueue_indirect_dma source(%dma_start3A_90 : memref<10000x128xf32, #tpu.memory_space<hbm>>) target(%arg9 : memref<128x128xf32, #tpu.memory_space<vmem>>) offsets(%dma_start3A_87 : memref<128xi32, #tpu.memory_space<vmem>>) semaphore(%arg12 : memref<!tpu.dma_semaphore, #tpu.memory_space<semaphore_mem>>)
      %dma_wait3A_91 = arith.constant 1 : i32
      %dma_wait3A_92 = arith.constant 0 : i32
      %dma_wait3A_93 = tpu.memref_slice %arg7[%rem3A_36, %dma_wait3A_91, %dma_wait3A_92] : memref<2x16x128xi32, #tpu.memory_space<vmem>> -> memref<1x1x128xi32, #tpu.memory_space<vmem>>
      %dma_wait3A_94 = tpu.memref_squeeze %dma_wait3A_93 : memref<1x1x128xi32, #tpu.memory_space<vmem>> -> memref<128xi32, #tpu.memory_space<vmem>>
      %dma_wait3A_95 = arith.constant 0 : i32
      %dma_wait3A_96 = arith.constant 0 : i32
      %dma_wait3A_97 = tpu.memref_slice %arg2[%dma_wait3A_95, %dma_wait3A_96] : memref<10000x128xf32, #tpu.memory_space<hbm>> -> memref<10000x128xf32, #tpu.memory_space<hbm>>
      tpu.wait_indirect_dma semaphore(%arg13 : memref<!tpu.dma_semaphore, #tpu.memory_space<semaphore_mem>>) src(%dma_wait3A_97 : memref<10000x128xf32, #tpu.memory_space<hbm>>) dst(%arg10 : memref<128x128xf32, #tpu.memory_space<vmem>>)
      %dma_start3A_98 = arith.constant 1 : i32
      %dma_start3A_99 = arith.constant 0 : i32
      %dma_start3A_100 = tpu.memref_slice %arg8[%rem3A_36, %dma_start3A_98, %dma_start3A_99] : memref<2x16x128xi32, #tpu.memory_space<vmem>> -> memref<1x1x128xi32, #tpu.memory_space<vmem>>
      %dma_start3A_101 = tpu.memref_squeeze %dma_start3A_100 : memref<1x1x128xi32, #tpu.memory_space<vmem>> -> memref<128xi32, #tpu.memory_space<vmem>>
      %dma_start3A_102 = arith.constant 0 : i32
      %dma_start3A_103 = arith.constant 0 : i32
      %dma_start3A_104 = tpu.memref_slice %arg6[%dma_start3A_102, %dma_start3A_103] : memref<10512x128xf32, #tpu.memory_space<vmem_shared>> -> memref<10512x128xf32, #tpu.memory_space<vmem_shared>>
      tpu.enqueue_indirect_dma source(%arg10 : memref<128x128xf32, #tpu.memory_space<vmem>>) target(%dma_start3A_104 : memref<10512x128xf32, #tpu.memory_space<vmem_shared>>) offsets(%dma_start3A_101 : memref<128xi32, #tpu.memory_space<vmem>>) semaphore(%arg15 : memref<!tpu.dma_semaphore, #tpu.memory_space<semaphore_mem>>) {add = true}
      %dma_wait3A_105 = arith.constant 1 : i32
      %dma_wait3A_106 = arith.constant 0 : i32
      %dma_wait3A_107 = tpu.memref_slice %arg8[%rem3A_36, %dma_wait3A_105, %dma_wait3A_106] : memref<2x16x128xi32, #tpu.memory_space<vmem>> -> memref<1x1x128xi32, #tpu.memory_space<vmem>>
      %dma_wait3A_108 = tpu.memref_squeeze %dma_wait3A_107 : memref<1x1x128xi32, #tpu.memory_space<vmem>> -> memref<128xi32, #tpu.memory_space<vmem>>
      %dma_wait3A_109 = arith.constant 0 : i32
      %dma_wait3A_110 = arith.constant 0 : i32
      %dma_wait3A_111 = tpu.memref_slice %arg6[%dma_wait3A_109, %dma_wait3A_110] : memref<10512x128xf32, #tpu.memory_space<vmem_shared>> -> memref<10512x128xf32, #tpu.memory_space<vmem_shared>>
      tpu.wait_indirect_dma semaphore(%arg15 : memref<!tpu.dma_semaphore, #tpu.memory_space<semaphore_mem>>) src(%arg10 : memref<128x128xf32, #tpu.memory_space<vmem>>) dst(%dma_wait3A_111 : memref<10512x128xf32, #tpu.memory_space<vmem_shared>>)
      %dma_start3A_112 = arith.constant 3 : i32
      %dma_start3A_113 = arith.constant 0 : i32
      %dma_start3A_114 = tpu.memref_slice %arg7[%rem3A_36, %dma_start3A_112, %dma_start3A_113] : memref<2x16x128xi32, #tpu.memory_space<vmem>> -> memref<1x1x128xi32, #tpu.memory_space<vmem>>
      %dma_start3A_115 = tpu.memref_squeeze %dma_start3A_114 : memref<1x1x128xi32, #tpu.memory_space<vmem>> -> memref<128xi32, #tpu.memory_space<vmem>>
      %dma_start3A_116 = arith.constant 0 : i32
      %dma_start3A_117 = arith.constant 0 : i32
      %dma_start3A_118 = tpu.memref_slice %arg2[%dma_start3A_116, %dma_start3A_117] : memref<10000x128xf32, #tpu.memory_space<hbm>> -> memref<10000x128xf32, #tpu.memory_space<hbm>>
      tpu.enqueue_indirect_dma source(%dma_start3A_118 : memref<10000x128xf32, #tpu.memory_space<hbm>>) target(%arg10 : memref<128x128xf32, #tpu.memory_space<vmem>>) offsets(%dma_start3A_115 : memref<128xi32, #tpu.memory_space<vmem>>) semaphore(%arg13 : memref<!tpu.dma_semaphore, #tpu.memory_space<semaphore_mem>>)
      %dma_wait3A_119 = arith.constant 2 : i32
      %dma_wait3A_120 = arith.constant 0 : i32
      %dma_wait3A_121 = tpu.memref_slice %arg7[%rem3A_36, %dma_wait3A_119, %dma_wait3A_120] : memref<2x16x128xi32, #tpu.memory_space<vmem>> -> memref<1x1x128xi32, #tpu.memory_space<vmem>>
      %dma_wait3A_122 = tpu.memref_squeeze %dma_wait3A_121 : memref<1x1x128xi32, #tpu.memory_space<vmem>> -> memref<128xi32, #tpu.memory_space<vmem>>
      %dma_wait3A_123 = arith.constant 0 : i32
      %dma_wait3A_124 = arith.constant 0 : i32
      %dma_wait3A_125 = tpu.memref_slice %arg2[%dma_wait3A_123, %dma_wait3A_124] : memref<10000x128xf32, #tpu.memory_space<hbm>> -> memref<10000x128xf32, #tpu.memory_space<hbm>>
      tpu.wait_indirect_dma semaphore(%arg12 : memref<!tpu.dma_semaphore, #tpu.memory_space<semaphore_mem>>) src(%dma_wait3A_125 : memref<10000x128xf32, #tpu.memory_space<hbm>>) dst(%arg9 : memref<128x128xf32, #tpu.memory_space<vmem>>)
      %dma_start3A_126 = arith.constant 2 : i32
      %dma_start3A_127 = arith.constant 0 : i32
      %dma_start3A_128 = tpu.memref_slice %arg8[%rem3A_36, %dma_start3A_126, %dma_start3A_127] : memref<2x16x128xi32, #tpu.memory_space<vmem>> -> memref<1x1x128xi32, #tpu.memory_space<vmem>>
      %dma_start3A_129 = tpu.memref_squeeze %dma_start3A_128 : memref<1x1x128xi32, #tpu.memory_space<vmem>> -> memref<128xi32, #tpu.memory_space<vmem>>
      %dma_start3A_130 = arith.constant 0 : i32
      %dma_start3A_131 = arith.constant 0 : i32
      %dma_start3A_132 = tpu.memref_slice %arg6[%dma_start3A_130, %dma_start3A_131] : memref<10512x128xf32, #tpu.memory_space<vmem_shared>> -> memref<10512x128xf32, #tpu.memory_space<vmem_shared>>
      tpu.enqueue_indirect_dma source(%arg9 : memref<128x128xf32, #tpu.memory_space<vmem>>) target(%dma_start3A_132 : memref<10512x128xf32, #tpu.memory_space<vmem_shared>>) offsets(%dma_start3A_129 : memref<128xi32, #tpu.memory_space<vmem>>) semaphore(%arg14 : memref<!tpu.dma_semaphore, #tpu.memory_space<semaphore_mem>>) {add = true}
      %dma_wait3A_133 = arith.constant 2 : i32
      %dma_wait3A_134 = arith.constant 0 : i32
      %dma_wait3A_135 = tpu.memref_slice %arg8[%rem3A_36, %dma_wait3A_133, %dma_wait3A_134] : memref<2x16x128xi32, #tpu.memory_space<vmem>> -> memref<1x1x128xi32, #tpu.memory_space<vmem>>
      %dma_wait3A_136 = tpu.memref_squeeze %dma_wait3A_135 : memref<1x1x128xi32, #tpu.memory_space<vmem>> -> memref<128xi32, #tpu.memory_space<vmem>>
      %dma_wait3A_137 = arith.constant 0 : i32
      %dma_wait3A_138 = arith.constant 0 : i32
      %dma_wait3A_139 = tpu.memref_slice %arg6[%dma_wait3A_137, %dma_wait3A_138] : memref<10512x128xf32, #tpu.memory_space<vmem_shared>> -> memref<10512x128xf32, #tpu.memory_space<vmem_shared>>
      tpu.wait_indirect_dma semaphore(%arg14 : memref<!tpu.dma_semaphore, #tpu.memory_space<semaphore_mem>>) src(%arg9 : memref<128x128xf32, #tpu.memory_space<vmem>>) dst(%dma_wait3A_139 : memref<10512x128xf32, #tpu.memory_space<vmem_shared>>)
      %dma_start3A_140 = arith.constant 4 : i32
      %dma_start3A_141 = arith.constant 0 : i32
      %dma_start3A_142 = tpu.memref_slice %arg7[%rem3A_36, %dma_start3A_140, %dma_start3A_141] : memref<2x16x128xi32, #tpu.memory_space<vmem>> -> memref<1x1x128xi32, #tpu.memory_space<vmem>>
      %dma_start3A_143 = tpu.memref_squeeze %dma_start3A_142 : memref<1x1x128xi32, #tpu.memory_space<vmem>> -> memref<128xi32, #tpu.memory_space<vmem>>
      %dma_start3A_144 = arith.constant 0 : i32
      %dma_start3A_145 = arith.constant 0 : i32
      %dma_start3A_146 = tpu.memref_slice %arg2[%dma_start3A_144, %dma_start3A_145] : memref<10000x128xf32, #tpu.memory_space<hbm>> -> memref<10000x128xf32, #tpu.memory_space<hbm>>
      tpu.enqueue_indirect_dma source(%dma_start3A_146 : memref<10000x128xf32, #tpu.memory_space<hbm>>) target(%arg9 : memref<128x128xf32, #tpu.memory_space<vmem>>) offsets(%dma_start3A_143 : memref<128xi32, #tpu.memory_space<vmem>>) semaphore(%arg12 : memref<!tpu.dma_semaphore, #tpu.memory_space<semaphore_mem>>)
      %dma_wait3A_147 = arith.constant 3 : i32
      %dma_wait3A_148 = arith.constant 0 : i32
      %dma_wait3A_149 = tpu.memref_slice %arg7[%rem3A_36, %dma_wait3A_147, %dma_wait3A_148] : memref<2x16x128xi32, #tpu.memory_space<vmem>> -> memref<1x1x128xi32, #tpu.memory_space<vmem>>
      %dma_wait3A_150 = tpu.memref_squeeze %dma_wait3A_149 : memref<1x1x128xi32, #tpu.memory_space<vmem>> -> memref<128xi32, #tpu.memory_space<vmem>>
      %dma_wait3A_151 = arith.constant 0 : i32
      %dma_wait3A_152 = arith.constant 0 : i32
      %dma_wait3A_153 = tpu.memref_slice %arg2[%dma_wait3A_151, %dma_wait3A_152] : memref<10000x128xf32, #tpu.memory_space<hbm>> -> memref<10000x128xf32, #tpu.memory_space<hbm>>
      tpu.wait_indirect_dma semaphore(%arg13 : memref<!tpu.dma_semaphore, #tpu.memory_space<semaphore_mem>>) src(%dma_wait3A_153 : memref<10000x128xf32, #tpu.memory_space<hbm>>) dst(%arg10 : memref<128x128xf32, #tpu.memory_space<vmem>>)
      %dma_start3A_154 = arith.constant 3 : i32
      %dma_start3A_155 = arith.constant 0 : i32
      %dma_start3A_156 = tpu.memref_slice %arg8[%rem3A_36, %dma_start3A_154, %dma_start3A_155] : memref<2x16x128xi32, #tpu.memory_space<vmem>> -> memref<1x1x128xi32, #tpu.memory_space<vmem>>
      %dma_start3A_157 = tpu.memref_squeeze %dma_start3A_156 : memref<1x1x128xi32, #tpu.memory_space<vmem>> -> memref<128xi32, #tpu.memory_space<vmem>>
      %dma_start3A_158 = arith.constant 0 : i32
      %dma_start3A_159 = arith.constant 0 : i32
      %dma_start3A_160 = tpu.memref_slice %arg6[%dma_start3A_158, %dma_start3A_159] : memref<10512x128xf32, #tpu.memory_space<vmem_shared>> -> memref<10512x128xf32, #tpu.memory_space<vmem_shared>>
      tpu.enqueue_indirect_dma source(%arg10 : memref<128x128xf32, #tpu.memory_space<vmem>>) target(%dma_start3A_160 : memref<10512x128xf32, #tpu.memory_space<vmem_shared>>) offsets(%dma_start3A_157 : memref<128xi32, #tpu.memory_space<vmem>>) semaphore(%arg15 : memref<!tpu.dma_semaphore, #tpu.memory_space<semaphore_mem>>) {add = true}
      %dma_wait3A_161 = arith.constant 3 : i32
      %dma_wait3A_162 = arith.constant 0 : i32
      %dma_wait3A_163 = tpu.memref_slice %arg8[%rem3A_36, %dma_wait3A_161, %dma_wait3A_162] : memref<2x16x128xi32, #tpu.memory_space<vmem>> -> memref<1x1x128xi32, #tpu.memory_space<vmem>>
      %dma_wait3A_164 = tpu.memref_squeeze %dma_wait3A_163 : memref<1x1x128xi32, #tpu.memory_space<vmem>> -> memref<128xi32, #tpu.memory_space<vmem>>
      %dma_wait3A_165 = arith.constant 0 : i32
      %dma_wait3A_166 = arith.constant 0 : i32
      %dma_wait3A_167 = tpu.memref_slice %arg6[%dma_wait3A_165, %dma_wait3A_166] : memref<10512x128xf32, #tpu.memory_space<vmem_shared>> -> memref<10512x128xf32, #tpu.memory_space<vmem_shared>>
      tpu.wait_indirect_dma semaphore(%arg15 : memref<!tpu.dma_semaphore, #tpu.memory_space<semaphore_mem>>) src(%arg10 : memref<128x128xf32, #tpu.memory_space<vmem>>) dst(%dma_wait3A_167 : memref<10512x128xf32, #tpu.memory_space<vmem_shared>>)
      %dma_start3A_168 = arith.constant 5 : i32
      %dma_start3A_169 = arith.constant 0 : i32
      %dma_start3A_170 = tpu.memref_slice %arg7[%rem3A_36, %dma_start3A_168, %dma_start3A_169] : memref<2x16x128xi32, #tpu.memory_space<vmem>> -> memref<1x1x128xi32, #tpu.memory_space<vmem>>
      %dma_start3A_171 = tpu.memref_squeeze %dma_start3A_170 : memref<1x1x128xi32, #tpu.memory_space<vmem>> -> memref<128xi32, #tpu.memory_space<vmem>>
      %dma_start3A_172 = arith.constant 0 : i32
      %dma_start3A_173 = arith.constant 0 : i32
      %dma_start3A_174 = tpu.memref_slice %arg2[%dma_start3A_172, %dma_start3A_173] : memref<10000x128xf32, #tpu.memory_space<hbm>> -> memref<10000x128xf32, #tpu.memory_space<hbm>>
      tpu.enqueue_indirect_dma source(%dma_start3A_174 : memref<10000x128xf32, #tpu.memory_space<hbm>>) target(%arg10 : memref<128x128xf32, #tpu.memory_space<vmem>>) offsets(%dma_start3A_171 : memref<128xi32, #tpu.memory_space<vmem>>) semaphore(%arg13 : memref<!tpu.dma_semaphore, #tpu.memory_space<semaphore_mem>>)
      %dma_wait3A_175 = arith.constant 4 : i32
      %dma_wait3A_176 = arith.constant 0 : i32
      %dma_wait3A_177 = tpu.memref_slice %arg7[%rem3A_36, %dma_wait3A_175, %dma_wait3A_176] : memref<2x16x128xi32, #tpu.memory_space<vmem>> -> memref<1x1x128xi32, #tpu.memory_space<vmem>>
      %dma_wait3A_178 = tpu.memref_squeeze %dma_wait3A_177 : memref<1x1x128xi32, #tpu.memory_space<vmem>> -> memref<128xi32, #tpu.memory_space<vmem>>
      %dma_wait3A_179 = arith.constant 0 : i32
      %dma_wait3A_180 = arith.constant 0 : i32
      %dma_wait3A_181 = tpu.memref_slice %arg2[%dma_wait3A_179, %dma_wait3A_180] : memref<10000x128xf32, #tpu.memory_space<hbm>> -> memref<10000x128xf32, #tpu.memory_space<hbm>>
      tpu.wait_indirect_dma semaphore(%arg12 : memref<!tpu.dma_semaphore, #tpu.memory_space<semaphore_mem>>) src(%dma_wait3A_181 : memref<10000x128xf32, #tpu.memory_space<hbm>>) dst(%arg9 : memref<128x128xf32, #tpu.memory_space<vmem>>)
      %dma_start3A_182 = arith.constant 4 : i32
      %dma_start3A_183 = arith.constant 0 : i32
      %dma_start3A_184 = tpu.memref_slice %arg8[%rem3A_36, %dma_start3A_182, %dma_start3A_183] : memref<2x16x128xi32, #tpu.memory_space<vmem>> -> memref<1x1x128xi32, #tpu.memory_space<vmem>>
      %dma_start3A_185 = tpu.memref_squeeze %dma_start3A_184 : memref<1x1x128xi32, #tpu.memory_space<vmem>> -> memref<128xi32, #tpu.memory_space<vmem>>
      %dma_start3A_186 = arith.constant 0 : i32
      %dma_start3A_187 = arith.constant 0 : i32
      %dma_start3A_188 = tpu.memref_slice %arg6[%dma_start3A_186, %dma_start3A_187] : memref<10512x128xf32, #tpu.memory_space<vmem_shared>> -> memref<10512x128xf32, #tpu.memory_space<vmem_shared>>
      tpu.enqueue_indirect_dma source(%arg9 : memref<128x128xf32, #tpu.memory_space<vmem>>) target(%dma_start3A_188 : memref<10512x128xf32, #tpu.memory_space<vmem_shared>>) offsets(%dma_start3A_185 : memref<128xi32, #tpu.memory_space<vmem>>) semaphore(%arg14 : memref<!tpu.dma_semaphore, #tpu.memory_space<semaphore_mem>>) {add = true}
      %dma_wait3A_189 = arith.constant 4 : i32
      %dma_wait3A_190 = arith.constant 0 : i32
      %dma_wait3A_191 = tpu.memref_slice %arg8[%rem3A_36, %dma_wait3A_189, %dma_wait3A_190] : memref<2x16x128xi32, #tpu.memory_space<vmem>> -> memref<1x1x128xi32, #tpu.memory_space<vmem>>
      %dma_wait3A_192 = tpu.memref_squeeze %dma_wait3A_191 : memref<1x1x128xi32, #tpu.memory_space<vmem>> -> memref<128xi32, #tpu.memory_space<vmem>>
      %dma_wait3A_193 = arith.constant 0 : i32
      %dma_wait3A_194 = arith.constant 0 : i32
      %dma_wait3A_195 = tpu.memref_slice %arg6[%dma_wait3A_193, %dma_wait3A_194] : memref<10512x128xf32, #tpu.memory_space<vmem_shared>> -> memref<10512x128xf32, #tpu.memory_space<vmem_shared>>
      tpu.wait_indirect_dma semaphore(%arg14 : memref<!tpu.dma_semaphore, #tpu.memory_space<semaphore_mem>>) src(%arg9 : memref<128x128xf32, #tpu.memory_space<vmem>>) dst(%dma_wait3A_195 : memref<10512x128xf32, #tpu.memory_space<vmem_shared>>)
      %dma_start3A_196 = arith.constant 6 : i32
      %dma_start3A_197 = arith.constant 0 : i32
      %dma_start3A_198 = tpu.memref_slice %arg7[%rem3A_36, %dma_start3A_196, %dma_start3A_197] : memref<2x16x128xi32, #tpu.memory_space<vmem>> -> memref<1x1x128xi32, #tpu.memory_space<vmem>>
      %dma_start3A_199 = tpu.memref_squeeze %dma_start3A_198 : memref<1x1x128xi32, #tpu.memory_space<vmem>> -> memref<128xi32, #tpu.memory_space<vmem>>
      %dma_start3A_200 = arith.constant 0 : i32
      %dma_start3A_201 = arith.constant 0 : i32
      %dma_start3A_202 = tpu.memref_slice %arg2[%dma_start3A_200, %dma_start3A_201] : memref<10000x128xf32, #tpu.memory_space<hbm>> -> memref<10000x128xf32, #tpu.memory_space<hbm>>
      tpu.enqueue_indirect_dma source(%dma_start3A_202 : memref<10000x128xf32, #tpu.memory_space<hbm>>) target(%arg9 : memref<128x128xf32, #tpu.memory_space<vmem>>) offsets(%dma_start3A_199 : memref<128xi32, #tpu.memory_space<vmem>>) semaphore(%arg12 : memref<!tpu.dma_semaphore, #tpu.memory_space<semaphore_mem>>)
      %dma_wait3A_203 = arith.constant 5 : i32
      %dma_wait3A_204 = arith.constant 0 : i32
      %dma_wait3A_205 = tpu.memref_slice %arg7[%rem3A_36, %dma_wait3A_203, %dma_wait3A_204] : memref<2x16x128xi32, #tpu.memory_space<vmem>> -> memref<1x1x128xi32, #tpu.memory_space<vmem>>
      %dma_wait3A_206 = tpu.memref_squeeze %dma_wait3A_205 : memref<1x1x128xi32, #tpu.memory_space<vmem>> -> memref<128xi32, #tpu.memory_space<vmem>>
      %dma_wait3A_207 = arith.constant 0 : i32
      %dma_wait3A_208 = arith.constant 0 : i32
      %dma_wait3A_209 = tpu.memref_slice %arg2[%dma_wait3A_207, %dma_wait3A_208] : memref<10000x128xf32, #tpu.memory_space<hbm>> -> memref<10000x128xf32, #tpu.memory_space<hbm>>
      tpu.wait_indirect_dma semaphore(%arg13 : memref<!tpu.dma_semaphore, #tpu.memory_space<semaphore_mem>>) src(%dma_wait3A_209 : memref<10000x128xf32, #tpu.memory_space<hbm>>) dst(%arg10 : memref<128x128xf32, #tpu.memory_space<vmem>>)
      %dma_start3A_210 = arith.constant 5 : i32
      %dma_start3A_211 = arith.constant 0 : i32
      %dma_start3A_212 = tpu.memref_slice %arg8[%rem3A_36, %dma_start3A_210, %dma_start3A_211] : memref<2x16x128xi32, #tpu.memory_space<vmem>> -> memref<1x1x128xi32, #tpu.memory_space<vmem>>
      %dma_start3A_213 = tpu.memref_squeeze %dma_start3A_212 : memref<1x1x128xi32, #tpu.memory_space<vmem>> -> memref<128xi32, #tpu.memory_space<vmem>>
      %dma_start3A_214 = arith.constant 0 : i32
      %dma_start3A_215 = arith.constant 0 : i32
      %dma_start3A_216 = tpu.memref_slice %arg6[%dma_start3A_214, %dma_start3A_215] : memref<10512x128xf32, #tpu.memory_space<vmem_shared>> -> memref<10512x128xf32, #tpu.memory_space<vmem_shared>>
      tpu.enqueue_indirect_dma source(%arg10 : memref<128x128xf32, #tpu.memory_space<vmem>>) target(%dma_start3A_216 : memref<10512x128xf32, #tpu.memory_space<vmem_shared>>) offsets(%dma_start3A_213 : memref<128xi32, #tpu.memory_space<vmem>>) semaphore(%arg15 : memref<!tpu.dma_semaphore, #tpu.memory_space<semaphore_mem>>) {add = true}
      %dma_wait3A_217 = arith.constant 5 : i32
      %dma_wait3A_218 = arith.constant 0 : i32
      %dma_wait3A_219 = tpu.memref_slice %arg8[%rem3A_36, %dma_wait3A_217, %dma_wait3A_218] : memref<2x16x128xi32, #tpu.memory_space<vmem>> -> memref<1x1x128xi32, #tpu.memory_space<vmem>>
      %dma_wait3A_220 = tpu.memref_squeeze %dma_wait3A_219 : memref<1x1x128xi32, #tpu.memory_space<vmem>> -> memref<128xi32, #tpu.memory_space<vmem>>
      %dma_wait3A_221 = arith.constant 0 : i32
      %dma_wait3A_222 = arith.constant 0 : i32
      %dma_wait3A_223 = tpu.memref_slice %arg6[%dma_wait3A_221, %dma_wait3A_222] : memref<10512x128xf32, #tpu.memory_space<vmem_shared>> -> memref<10512x128xf32, #tpu.memory_space<vmem_shared>>
      tpu.wait_indirect_dma semaphore(%arg15 : memref<!tpu.dma_semaphore, #tpu.memory_space<semaphore_mem>>) src(%arg10 : memref<128x128xf32, #tpu.memory_space<vmem>>) dst(%dma_wait3A_223 : memref<10512x128xf32, #tpu.memory_space<vmem_shared>>)
      %dma_start3A_224 = arith.constant 7 : i32
      %dma_start3A_225 = arith.constant 0 : i32
      %dma_start3A_226 = tpu.memref_slice %arg7[%rem3A_36, %dma_start3A_224, %dma_start3A_225] : memref<2x16x128xi32, #tpu.memory_space<vmem>> -> memref<1x1x128xi32, #tpu.memory_space<vmem>>
      %dma_start3A_227 = tpu.memref_squeeze %dma_start3A_226 : memref<1x1x128xi32, #tpu.memory_space<vmem>> -> memref<128xi32, #tpu.memory_space<vmem>>
      %dma_start3A_228 = arith.constant 0 : i32
      %dma_start3A_229 = arith.constant 0 : i32
      %dma_start3A_230 = tpu.memref_slice %arg2[%dma_start3A_228, %dma_start3A_229] : memref<10000x128xf32, #tpu.memory_space<hbm>> -> memref<10000x128xf32, #tpu.memory_space<hbm>>
      tpu.enqueue_indirect_dma source(%dma_start3A_230 : memref<10000x128xf32, #tpu.memory_space<hbm>>) target(%arg10 : memref<128x128xf32, #tpu.memory_space<vmem>>) offsets(%dma_start3A_227 : memref<128xi32, #tpu.memory_space<vmem>>) semaphore(%arg13 : memref<!tpu.dma_semaphore, #tpu.memory_space<semaphore_mem>>)
      %dma_wait3A_231 = arith.constant 6 : i32
      %dma_wait3A_232 = arith.constant 0 : i32
      %dma_wait3A_233 = tpu.memref_slice %arg7[%rem3A_36, %dma_wait3A_231, %dma_wait3A_232] : memref<2x16x128xi32, #tpu.memory_space<vmem>> -> memref<1x1x128xi32, #tpu.memory_space<vmem>>
      %dma_wait3A_234 = tpu.memref_squeeze %dma_wait3A_233 : memref<1x1x128xi32, #tpu.memory_space<vmem>> -> memref<128xi32, #tpu.memory_space<vmem>>
      %dma_wait3A_235 = arith.constant 0 : i32
      %dma_wait3A_236 = arith.constant 0 : i32
      %dma_wait3A_237 = tpu.memref_slice %arg2[%dma_wait3A_235, %dma_wait3A_236] : memref<10000x128xf32, #tpu.memory_space<hbm>> -> memref<10000x128xf32, #tpu.memory_space<hbm>>
      tpu.wait_indirect_dma semaphore(%arg12 : memref<!tpu.dma_semaphore, #tpu.memory_space<semaphore_mem>>) src(%dma_wait3A_237 : memref<10000x128xf32, #tpu.memory_space<hbm>>) dst(%arg9 : memref<128x128xf32, #tpu.memory_space<vmem>>)
      %dma_start3A_238 = arith.constant 6 : i32
      %dma_start3A_239 = arith.constant 0 : i32
      %dma_start3A_240 = tpu.memref_slice %arg8[%rem3A_36, %dma_start3A_238, %dma_start3A_239] : memref<2x16x128xi32, #tpu.memory_space<vmem>> -> memref<1x1x128xi32, #tpu.memory_space<vmem>>
      %dma_start3A_241 = tpu.memref_squeeze %dma_start3A_240 : memref<1x1x128xi32, #tpu.memory_space<vmem>> -> memref<128xi32, #tpu.memory_space<vmem>>
      %dma_start3A_242 = arith.constant 0 : i32
      %dma_start3A_243 = arith.constant 0 : i32
      %dma_start3A_244 = tpu.memref_slice %arg6[%dma_start3A_242, %dma_start3A_243] : memref<10512x128xf32, #tpu.memory_space<vmem_shared>> -> memref<10512x128xf32, #tpu.memory_space<vmem_shared>>
      tpu.enqueue_indirect_dma source(%arg9 : memref<128x128xf32, #tpu.memory_space<vmem>>) target(%dma_start3A_244 : memref<10512x128xf32, #tpu.memory_space<vmem_shared>>) offsets(%dma_start3A_241 : memref<128xi32, #tpu.memory_space<vmem>>) semaphore(%arg14 : memref<!tpu.dma_semaphore, #tpu.memory_space<semaphore_mem>>) {add = true}
      %dma_wait3A_245 = arith.constant 6 : i32
      %dma_wait3A_246 = arith.constant 0 : i32
      %dma_wait3A_247 = tpu.memref_slice %arg8[%rem3A_36, %dma_wait3A_245, %dma_wait3A_246] : memref<2x16x128xi32, #tpu.memory_space<vmem>> -> memref<1x1x128xi32, #tpu.memory_space<vmem>>
      %dma_wait3A_248 = tpu.memref_squeeze %dma_wait3A_247 : memref<1x1x128xi32, #tpu.memory_space<vmem>> -> memref<128xi32, #tpu.memory_space<vmem>>
      %dma_wait3A_249 = arith.constant 0 : i32
      %dma_wait3A_250 = arith.constant 0 : i32
      %dma_wait3A_251 = tpu.memref_slice %arg6[%dma_wait3A_249, %dma_wait3A_250] : memref<10512x128xf32, #tpu.memory_space<vmem_shared>> -> memref<10512x128xf32, #tpu.memory_space<vmem_shared>>
      tpu.wait_indirect_dma semaphore(%arg14 : memref<!tpu.dma_semaphore, #tpu.memory_space<semaphore_mem>>) src(%arg9 : memref<128x128xf32, #tpu.memory_space<vmem>>) dst(%dma_wait3A_251 : memref<10512x128xf32, #tpu.memory_space<vmem_shared>>)
      %dma_start3A_252 = arith.constant 8 : i32
      %dma_start3A_253 = arith.constant 0 : i32
      %dma_start3A_254 = tpu.memref_slice %arg7[%rem3A_36, %dma_start3A_252, %dma_start3A_253] : memref<2x16x128xi32, #tpu.memory_space<vmem>> -> memref<1x1x128xi32, #tpu.memory_space<vmem>>
      %dma_start3A_255 = tpu.memref_squeeze %dma_start3A_254 : memref<1x1x128xi32, #tpu.memory_space<vmem>> -> memref<128xi32, #tpu.memory_space<vmem>>
      %dma_start3A_256 = arith.constant 0 : i32
      %dma_start3A_257 = arith.constant 0 : i32
      %dma_start3A_258 = tpu.memref_slice %arg2[%dma_start3A_256, %dma_start3A_257] : memref<10000x128xf32, #tpu.memory_space<hbm>> -> memref<10000x128xf32, #tpu.memory_space<hbm>>
      tpu.enqueue_indirect_dma source(%dma_start3A_258 : memref<10000x128xf32, #tpu.memory_space<hbm>>) target(%arg9 : memref<128x128xf32, #tpu.memory_space<vmem>>) offsets(%dma_start3A_255 : memref<128xi32, #tpu.memory_space<vmem>>) semaphore(%arg12 : memref<!tpu.dma_semaphore, #tpu.memory_space<semaphore_mem>>)
      %dma_wait3A_259 = arith.constant 7 : i32
      %dma_wait3A_260 = arith.constant 0 : i32
      %dma_wait3A_261 = tpu.memref_slice %arg7[%rem3A_36, %dma_wait3A_259, %dma_wait3A_260] : memref<2x16x128xi32, #tpu.memory_space<vmem>> -> memref<1x1x128xi32, #tpu.memory_space<vmem>>
      %dma_wait3A_262 = tpu.memref_squeeze %dma_wait3A_261 : memref<1x1x128xi32, #tpu.memory_space<vmem>> -> memref<128xi32, #tpu.memory_space<vmem>>
      %dma_wait3A_263 = arith.constant 0 : i32
      %dma_wait3A_264 = arith.constant 0 : i32
      %dma_wait3A_265 = tpu.memref_slice %arg2[%dma_wait3A_263, %dma_wait3A_264] : memref<10000x128xf32, #tpu.memory_space<hbm>> -> memref<10000x128xf32, #tpu.memory_space<hbm>>
      tpu.wait_indirect_dma semaphore(%arg13 : memref<!tpu.dma_semaphore, #tpu.memory_space<semaphore_mem>>) src(%dma_wait3A_265 : memref<10000x128xf32, #tpu.memory_space<hbm>>) dst(%arg10 : memref<128x128xf32, #tpu.memory_space<vmem>>)
      %dma_start3A_266 = arith.constant 7 : i32
      %dma_start3A_267 = arith.constant 0 : i32
      %dma_start3A_268 = tpu.memref_slice %arg8[%rem3A_36, %dma_start3A_266, %dma_start3A_267] : memref<2x16x128xi32, #tpu.memory_space<vmem>> -> memref<1x1x128xi32, #tpu.memory_space<vmem>>
      %dma_start3A_269 = tpu.memref_squeeze %dma_start3A_268 : memref<1x1x128xi32, #tpu.memory_space<vmem>> -> memref<128xi32, #tpu.memory_space<vmem>>
      %dma_start3A_270 = arith.constant 0 : i32
      %dma_start3A_271 = arith.constant 0 : i32
      %dma_start3A_272 = tpu.memref_slice %arg6[%dma_start3A_270, %dma_start3A_271] : memref<10512x128xf32, #tpu.memory_space<vmem_shared>> -> memref<10512x128xf32, #tpu.memory_space<vmem_shared>>
      tpu.enqueue_indirect_dma source(%arg10 : memref<128x128xf32, #tpu.memory_space<vmem>>) target(%dma_start3A_272 : memref<10512x128xf32, #tpu.memory_space<vmem_shared>>) offsets(%dma_start3A_269 : memref<128xi32, #tpu.memory_space<vmem>>) semaphore(%arg15 : memref<!tpu.dma_semaphore, #tpu.memory_space<semaphore_mem>>) {add = true}
      %dma_wait3A_273 = arith.constant 7 : i32
      %dma_wait3A_274 = arith.constant 0 : i32
      %dma_wait3A_275 = tpu.memref_slice %arg8[%rem3A_36, %dma_wait3A_273, %dma_wait3A_274] : memref<2x16x128xi32, #tpu.memory_space<vmem>> -> memref<1x1x128xi32, #tpu.memory_space<vmem>>
      %dma_wait3A_276 = tpu.memref_squeeze %dma_wait3A_275 : memref<1x1x128xi32, #tpu.memory_space<vmem>> -> memref<128xi32, #tpu.memory_space<vmem>>
      %dma_wait3A_277 = arith.constant 0 : i32
      %dma_wait3A_278 = arith.constant 0 : i32
      %dma_wait3A_279 = tpu.memref_slice %arg6[%dma_wait3A_277, %dma_wait3A_278] : memref<10512x128xf32, #tpu.memory_space<vmem_shared>> -> memref<10512x128xf32, #tpu.memory_space<vmem_shared>>
      tpu.wait_indirect_dma semaphore(%arg15 : memref<!tpu.dma_semaphore, #tpu.memory_space<semaphore_mem>>) src(%arg10 : memref<128x128xf32, #tpu.memory_space<vmem>>) dst(%dma_wait3A_279 : memref<10512x128xf32, #tpu.memory_space<vmem_shared>>)
      %dma_start3A_280 = arith.constant 9 : i32
      %dma_start3A_281 = arith.constant 0 : i32
      %dma_start3A_282 = tpu.memref_slice %arg7[%rem3A_36, %dma_start3A_280, %dma_start3A_281] : memref<2x16x128xi32, #tpu.memory_space<vmem>> -> memref<1x1x128xi32, #tpu.memory_space<vmem>>
      %dma_start3A_283 = tpu.memref_squeeze %dma_start3A_282 : memref<1x1x128xi32, #tpu.memory_space<vmem>> -> memref<128xi32, #tpu.memory_space<vmem>>
      %dma_start3A_284 = arith.constant 0 : i32
      %dma_start3A_285 = arith.constant 0 : i32
      %dma_start3A_286 = tpu.memref_slice %arg2[%dma_start3A_284, %dma_start3A_285] : memref<10000x128xf32, #tpu.memory_space<hbm>> -> memref<10000x128xf32, #tpu.memory_space<hbm>>
      tpu.enqueue_indirect_dma source(%dma_start3A_286 : memref<10000x128xf32, #tpu.memory_space<hbm>>) target(%arg10 : memref<128x128xf32, #tpu.memory_space<vmem>>) offsets(%dma_start3A_283 : memref<128xi32, #tpu.memory_space<vmem>>) semaphore(%arg13 : memref<!tpu.dma_semaphore, #tpu.memory_space<semaphore_mem>>)
      %dma_wait3A_287 = arith.constant 8 : i32
      %dma_wait3A_288 = arith.constant 0 : i32
      %dma_wait3A_289 = tpu.memref_slice %arg7[%rem3A_36, %dma_wait3A_287, %dma_wait3A_288] : memref<2x16x128xi32, #tpu.memory_space<vmem>> -> memref<1x1x128xi32, #tpu.memory_space<vmem>>
      %dma_wait3A_290 = tpu.memref_squeeze %dma_wait3A_289 : memref<1x1x128xi32, #tpu.memory_space<vmem>> -> memref<128xi32, #tpu.memory_space<vmem>>
      %dma_wait3A_291 = arith.constant 0 : i32
      %dma_wait3A_292 = arith.constant 0 : i32
      %dma_wait3A_293 = tpu.memref_slice %arg2[%dma_wait3A_291, %dma_wait3A_292] : memref<10000x128xf32, #tpu.memory_space<hbm>> -> memref<10000x128xf32, #tpu.memory_space<hbm>>
      tpu.wait_indirect_dma semaphore(%arg12 : memref<!tpu.dma_semaphore, #tpu.memory_space<semaphore_mem>>) src(%dma_wait3A_293 : memref<10000x128xf32, #tpu.memory_space<hbm>>) dst(%arg9 : memref<128x128xf32, #tpu.memory_space<vmem>>)
      %dma_start3A_294 = arith.constant 8 : i32
      %dma_start3A_295 = arith.constant 0 : i32
      %dma_start3A_296 = tpu.memref_slice %arg8[%rem3A_36, %dma_start3A_294, %dma_start3A_295] : memref<2x16x128xi32, #tpu.memory_space<vmem>> -> memref<1x1x128xi32, #tpu.memory_space<vmem>>
      %dma_start3A_297 = tpu.memref_squeeze %dma_start3A_296 : memref<1x1x128xi32, #tpu.memory_space<vmem>> -> memref<128xi32, #tpu.memory_space<vmem>>
      %dma_start3A_298 = arith.constant 0 : i32
      %dma_start3A_299 = arith.constant 0 : i32
      %dma_start3A_300 = tpu.memref_slice %arg6[%dma_start3A_298, %dma_start3A_299] : memref<10512x128xf32, #tpu.memory_space<vmem_shared>> -> memref<10512x128xf32, #tpu.memory_space<vmem_shared>>
      tpu.enqueue_indirect_dma source(%arg9 : memref<128x128xf32, #tpu.memory_space<vmem>>) target(%dma_start3A_300 : memref<10512x128xf32, #tpu.memory_space<vmem_shared>>) offsets(%dma_start3A_297 : memref<128xi32, #tpu.memory_space<vmem>>) semaphore(%arg14 : memref<!tpu.dma_semaphore, #tpu.memory_space<semaphore_mem>>) {add = true}
      %dma_wait3A_301 = arith.constant 8 : i32
      %dma_wait3A_302 = arith.constant 0 : i32
      %dma_wait3A_303 = tpu.memref_slice %arg8[%rem3A_36, %dma_wait3A_301, %dma_wait3A_302] : memref<2x16x128xi32, #tpu.memory_space<vmem>> -> memref<1x1x128xi32, #tpu.memory_space<vmem>>
      %dma_wait3A_304 = tpu.memref_squeeze %dma_wait3A_303 : memref<1x1x128xi32, #tpu.memory_space<vmem>> -> memref<128xi32, #tpu.memory_space<vmem>>
      %dma_wait3A_305 = arith.constant 0 : i32
      %dma_wait3A_306 = arith.constant 0 : i32
      %dma_wait3A_307 = tpu.memref_slice %arg6[%dma_wait3A_305, %dma_wait3A_306] : memref<10512x128xf32, #tpu.memory_space<vmem_shared>> -> memref<10512x128xf32, #tpu.memory_space<vmem_shared>>
      tpu.wait_indirect_dma semaphore(%arg14 : memref<!tpu.dma_semaphore, #tpu.memory_space<semaphore_mem>>) src(%arg9 : memref<128x128xf32, #tpu.memory_space<vmem>>) dst(%dma_wait3A_307 : memref<10512x128xf32, #tpu.memory_space<vmem_shared>>)
      %dma_start3A_308 = arith.constant 10 : i32
      %dma_start3A_309 = arith.constant 0 : i32
      %dma_start3A_310 = tpu.memref_slice %arg7[%rem3A_36, %dma_start3A_308, %dma_start3A_309] : memref<2x16x128xi32, #tpu.memory_space<vmem>> -> memref<1x1x128xi32, #tpu.memory_space<vmem>>
      %dma_start3A_311 = tpu.memref_squeeze %dma_start3A_310 : memref<1x1x128xi32, #tpu.memory_space<vmem>> -> memref<128xi32, #tpu.memory_space<vmem>>
      %dma_start3A_312 = arith.constant 0 : i32
      %dma_start3A_313 = arith.constant 0 : i32
      %dma_start3A_314 = tpu.memref_slice %arg2[%dma_start3A_312, %dma_start3A_313] : memref<10000x128xf32, #tpu.memory_space<hbm>> -> memref<10000x128xf32, #tpu.memory_space<hbm>>
      tpu.enqueue_indirect_dma source(%dma_start3A_314 : memref<10000x128xf32, #tpu.memory_space<hbm>>) target(%arg9 : memref<128x128xf32, #tpu.memory_space<vmem>>) offsets(%dma_start3A_311 : memref<128xi32, #tpu.memory_space<vmem>>) semaphore(%arg12 : memref<!tpu.dma_semaphore, #tpu.memory_space<semaphore_mem>>)
      %dma_wait3A_315 = arith.constant 9 : i32
      %dma_wait3A_316 = arith.constant 0 : i32
      %dma_wait3A_317 = tpu.memref_slice %arg7[%rem3A_36, %dma_wait3A_315, %dma_wait3A_316] : memref<2x16x128xi32, #tpu.memory_space<vmem>> -> memref<1x1x128xi32, #tpu.memory_space<vmem>>
      %dma_wait3A_318 = tpu.memref_squeeze %dma_wait3A_317 : memref<1x1x128xi32, #tpu.memory_space<vmem>> -> memref<128xi32, #tpu.memory_space<vmem>>
      %dma_wait3A_319 = arith.constant 0 : i32
      %dma_wait3A_320 = arith.constant 0 : i32
      %dma_wait3A_321 = tpu.memref_slice %arg2[%dma_wait3A_319, %dma_wait3A_320] : memref<10000x128xf32, #tpu.memory_space<hbm>> -> memref<10000x128xf32, #tpu.memory_space<hbm>>
      tpu.wait_indirect_dma semaphore(%arg13 : memref<!tpu.dma_semaphore, #tpu.memory_space<semaphore_mem>>) src(%dma_wait3A_321 : memref<10000x128xf32, #tpu.memory_space<hbm>>) dst(%arg10 : memref<128x128xf32, #tpu.memory_space<vmem>>)
      %dma_start3A_322 = arith.constant 9 : i32
      %dma_start3A_323 = arith.constant 0 : i32
      %dma_start3A_324 = tpu.memref_slice %arg8[%rem3A_36, %dma_start3A_322, %dma_start3A_323] : memref<2x16x128xi32, #tpu.memory_space<vmem>> -> memref<1x1x128xi32, #tpu.memory_space<vmem>>
      %dma_start3A_325 = tpu.memref_squeeze %dma_start3A_324 : memref<1x1x128xi32, #tpu.memory_space<vmem>> -> memref<128xi32, #tpu.memory_space<vmem>>
      %dma_start3A_326 = arith.constant 0 : i32
      %dma_start3A_327 = arith.constant 0 : i32
      %dma_start3A_328 = tpu.memref_slice %arg6[%dma_start3A_326, %dma_start3A_327] : memref<10512x128xf32, #tpu.memory_space<vmem_shared>> -> memref<10512x128xf32, #tpu.memory_space<vmem_shared>>
      tpu.enqueue_indirect_dma source(%arg10 : memref<128x128xf32, #tpu.memory_space<vmem>>) target(%dma_start3A_328 : memref<10512x128xf32, #tpu.memory_space<vmem_shared>>) offsets(%dma_start3A_325 : memref<128xi32, #tpu.memory_space<vmem>>) semaphore(%arg15 : memref<!tpu.dma_semaphore, #tpu.memory_space<semaphore_mem>>) {add = true}
      %dma_wait3A_329 = arith.constant 9 : i32
      %dma_wait3A_330 = arith.constant 0 : i32
      %dma_wait3A_331 = tpu.memref_slice %arg8[%rem3A_36, %dma_wait3A_329, %dma_wait3A_330] : memref<2x16x128xi32, #tpu.memory_space<vmem>> -> memref<1x1x128xi32, #tpu.memory_space<vmem>>
      %dma_wait3A_332 = tpu.memref_squeeze %dma_wait3A_331 : memref<1x1x128xi32, #tpu.memory_space<vmem>> -> memref<128xi32, #tpu.memory_space<vmem>>
      %dma_wait3A_333 = arith.constant 0 : i32
      %dma_wait3A_334 = arith.constant 0 : i32
      %dma_wait3A_335 = tpu.memref_slice %arg6[%dma_wait3A_333, %dma_wait3A_334] : memref<10512x128xf32, #tpu.memory_space<vmem_shared>> -> memref<10512x128xf32, #tpu.memory_space<vmem_shared>>
      tpu.wait_indirect_dma semaphore(%arg15 : memref<!tpu.dma_semaphore, #tpu.memory_space<semaphore_mem>>) src(%arg10 : memref<128x128xf32, #tpu.memory_space<vmem>>) dst(%dma_wait3A_335 : memref<10512x128xf32, #tpu.memory_space<vmem_shared>>)
      %dma_start3A_336 = arith.constant 11 : i32
      %dma_start3A_337 = arith.constant 0 : i32
      %dma_start3A_338 = tpu.memref_slice %arg7[%rem3A_36, %dma_start3A_336, %dma_start3A_337] : memref<2x16x128xi32, #tpu.memory_space<vmem>> -> memref<1x1x128xi32, #tpu.memory_space<vmem>>
      %dma_start3A_339 = tpu.memref_squeeze %dma_start3A_338 : memref<1x1x128xi32, #tpu.memory_space<vmem>> -> memref<128xi32, #tpu.memory_space<vmem>>
      %dma_start3A_340 = arith.constant 0 : i32
      %dma_start3A_341 = arith.constant 0 : i32
      %dma_start3A_342 = tpu.memref_slice %arg2[%dma_start3A_340, %dma_start3A_341] : memref<10000x128xf32, #tpu.memory_space<hbm>> -> memref<10000x128xf32, #tpu.memory_space<hbm>>
      tpu.enqueue_indirect_dma source(%dma_start3A_342 : memref<10000x128xf32, #tpu.memory_space<hbm>>) target(%arg10 : memref<128x128xf32, #tpu.memory_space<vmem>>) offsets(%dma_start3A_339 : memref<128xi32, #tpu.memory_space<vmem>>) semaphore(%arg13 : memref<!tpu.dma_semaphore, #tpu.memory_space<semaphore_mem>>)
      %dma_wait3A_343 = arith.constant 10 : i32
      %dma_wait3A_344 = arith.constant 0 : i32
      %dma_wait3A_345 = tpu.memref_slice %arg7[%rem3A_36, %dma_wait3A_343, %dma_wait3A_344] : memref<2x16x128xi32, #tpu.memory_space<vmem>> -> memref<1x1x128xi32, #tpu.memory_space<vmem>>
      %dma_wait3A_346 = tpu.memref_squeeze %dma_wait3A_345 : memref<1x1x128xi32, #tpu.memory_space<vmem>> -> memref<128xi32, #tpu.memory_space<vmem>>
      %dma_wait3A_347 = arith.constant 0 : i32
      %dma_wait3A_348 = arith.constant 0 : i32
      %dma_wait3A_349 = tpu.memref_slice %arg2[%dma_wait3A_347, %dma_wait3A_348] : memref<10000x128xf32, #tpu.memory_space<hbm>> -> memref<10000x128xf32, #tpu.memory_space<hbm>>
      tpu.wait_indirect_dma semaphore(%arg12 : memref<!tpu.dma_semaphore, #tpu.memory_space<semaphore_mem>>) src(%dma_wait3A_349 : memref<10000x128xf32, #tpu.memory_space<hbm>>) dst(%arg9 : memref<128x128xf32, #tpu.memory_space<vmem>>)
      %dma_start3A_350 = arith.constant 10 : i32
      %dma_start3A_351 = arith.constant 0 : i32
      %dma_start3A_352 = tpu.memref_slice %arg8[%rem3A_36, %dma_start3A_350, %dma_start3A_351] : memref<2x16x128xi32, #tpu.memory_space<vmem>> -> memref<1x1x128xi32, #tpu.memory_space<vmem>>
      %dma_start3A_353 = tpu.memref_squeeze %dma_start3A_352 : memref<1x1x128xi32, #tpu.memory_space<vmem>> -> memref<128xi32, #tpu.memory_space<vmem>>
      %dma_start3A_354 = arith.constant 0 : i32
      %dma_start3A_355 = arith.constant 0 : i32
      %dma_start3A_356 = tpu.memref_slice %arg6[%dma_start3A_354, %dma_start3A_355] : memref<10512x128xf32, #tpu.memory_space<vmem_shared>> -> memref<10512x128xf32, #tpu.memory_space<vmem_shared>>
      tpu.enqueue_indirect_dma source(%arg9 : memref<128x128xf32, #tpu.memory_space<vmem>>) target(%dma_start3A_356 : memref<10512x128xf32, #tpu.memory_space<vmem_shared>>) offsets(%dma_start3A_353 : memref<128xi32, #tpu.memory_space<vmem>>) semaphore(%arg14 : memref<!tpu.dma_semaphore, #tpu.memory_space<semaphore_mem>>) {add = true}
      %dma_wait3A_357 = arith.constant 10 : i32
      %dma_wait3A_358 = arith.constant 0 : i32
      %dma_wait3A_359 = tpu.memref_slice %arg8[%rem3A_36, %dma_wait3A_357, %dma_wait3A_358] : memref<2x16x128xi32, #tpu.memory_space<vmem>> -> memref<1x1x128xi32, #tpu.memory_space<vmem>>
      %dma_wait3A_360 = tpu.memref_squeeze %dma_wait3A_359 : memref<1x1x128xi32, #tpu.memory_space<vmem>> -> memref<128xi32, #tpu.memory_space<vmem>>
      %dma_wait3A_361 = arith.constant 0 : i32
      %dma_wait3A_362 = arith.constant 0 : i32
      %dma_wait3A_363 = tpu.memref_slice %arg6[%dma_wait3A_361, %dma_wait3A_362] : memref<10512x128xf32, #tpu.memory_space<vmem_shared>> -> memref<10512x128xf32, #tpu.memory_space<vmem_shared>>
      tpu.wait_indirect_dma semaphore(%arg14 : memref<!tpu.dma_semaphore, #tpu.memory_space<semaphore_mem>>) src(%arg9 : memref<128x128xf32, #tpu.memory_space<vmem>>) dst(%dma_wait3A_363 : memref<10512x128xf32, #tpu.memory_space<vmem_shared>>)
      %dma_start3A_364 = arith.constant 12 : i32
      %dma_start3A_365 = arith.constant 0 : i32
      %dma_start3A_366 = tpu.memref_slice %arg7[%rem3A_36, %dma_start3A_364, %dma_start3A_365] : memref<2x16x128xi32, #tpu.memory_space<vmem>> -> memref<1x1x128xi32, #tpu.memory_space<vmem>>
      %dma_start3A_367 = tpu.memref_squeeze %dma_start3A_366 : memref<1x1x128xi32, #tpu.memory_space<vmem>> -> memref<128xi32, #tpu.memory_space<vmem>>
      %dma_start3A_368 = arith.constant 0 : i32
      %dma_start3A_369 = arith.constant 0 : i32
      %dma_start3A_370 = tpu.memref_slice %arg2[%dma_start3A_368, %dma_start3A_369] : memref<10000x128xf32, #tpu.memory_space<hbm>> -> memref<10000x128xf32, #tpu.memory_space<hbm>>
      tpu.enqueue_indirect_dma source(%dma_start3A_370 : memref<10000x128xf32, #tpu.memory_space<hbm>>) target(%arg9 : memref<128x128xf32, #tpu.memory_space<vmem>>) offsets(%dma_start3A_367 : memref<128xi32, #tpu.memory_space<vmem>>) semaphore(%arg12 : memref<!tpu.dma_semaphore, #tpu.memory_space<semaphore_mem>>)
      %dma_wait3A_371 = arith.constant 11 : i32
      %dma_wait3A_372 = arith.constant 0 : i32
      %dma_wait3A_373 = tpu.memref_slice %arg7[%rem3A_36, %dma_wait3A_371, %dma_wait3A_372] : memref<2x16x128xi32, #tpu.memory_space<vmem>> -> memref<1x1x128xi32, #tpu.memory_space<vmem>>
      %dma_wait3A_374 = tpu.memref_squeeze %dma_wait3A_373 : memref<1x1x128xi32, #tpu.memory_space<vmem>> -> memref<128xi32, #tpu.memory_space<vmem>>
      %dma_wait3A_375 = arith.constant 0 : i32
      %dma_wait3A_376 = arith.constant 0 : i32
      %dma_wait3A_377 = tpu.memref_slice %arg2[%dma_wait3A_375, %dma_wait3A_376] : memref<10000x128xf32, #tpu.memory_space<hbm>> -> memref<10000x128xf32, #tpu.memory_space<hbm>>
      tpu.wait_indirect_dma semaphore(%arg13 : memref<!tpu.dma_semaphore, #tpu.memory_space<semaphore_mem>>) src(%dma_wait3A_377 : memref<10000x128xf32, #tpu.memory_space<hbm>>) dst(%arg10 : memref<128x128xf32, #tpu.memory_space<vmem>>)
      %dma_start3A_378 = arith.constant 11 : i32
      %dma_start3A_379 = arith.constant 0 : i32
      %dma_start3A_380 = tpu.memref_slice %arg8[%rem3A_36, %dma_start3A_378, %dma_start3A_379] : memref<2x16x128xi32, #tpu.memory_space<vmem>> -> memref<1x1x128xi32, #tpu.memory_space<vmem>>
      %dma_start3A_381 = tpu.memref_squeeze %dma_start3A_380 : memref<1x1x128xi32, #tpu.memory_space<vmem>> -> memref<128xi32, #tpu.memory_space<vmem>>
      %dma_start3A_382 = arith.constant 0 : i32
      %dma_start3A_383 = arith.constant 0 : i32
      %dma_start3A_384 = tpu.memref_slice %arg6[%dma_start3A_382, %dma_start3A_383] : memref<10512x128xf32, #tpu.memory_space<vmem_shared>> -> memref<10512x128xf32, #tpu.memory_space<vmem_shared>>
      tpu.enqueue_indirect_dma source(%arg10 : memref<128x128xf32, #tpu.memory_space<vmem>>) target(%dma_start3A_384 : memref<10512x128xf32, #tpu.memory_space<vmem_shared>>) offsets(%dma_start3A_381 : memref<128xi32, #tpu.memory_space<vmem>>) semaphore(%arg15 : memref<!tpu.dma_semaphore, #tpu.memory_space<semaphore_mem>>) {add = true}
      %dma_wait3A_385 = arith.constant 11 : i32
      %dma_wait3A_386 = arith.constant 0 : i32
      %dma_wait3A_387 = tpu.memref_slice %arg8[%rem3A_36, %dma_wait3A_385, %dma_wait3A_386] : memref<2x16x128xi32, #tpu.memory_space<vmem>> -> memref<1x1x128xi32, #tpu.memory_space<vmem>>
      %dma_wait3A_388 = tpu.memref_squeeze %dma_wait3A_387 : memref<1x1x128xi32, #tpu.memory_space<vmem>> -> memref<128xi32, #tpu.memory_space<vmem>>
      %dma_wait3A_389 = arith.constant 0 : i32
      %dma_wait3A_390 = arith.constant 0 : i32
      %dma_wait3A_391 = tpu.memref_slice %arg6[%dma_wait3A_389, %dma_wait3A_390] : memref<10512x128xf32, #tpu.memory_space<vmem_shared>> -> memref<10512x128xf32, #tpu.memory_space<vmem_shared>>
      tpu.wait_indirect_dma semaphore(%arg15 : memref<!tpu.dma_semaphore, #tpu.memory_space<semaphore_mem>>) src(%arg10 : memref<128x128xf32, #tpu.memory_space<vmem>>) dst(%dma_wait3A_391 : memref<10512x128xf32, #tpu.memory_space<vmem_shared>>)
      %dma_start3A_392 = arith.constant 13 : i32
      %dma_start3A_393 = arith.constant 0 : i32
      %dma_start3A_394 = tpu.memref_slice %arg7[%rem3A_36, %dma_start3A_392, %dma_start3A_393] : memref<2x16x128xi32, #tpu.memory_space<vmem>> -> memref<1x1x128xi32, #tpu.memory_space<vmem>>
      %dma_start3A_395 = tpu.memref_squeeze %dma_start3A_394 : memref<1x1x128xi32, #tpu.memory_space<vmem>> -> memref<128xi32, #tpu.memory_space<vmem>>
      %dma_start3A_396 = arith.constant 0 : i32
      %dma_start3A_397 = arith.constant 0 : i32
      %dma_start3A_398 = tpu.memref_slice %arg2[%dma_start3A_396, %dma_start3A_397] : memref<10000x128xf32, #tpu.memory_space<hbm>> -> memref<10000x128xf32, #tpu.memory_space<hbm>>
      tpu.enqueue_indirect_dma source(%dma_start3A_398 : memref<10000x128xf32, #tpu.memory_space<hbm>>) target(%arg10 : memref<128x128xf32, #tpu.memory_space<vmem>>) offsets(%dma_start3A_395 : memref<128xi32, #tpu.memory_space<vmem>>) semaphore(%arg13 : memref<!tpu.dma_semaphore, #tpu.memory_space<semaphore_mem>>)
      %dma_wait3A_399 = arith.constant 12 : i32
      %dma_wait3A_400 = arith.constant 0 : i32
      %dma_wait3A_401 = tpu.memref_slice %arg7[%rem3A_36, %dma_wait3A_399, %dma_wait3A_400] : memref<2x16x128xi32, #tpu.memory_space<vmem>> -> memref<1x1x128xi32, #tpu.memory_space<vmem>>
      %dma_wait3A_402 = tpu.memref_squeeze %dma_wait3A_401 : memref<1x1x128xi32, #tpu.memory_space<vmem>> -> memref<128xi32, #tpu.memory_space<vmem>>
      %dma_wait3A_403 = arith.constant 0 : i32
      %dma_wait3A_404 = arith.constant 0 : i32
      %dma_wait3A_405 = tpu.memref_slice %arg2[%dma_wait3A_403, %dma_wait3A_404] : memref<10000x128xf32, #tpu.memory_space<hbm>> -> memref<10000x128xf32, #tpu.memory_space<hbm>>
      tpu.wait_indirect_dma semaphore(%arg12 : memref<!tpu.dma_semaphore, #tpu.memory_space<semaphore_mem>>) src(%dma_wait3A_405 : memref<10000x128xf32, #tpu.memory_space<hbm>>) dst(%arg9 : memref<128x128xf32, #tpu.memory_space<vmem>>)
      %dma_start3A_406 = arith.constant 12 : i32
      %dma_start3A_407 = arith.constant 0 : i32
      %dma_start3A_408 = tpu.memref_slice %arg8[%rem3A_36, %dma_start3A_406, %dma_start3A_407] : memref<2x16x128xi32, #tpu.memory_space<vmem>> -> memref<1x1x128xi32, #tpu.memory_space<vmem>>
      %dma_start3A_409 = tpu.memref_squeeze %dma_start3A_408 : memref<1x1x128xi32, #tpu.memory_space<vmem>> -> memref<128xi32, #tpu.memory_space<vmem>>
      %dma_start3A_410 = arith.constant 0 : i32
      %dma_start3A_411 = arith.constant 0 : i32
      %dma_start3A_412 = tpu.memref_slice %arg6[%dma_start3A_410, %dma_start3A_411] : memref<10512x128xf32, #tpu.memory_space<vmem_shared>> -> memref<10512x128xf32, #tpu.memory_space<vmem_shared>>
      tpu.enqueue_indirect_dma source(%arg9 : memref<128x128xf32, #tpu.memory_space<vmem>>) target(%dma_start3A_412 : memref<10512x128xf32, #tpu.memory_space<vmem_shared>>) offsets(%dma_start3A_409 : memref<128xi32, #tpu.memory_space<vmem>>) semaphore(%arg14 : memref<!tpu.dma_semaphore, #tpu.memory_space<semaphore_mem>>) {add = true}
      %dma_wait3A_413 = arith.constant 12 : i32
      %dma_wait3A_414 = arith.constant 0 : i32
      %dma_wait3A_415 = tpu.memref_slice %arg8[%rem3A_36, %dma_wait3A_413, %dma_wait3A_414] : memref<2x16x128xi32, #tpu.memory_space<vmem>> -> memref<1x1x128xi32, #tpu.memory_space<vmem>>
      %dma_wait3A_416 = tpu.memref_squeeze %dma_wait3A_415 : memref<1x1x128xi32, #tpu.memory_space<vmem>> -> memref<128xi32, #tpu.memory_space<vmem>>
      %dma_wait3A_417 = arith.constant 0 : i32
      %dma_wait3A_418 = arith.constant 0 : i32
      %dma_wait3A_419 = tpu.memref_slice %arg6[%dma_wait3A_417, %dma_wait3A_418] : memref<10512x128xf32, #tpu.memory_space<vmem_shared>> -> memref<10512x128xf32, #tpu.memory_space<vmem_shared>>
      tpu.wait_indirect_dma semaphore(%arg14 : memref<!tpu.dma_semaphore, #tpu.memory_space<semaphore_mem>>) src(%arg9 : memref<128x128xf32, #tpu.memory_space<vmem>>) dst(%dma_wait3A_419 : memref<10512x128xf32, #tpu.memory_space<vmem_shared>>)
      %dma_start3A_420 = arith.constant 14 : i32
      %dma_start3A_421 = arith.constant 0 : i32
      %dma_start3A_422 = tpu.memref_slice %arg7[%rem3A_36, %dma_start3A_420, %dma_start3A_421] : memref<2x16x128xi32, #tpu.memory_space<vmem>> -> memref<1x1x128xi32, #tpu.memory_space<vmem>>
      %dma_start3A_423 = tpu.memref_squeeze %dma_start3A_422 : memref<1x1x128xi32, #tpu.memory_space<vmem>> -> memref<128xi32, #tpu.memory_space<vmem>>
      %dma_start3A_424 = arith.constant 0 : i32
      %dma_start3A_425 = arith.constant 0 : i32
      %dma_start3A_426 = tpu.memref_slice %arg2[%dma_start3A_424, %dma_start3A_425] : memref<10000x128xf32, #tpu.memory_space<hbm>> -> memref<10000x128xf32, #tpu.memory_space<hbm>>
      tpu.enqueue_indirect_dma source(%dma_start3A_426 : memref<10000x128xf32, #tpu.memory_space<hbm>>) target(%arg9 : memref<128x128xf32, #tpu.memory_space<vmem>>) offsets(%dma_start3A_423 : memref<128xi32, #tpu.memory_space<vmem>>) semaphore(%arg12 : memref<!tpu.dma_semaphore, #tpu.memory_space<semaphore_mem>>)
      %dma_wait3A_427 = arith.constant 13 : i32
      %dma_wait3A_428 = arith.constant 0 : i32
      %dma_wait3A_429 = tpu.memref_slice %arg7[%rem3A_36, %dma_wait3A_427, %dma_wait3A_428] : memref<2x16x128xi32, #tpu.memory_space<vmem>> -> memref<1x1x128xi32, #tpu.memory_space<vmem>>
      %dma_wait3A_430 = tpu.memref_squeeze %dma_wait3A_429 : memref<1x1x128xi32, #tpu.memory_space<vmem>> -> memref<128xi32, #tpu.memory_space<vmem>>
      %dma_wait3A_431 = arith.constant 0 : i32
      %dma_wait3A_432 = arith.constant 0 : i32
      %dma_wait3A_433 = tpu.memref_slice %arg2[%dma_wait3A_431, %dma_wait3A_432] : memref<10000x128xf32, #tpu.memory_space<hbm>> -> memref<10000x128xf32, #tpu.memory_space<hbm>>
      tpu.wait_indirect_dma semaphore(%arg13 : memref<!tpu.dma_semaphore, #tpu.memory_space<semaphore_mem>>) src(%dma_wait3A_433 : memref<10000x128xf32, #tpu.memory_space<hbm>>) dst(%arg10 : memref<128x128xf32, #tpu.memory_space<vmem>>)
      %dma_start3A_434 = arith.constant 13 : i32
      %dma_start3A_435 = arith.constant 0 : i32
      %dma_start3A_436 = tpu.memref_slice %arg8[%rem3A_36, %dma_start3A_434, %dma_start3A_435] : memref<2x16x128xi32, #tpu.memory_space<vmem>> -> memref<1x1x128xi32, #tpu.memory_space<vmem>>
      %dma_start3A_437 = tpu.memref_squeeze %dma_start3A_436 : memref<1x1x128xi32, #tpu.memory_space<vmem>> -> memref<128xi32, #tpu.memory_space<vmem>>
      %dma_start3A_438 = arith.constant 0 : i32
      %dma_start3A_439 = arith.constant 0 : i32
      %dma_start3A_440 = tpu.memref_slice %arg6[%dma_start3A_438, %dma_start3A_439] : memref<10512x128xf32, #tpu.memory_space<vmem_shared>> -> memref<10512x128xf32, #tpu.memory_space<vmem_shared>>
      tpu.enqueue_indirect_dma source(%arg10 : memref<128x128xf32, #tpu.memory_space<vmem>>) target(%dma_start3A_440 : memref<10512x128xf32, #tpu.memory_space<vmem_shared>>) offsets(%dma_start3A_437 : memref<128xi32, #tpu.memory_space<vmem>>) semaphore(%arg15 : memref<!tpu.dma_semaphore, #tpu.memory_space<semaphore_mem>>) {add = true}
      %dma_wait3A_441 = arith.constant 13 : i32
      %dma_wait3A_442 = arith.constant 0 : i32
      %dma_wait3A_443 = tpu.memref_slice %arg8[%rem3A_36, %dma_wait3A_441, %dma_wait3A_442] : memref<2x16x128xi32, #tpu.memory_space<vmem>> -> memref<1x1x128xi32, #tpu.memory_space<vmem>>
      %dma_wait3A_444 = tpu.memref_squeeze %dma_wait3A_443 : memref<1x1x128xi32, #tpu.memory_space<vmem>> -> memref<128xi32, #tpu.memory_space<vmem>>
      %dma_wait3A_445 = arith.constant 0 : i32
      %dma_wait3A_446 = arith.constant 0 : i32
      %dma_wait3A_447 = tpu.memref_slice %arg6[%dma_wait3A_445, %dma_wait3A_446] : memref<10512x128xf32, #tpu.memory_space<vmem_shared>> -> memref<10512x128xf32, #tpu.memory_space<vmem_shared>>
      tpu.wait_indirect_dma semaphore(%arg15 : memref<!tpu.dma_semaphore, #tpu.memory_space<semaphore_mem>>) src(%arg10 : memref<128x128xf32, #tpu.memory_space<vmem>>) dst(%dma_wait3A_447 : memref<10512x128xf32, #tpu.memory_space<vmem_shared>>)
      %dma_start3A_448 = arith.constant 15 : i32
      %dma_start3A_449 = arith.constant 0 : i32
      %dma_start3A_450 = tpu.memref_slice %arg7[%rem3A_36, %dma_start3A_448, %dma_start3A_449] : memref<2x16x128xi32, #tpu.memory_space<vmem>> -> memref<1x1x128xi32, #tpu.memory_space<vmem>>
      %dma_start3A_451 = tpu.memref_squeeze %dma_start3A_450 : memref<1x1x128xi32, #tpu.memory_space<vmem>> -> memref<128xi32, #tpu.memory_space<vmem>>
      %dma_start3A_452 = arith.constant 0 : i32
      %dma_start3A_453 = arith.constant 0 : i32
      %dma_start3A_454 = tpu.memref_slice %arg2[%dma_start3A_452, %dma_start3A_453] : memref<10000x128xf32, #tpu.memory_space<hbm>> -> memref<10000x128xf32, #tpu.memory_space<hbm>>
      tpu.enqueue_indirect_dma source(%dma_start3A_454 : memref<10000x128xf32, #tpu.memory_space<hbm>>) target(%arg10 : memref<128x128xf32, #tpu.memory_space<vmem>>) offsets(%dma_start3A_451 : memref<128xi32, #tpu.memory_space<vmem>>) semaphore(%arg13 : memref<!tpu.dma_semaphore, #tpu.memory_space<semaphore_mem>>)
      %dma_wait3A_455 = arith.constant 14 : i32
      %dma_wait3A_456 = arith.constant 0 : i32
      %dma_wait3A_457 = tpu.memref_slice %arg7[%rem3A_36, %dma_wait3A_455, %dma_wait3A_456] : memref<2x16x128xi32, #tpu.memory_space<vmem>> -> memref<1x1x128xi32, #tpu.memory_space<vmem>>
      %dma_wait3A_458 = tpu.memref_squeeze %dma_wait3A_457 : memref<1x1x128xi32, #tpu.memory_space<vmem>> -> memref<128xi32, #tpu.memory_space<vmem>>
      %dma_wait3A_459 = arith.constant 0 : i32
      %dma_wait3A_460 = arith.constant 0 : i32
      %dma_wait3A_461 = tpu.memref_slice %arg2[%dma_wait3A_459, %dma_wait3A_460] : memref<10000x128xf32, #tpu.memory_space<hbm>> -> memref<10000x128xf32, #tpu.memory_space<hbm>>
      tpu.wait_indirect_dma semaphore(%arg12 : memref<!tpu.dma_semaphore, #tpu.memory_space<semaphore_mem>>) src(%dma_wait3A_461 : memref<10000x128xf32, #tpu.memory_space<hbm>>) dst(%arg9 : memref<128x128xf32, #tpu.memory_space<vmem>>)
      %dma_start3A_462 = arith.constant 14 : i32
      %dma_start3A_463 = arith.constant 0 : i32
      %dma_start3A_464 = tpu.memref_slice %arg8[%rem3A_36, %dma_start3A_462, %dma_start3A_463] : memref<2x16x128xi32, #tpu.memory_space<vmem>> -> memref<1x1x128xi32, #tpu.memory_space<vmem>>
      %dma_start3A_465 = tpu.memref_squeeze %dma_start3A_464 : memref<1x1x128xi32, #tpu.memory_space<vmem>> -> memref<128xi32, #tpu.memory_space<vmem>>
      %dma_start3A_466 = arith.constant 0 : i32
      %dma_start3A_467 = arith.constant 0 : i32
      %dma_start3A_468 = tpu.memref_slice %arg6[%dma_start3A_466, %dma_start3A_467] : memref<10512x128xf32, #tpu.memory_space<vmem_shared>> -> memref<10512x128xf32, #tpu.memory_space<vmem_shared>>
      tpu.enqueue_indirect_dma source(%arg9 : memref<128x128xf32, #tpu.memory_space<vmem>>) target(%dma_start3A_468 : memref<10512x128xf32, #tpu.memory_space<vmem_shared>>) offsets(%dma_start3A_465 : memref<128xi32, #tpu.memory_space<vmem>>) semaphore(%arg14 : memref<!tpu.dma_semaphore, #tpu.memory_space<semaphore_mem>>) {add = true}
      %dma_wait3A_469 = arith.constant 14 : i32
      %dma_wait3A_470 = arith.constant 0 : i32
      %dma_wait3A_471 = tpu.memref_slice %arg8[%rem3A_36, %dma_wait3A_469, %dma_wait3A_470] : memref<2x16x128xi32, #tpu.memory_space<vmem>> -> memref<1x1x128xi32, #tpu.memory_space<vmem>>
      %dma_wait3A_472 = tpu.memref_squeeze %dma_wait3A_471 : memref<1x1x128xi32, #tpu.memory_space<vmem>> -> memref<128xi32, #tpu.memory_space<vmem>>
      %dma_wait3A_473 = arith.constant 0 : i32
      %dma_wait3A_474 = arith.constant 0 : i32
      %dma_wait3A_475 = tpu.memref_slice %arg6[%dma_wait3A_473, %dma_wait3A_474] : memref<10512x128xf32, #tpu.memory_space<vmem_shared>> -> memref<10512x128xf32, #tpu.memory_space<vmem_shared>>
      tpu.wait_indirect_dma semaphore(%arg14 : memref<!tpu.dma_semaphore, #tpu.memory_space<semaphore_mem>>) src(%arg9 : memref<128x128xf32, #tpu.memory_space<vmem>>) dst(%dma_wait3A_475 : memref<10512x128xf32, #tpu.memory_space<vmem_shared>>)
      %dma_wait3A_476 = arith.constant 15 : i32
      %dma_wait3A_477 = arith.constant 0 : i32
      %dma_wait3A_478 = tpu.memref_slice %arg7[%rem3A_36, %dma_wait3A_476, %dma_wait3A_477] : memref<2x16x128xi32, #tpu.memory_space<vmem>> -> memref<1x1x128xi32, #tpu.memory_space<vmem>>
      %dma_wait3A_479 = tpu.memref_squeeze %dma_wait3A_478 : memref<1x1x128xi32, #tpu.memory_space<vmem>> -> memref<128xi32, #tpu.memory_space<vmem>>
      %dma_wait3A_480 = arith.constant 0 : i32
      %dma_wait3A_481 = arith.constant 0 : i32
      %dma_wait3A_482 = tpu.memref_slice %arg2[%dma_wait3A_480, %dma_wait3A_481] : memref<10000x128xf32, #tpu.memory_space<hbm>> -> memref<10000x128xf32, #tpu.memory_space<hbm>>
      tpu.wait_indirect_dma semaphore(%arg13 : memref<!tpu.dma_semaphore, #tpu.memory_space<semaphore_mem>>) src(%dma_wait3A_482 : memref<10000x128xf32, #tpu.memory_space<hbm>>) dst(%arg10 : memref<128x128xf32, #tpu.memory_space<vmem>>)
      %dma_start3A_483 = arith.constant 15 : i32
      %dma_start3A_484 = arith.constant 0 : i32
      %dma_start3A_485 = tpu.memref_slice %arg8[%rem3A_36, %dma_start3A_483, %dma_start3A_484] : memref<2x16x128xi32, #tpu.memory_space<vmem>> -> memref<1x1x128xi32, #tpu.memory_space<vmem>>
      %dma_start3A_486 = tpu.memref_squeeze %dma_start3A_485 : memref<1x1x128xi32, #tpu.memory_space<vmem>> -> memref<128xi32, #tpu.memory_space<vmem>>
      %dma_start3A_487 = arith.constant 0 : i32
      %dma_start3A_488 = arith.constant 0 : i32
      %dma_start3A_489 = tpu.memref_slice %arg6[%dma_start3A_487, %dma_start3A_488] : memref<10512x128xf32, #tpu.memory_space<vmem_shared>> -> memref<10512x128xf32, #tpu.memory_space<vmem_shared>>
      tpu.enqueue_indirect_dma source(%arg10 : memref<128x128xf32, #tpu.memory_space<vmem>>) target(%dma_start3A_489 : memref<10512x128xf32, #tpu.memory_space<vmem_shared>>) offsets(%dma_start3A_486 : memref<128xi32, #tpu.memory_space<vmem>>) semaphore(%arg15 : memref<!tpu.dma_semaphore, #tpu.memory_space<semaphore_mem>>) {add = true}
      %dma_wait3A_490 = arith.constant 15 : i32
      %dma_wait3A_491 = arith.constant 0 : i32
      %dma_wait3A_492 = tpu.memref_slice %arg8[%rem3A_36, %dma_wait3A_490, %dma_wait3A_491] : memref<2x16x128xi32, #tpu.memory_space<vmem>> -> memref<1x1x128xi32, #tpu.memory_space<vmem>>
      %dma_wait3A_493 = tpu.memref_squeeze %dma_wait3A_492 : memref<1x1x128xi32, #tpu.memory_space<vmem>> -> memref<128xi32, #tpu.memory_space<vmem>>
      %dma_wait3A_494 = arith.constant 0 : i32
      %dma_wait3A_495 = arith.constant 0 : i32
      %dma_wait3A_496 = tpu.memref_slice %arg6[%dma_wait3A_494, %dma_wait3A_495] : memref<10512x128xf32, #tpu.memory_space<vmem_shared>> -> memref<10512x128xf32, #tpu.memory_space<vmem_shared>>
      tpu.wait_indirect_dma semaphore(%arg15 : memref<!tpu.dma_semaphore, #tpu.memory_space<semaphore_mem>>) src(%arg10 : memref<128x128xf32, #tpu.memory_space<vmem>>) dst(%dma_wait3A_496 : memref<10512x128xf32, #tpu.memory_space<vmem_shared>>)
    }
    %scan3A_22 = arith.constant 5 : i32
    %barrier3A_23 = arith.constant 0 : index
    tpu.barrier barrier_id(%barrier3A_23)
    %mul3A_24 = arith.constant 656 : i32
    %mul3A_25 = arith.muli %arg1, %mul3A_24 : i32
    "tpu.region"() ({
      %run_scoped3A_31 = tpu.sem_alloc : memref<!tpu.dma_semaphore, #tpu.memory_space<semaphore_mem>>
      %dma_start3A = arith.constant 0 : i32
      %dma_start3A_32 = tpu.memref_slice %arg5[%arg0, %mul3A_25, %dma_start3A] : memref<2x10512x128xf32, #tpu.memory_space<hbm>> -> memref<1x656x128xf32, #tpu.memory_space<hbm>>
      %dma_start3A_33 = tpu.memref_squeeze %dma_start3A_32 : memref<1x656x128xf32, #tpu.memory_space<hbm>> -> memref<656x128xf32, #tpu.memory_space<hbm>>
      %dma_start3A_34 = arith.constant 0 : i32
      %dma_start3A_35 = tpu.memref_slice %arg6[%mul3A_25, %dma_start3A_34] : memref<10512x128xf32, #tpu.memory_space<vmem_shared>> -> memref<656x128xf32, #tpu.memory_space<vmem_shared>>
      tpu.enqueue_dma source(%dma_start3A_35 : memref<656x128xf32, #tpu.memory_space<vmem_shared>>) target(%dma_start3A_33 : memref<656x128xf32, #tpu.memory_space<hbm>>) target_semaphore(%run_scoped3A_31 : memref<!tpu.dma_semaphore, #tpu.memory_space<semaphore_mem>>)
      %dma_wait3A = arith.constant 0 : i32
      %dma_wait3A_36 = tpu.memref_slice %arg5[%arg0, %mul3A_25, %dma_wait3A] : memref<2x10512x128xf32, #tpu.memory_space<hbm>> -> memref<1x656x128xf32, #tpu.memory_space<hbm>>
      %dma_wait3A_37 = tpu.memref_squeeze %dma_wait3A_36 : memref<1x656x128xf32, #tpu.memory_space<hbm>> -> memref<656x128xf32, #tpu.memory_space<hbm>>
      %dma_wait3A_38 = arith.constant 0 : i32
      %dma_wait3A_39 = tpu.memref_slice %arg6[%mul3A_25, %dma_wait3A_38] : memref<10512x128xf32, #tpu.memory_space<vmem_shared>> -> memref<656x128xf32, #tpu.memory_space<vmem_shared>>
      tpu.wait_dma2 semaphore(%run_scoped3A_31 : memref<!tpu.dma_semaphore, #tpu.memory_space<semaphore_mem>>) src(%dma_wait3A_39 : memref<656x128xf32, #tpu.memory_space<vmem_shared>>) dst(%dma_wait3A_37 : memref<656x128xf32, #tpu.memory_space<hbm>>)
      tpu.yield
    }) : () -> ()
    %eq3A_26 = arith.constant 15 : i32
    %eq3A_27 = arith.cmpi eq, %arg1, %eq3A_26 : i32
    %convert_element_type3A_28 = arith.extui %eq3A_27 : i1 to i32
    %cond3A_29 = arith.constant 0 : i32
    %cond3A_30 = arith.cmpi ne, %convert_element_type3A_28, %cond3A_29 : i32
    scf.if %cond3A_30 {
      "tpu.region"() ({
        %run_scoped3A_31 = tpu.sem_alloc : memref<!tpu.dma_semaphore, #tpu.memory_space<semaphore_mem>>
        %dma_start3A = arith.constant 10496 : i32
        %dma_start3A_32 = arith.constant 0 : i32
        %dma_start3A_33 = tpu.memref_slice %arg5[%arg0, %dma_start3A, %dma_start3A_32] : memref<2x10512x128xf32, #tpu.memory_space<hbm>> -> memref<1x16x128xf32, #tpu.memory_space<hbm>>
        %dma_start3A_34 = tpu.memref_squeeze %dma_start3A_33 : memref<1x16x128xf32, #tpu.memory_space<hbm>> -> memref<16x128xf32, #tpu.memory_space<hbm>>
        %dma_start3A_35 = arith.constant 10496 : i32
        %dma_start3A_36 = arith.constant 0 : i32
        %dma_start3A_37 = tpu.memref_slice %arg6[%dma_start3A_35, %dma_start3A_36] : memref<10512x128xf32, #tpu.memory_space<vmem_shared>> -> memref<16x128xf32, #tpu.memory_space<vmem_shared>>
        tpu.enqueue_dma source(%dma_start3A_37 : memref<16x128xf32, #tpu.memory_space<vmem_shared>>) target(%dma_start3A_34 : memref<16x128xf32, #tpu.memory_space<hbm>>) target_semaphore(%run_scoped3A_31 : memref<!tpu.dma_semaphore, #tpu.memory_space<semaphore_mem>>)
        %dma_wait3A = arith.constant 10496 : i32
        %dma_wait3A_38 = arith.constant 0 : i32
        %dma_wait3A_39 = tpu.memref_slice %arg5[%arg0, %dma_wait3A, %dma_wait3A_38] : memref<2x10512x128xf32, #tpu.memory_space<hbm>> -> memref<1x16x128xf32, #tpu.memory_space<hbm>>
        %dma_wait3A_40 = tpu.memref_squeeze %dma_wait3A_39 : memref<1x16x128xf32, #tpu.memory_space<hbm>> -> memref<16x128xf32, #tpu.memory_space<hbm>>
        %dma_wait3A_41 = arith.constant 10496 : i32
        %dma_wait3A_42 = arith.constant 0 : i32
        %dma_wait3A_43 = tpu.memref_slice %arg6[%dma_wait3A_41, %dma_wait3A_42] : memref<10512x128xf32, #tpu.memory_space<vmem_shared>> -> memref<16x128xf32, #tpu.memory_space<vmem_shared>>
        tpu.wait_dma2 semaphore(%run_scoped3A_31 : memref<!tpu.dma_semaphore, #tpu.memory_space<semaphore_mem>>) src(%dma_wait3A_43 : memref<16x128xf32, #tpu.memory_space<vmem_shared>>) dst(%dma_wait3A_40 : memref<16x128xf32, #tpu.memory_space<hbm>>)
        tpu.yield
      }) : () -> ()
    } else {
    }
    return
  }
}

#map = affine_map<(d0, d1) -> (0, 0)>
#map1 = affine_map<(d0, d1) -> (0, 0, 0)>
module attributes {stable_mosaic.version = 14 : i64} {
  func.func @_sc_agg_body(%arg0: i32, %arg1: i32, %arg2: memref<10000x128xf32, #tpu.memory_space<hbm>>, %arg3: memref<2560x128xi32, #tpu.memory_space<hbm>>, %arg4: memref<2560x128xi32, #tpu.memory_space<hbm>>, %arg5: memref<2x10512x128xf32, #tpu.memory_space<hbm>>, %arg6: memref<10512x128xf32, #tpu.memory_space<vmem_shared>>, %arg7: memref<2x16x128xi32, #tpu.memory_space<vmem>>, %arg8: memref<2x16x128xi32, #tpu.memory_space<vmem>>, %arg9: memref<128x128xf32, #tpu.memory_space<vmem>>, %arg10: memref<128x128xf32, #tpu.memory_space<vmem>>, %arg11: memref<16x128xf32, #tpu.memory_space<vmem>>, %arg12: memref<!tpu.dma_semaphore, #tpu.memory_space<semaphore_mem>>, %arg13: memref<!tpu.dma_semaphore, #tpu.memory_space<semaphore_mem>>, %arg14: memref<!tpu.dma_semaphore, #tpu.memory_space<semaphore_mem>>, %arg15: memref<!tpu.dma_semaphore, #tpu.memory_space<semaphore_mem>>, %arg16: memref<!tpu.dma_semaphore, #tpu.memory_space<semaphore_mem>>) attributes {dimension_semantics = [#tpu.dimension_semantics<core_parallel>, #tpu.dimension_semantics<subcore_parallel>], iteration_bounds = array<i64: 2, 16>, scalar_prefetch = 0 : i64, scratch_operands = 11 : i64, tpu.core_type = #tpu.core_type<sc_vector_subcore>, window_params = [{transform_indices = #map}, {transform_indices = #map}, {transform_indices = #map}, {transform_indices = #map1}]} {
    %mul3A = arith.constant 16 : i32
    %mul3A_0 = arith.muli %arg0, %mul3A : i32
    %add3A = arith.addi %mul3A_0, %arg1 : i32
    %broadcast_in_dim3A = arith.constant 0.000000e+00 : f32
    %broadcast_in_dim3A_1 = vector.broadcast %broadcast_in_dim3A : f32 to vector<16xf32>
    %scan3A = arith.constant 0 : i32
    %scan3A_2 = arith.constant 16 : i32
    %scan3A_3 = arith.addi %scan3A, %scan3A_2 : i32
    %scan3A_4 = arith.constant 1 : i32
    scf.for %scan3A_31 = %scan3A to %scan3A_3 step %scan3A_4  : i32 {
      %mul3A_32 = arith.constant 1 : i32
      %mul3A_33 = arith.muli %scan3A_31, %mul3A_32 : i32
      %add3A_34 = arith.constant 0 : i32
      %add3A_35 = arith.addi %add3A_34, %mul3A_33 : i32
      %scan3A_36 = arith.constant 0 : i32
      %scan3A_37 = arith.constant 8 : i32
      %scan3A_38 = arith.addi %scan3A_36, %scan3A_37 : i32
      %scan3A_39 = arith.constant 1 : i32
      scf.for %scan3A_41 = %scan3A_36 to %scan3A_38 step %scan3A_39  : i32 {
        %mul3A_42 = arith.constant 1 : i32
        %mul3A_43 = arith.muli %scan3A_41, %mul3A_42 : i32
        %add3A_44 = arith.constant 0 : i32
        %add3A_45 = arith.addi %add3A_44, %mul3A_43 : i32
        %mul3A_46 = arith.constant 16 : i32
        %mul3A_47 = arith.muli %add3A_45, %mul3A_46 : i32
        %swap3A = arith.index_cast %add3A_35 : i32 to index
        %swap3A_48 = arith.index_cast %mul3A_47 : i32 to index
        %swap3A_49 = tpu.vector_load %arg11[%swap3A, %swap3A_48] {strides = array<i32>} : memref<16x128xf32, #tpu.memory_space<vmem>>, vector<1x16xf32>,
        %swap3A_50 = vector.shape_cast %swap3A_49 : vector<1x16xf32> to vector<16xf32>
        %swap3A_51 = vector.shape_cast %broadcast_in_dim3A_1 : vector<16xf32> to vector<1x16xf32>
        tpu.vector_store %arg11[%swap3A, %swap3A_48], %swap3A_51 {strides = array<i32>} : memref<16x128xf32, #tpu.memory_space<vmem>>, vector<1x16xf32>,
      }
      %scan3A_40 = arith.constant 8 : i32
    }
    %scan3A_5 = arith.constant 16 : i32
    %mul3A_6 = arith.constant 656 : i32
    %mul3A_7 = arith.muli %arg1, %mul3A_6 : i32
    %scan3A_8 = arith.constant 0 : i32
    %scan3A_9 = arith.constant 41 : i32
    %scan3A_10 = arith.addi %scan3A_8, %scan3A_9 : i32
    %scan3A_11 = arith.constant 1 : i32
    scf.for %scan3A_31 = %scan3A_8 to %scan3A_10 step %scan3A_11  : i32 {
      %mul3A_32 = arith.constant 1 : i32
      %mul3A_33 = arith.muli %scan3A_31, %mul3A_32 : i32
      %add3A_34 = arith.constant 0 : i32
      %add3A_35 = arith.addi %add3A_34, %mul3A_33 : i32
      %mul3A_36 = arith.constant 16 : i32
      %mul3A_37 = arith.muli %add3A_35, %mul3A_36 : i32
      %add3A_38 = arith.addi %mul3A_7, %mul3A_37 : i32
      "tpu.region"() ({
        %run_scoped3A_39 = tpu.sem_alloc : memref<!tpu.dma_semaphore, #tpu.memory_space<semaphore_mem>>
        %dma_start3A = arith.constant 0 : i32
        %dma_start3A_40 = tpu.memref_slice %arg6[%add3A_38, %dma_start3A] : memref<10512x128xf32, #tpu.memory_space<vmem_shared>> -> memref<16x128xf32, #tpu.memory_space<vmem_shared>>
        %dma_start3A_41 = arith.constant 0 : i32
        %dma_start3A_42 = tpu.memref_slice %arg6[%add3A_38, %dma_start3A_41] : memref<10512x128xf32, #tpu.memory_space<vmem_shared>> -> memref<16x128xf32, #tpu.memory_space<vmem_shared>>
        tpu.enqueue_dma source(%arg11 : memref<16x128xf32, #tpu.memory_space<vmem>>) target(%dma_start3A_42 : memref<16x128xf32, #tpu.memory_space<vmem_shared>>) target_semaphore(%run_scoped3A_39 : memref<!tpu.dma_semaphore, #tpu.memory_space<semaphore_mem>>)
        %dma_wait3A = arith.constant 0 : i32
        %dma_wait3A_43 = tpu.memref_slice %arg6[%add3A_38, %dma_wait3A] : memref<10512x128xf32, #tpu.memory_space<vmem_shared>> -> memref<16x128xf32, #tpu.memory_space<vmem_shared>>
        %dma_wait3A_44 = arith.constant 0 : i32
        %dma_wait3A_45 = tpu.memref_slice %arg6[%add3A_38, %dma_wait3A_44] : memref<10512x128xf32, #tpu.memory_space<vmem_shared>> -> memref<16x128xf32, #tpu.memory_space<vmem_shared>>
        tpu.wait_dma2 semaphore(%run_scoped3A_39 : memref<!tpu.dma_semaphore, #tpu.memory_space<semaphore_mem>>) src(%arg11 : memref<16x128xf32, #tpu.memory_space<vmem>>) dst(%dma_wait3A_45 : memref<16x128xf32, #tpu.memory_space<vmem_shared>>)
        tpu.yield
      }) : () -> ()
    }
    %scan3A_12 = arith.constant 41 : i32
    %eq3A = arith.constant 15 : i32
    %eq3A_13 = arith.cmpi eq, %arg1, %eq3A : i32
    %convert_element_type3A = arith.extui %eq3A_13 : i1 to i32
    %cond3A = arith.constant 0 : i32
    %cond3A_14 = arith.cmpi ne, %convert_element_type3A, %cond3A : i32
    scf.if %cond3A_14 {
      %scan3A_31 = arith.constant 0 : i32
      %scan3A_32 = arith.constant 2 : i32
      %scan3A_33 = arith.addi %scan3A_31, %scan3A_32 : i32
      %scan3A_34 = arith.constant 1 : i32
      scf.for %scan3A_36 = %scan3A_31 to %scan3A_33 step %scan3A_34  : i32 {
        %mul3A_37 = arith.constant 1 : i32
        %mul3A_38 = arith.muli %scan3A_36, %mul3A_37 : i32
        %add3A_39 = arith.constant 0 : i32
        %add3A_40 = arith.addi %add3A_39, %mul3A_38 : i32
        %mul3A_41 = arith.constant 8 : i32
        %mul3A_42 = arith.muli %add3A_40, %mul3A_41 : i32
        %add3A_43 = arith.constant 10496 : i32
        %add3A_44 = arith.addi %add3A_43, %mul3A_42 : i32
        "tpu.region"() ({
          %run_scoped3A_45 = tpu.sem_alloc : memref<!tpu.dma_semaphore, #tpu.memory_space<semaphore_mem>>
          %dma_start3A = arith.constant 0 : i32
          %dma_start3A_46 = arith.constant 0 : i32
          %dma_start3A_47 = tpu.memref_slice %arg11[%dma_start3A, %dma_start3A_46] : memref<16x128xf32, #tpu.memory_space<vmem>> -> memref<8x128xf32, #tpu.memory_space<vmem>>
          %dma_start3A_48 = arith.constant 0 : i32
          %dma_start3A_49 = tpu.memref_slice %arg6[%add3A_44, %dma_start3A_48] : memref<10512x128xf32, #tpu.memory_space<vmem_shared>> -> memref<8x128xf32, #tpu.memory_space<vmem_shared>>
          %dma_start3A_50 = arith.constant 0 : i32
          %dma_start3A_51 = tpu.memref_slice %arg6[%add3A_44, %dma_start3A_50] : memref<10512x128xf32, #tpu.memory_space<vmem_shared>> -> memref<8x128xf32, #tpu.memory_space<vmem_shared>>
          %dma_start3A_52 = arith.constant 0 : i32
          %dma_start3A_53 = arith.constant 0 : i32
          %dma_start3A_54 = tpu.memref_slice %arg11[%dma_start3A_52, %dma_start3A_53] : memref<16x128xf32, #tpu.memory_space<vmem>> -> memref<8x128xf32, #tpu.memory_space<vmem>>
          tpu.enqueue_dma source(%dma_start3A_54 : memref<8x128xf32, #tpu.memory_space<vmem>>) target(%dma_start3A_51 : memref<8x128xf32, #tpu.memory_space<vmem_shared>>) target_semaphore(%run_scoped3A_45 : memref<!tpu.dma_semaphore, #tpu.memory_space<semaphore_mem>>)
          %dma_wait3A = arith.constant 0 : i32
          %dma_wait3A_55 = arith.constant 0 : i32
          %dma_wait3A_56 = tpu.memref_slice %arg11[%dma_wait3A, %dma_wait3A_55] : memref<16x128xf32, #tpu.memory_space<vmem>> -> memref<8x128xf32, #tpu.memory_space<vmem>>
          %dma_wait3A_57 = arith.constant 0 : i32
          %dma_wait3A_58 = tpu.memref_slice %arg6[%add3A_44, %dma_wait3A_57] : memref<10512x128xf32, #tpu.memory_space<vmem_shared>> -> memref<8x128xf32, #tpu.memory_space<vmem_shared>>
          %dma_wait3A_59 = arith.constant 0 : i32
          %dma_wait3A_60 = tpu.memref_slice %arg6[%add3A_44, %dma_wait3A_59] : memref<10512x128xf32, #tpu.memory_space<vmem_shared>> -> memref<8x128xf32, #tpu.memory_space<vmem_shared>>
          %dma_wait3A_61 = arith.constant 0 : i32
          %dma_wait3A_62 = arith.constant 0 : i32
          %dma_wait3A_63 = tpu.memref_slice %arg11[%dma_wait3A_61, %dma_wait3A_62] : memref<16x128xf32, #tpu.memory_space<vmem>> -> memref<8x128xf32, #tpu.memory_space<vmem>>
          tpu.wait_dma2 semaphore(%run_scoped3A_45 : memref<!tpu.dma_semaphore, #tpu.memory_space<semaphore_mem>>) src(%dma_wait3A_63 : memref<8x128xf32, #tpu.memory_space<vmem>>) dst(%dma_wait3A_60 : memref<8x128xf32, #tpu.memory_space<vmem_shared>>)
          tpu.yield
        }) : () -> ()
      }
      %scan3A_35 = arith.constant 2 : i32
    } else {
    }
    %barrier3A = arith.constant 0 : index
    tpu.barrier barrier_id(%barrier3A)
    %mul3A_15 = arith.constant 80 : i32
    %mul3A_16 = arith.muli %add3A, %mul3A_15 : i32
    %run_scoped3A = arith.constant 0 : i32
    "tpu.region"() ({
      %run_scoped3A_31 = tpu.sem_alloc : memref<!tpu.dma_semaphore, #tpu.memory_space<semaphore_mem>>
      %dma_start3A = arith.constant 0 : i32
      %dma_start3A_32 = arith.constant 0 : i32
      %dma_start3A_33 = tpu.memref_slice %arg7[%run_scoped3A, %dma_start3A, %dma_start3A_32] : memref<2x16x128xi32, #tpu.memory_space<vmem>> -> memref<1x16x128xi32, #tpu.memory_space<vmem>>
      %dma_start3A_34 = tpu.memref_squeeze %dma_start3A_33 : memref<1x16x128xi32, #tpu.memory_space<vmem>> -> memref<16x128xi32, #tpu.memory_space<vmem>>
      %dma_start3A_35 = arith.constant 0 : i32
      %dma_start3A_36 = tpu.memref_slice %arg3[%mul3A_16, %dma_start3A_35] : memref<2560x128xi32, #tpu.memory_space<hbm>> -> memref<16x128xi32, #tpu.memory_space<hbm>>
      %dma_start3A_37 = arith.constant 0 : i32
      %dma_start3A_38 = arith.constant 0 : i32
      %dma_start3A_39 = tpu.memref_slice %arg7[%run_scoped3A, %dma_start3A_37, %dma_start3A_38] : memref<2x16x128xi32, #tpu.memory_space<vmem>> -> memref<1x16x128xi32, #tpu.memory_space<vmem>>
      %dma_start3A_40 = tpu.memref_squeeze %dma_start3A_39 : memref<1x16x128xi32, #tpu.memory_space<vmem>> -> memref<16x128xi32, #tpu.memory_space<vmem>>
      %dma_start3A_41 = arith.constant 0 : i32
      %dma_start3A_42 = tpu.memref_slice %arg3[%mul3A_16, %dma_start3A_41] : memref<2560x128xi32, #tpu.memory_space<hbm>> -> memref<16x128xi32, #tpu.memory_space<hbm>>
      tpu.enqueue_dma source(%dma_start3A_42 : memref<16x128xi32, #tpu.memory_space<hbm>>) target(%dma_start3A_40 : memref<16x128xi32, #tpu.memory_space<vmem>>) target_semaphore(%run_scoped3A_31 : memref<!tpu.dma_semaphore, #tpu.memory_space<semaphore_mem>>)
      %dma_wait3A = arith.constant 0 : i32
      %dma_wait3A_43 = arith.constant 0 : i32
      %dma_wait3A_44 = tpu.memref_slice %arg7[%run_scoped3A, %dma_wait3A, %dma_wait3A_43] : memref<2x16x128xi32, #tpu.memory_space<vmem>> -> memref<1x16x128xi32, #tpu.memory_space<vmem>>
      %dma_wait3A_45 = tpu.memref_squeeze %dma_wait3A_44 : memref<1x16x128xi32, #tpu.memory_space<vmem>> -> memref<16x128xi32, #tpu.memory_space<vmem>>
      %dma_wait3A_46 = arith.constant 0 : i32
      %dma_wait3A_47 = tpu.memref_slice %arg3[%mul3A_16, %dma_wait3A_46] : memref<2560x128xi32, #tpu.memory_space<hbm>> -> memref<16x128xi32, #tpu.memory_space<hbm>>
      %dma_wait3A_48 = arith.constant 0 : i32
      %dma_wait3A_49 = arith.constant 0 : i32
      %dma_wait3A_50 = tpu.memref_slice %arg7[%run_scoped3A, %dma_wait3A_48, %dma_wait3A_49] : memref<2x16x128xi32, #tpu.memory_space<vmem>> -> memref<1x16x128xi32, #tpu.memory_space<vmem>>
      %dma_wait3A_51 = tpu.memref_squeeze %dma_wait3A_50 : memref<1x16x128xi32, #tpu.memory_space<vmem>> -> memref<16x128xi32, #tpu.memory_space<vmem>>
      %dma_wait3A_52 = arith.constant 0 : i32
      %dma_wait3A_53 = tpu.memref_slice %arg3[%mul3A_16, %dma_wait3A_52] : memref<2560x128xi32, #tpu.memory_space<hbm>> -> memref<16x128xi32, #tpu.memory_space<hbm>>
      tpu.wait_dma2 semaphore(%run_scoped3A_31 : memref<!tpu.dma_semaphore, #tpu.memory_space<semaphore_mem>>) src(%dma_wait3A_53 : memref<16x128xi32, #tpu.memory_space<hbm>>) dst(%dma_wait3A_51 : memref<16x128xi32, #tpu.memory_space<vmem>>)
      tpu.yield
    }) : () -> ()
    %run_scoped3A_17 = arith.constant 0 : i32
    "tpu.region"() ({
      %run_scoped3A_31 = tpu.sem_alloc : memref<!tpu.dma_semaphore, #tpu.memory_space<semaphore_mem>>
      %dma_start3A = arith.constant 0 : i32
      %dma_start3A_32 = arith.constant 0 : i32
      %dma_start3A_33 = tpu.memref_slice %arg8[%run_scoped3A_17, %dma_start3A, %dma_start3A_32] : memref<2x16x128xi32, #tpu.memory_space<vmem>> -> memref<1x16x128xi32, #tpu.memory_space<vmem>>
      %dma_start3A_34 = tpu.memref_squeeze %dma_start3A_33 : memref<1x16x128xi32, #tpu.memory_space<vmem>> -> memref<16x128xi32, #tpu.memory_space<vmem>>
      %dma_start3A_35 = arith.constant 0 : i32
      %dma_start3A_36 = tpu.memref_slice %arg4[%mul3A_16, %dma_start3A_35] : memref<2560x128xi32, #tpu.memory_space<hbm>> -> memref<16x128xi32, #tpu.memory_space<hbm>>
      %dma_start3A_37 = arith.constant 0 : i32
      %dma_start3A_38 = arith.constant 0 : i32
      %dma_start3A_39 = tpu.memref_slice %arg8[%run_scoped3A_17, %dma_start3A_37, %dma_start3A_38] : memref<2x16x128xi32, #tpu.memory_space<vmem>> -> memref<1x16x128xi32, #tpu.memory_space<vmem>>
      %dma_start3A_40 = tpu.memref_squeeze %dma_start3A_39 : memref<1x16x128xi32, #tpu.memory_space<vmem>> -> memref<16x128xi32, #tpu.memory_space<vmem>>
      %dma_start3A_41 = arith.constant 0 : i32
      %dma_start3A_42 = tpu.memref_slice %arg4[%mul3A_16, %dma_start3A_41] : memref<2560x128xi32, #tpu.memory_space<hbm>> -> memref<16x128xi32, #tpu.memory_space<hbm>>
      tpu.enqueue_dma source(%dma_start3A_42 : memref<16x128xi32, #tpu.memory_space<hbm>>) target(%dma_start3A_40 : memref<16x128xi32, #tpu.memory_space<vmem>>) target_semaphore(%run_scoped3A_31 : memref<!tpu.dma_semaphore, #tpu.memory_space<semaphore_mem>>)
      %dma_wait3A = arith.constant 0 : i32
      %dma_wait3A_43 = arith.constant 0 : i32
      %dma_wait3A_44 = tpu.memref_slice %arg8[%run_scoped3A_17, %dma_wait3A, %dma_wait3A_43] : memref<2x16x128xi32, #tpu.memory_space<vmem>> -> memref<1x16x128xi32, #tpu.memory_space<vmem>>
      %dma_wait3A_45 = tpu.memref_squeeze %dma_wait3A_44 : memref<1x16x128xi32, #tpu.memory_space<vmem>> -> memref<16x128xi32, #tpu.memory_space<vmem>>
      %dma_wait3A_46 = arith.constant 0 : i32
      %dma_wait3A_47 = tpu.memref_slice %arg4[%mul3A_16, %dma_wait3A_46] : memref<2560x128xi32, #tpu.memory_space<hbm>> -> memref<16x128xi32, #tpu.memory_space<hbm>>
      %dma_wait3A_48 = arith.constant 0 : i32
      %dma_wait3A_49 = arith.constant 0 : i32
      %dma_wait3A_50 = tpu.memref_slice %arg8[%run_scoped3A_17, %dma_wait3A_48, %dma_wait3A_49] : memref<2x16x128xi32, #tpu.memory_space<vmem>> -> memref<1x16x128xi32, #tpu.memory_space<vmem>>
      %dma_wait3A_51 = tpu.memref_squeeze %dma_wait3A_50 : memref<1x16x128xi32, #tpu.memory_space<vmem>> -> memref<16x128xi32, #tpu.memory_space<vmem>>
      %dma_wait3A_52 = arith.constant 0 : i32
      %dma_wait3A_53 = tpu.memref_slice %arg4[%mul3A_16, %dma_wait3A_52] : memref<2560x128xi32, #tpu.memory_space<hbm>> -> memref<16x128xi32, #tpu.memory_space<hbm>>
      tpu.wait_dma2 semaphore(%run_scoped3A_31 : memref<!tpu.dma_semaphore, #tpu.memory_space<semaphore_mem>>) src(%dma_wait3A_53 : memref<16x128xi32, #tpu.memory_space<hbm>>) dst(%dma_wait3A_51 : memref<16x128xi32, #tpu.memory_space<vmem>>)
      tpu.yield
    }) : () -> ()
    %scan3A_18 = arith.constant 0 : i32
    %scan3A_19 = arith.constant 5 : i32
    %scan3A_20 = arith.addi %scan3A_18, %scan3A_19 : i32
    %scan3A_21 = arith.constant 1 : i32
    scf.for %scan3A_31 = %scan3A_18 to %scan3A_20 step %scan3A_21  : i32 {
      %mul3A_32 = arith.constant 1 : i32
      %mul3A_33 = arith.muli %scan3A_31, %mul3A_32 : i32
      %add3A_34 = arith.constant 0 : i32
      %add3A_35 = arith.addi %add3A_34, %mul3A_33 : i32
      %rem3A = arith.constant 2 : i32
      %rem3A_36 = arith.remsi %add3A_35, %rem3A : i32
      %add3A_37 = arith.constant 1 : i32
      %add3A_38 = arith.addi %add3A_35, %add3A_37 : i32
      %rem3A_39 = arith.constant 2 : i32
      %rem3A_40 = arith.remsi %add3A_38, %rem3A_39 : i32
      %add3A_41 = arith.constant 1 : i32
      %add3A_42 = arith.addi %add3A_35, %add3A_41 : i32
      %lt3A = arith.constant 5 : i32
      %lt3A_43 = arith.cmpi slt, %add3A_42, %lt3A : i32
      %convert_element_type3A_44 = arith.extui %lt3A_43 : i1 to i32
      %cond3A_45 = arith.constant 0 : i32
      %cond3A_46 = arith.cmpi ne, %convert_element_type3A_44, %cond3A_45 : i32
      scf.if %cond3A_46 {
        %add3A_497 = arith.constant 1 : i32
        %add3A_498 = arith.addi %add3A_35, %add3A_497 : i32
        %mul3A_499 = arith.constant 16 : i32
        %mul3A_500 = arith.muli %add3A_498, %mul3A_499 : i32
        %add3A_501 = arith.addi %mul3A_16, %mul3A_500 : i32
        %dma_start3A_502 = arith.constant 0 : i32
        %dma_start3A_503 = arith.constant 0 : i32
        %dma_start3A_504 = tpu.memref_slice %arg7[%rem3A_40, %dma_start3A_502, %dma_start3A_503] : memref<2x16x128xi32, #tpu.memory_space<vmem>> -> memref<1x16x128xi32, #tpu.memory_space<vmem>>
        %dma_start3A_505 = tpu.memref_squeeze %dma_start3A_504 : memref<1x16x128xi32, #tpu.memory_space<vmem>> -> memref<16x128xi32, #tpu.memory_space<vmem>>
        %dma_start3A_506 = arith.constant 0 : i32
        %dma_start3A_507 = tpu.memref_slice %arg3[%add3A_501, %dma_start3A_506] : memref<2560x128xi32, #tpu.memory_space<hbm>> -> memref<16x128xi32, #tpu.memory_space<hbm>>
        %dma_start3A_508 = arith.constant 0 : i32
        %dma_start3A_509 = arith.constant 0 : i32
        %dma_start3A_510 = tpu.memref_slice %arg7[%rem3A_40, %dma_start3A_508, %dma_start3A_509] : memref<2x16x128xi32, #tpu.memory_space<vmem>> -> memref<1x16x128xi32, #tpu.memory_space<vmem>>
        %dma_start3A_511 = tpu.memref_squeeze %dma_start3A_510 : memref<1x16x128xi32, #tpu.memory_space<vmem>> -> memref<16x128xi32, #tpu.memory_space<vmem>>
        %dma_start3A_512 = arith.constant 0 : i32
        %dma_start3A_513 = tpu.memref_slice %arg3[%add3A_501, %dma_start3A_512] : memref<2560x128xi32, #tpu.memory_space<hbm>> -> memref<16x128xi32, #tpu.memory_space<hbm>>
        tpu.enqueue_dma source(%dma_start3A_513 : memref<16x128xi32, #tpu.memory_space<hbm>>) target(%dma_start3A_511 : memref<16x128xi32, #tpu.memory_space<vmem>>) target_semaphore(%arg16 : memref<!tpu.dma_semaphore, #tpu.memory_space<semaphore_mem>>)
        %dma_start3A_514 = arith.constant 0 : i32
        %dma_start3A_515 = arith.constant 0 : i32
        %dma_start3A_516 = tpu.memref_slice %arg8[%rem3A_40, %dma_start3A_514, %dma_start3A_515] : memref<2x16x128xi32, #tpu.memory_space<vmem>> -> memref<1x16x128xi32, #tpu.memory_space<vmem>>
        %dma_start3A_517 = tpu.memref_squeeze %dma_start3A_516 : memref<1x16x128xi32, #tpu.memory_space<vmem>> -> memref<16x128xi32, #tpu.memory_space<vmem>>
        %dma_start3A_518 = arith.constant 0 : i32
        %dma_start3A_519 = tpu.memref_slice %arg4[%add3A_501, %dma_start3A_518] : memref<2560x128xi32, #tpu.memory_space<hbm>> -> memref<16x128xi32, #tpu.memory_space<hbm>>
        %dma_start3A_520 = arith.constant 0 : i32
        %dma_start3A_521 = arith.constant 0 : i32
        %dma_start3A_522 = tpu.memref_slice %arg8[%rem3A_40, %dma_start3A_520, %dma_start3A_521] : memref<2x16x128xi32, #tpu.memory_space<vmem>> -> memref<1x16x128xi32, #tpu.memory_space<vmem>>
        %dma_start3A_523 = tpu.memref_squeeze %dma_start3A_522 : memref<1x16x128xi32, #tpu.memory_space<vmem>> -> memref<16x128xi32, #tpu.memory_space<vmem>>
        %dma_start3A_524 = arith.constant 0 : i32
        %dma_start3A_525 = tpu.memref_slice %arg4[%add3A_501, %dma_start3A_524] : memref<2560x128xi32, #tpu.memory_space<hbm>> -> memref<16x128xi32, #tpu.memory_space<hbm>>
        tpu.enqueue_dma source(%dma_start3A_525 : memref<16x128xi32, #tpu.memory_space<hbm>>) target(%dma_start3A_523 : memref<16x128xi32, #tpu.memory_space<vmem>>) target_semaphore(%arg16 : memref<!tpu.dma_semaphore, #tpu.memory_space<semaphore_mem>>)
      } else {
      }
      %gt3A = arith.constant 0 : i32
      %gt3A_47 = arith.cmpi sgt, %add3A_35, %gt3A : i32
      %convert_element_type3A_48 = arith.extui %gt3A_47 : i1 to i32
      %cond3A_49 = arith.constant 0 : i32
      %cond3A_50 = arith.cmpi ne, %convert_element_type3A_48, %cond3A_49 : i32
      scf.if %cond3A_50 {
        %mul3A_497 = arith.constant 16 : i32
        %mul3A_498 = arith.muli %add3A_35, %mul3A_497 : i32
        %add3A_499 = arith.addi %mul3A_16, %mul3A_498 : i32
        %dma_wait3A_500 = arith.constant 0 : i32
        %dma_wait3A_501 = arith.constant 0 : i32
        %dma_wait3A_502 = tpu.memref_slice %arg7[%rem3A_36, %dma_wait3A_500, %dma_wait3A_501] : memref<2x16x128xi32, #tpu.memory_space<vmem>> -> memref<1x16x128xi32, #tpu.memory_space<vmem>>
        %dma_wait3A_503 = tpu.memref_squeeze %dma_wait3A_502 : memref<1x16x128xi32, #tpu.memory_space<vmem>> -> memref<16x128xi32, #tpu.memory_space<vmem>>
        %dma_wait3A_504 = arith.constant 0 : i32
        %dma_wait3A_505 = tpu.memref_slice %arg3[%add3A_499, %dma_wait3A_504] : memref<2560x128xi32, #tpu.memory_space<hbm>> -> memref<16x128xi32, #tpu.memory_space<hbm>>
        %dma_wait3A_506 = arith.constant 0 : i32
        %dma_wait3A_507 = arith.constant 0 : i32
        %dma_wait3A_508 = tpu.memref_slice %arg7[%rem3A_36, %dma_wait3A_506, %dma_wait3A_507] : memref<2x16x128xi32, #tpu.memory_space<vmem>> -> memref<1x16x128xi32, #tpu.memory_space<vmem>>
        %dma_wait3A_509 = tpu.memref_squeeze %dma_wait3A_508 : memref<1x16x128xi32, #tpu.memory_space<vmem>> -> memref<16x128xi32, #tpu.memory_space<vmem>>
        %dma_wait3A_510 = arith.constant 0 : i32
        %dma_wait3A_511 = tpu.memref_slice %arg3[%add3A_499, %dma_wait3A_510] : memref<2560x128xi32, #tpu.memory_space<hbm>> -> memref<16x128xi32, #tpu.memory_space<hbm>>
        tpu.wait_dma2 semaphore(%arg16 : memref<!tpu.dma_semaphore, #tpu.memory_space<semaphore_mem>>) src(%dma_wait3A_511 : memref<16x128xi32, #tpu.memory_space<hbm>>) dst(%dma_wait3A_509 : memref<16x128xi32, #tpu.memory_space<vmem>>)
        %dma_wait3A_512 = arith.constant 0 : i32
        %dma_wait3A_513 = arith.constant 0 : i32
        %dma_wait3A_514 = tpu.memref_slice %arg8[%rem3A_36, %dma_wait3A_512, %dma_wait3A_513] : memref<2x16x128xi32, #tpu.memory_space<vmem>> -> memref<1x16x128xi32, #tpu.memory_space<vmem>>
        %dma_wait3A_515 = tpu.memref_squeeze %dma_wait3A_514 : memref<1x16x128xi32, #tpu.memory_space<vmem>> -> memref<16x128xi32, #tpu.memory_space<vmem>>
        %dma_wait3A_516 = arith.constant 0 : i32
        %dma_wait3A_517 = tpu.memref_slice %arg4[%add3A_499, %dma_wait3A_516] : memref<2560x128xi32, #tpu.memory_space<hbm>> -> memref<16x128xi32, #tpu.memory_space<hbm>>
        %dma_wait3A_518 = arith.constant 0 : i32
        %dma_wait3A_519 = arith.constant 0 : i32
        %dma_wait3A_520 = tpu.memref_slice %arg8[%rem3A_36, %dma_wait3A_518, %dma_wait3A_519] : memref<2x16x128xi32, #tpu.memory_space<vmem>> -> memref<1x16x128xi32, #tpu.memory_space<vmem>>
        %dma_wait3A_521 = tpu.memref_squeeze %dma_wait3A_520 : memref<1x16x128xi32, #tpu.memory_space<vmem>> -> memref<16x128xi32, #tpu.memory_space<vmem>>
        %dma_wait3A_522 = arith.constant 0 : i32
        %dma_wait3A_523 = tpu.memref_slice %arg4[%add3A_499, %dma_wait3A_522] : memref<2560x128xi32, #tpu.memory_space<hbm>> -> memref<16x128xi32, #tpu.memory_space<hbm>>
        tpu.wait_dma2 semaphore(%arg16 : memref<!tpu.dma_semaphore, #tpu.memory_space<semaphore_mem>>) src(%dma_wait3A_523 : memref<16x128xi32, #tpu.memory_space<hbm>>) dst(%dma_wait3A_521 : memref<16x128xi32, #tpu.memory_space<vmem>>)
      } else {
      }
      %dma_start3A = arith.constant 0 : i32
      %dma_start3A_51 = arith.constant 0 : i32
      %dma_start3A_52 = tpu.memref_slice %arg7[%rem3A_36, %dma_start3A, %dma_start3A_51] : memref<2x16x128xi32, #tpu.memory_space<vmem>> -> memref<1x1x128xi32, #tpu.memory_space<vmem>>
      %dma_start3A_53 = tpu.memref_squeeze %dma_start3A_52 : memref<1x1x128xi32, #tpu.memory_space<vmem>> -> memref<128xi32, #tpu.memory_space<vmem>>
      %dma_start3A_54 = arith.constant 0 : i32
      %dma_start3A_55 = arith.constant 0 : i32
      %dma_start3A_56 = tpu.memref_slice %arg2[%dma_start3A_54, %dma_start3A_55] : memref<10000x128xf32, #tpu.memory_space<hbm>> -> memref<10000x128xf32, #tpu.memory_space<hbm>>
      tpu.enqueue_indirect_dma source(%dma_start3A_56 : memref<10000x128xf32, #tpu.memory_space<hbm>>) target(%arg9 : memref<128x128xf32, #tpu.memory_space<vmem>>) offsets(%dma_start3A_53 : memref<128xi32, #tpu.memory_space<vmem>>) semaphore(%arg12 : memref<!tpu.dma_semaphore, #tpu.memory_space<semaphore_mem>>)
      %dma_start3A_57 = arith.constant 1 : i32
      %dma_start3A_58 = arith.constant 0 : i32
      %dma_start3A_59 = tpu.memref_slice %arg7[%rem3A_36, %dma_start3A_57, %dma_start3A_58] : memref<2x16x128xi32, #tpu.memory_space<vmem>> -> memref<1x1x128xi32, #tpu.memory_space<vmem>>
      %dma_start3A_60 = tpu.memref_squeeze %dma_start3A_59 : memref<1x1x128xi32, #tpu.memory_space<vmem>> -> memref<128xi32, #tpu.memory_space<vmem>>
      %dma_start3A_61 = arith.constant 0 : i32
      %dma_start3A_62 = arith.constant 0 : i32
      %dma_start3A_63 = tpu.memref_slice %arg2[%dma_start3A_61, %dma_start3A_62] : memref<10000x128xf32, #tpu.memory_space<hbm>> -> memref<10000x128xf32, #tpu.memory_space<hbm>>
      tpu.enqueue_indirect_dma source(%dma_start3A_63 : memref<10000x128xf32, #tpu.memory_space<hbm>>) target(%arg10 : memref<128x128xf32, #tpu.memory_space<vmem>>) offsets(%dma_start3A_60 : memref<128xi32, #tpu.memory_space<vmem>>) semaphore(%arg13 : memref<!tpu.dma_semaphore, #tpu.memory_space<semaphore_mem>>)
      %dma_wait3A = arith.constant 0 : i32
      %dma_wait3A_64 = arith.constant 0 : i32
      %dma_wait3A_65 = tpu.memref_slice %arg7[%rem3A_36, %dma_wait3A, %dma_wait3A_64] : memref<2x16x128xi32, #tpu.memory_space<vmem>> -> memref<1x1x128xi32, #tpu.memory_space<vmem>>
      %dma_wait3A_66 = tpu.memref_squeeze %dma_wait3A_65 : memref<1x1x128xi32, #tpu.memory_space<vmem>> -> memref<128xi32, #tpu.memory_space<vmem>>
      %dma_wait3A_67 = arith.constant 0 : i32
      %dma_wait3A_68 = arith.constant 0 : i32
      %dma_wait3A_69 = tpu.memref_slice %arg2[%dma_wait3A_67, %dma_wait3A_68] : memref<10000x128xf32, #tpu.memory_space<hbm>> -> memref<10000x128xf32, #tpu.memory_space<hbm>>
      tpu.wait_indirect_dma semaphore(%arg12 : memref<!tpu.dma_semaphore, #tpu.memory_space<semaphore_mem>>) src(%dma_wait3A_69 : memref<10000x128xf32, #tpu.memory_space<hbm>>) dst(%arg9 : memref<128x128xf32, #tpu.memory_space<vmem>>)
      %dma_start3A_70 = arith.constant 0 : i32
      %dma_start3A_71 = arith.constant 0 : i32
      %dma_start3A_72 = tpu.memref_slice %arg8[%rem3A_36, %dma_start3A_70, %dma_start3A_71] : memref<2x16x128xi32, #tpu.memory_space<vmem>> -> memref<1x1x128xi32, #tpu.memory_space<vmem>>
      %dma_start3A_73 = tpu.memref_squeeze %dma_start3A_72 : memref<1x1x128xi32, #tpu.memory_space<vmem>> -> memref<128xi32, #tpu.memory_space<vmem>>
      %dma_start3A_74 = arith.constant 0 : i32
      %dma_start3A_75 = arith.constant 0 : i32
      %dma_start3A_76 = tpu.memref_slice %arg6[%dma_start3A_74, %dma_start3A_75] : memref<10512x128xf32, #tpu.memory_space<vmem_shared>> -> memref<10512x128xf32, #tpu.memory_space<vmem_shared>>
      tpu.enqueue_indirect_dma source(%arg9 : memref<128x128xf32, #tpu.memory_space<vmem>>) target(%dma_start3A_76 : memref<10512x128xf32, #tpu.memory_space<vmem_shared>>) offsets(%dma_start3A_73 : memref<128xi32, #tpu.memory_space<vmem>>) semaphore(%arg14 : memref<!tpu.dma_semaphore, #tpu.memory_space<semaphore_mem>>) {add = true}
      %dma_wait3A_77 = arith.constant 0 : i32
      %dma_wait3A_78 = arith.constant 0 : i32
      %dma_wait3A_79 = tpu.memref_slice %arg8[%rem3A_36, %dma_wait3A_77, %dma_wait3A_78] : memref<2x16x128xi32, #tpu.memory_space<vmem>> -> memref<1x1x128xi32, #tpu.memory_space<vmem>>
      %dma_wait3A_80 = tpu.memref_squeeze %dma_wait3A_79 : memref<1x1x128xi32, #tpu.memory_space<vmem>> -> memref<128xi32, #tpu.memory_space<vmem>>
      %dma_wait3A_81 = arith.constant 0 : i32
      %dma_wait3A_82 = arith.constant 0 : i32
      %dma_wait3A_83 = tpu.memref_slice %arg6[%dma_wait3A_81, %dma_wait3A_82] : memref<10512x128xf32, #tpu.memory_space<vmem_shared>> -> memref<10512x128xf32, #tpu.memory_space<vmem_shared>>
      tpu.wait_indirect_dma semaphore(%arg14 : memref<!tpu.dma_semaphore, #tpu.memory_space<semaphore_mem>>) src(%arg9 : memref<128x128xf32, #tpu.memory_space<vmem>>) dst(%dma_wait3A_83 : memref<10512x128xf32, #tpu.memory_space<vmem_shared>>)
      %dma_start3A_84 = arith.constant 2 : i32
      %dma_start3A_85 = arith.constant 0 : i32
      %dma_start3A_86 = tpu.memref_slice %arg7[%rem3A_36, %dma_start3A_84, %dma_start3A_85] : memref<2x16x128xi32, #tpu.memory_space<vmem>> -> memref<1x1x128xi32, #tpu.memory_space<vmem>>
      %dma_start3A_87 = tpu.memref_squeeze %dma_start3A_86 : memref<1x1x128xi32, #tpu.memory_space<vmem>> -> memref<128xi32, #tpu.memory_space<vmem>>
      %dma_start3A_88 = arith.constant 0 : i32
      %dma_start3A_89 = arith.constant 0 : i32
      %dma_start3A_90 = tpu.memref_slice %arg2[%dma_start3A_88, %dma_start3A_89] : memref<10000x128xf32, #tpu.memory_space<hbm>> -> memref<10000x128xf32, #tpu.memory_space<hbm>>
      tpu.enqueue_indirect_dma source(%dma_start3A_90 : memref<10000x128xf32, #tpu.memory_space<hbm>>) target(%arg9 : memref<128x128xf32, #tpu.memory_space<vmem>>) offsets(%dma_start3A_87 : memref<128xi32, #tpu.memory_space<vmem>>) semaphore(%arg12 : memref<!tpu.dma_semaphore, #tpu.memory_space<semaphore_mem>>)
      %dma_wait3A_91 = arith.constant 1 : i32
      %dma_wait3A_92 = arith.constant 0 : i32
      %dma_wait3A_93 = tpu.memref_slice %arg7[%rem3A_36, %dma_wait3A_91, %dma_wait3A_92] : memref<2x16x128xi32, #tpu.memory_space<vmem>> -> memref<1x1x128xi32, #tpu.memory_space<vmem>>
      %dma_wait3A_94 = tpu.memref_squeeze %dma_wait3A_93 : memref<1x1x128xi32, #tpu.memory_space<vmem>> -> memref<128xi32, #tpu.memory_space<vmem>>
      %dma_wait3A_95 = arith.constant 0 : i32
      %dma_wait3A_96 = arith.constant 0 : i32
      %dma_wait3A_97 = tpu.memref_slice %arg2[%dma_wait3A_95, %dma_wait3A_96] : memref<10000x128xf32, #tpu.memory_space<hbm>> -> memref<10000x128xf32, #tpu.memory_space<hbm>>
      tpu.wait_indirect_dma semaphore(%arg13 : memref<!tpu.dma_semaphore, #tpu.memory_space<semaphore_mem>>) src(%dma_wait3A_97 : memref<10000x128xf32, #tpu.memory_space<hbm>>) dst(%arg10 : memref<128x128xf32, #tpu.memory_space<vmem>>)
      %dma_start3A_98 = arith.constant 1 : i32
      %dma_start3A_99 = arith.constant 0 : i32
      %dma_start3A_100 = tpu.memref_slice %arg8[%rem3A_36, %dma_start3A_98, %dma_start3A_99] : memref<2x16x128xi32, #tpu.memory_space<vmem>> -> memref<1x1x128xi32, #tpu.memory_space<vmem>>
      %dma_start3A_101 = tpu.memref_squeeze %dma_start3A_100 : memref<1x1x128xi32, #tpu.memory_space<vmem>> -> memref<128xi32, #tpu.memory_space<vmem>>
      %dma_start3A_102 = arith.constant 0 : i32
      %dma_start3A_103 = arith.constant 0 : i32
      %dma_start3A_104 = tpu.memref_slice %arg6[%dma_start3A_102, %dma_start3A_103] : memref<10512x128xf32, #tpu.memory_space<vmem_shared>> -> memref<10512x128xf32, #tpu.memory_space<vmem_shared>>
      tpu.enqueue_indirect_dma source(%arg10 : memref<128x128xf32, #tpu.memory_space<vmem>>) target(%dma_start3A_104 : memref<10512x128xf32, #tpu.memory_space<vmem_shared>>) offsets(%dma_start3A_101 : memref<128xi32, #tpu.memory_space<vmem>>) semaphore(%arg15 : memref<!tpu.dma_semaphore, #tpu.memory_space<semaphore_mem>>) {add = true}
      %dma_wait3A_105 = arith.constant 1 : i32
      %dma_wait3A_106 = arith.constant 0 : i32
      %dma_wait3A_107 = tpu.memref_slice %arg8[%rem3A_36, %dma_wait3A_105, %dma_wait3A_106] : memref<2x16x128xi32, #tpu.memory_space<vmem>> -> memref<1x1x128xi32, #tpu.memory_space<vmem>>
      %dma_wait3A_108 = tpu.memref_squeeze %dma_wait3A_107 : memref<1x1x128xi32, #tpu.memory_space<vmem>> -> memref<128xi32, #tpu.memory_space<vmem>>
      %dma_wait3A_109 = arith.constant 0 : i32
      %dma_wait3A_110 = arith.constant 0 : i32
      %dma_wait3A_111 = tpu.memref_slice %arg6[%dma_wait3A_109, %dma_wait3A_110] : memref<10512x128xf32, #tpu.memory_space<vmem_shared>> -> memref<10512x128xf32, #tpu.memory_space<vmem_shared>>
      tpu.wait_indirect_dma semaphore(%arg15 : memref<!tpu.dma_semaphore, #tpu.memory_space<semaphore_mem>>) src(%arg10 : memref<128x128xf32, #tpu.memory_space<vmem>>) dst(%dma_wait3A_111 : memref<10512x128xf32, #tpu.memory_space<vmem_shared>>)
      %dma_start3A_112 = arith.constant 3 : i32
      %dma_start3A_113 = arith.constant 0 : i32
      %dma_start3A_114 = tpu.memref_slice %arg7[%rem3A_36, %dma_start3A_112, %dma_start3A_113] : memref<2x16x128xi32, #tpu.memory_space<vmem>> -> memref<1x1x128xi32, #tpu.memory_space<vmem>>
      %dma_start3A_115 = tpu.memref_squeeze %dma_start3A_114 : memref<1x1x128xi32, #tpu.memory_space<vmem>> -> memref<128xi32, #tpu.memory_space<vmem>>
      %dma_start3A_116 = arith.constant 0 : i32
      %dma_start3A_117 = arith.constant 0 : i32
      %dma_start3A_118 = tpu.memref_slice %arg2[%dma_start3A_116, %dma_start3A_117] : memref<10000x128xf32, #tpu.memory_space<hbm>> -> memref<10000x128xf32, #tpu.memory_space<hbm>>
      tpu.enqueue_indirect_dma source(%dma_start3A_118 : memref<10000x128xf32, #tpu.memory_space<hbm>>) target(%arg10 : memref<128x128xf32, #tpu.memory_space<vmem>>) offsets(%dma_start3A_115 : memref<128xi32, #tpu.memory_space<vmem>>) semaphore(%arg13 : memref<!tpu.dma_semaphore, #tpu.memory_space<semaphore_mem>>)
      %dma_wait3A_119 = arith.constant 2 : i32
      %dma_wait3A_120 = arith.constant 0 : i32
      %dma_wait3A_121 = tpu.memref_slice %arg7[%rem3A_36, %dma_wait3A_119, %dma_wait3A_120] : memref<2x16x128xi32, #tpu.memory_space<vmem>> -> memref<1x1x128xi32, #tpu.memory_space<vmem>>
      %dma_wait3A_122 = tpu.memref_squeeze %dma_wait3A_121 : memref<1x1x128xi32, #tpu.memory_space<vmem>> -> memref<128xi32, #tpu.memory_space<vmem>>
      %dma_wait3A_123 = arith.constant 0 : i32
      %dma_wait3A_124 = arith.constant 0 : i32
      %dma_wait3A_125 = tpu.memref_slice %arg2[%dma_wait3A_123, %dma_wait3A_124] : memref<10000x128xf32, #tpu.memory_space<hbm>> -> memref<10000x128xf32, #tpu.memory_space<hbm>>
      tpu.wait_indirect_dma semaphore(%arg12 : memref<!tpu.dma_semaphore, #tpu.memory_space<semaphore_mem>>) src(%dma_wait3A_125 : memref<10000x128xf32, #tpu.memory_space<hbm>>) dst(%arg9 : memref<128x128xf32, #tpu.memory_space<vmem>>)
      %dma_start3A_126 = arith.constant 2 : i32
      %dma_start3A_127 = arith.constant 0 : i32
      %dma_start3A_128 = tpu.memref_slice %arg8[%rem3A_36, %dma_start3A_126, %dma_start3A_127] : memref<2x16x128xi32, #tpu.memory_space<vmem>> -> memref<1x1x128xi32, #tpu.memory_space<vmem>>
      %dma_start3A_129 = tpu.memref_squeeze %dma_start3A_128 : memref<1x1x128xi32, #tpu.memory_space<vmem>> -> memref<128xi32, #tpu.memory_space<vmem>>
      %dma_start3A_130 = arith.constant 0 : i32
      %dma_start3A_131 = arith.constant 0 : i32
      %dma_start3A_132 = tpu.memref_slice %arg6[%dma_start3A_130, %dma_start3A_131] : memref<10512x128xf32, #tpu.memory_space<vmem_shared>> -> memref<10512x128xf32, #tpu.memory_space<vmem_shared>>
      tpu.enqueue_indirect_dma source(%arg9 : memref<128x128xf32, #tpu.memory_space<vmem>>) target(%dma_start3A_132 : memref<10512x128xf32, #tpu.memory_space<vmem_shared>>) offsets(%dma_start3A_129 : memref<128xi32, #tpu.memory_space<vmem>>) semaphore(%arg14 : memref<!tpu.dma_semaphore, #tpu.memory_space<semaphore_mem>>) {add = true}
      %dma_wait3A_133 = arith.constant 2 : i32
      %dma_wait3A_134 = arith.constant 0 : i32
      %dma_wait3A_135 = tpu.memref_slice %arg8[%rem3A_36, %dma_wait3A_133, %dma_wait3A_134] : memref<2x16x128xi32, #tpu.memory_space<vmem>> -> memref<1x1x128xi32, #tpu.memory_space<vmem>>
      %dma_wait3A_136 = tpu.memref_squeeze %dma_wait3A_135 : memref<1x1x128xi32, #tpu.memory_space<vmem>> -> memref<128xi32, #tpu.memory_space<vmem>>
      %dma_wait3A_137 = arith.constant 0 : i32
      %dma_wait3A_138 = arith.constant 0 : i32
      %dma_wait3A_139 = tpu.memref_slice %arg6[%dma_wait3A_137, %dma_wait3A_138] : memref<10512x128xf32, #tpu.memory_space<vmem_shared>> -> memref<10512x128xf32, #tpu.memory_space<vmem_shared>>
      tpu.wait_indirect_dma semaphore(%arg14 : memref<!tpu.dma_semaphore, #tpu.memory_space<semaphore_mem>>) src(%arg9 : memref<128x128xf32, #tpu.memory_space<vmem>>) dst(%dma_wait3A_139 : memref<10512x128xf32, #tpu.memory_space<vmem_shared>>)
      %dma_start3A_140 = arith.constant 4 : i32
      %dma_start3A_141 = arith.constant 0 : i32
      %dma_start3A_142 = tpu.memref_slice %arg7[%rem3A_36, %dma_start3A_140, %dma_start3A_141] : memref<2x16x128xi32, #tpu.memory_space<vmem>> -> memref<1x1x128xi32, #tpu.memory_space<vmem>>
      %dma_start3A_143 = tpu.memref_squeeze %dma_start3A_142 : memref<1x1x128xi32, #tpu.memory_space<vmem>> -> memref<128xi32, #tpu.memory_space<vmem>>
      %dma_start3A_144 = arith.constant 0 : i32
      %dma_start3A_145 = arith.constant 0 : i32
      %dma_start3A_146 = tpu.memref_slice %arg2[%dma_start3A_144, %dma_start3A_145] : memref<10000x128xf32, #tpu.memory_space<hbm>> -> memref<10000x128xf32, #tpu.memory_space<hbm>>
      tpu.enqueue_indirect_dma source(%dma_start3A_146 : memref<10000x128xf32, #tpu.memory_space<hbm>>) target(%arg9 : memref<128x128xf32, #tpu.memory_space<vmem>>) offsets(%dma_start3A_143 : memref<128xi32, #tpu.memory_space<vmem>>) semaphore(%arg12 : memref<!tpu.dma_semaphore, #tpu.memory_space<semaphore_mem>>)
      %dma_wait3A_147 = arith.constant 3 : i32
      %dma_wait3A_148 = arith.constant 0 : i32
      %dma_wait3A_149 = tpu.memref_slice %arg7[%rem3A_36, %dma_wait3A_147, %dma_wait3A_148] : memref<2x16x128xi32, #tpu.memory_space<vmem>> -> memref<1x1x128xi32, #tpu.memory_space<vmem>>
      %dma_wait3A_150 = tpu.memref_squeeze %dma_wait3A_149 : memref<1x1x128xi32, #tpu.memory_space<vmem>> -> memref<128xi32, #tpu.memory_space<vmem>>
      %dma_wait3A_151 = arith.constant 0 : i32
      %dma_wait3A_152 = arith.constant 0 : i32
      %dma_wait3A_153 = tpu.memref_slice %arg2[%dma_wait3A_151, %dma_wait3A_152] : memref<10000x128xf32, #tpu.memory_space<hbm>> -> memref<10000x128xf32, #tpu.memory_space<hbm>>
      tpu.wait_indirect_dma semaphore(%arg13 : memref<!tpu.dma_semaphore, #tpu.memory_space<semaphore_mem>>) src(%dma_wait3A_153 : memref<10000x128xf32, #tpu.memory_space<hbm>>) dst(%arg10 : memref<128x128xf32, #tpu.memory_space<vmem>>)
      %dma_start3A_154 = arith.constant 3 : i32
      %dma_start3A_155 = arith.constant 0 : i32
      %dma_start3A_156 = tpu.memref_slice %arg8[%rem3A_36, %dma_start3A_154, %dma_start3A_155] : memref<2x16x128xi32, #tpu.memory_space<vmem>> -> memref<1x1x128xi32, #tpu.memory_space<vmem>>
      %dma_start3A_157 = tpu.memref_squeeze %dma_start3A_156 : memref<1x1x128xi32, #tpu.memory_space<vmem>> -> memref<128xi32, #tpu.memory_space<vmem>>
      %dma_start3A_158 = arith.constant 0 : i32
      %dma_start3A_159 = arith.constant 0 : i32
      %dma_start3A_160 = tpu.memref_slice %arg6[%dma_start3A_158, %dma_start3A_159] : memref<10512x128xf32, #tpu.memory_space<vmem_shared>> -> memref<10512x128xf32, #tpu.memory_space<vmem_shared>>
      tpu.enqueue_indirect_dma source(%arg10 : memref<128x128xf32, #tpu.memory_space<vmem>>) target(%dma_start3A_160 : memref<10512x128xf32, #tpu.memory_space<vmem_shared>>) offsets(%dma_start3A_157 : memref<128xi32, #tpu.memory_space<vmem>>) semaphore(%arg15 : memref<!tpu.dma_semaphore, #tpu.memory_space<semaphore_mem>>) {add = true}
      %dma_wait3A_161 = arith.constant 3 : i32
      %dma_wait3A_162 = arith.constant 0 : i32
      %dma_wait3A_163 = tpu.memref_slice %arg8[%rem3A_36, %dma_wait3A_161, %dma_wait3A_162] : memref<2x16x128xi32, #tpu.memory_space<vmem>> -> memref<1x1x128xi32, #tpu.memory_space<vmem>>
      %dma_wait3A_164 = tpu.memref_squeeze %dma_wait3A_163 : memref<1x1x128xi32, #tpu.memory_space<vmem>> -> memref<128xi32, #tpu.memory_space<vmem>>
      %dma_wait3A_165 = arith.constant 0 : i32
      %dma_wait3A_166 = arith.constant 0 : i32
      %dma_wait3A_167 = tpu.memref_slice %arg6[%dma_wait3A_165, %dma_wait3A_166] : memref<10512x128xf32, #tpu.memory_space<vmem_shared>> -> memref<10512x128xf32, #tpu.memory_space<vmem_shared>>
      tpu.wait_indirect_dma semaphore(%arg15 : memref<!tpu.dma_semaphore, #tpu.memory_space<semaphore_mem>>) src(%arg10 : memref<128x128xf32, #tpu.memory_space<vmem>>) dst(%dma_wait3A_167 : memref<10512x128xf32, #tpu.memory_space<vmem_shared>>)
      %dma_start3A_168 = arith.constant 5 : i32
      %dma_start3A_169 = arith.constant 0 : i32
      %dma_start3A_170 = tpu.memref_slice %arg7[%rem3A_36, %dma_start3A_168, %dma_start3A_169] : memref<2x16x128xi32, #tpu.memory_space<vmem>> -> memref<1x1x128xi32, #tpu.memory_space<vmem>>
      %dma_start3A_171 = tpu.memref_squeeze %dma_start3A_170 : memref<1x1x128xi32, #tpu.memory_space<vmem>> -> memref<128xi32, #tpu.memory_space<vmem>>
      %dma_start3A_172 = arith.constant 0 : i32
      %dma_start3A_173 = arith.constant 0 : i32
      %dma_start3A_174 = tpu.memref_slice %arg2[%dma_start3A_172, %dma_start3A_173] : memref<10000x128xf32, #tpu.memory_space<hbm>> -> memref<10000x128xf32, #tpu.memory_space<hbm>>
      tpu.enqueue_indirect_dma source(%dma_start3A_174 : memref<10000x128xf32, #tpu.memory_space<hbm>>) target(%arg10 : memref<128x128xf32, #tpu.memory_space<vmem>>) offsets(%dma_start3A_171 : memref<128xi32, #tpu.memory_space<vmem>>) semaphore(%arg13 : memref<!tpu.dma_semaphore, #tpu.memory_space<semaphore_mem>>)
      %dma_wait3A_175 = arith.constant 4 : i32
      %dma_wait3A_176 = arith.constant 0 : i32
      %dma_wait3A_177 = tpu.memref_slice %arg7[%rem3A_36, %dma_wait3A_175, %dma_wait3A_176] : memref<2x16x128xi32, #tpu.memory_space<vmem>> -> memref<1x1x128xi32, #tpu.memory_space<vmem>>
      %dma_wait3A_178 = tpu.memref_squeeze %dma_wait3A_177 : memref<1x1x128xi32, #tpu.memory_space<vmem>> -> memref<128xi32, #tpu.memory_space<vmem>>
      %dma_wait3A_179 = arith.constant 0 : i32
      %dma_wait3A_180 = arith.constant 0 : i32
      %dma_wait3A_181 = tpu.memref_slice %arg2[%dma_wait3A_179, %dma_wait3A_180] : memref<10000x128xf32, #tpu.memory_space<hbm>> -> memref<10000x128xf32, #tpu.memory_space<hbm>>
      tpu.wait_indirect_dma semaphore(%arg12 : memref<!tpu.dma_semaphore, #tpu.memory_space<semaphore_mem>>) src(%dma_wait3A_181 : memref<10000x128xf32, #tpu.memory_space<hbm>>) dst(%arg9 : memref<128x128xf32, #tpu.memory_space<vmem>>)
      %dma_start3A_182 = arith.constant 4 : i32
      %dma_start3A_183 = arith.constant 0 : i32
      %dma_start3A_184 = tpu.memref_slice %arg8[%rem3A_36, %dma_start3A_182, %dma_start3A_183] : memref<2x16x128xi32, #tpu.memory_space<vmem>> -> memref<1x1x128xi32, #tpu.memory_space<vmem>>
      %dma_start3A_185 = tpu.memref_squeeze %dma_start3A_184 : memref<1x1x128xi32, #tpu.memory_space<vmem>> -> memref<128xi32, #tpu.memory_space<vmem>>
      %dma_start3A_186 = arith.constant 0 : i32
      %dma_start3A_187 = arith.constant 0 : i32
      %dma_start3A_188 = tpu.memref_slice %arg6[%dma_start3A_186, %dma_start3A_187] : memref<10512x128xf32, #tpu.memory_space<vmem_shared>> -> memref<10512x128xf32, #tpu.memory_space<vmem_shared>>
      tpu.enqueue_indirect_dma source(%arg9 : memref<128x128xf32, #tpu.memory_space<vmem>>) target(%dma_start3A_188 : memref<10512x128xf32, #tpu.memory_space<vmem_shared>>) offsets(%dma_start3A_185 : memref<128xi32, #tpu.memory_space<vmem>>) semaphore(%arg14 : memref<!tpu.dma_semaphore, #tpu.memory_space<semaphore_mem>>) {add = true}
      %dma_wait3A_189 = arith.constant 4 : i32
      %dma_wait3A_190 = arith.constant 0 : i32
      %dma_wait3A_191 = tpu.memref_slice %arg8[%rem3A_36, %dma_wait3A_189, %dma_wait3A_190] : memref<2x16x128xi32, #tpu.memory_space<vmem>> -> memref<1x1x128xi32, #tpu.memory_space<vmem>>
      %dma_wait3A_192 = tpu.memref_squeeze %dma_wait3A_191 : memref<1x1x128xi32, #tpu.memory_space<vmem>> -> memref<128xi32, #tpu.memory_space<vmem>>
      %dma_wait3A_193 = arith.constant 0 : i32
      %dma_wait3A_194 = arith.constant 0 : i32
      %dma_wait3A_195 = tpu.memref_slice %arg6[%dma_wait3A_193, %dma_wait3A_194] : memref<10512x128xf32, #tpu.memory_space<vmem_shared>> -> memref<10512x128xf32, #tpu.memory_space<vmem_shared>>
      tpu.wait_indirect_dma semaphore(%arg14 : memref<!tpu.dma_semaphore, #tpu.memory_space<semaphore_mem>>) src(%arg9 : memref<128x128xf32, #tpu.memory_space<vmem>>) dst(%dma_wait3A_195 : memref<10512x128xf32, #tpu.memory_space<vmem_shared>>)
      %dma_start3A_196 = arith.constant 6 : i32
      %dma_start3A_197 = arith.constant 0 : i32
      %dma_start3A_198 = tpu.memref_slice %arg7[%rem3A_36, %dma_start3A_196, %dma_start3A_197] : memref<2x16x128xi32, #tpu.memory_space<vmem>> -> memref<1x1x128xi32, #tpu.memory_space<vmem>>
      %dma_start3A_199 = tpu.memref_squeeze %dma_start3A_198 : memref<1x1x128xi32, #tpu.memory_space<vmem>> -> memref<128xi32, #tpu.memory_space<vmem>>
      %dma_start3A_200 = arith.constant 0 : i32
      %dma_start3A_201 = arith.constant 0 : i32
      %dma_start3A_202 = tpu.memref_slice %arg2[%dma_start3A_200, %dma_start3A_201] : memref<10000x128xf32, #tpu.memory_space<hbm>> -> memref<10000x128xf32, #tpu.memory_space<hbm>>
      tpu.enqueue_indirect_dma source(%dma_start3A_202 : memref<10000x128xf32, #tpu.memory_space<hbm>>) target(%arg9 : memref<128x128xf32, #tpu.memory_space<vmem>>) offsets(%dma_start3A_199 : memref<128xi32, #tpu.memory_space<vmem>>) semaphore(%arg12 : memref<!tpu.dma_semaphore, #tpu.memory_space<semaphore_mem>>)
      %dma_wait3A_203 = arith.constant 5 : i32
      %dma_wait3A_204 = arith.constant 0 : i32
      %dma_wait3A_205 = tpu.memref_slice %arg7[%rem3A_36, %dma_wait3A_203, %dma_wait3A_204] : memref<2x16x128xi32, #tpu.memory_space<vmem>> -> memref<1x1x128xi32, #tpu.memory_space<vmem>>
      %dma_wait3A_206 = tpu.memref_squeeze %dma_wait3A_205 : memref<1x1x128xi32, #tpu.memory_space<vmem>> -> memref<128xi32, #tpu.memory_space<vmem>>
      %dma_wait3A_207 = arith.constant 0 : i32
      %dma_wait3A_208 = arith.constant 0 : i32
      %dma_wait3A_209 = tpu.memref_slice %arg2[%dma_wait3A_207, %dma_wait3A_208] : memref<10000x128xf32, #tpu.memory_space<hbm>> -> memref<10000x128xf32, #tpu.memory_space<hbm>>
      tpu.wait_indirect_dma semaphore(%arg13 : memref<!tpu.dma_semaphore, #tpu.memory_space<semaphore_mem>>) src(%dma_wait3A_209 : memref<10000x128xf32, #tpu.memory_space<hbm>>) dst(%arg10 : memref<128x128xf32, #tpu.memory_space<vmem>>)
      %dma_start3A_210 = arith.constant 5 : i32
      %dma_start3A_211 = arith.constant 0 : i32
      %dma_start3A_212 = tpu.memref_slice %arg8[%rem3A_36, %dma_start3A_210, %dma_start3A_211] : memref<2x16x128xi32, #tpu.memory_space<vmem>> -> memref<1x1x128xi32, #tpu.memory_space<vmem>>
      %dma_start3A_213 = tpu.memref_squeeze %dma_start3A_212 : memref<1x1x128xi32, #tpu.memory_space<vmem>> -> memref<128xi32, #tpu.memory_space<vmem>>
      %dma_start3A_214 = arith.constant 0 : i32
      %dma_start3A_215 = arith.constant 0 : i32
      %dma_start3A_216 = tpu.memref_slice %arg6[%dma_start3A_214, %dma_start3A_215] : memref<10512x128xf32, #tpu.memory_space<vmem_shared>> -> memref<10512x128xf32, #tpu.memory_space<vmem_shared>>
      tpu.enqueue_indirect_dma source(%arg10 : memref<128x128xf32, #tpu.memory_space<vmem>>) target(%dma_start3A_216 : memref<10512x128xf32, #tpu.memory_space<vmem_shared>>) offsets(%dma_start3A_213 : memref<128xi32, #tpu.memory_space<vmem>>) semaphore(%arg15 : memref<!tpu.dma_semaphore, #tpu.memory_space<semaphore_mem>>) {add = true}
      %dma_wait3A_217 = arith.constant 5 : i32
      %dma_wait3A_218 = arith.constant 0 : i32
      %dma_wait3A_219 = tpu.memref_slice %arg8[%rem3A_36, %dma_wait3A_217, %dma_wait3A_218] : memref<2x16x128xi32, #tpu.memory_space<vmem>> -> memref<1x1x128xi32, #tpu.memory_space<vmem>>
      %dma_wait3A_220 = tpu.memref_squeeze %dma_wait3A_219 : memref<1x1x128xi32, #tpu.memory_space<vmem>> -> memref<128xi32, #tpu.memory_space<vmem>>
      %dma_wait3A_221 = arith.constant 0 : i32
      %dma_wait3A_222 = arith.constant 0 : i32
      %dma_wait3A_223 = tpu.memref_slice %arg6[%dma_wait3A_221, %dma_wait3A_222] : memref<10512x128xf32, #tpu.memory_space<vmem_shared>> -> memref<10512x128xf32, #tpu.memory_space<vmem_shared>>
      tpu.wait_indirect_dma semaphore(%arg15 : memref<!tpu.dma_semaphore, #tpu.memory_space<semaphore_mem>>) src(%arg10 : memref<128x128xf32, #tpu.memory_space<vmem>>) dst(%dma_wait3A_223 : memref<10512x128xf32, #tpu.memory_space<vmem_shared>>)
      %dma_start3A_224 = arith.constant 7 : i32
      %dma_start3A_225 = arith.constant 0 : i32
      %dma_start3A_226 = tpu.memref_slice %arg7[%rem3A_36, %dma_start3A_224, %dma_start3A_225] : memref<2x16x128xi32, #tpu.memory_space<vmem>> -> memref<1x1x128xi32, #tpu.memory_space<vmem>>
      %dma_start3A_227 = tpu.memref_squeeze %dma_start3A_226 : memref<1x1x128xi32, #tpu.memory_space<vmem>> -> memref<128xi32, #tpu.memory_space<vmem>>
      %dma_start3A_228 = arith.constant 0 : i32
      %dma_start3A_229 = arith.constant 0 : i32
      %dma_start3A_230 = tpu.memref_slice %arg2[%dma_start3A_228, %dma_start3A_229] : memref<10000x128xf32, #tpu.memory_space<hbm>> -> memref<10000x128xf32, #tpu.memory_space<hbm>>
      tpu.enqueue_indirect_dma source(%dma_start3A_230 : memref<10000x128xf32, #tpu.memory_space<hbm>>) target(%arg10 : memref<128x128xf32, #tpu.memory_space<vmem>>) offsets(%dma_start3A_227 : memref<128xi32, #tpu.memory_space<vmem>>) semaphore(%arg13 : memref<!tpu.dma_semaphore, #tpu.memory_space<semaphore_mem>>)
      %dma_wait3A_231 = arith.constant 6 : i32
      %dma_wait3A_232 = arith.constant 0 : i32
      %dma_wait3A_233 = tpu.memref_slice %arg7[%rem3A_36, %dma_wait3A_231, %dma_wait3A_232] : memref<2x16x128xi32, #tpu.memory_space<vmem>> -> memref<1x1x128xi32, #tpu.memory_space<vmem>>
      %dma_wait3A_234 = tpu.memref_squeeze %dma_wait3A_233 : memref<1x1x128xi32, #tpu.memory_space<vmem>> -> memref<128xi32, #tpu.memory_space<vmem>>
      %dma_wait3A_235 = arith.constant 0 : i32
      %dma_wait3A_236 = arith.constant 0 : i32
      %dma_wait3A_237 = tpu.memref_slice %arg2[%dma_wait3A_235, %dma_wait3A_236] : memref<10000x128xf32, #tpu.memory_space<hbm>> -> memref<10000x128xf32, #tpu.memory_space<hbm>>
      tpu.wait_indirect_dma semaphore(%arg12 : memref<!tpu.dma_semaphore, #tpu.memory_space<semaphore_mem>>) src(%dma_wait3A_237 : memref<10000x128xf32, #tpu.memory_space<hbm>>) dst(%arg9 : memref<128x128xf32, #tpu.memory_space<vmem>>)
      %dma_start3A_238 = arith.constant 6 : i32
      %dma_start3A_239 = arith.constant 0 : i32
      %dma_start3A_240 = tpu.memref_slice %arg8[%rem3A_36, %dma_start3A_238, %dma_start3A_239] : memref<2x16x128xi32, #tpu.memory_space<vmem>> -> memref<1x1x128xi32, #tpu.memory_space<vmem>>
      %dma_start3A_241 = tpu.memref_squeeze %dma_start3A_240 : memref<1x1x128xi32, #tpu.memory_space<vmem>> -> memref<128xi32, #tpu.memory_space<vmem>>
      %dma_start3A_242 = arith.constant 0 : i32
      %dma_start3A_243 = arith.constant 0 : i32
      %dma_start3A_244 = tpu.memref_slice %arg6[%dma_start3A_242, %dma_start3A_243] : memref<10512x128xf32, #tpu.memory_space<vmem_shared>> -> memref<10512x128xf32, #tpu.memory_space<vmem_shared>>
      tpu.enqueue_indirect_dma source(%arg9 : memref<128x128xf32, #tpu.memory_space<vmem>>) target(%dma_start3A_244 : memref<10512x128xf32, #tpu.memory_space<vmem_shared>>) offsets(%dma_start3A_241 : memref<128xi32, #tpu.memory_space<vmem>>) semaphore(%arg14 : memref<!tpu.dma_semaphore, #tpu.memory_space<semaphore_mem>>) {add = true}
      %dma_wait3A_245 = arith.constant 6 : i32
      %dma_wait3A_246 = arith.constant 0 : i32
      %dma_wait3A_247 = tpu.memref_slice %arg8[%rem3A_36, %dma_wait3A_245, %dma_wait3A_246] : memref<2x16x128xi32, #tpu.memory_space<vmem>> -> memref<1x1x128xi32, #tpu.memory_space<vmem>>
      %dma_wait3A_248 = tpu.memref_squeeze %dma_wait3A_247 : memref<1x1x128xi32, #tpu.memory_space<vmem>> -> memref<128xi32, #tpu.memory_space<vmem>>
      %dma_wait3A_249 = arith.constant 0 : i32
      %dma_wait3A_250 = arith.constant 0 : i32
      %dma_wait3A_251 = tpu.memref_slice %arg6[%dma_wait3A_249, %dma_wait3A_250] : memref<10512x128xf32, #tpu.memory_space<vmem_shared>> -> memref<10512x128xf32, #tpu.memory_space<vmem_shared>>
      tpu.wait_indirect_dma semaphore(%arg14 : memref<!tpu.dma_semaphore, #tpu.memory_space<semaphore_mem>>) src(%arg9 : memref<128x128xf32, #tpu.memory_space<vmem>>) dst(%dma_wait3A_251 : memref<10512x128xf32, #tpu.memory_space<vmem_shared>>)
      %dma_start3A_252 = arith.constant 8 : i32
      %dma_start3A_253 = arith.constant 0 : i32
      %dma_start3A_254 = tpu.memref_slice %arg7[%rem3A_36, %dma_start3A_252, %dma_start3A_253] : memref<2x16x128xi32, #tpu.memory_space<vmem>> -> memref<1x1x128xi32, #tpu.memory_space<vmem>>
      %dma_start3A_255 = tpu.memref_squeeze %dma_start3A_254 : memref<1x1x128xi32, #tpu.memory_space<vmem>> -> memref<128xi32, #tpu.memory_space<vmem>>
      %dma_start3A_256 = arith.constant 0 : i32
      %dma_start3A_257 = arith.constant 0 : i32
      %dma_start3A_258 = tpu.memref_slice %arg2[%dma_start3A_256, %dma_start3A_257] : memref<10000x128xf32, #tpu.memory_space<hbm>> -> memref<10000x128xf32, #tpu.memory_space<hbm>>
      tpu.enqueue_indirect_dma source(%dma_start3A_258 : memref<10000x128xf32, #tpu.memory_space<hbm>>) target(%arg9 : memref<128x128xf32, #tpu.memory_space<vmem>>) offsets(%dma_start3A_255 : memref<128xi32, #tpu.memory_space<vmem>>) semaphore(%arg12 : memref<!tpu.dma_semaphore, #tpu.memory_space<semaphore_mem>>)
      %dma_wait3A_259 = arith.constant 7 : i32
      %dma_wait3A_260 = arith.constant 0 : i32
      %dma_wait3A_261 = tpu.memref_slice %arg7[%rem3A_36, %dma_wait3A_259, %dma_wait3A_260] : memref<2x16x128xi32, #tpu.memory_space<vmem>> -> memref<1x1x128xi32, #tpu.memory_space<vmem>>
      %dma_wait3A_262 = tpu.memref_squeeze %dma_wait3A_261 : memref<1x1x128xi32, #tpu.memory_space<vmem>> -> memref<128xi32, #tpu.memory_space<vmem>>
      %dma_wait3A_263 = arith.constant 0 : i32
      %dma_wait3A_264 = arith.constant 0 : i32
      %dma_wait3A_265 = tpu.memref_slice %arg2[%dma_wait3A_263, %dma_wait3A_264] : memref<10000x128xf32, #tpu.memory_space<hbm>> -> memref<10000x128xf32, #tpu.memory_space<hbm>>
      tpu.wait_indirect_dma semaphore(%arg13 : memref<!tpu.dma_semaphore, #tpu.memory_space<semaphore_mem>>) src(%dma_wait3A_265 : memref<10000x128xf32, #tpu.memory_space<hbm>>) dst(%arg10 : memref<128x128xf32, #tpu.memory_space<vmem>>)
      %dma_start3A_266 = arith.constant 7 : i32
      %dma_start3A_267 = arith.constant 0 : i32
      %dma_start3A_268 = tpu.memref_slice %arg8[%rem3A_36, %dma_start3A_266, %dma_start3A_267] : memref<2x16x128xi32, #tpu.memory_space<vmem>> -> memref<1x1x128xi32, #tpu.memory_space<vmem>>
      %dma_start3A_269 = tpu.memref_squeeze %dma_start3A_268 : memref<1x1x128xi32, #tpu.memory_space<vmem>> -> memref<128xi32, #tpu.memory_space<vmem>>
      %dma_start3A_270 = arith.constant 0 : i32
      %dma_start3A_271 = arith.constant 0 : i32
      %dma_start3A_272 = tpu.memref_slice %arg6[%dma_start3A_270, %dma_start3A_271] : memref<10512x128xf32, #tpu.memory_space<vmem_shared>> -> memref<10512x128xf32, #tpu.memory_space<vmem_shared>>
      tpu.enqueue_indirect_dma source(%arg10 : memref<128x128xf32, #tpu.memory_space<vmem>>) target(%dma_start3A_272 : memref<10512x128xf32, #tpu.memory_space<vmem_shared>>) offsets(%dma_start3A_269 : memref<128xi32, #tpu.memory_space<vmem>>) semaphore(%arg15 : memref<!tpu.dma_semaphore, #tpu.memory_space<semaphore_mem>>) {add = true}
      %dma_wait3A_273 = arith.constant 7 : i32
      %dma_wait3A_274 = arith.constant 0 : i32
      %dma_wait3A_275 = tpu.memref_slice %arg8[%rem3A_36, %dma_wait3A_273, %dma_wait3A_274] : memref<2x16x128xi32, #tpu.memory_space<vmem>> -> memref<1x1x128xi32, #tpu.memory_space<vmem>>
      %dma_wait3A_276 = tpu.memref_squeeze %dma_wait3A_275 : memref<1x1x128xi32, #tpu.memory_space<vmem>> -> memref<128xi32, #tpu.memory_space<vmem>>
      %dma_wait3A_277 = arith.constant 0 : i32
      %dma_wait3A_278 = arith.constant 0 : i32
      %dma_wait3A_279 = tpu.memref_slice %arg6[%dma_wait3A_277, %dma_wait3A_278] : memref<10512x128xf32, #tpu.memory_space<vmem_shared>> -> memref<10512x128xf32, #tpu.memory_space<vmem_shared>>
      tpu.wait_indirect_dma semaphore(%arg15 : memref<!tpu.dma_semaphore, #tpu.memory_space<semaphore_mem>>) src(%arg10 : memref<128x128xf32, #tpu.memory_space<vmem>>) dst(%dma_wait3A_279 : memref<10512x128xf32, #tpu.memory_space<vmem_shared>>)
      %dma_start3A_280 = arith.constant 9 : i32
      %dma_start3A_281 = arith.constant 0 : i32
      %dma_start3A_282 = tpu.memref_slice %arg7[%rem3A_36, %dma_start3A_280, %dma_start3A_281] : memref<2x16x128xi32, #tpu.memory_space<vmem>> -> memref<1x1x128xi32, #tpu.memory_space<vmem>>
      %dma_start3A_283 = tpu.memref_squeeze %dma_start3A_282 : memref<1x1x128xi32, #tpu.memory_space<vmem>> -> memref<128xi32, #tpu.memory_space<vmem>>
      %dma_start3A_284 = arith.constant 0 : i32
      %dma_start3A_285 = arith.constant 0 : i32
      %dma_start3A_286 = tpu.memref_slice %arg2[%dma_start3A_284, %dma_start3A_285] : memref<10000x128xf32, #tpu.memory_space<hbm>> -> memref<10000x128xf32, #tpu.memory_space<hbm>>
      tpu.enqueue_indirect_dma source(%dma_start3A_286 : memref<10000x128xf32, #tpu.memory_space<hbm>>) target(%arg10 : memref<128x128xf32, #tpu.memory_space<vmem>>) offsets(%dma_start3A_283 : memref<128xi32, #tpu.memory_space<vmem>>) semaphore(%arg13 : memref<!tpu.dma_semaphore, #tpu.memory_space<semaphore_mem>>)
      %dma_wait3A_287 = arith.constant 8 : i32
      %dma_wait3A_288 = arith.constant 0 : i32
      %dma_wait3A_289 = tpu.memref_slice %arg7[%rem3A_36, %dma_wait3A_287, %dma_wait3A_288] : memref<2x16x128xi32, #tpu.memory_space<vmem>> -> memref<1x1x128xi32, #tpu.memory_space<vmem>>
      %dma_wait3A_290 = tpu.memref_squeeze %dma_wait3A_289 : memref<1x1x128xi32, #tpu.memory_space<vmem>> -> memref<128xi32, #tpu.memory_space<vmem>>
      %dma_wait3A_291 = arith.constant 0 : i32
      %dma_wait3A_292 = arith.constant 0 : i32
      %dma_wait3A_293 = tpu.memref_slice %arg2[%dma_wait3A_291, %dma_wait3A_292] : memref<10000x128xf32, #tpu.memory_space<hbm>> -> memref<10000x128xf32, #tpu.memory_space<hbm>>
      tpu.wait_indirect_dma semaphore(%arg12 : memref<!tpu.dma_semaphore, #tpu.memory_space<semaphore_mem>>) src(%dma_wait3A_293 : memref<10000x128xf32, #tpu.memory_space<hbm>>) dst(%arg9 : memref<128x128xf32, #tpu.memory_space<vmem>>)
      %dma_start3A_294 = arith.constant 8 : i32
      %dma_start3A_295 = arith.constant 0 : i32
      %dma_start3A_296 = tpu.memref_slice %arg8[%rem3A_36, %dma_start3A_294, %dma_start3A_295] : memref<2x16x128xi32, #tpu.memory_space<vmem>> -> memref<1x1x128xi32, #tpu.memory_space<vmem>>
      %dma_start3A_297 = tpu.memref_squeeze %dma_start3A_296 : memref<1x1x128xi32, #tpu.memory_space<vmem>> -> memref<128xi32, #tpu.memory_space<vmem>>
      %dma_start3A_298 = arith.constant 0 : i32
      %dma_start3A_299 = arith.constant 0 : i32
      %dma_start3A_300 = tpu.memref_slice %arg6[%dma_start3A_298, %dma_start3A_299] : memref<10512x128xf32, #tpu.memory_space<vmem_shared>> -> memref<10512x128xf32, #tpu.memory_space<vmem_shared>>
      tpu.enqueue_indirect_dma source(%arg9 : memref<128x128xf32, #tpu.memory_space<vmem>>) target(%dma_start3A_300 : memref<10512x128xf32, #tpu.memory_space<vmem_shared>>) offsets(%dma_start3A_297 : memref<128xi32, #tpu.memory_space<vmem>>) semaphore(%arg14 : memref<!tpu.dma_semaphore, #tpu.memory_space<semaphore_mem>>) {add = true}
      %dma_wait3A_301 = arith.constant 8 : i32
      %dma_wait3A_302 = arith.constant 0 : i32
      %dma_wait3A_303 = tpu.memref_slice %arg8[%rem3A_36, %dma_wait3A_301, %dma_wait3A_302] : memref<2x16x128xi32, #tpu.memory_space<vmem>> -> memref<1x1x128xi32, #tpu.memory_space<vmem>>
      %dma_wait3A_304 = tpu.memref_squeeze %dma_wait3A_303 : memref<1x1x128xi32, #tpu.memory_space<vmem>> -> memref<128xi32, #tpu.memory_space<vmem>>
      %dma_wait3A_305 = arith.constant 0 : i32
      %dma_wait3A_306 = arith.constant 0 : i32
      %dma_wait3A_307 = tpu.memref_slice %arg6[%dma_wait3A_305, %dma_wait3A_306] : memref<10512x128xf32, #tpu.memory_space<vmem_shared>> -> memref<10512x128xf32, #tpu.memory_space<vmem_shared>>
      tpu.wait_indirect_dma semaphore(%arg14 : memref<!tpu.dma_semaphore, #tpu.memory_space<semaphore_mem>>) src(%arg9 : memref<128x128xf32, #tpu.memory_space<vmem>>) dst(%dma_wait3A_307 : memref<10512x128xf32, #tpu.memory_space<vmem_shared>>)
      %dma_start3A_308 = arith.constant 10 : i32
      %dma_start3A_309 = arith.constant 0 : i32
      %dma_start3A_310 = tpu.memref_slice %arg7[%rem3A_36, %dma_start3A_308, %dma_start3A_309] : memref<2x16x128xi32, #tpu.memory_space<vmem>> -> memref<1x1x128xi32, #tpu.memory_space<vmem>>
      %dma_start3A_311 = tpu.memref_squeeze %dma_start3A_310 : memref<1x1x128xi32, #tpu.memory_space<vmem>> -> memref<128xi32, #tpu.memory_space<vmem>>
      %dma_start3A_312 = arith.constant 0 : i32
      %dma_start3A_313 = arith.constant 0 : i32
      %dma_start3A_314 = tpu.memref_slice %arg2[%dma_start3A_312, %dma_start3A_313] : memref<10000x128xf32, #tpu.memory_space<hbm>> -> memref<10000x128xf32, #tpu.memory_space<hbm>>
      tpu.enqueue_indirect_dma source(%dma_start3A_314 : memref<10000x128xf32, #tpu.memory_space<hbm>>) target(%arg9 : memref<128x128xf32, #tpu.memory_space<vmem>>) offsets(%dma_start3A_311 : memref<128xi32, #tpu.memory_space<vmem>>) semaphore(%arg12 : memref<!tpu.dma_semaphore, #tpu.memory_space<semaphore_mem>>)
      %dma_wait3A_315 = arith.constant 9 : i32
      %dma_wait3A_316 = arith.constant 0 : i32
      %dma_wait3A_317 = tpu.memref_slice %arg7[%rem3A_36, %dma_wait3A_315, %dma_wait3A_316] : memref<2x16x128xi32, #tpu.memory_space<vmem>> -> memref<1x1x128xi32, #tpu.memory_space<vmem>>
      %dma_wait3A_318 = tpu.memref_squeeze %dma_wait3A_317 : memref<1x1x128xi32, #tpu.memory_space<vmem>> -> memref<128xi32, #tpu.memory_space<vmem>>
      %dma_wait3A_319 = arith.constant 0 : i32
      %dma_wait3A_320 = arith.constant 0 : i32
      %dma_wait3A_321 = tpu.memref_slice %arg2[%dma_wait3A_319, %dma_wait3A_320] : memref<10000x128xf32, #tpu.memory_space<hbm>> -> memref<10000x128xf32, #tpu.memory_space<hbm>>
      tpu.wait_indirect_dma semaphore(%arg13 : memref<!tpu.dma_semaphore, #tpu.memory_space<semaphore_mem>>) src(%dma_wait3A_321 : memref<10000x128xf32, #tpu.memory_space<hbm>>) dst(%arg10 : memref<128x128xf32, #tpu.memory_space<vmem>>)
      %dma_start3A_322 = arith.constant 9 : i32
      %dma_start3A_323 = arith.constant 0 : i32
      %dma_start3A_324 = tpu.memref_slice %arg8[%rem3A_36, %dma_start3A_322, %dma_start3A_323] : memref<2x16x128xi32, #tpu.memory_space<vmem>> -> memref<1x1x128xi32, #tpu.memory_space<vmem>>
      %dma_start3A_325 = tpu.memref_squeeze %dma_start3A_324 : memref<1x1x128xi32, #tpu.memory_space<vmem>> -> memref<128xi32, #tpu.memory_space<vmem>>
      %dma_start3A_326 = arith.constant 0 : i32
      %dma_start3A_327 = arith.constant 0 : i32
      %dma_start3A_328 = tpu.memref_slice %arg6[%dma_start3A_326, %dma_start3A_327] : memref<10512x128xf32, #tpu.memory_space<vmem_shared>> -> memref<10512x128xf32, #tpu.memory_space<vmem_shared>>
      tpu.enqueue_indirect_dma source(%arg10 : memref<128x128xf32, #tpu.memory_space<vmem>>) target(%dma_start3A_328 : memref<10512x128xf32, #tpu.memory_space<vmem_shared>>) offsets(%dma_start3A_325 : memref<128xi32, #tpu.memory_space<vmem>>) semaphore(%arg15 : memref<!tpu.dma_semaphore, #tpu.memory_space<semaphore_mem>>) {add = true}
      %dma_wait3A_329 = arith.constant 9 : i32
      %dma_wait3A_330 = arith.constant 0 : i32
      %dma_wait3A_331 = tpu.memref_slice %arg8[%rem3A_36, %dma_wait3A_329, %dma_wait3A_330] : memref<2x16x128xi32, #tpu.memory_space<vmem>> -> memref<1x1x128xi32, #tpu.memory_space<vmem>>
      %dma_wait3A_332 = tpu.memref_squeeze %dma_wait3A_331 : memref<1x1x128xi32, #tpu.memory_space<vmem>> -> memref<128xi32, #tpu.memory_space<vmem>>
      %dma_wait3A_333 = arith.constant 0 : i32
      %dma_wait3A_334 = arith.constant 0 : i32
      %dma_wait3A_335 = tpu.memref_slice %arg6[%dma_wait3A_333, %dma_wait3A_334] : memref<10512x128xf32, #tpu.memory_space<vmem_shared>> -> memref<10512x128xf32, #tpu.memory_space<vmem_shared>>
      tpu.wait_indirect_dma semaphore(%arg15 : memref<!tpu.dma_semaphore, #tpu.memory_space<semaphore_mem>>) src(%arg10 : memref<128x128xf32, #tpu.memory_space<vmem>>) dst(%dma_wait3A_335 : memref<10512x128xf32, #tpu.memory_space<vmem_shared>>)
      %dma_start3A_336 = arith.constant 11 : i32
      %dma_start3A_337 = arith.constant 0 : i32
      %dma_start3A_338 = tpu.memref_slice %arg7[%rem3A_36, %dma_start3A_336, %dma_start3A_337] : memref<2x16x128xi32, #tpu.memory_space<vmem>> -> memref<1x1x128xi32, #tpu.memory_space<vmem>>
      %dma_start3A_339 = tpu.memref_squeeze %dma_start3A_338 : memref<1x1x128xi32, #tpu.memory_space<vmem>> -> memref<128xi32, #tpu.memory_space<vmem>>
      %dma_start3A_340 = arith.constant 0 : i32
      %dma_start3A_341 = arith.constant 0 : i32
      %dma_start3A_342 = tpu.memref_slice %arg2[%dma_start3A_340, %dma_start3A_341] : memref<10000x128xf32, #tpu.memory_space<hbm>> -> memref<10000x128xf32, #tpu.memory_space<hbm>>
      tpu.enqueue_indirect_dma source(%dma_start3A_342 : memref<10000x128xf32, #tpu.memory_space<hbm>>) target(%arg10 : memref<128x128xf32, #tpu.memory_space<vmem>>) offsets(%dma_start3A_339 : memref<128xi32, #tpu.memory_space<vmem>>) semaphore(%arg13 : memref<!tpu.dma_semaphore, #tpu.memory_space<semaphore_mem>>)
      %dma_wait3A_343 = arith.constant 10 : i32
      %dma_wait3A_344 = arith.constant 0 : i32
      %dma_wait3A_345 = tpu.memref_slice %arg7[%rem3A_36, %dma_wait3A_343, %dma_wait3A_344] : memref<2x16x128xi32, #tpu.memory_space<vmem>> -> memref<1x1x128xi32, #tpu.memory_space<vmem>>
      %dma_wait3A_346 = tpu.memref_squeeze %dma_wait3A_345 : memref<1x1x128xi32, #tpu.memory_space<vmem>> -> memref<128xi32, #tpu.memory_space<vmem>>
      %dma_wait3A_347 = arith.constant 0 : i32
      %dma_wait3A_348 = arith.constant 0 : i32
      %dma_wait3A_349 = tpu.memref_slice %arg2[%dma_wait3A_347, %dma_wait3A_348] : memref<10000x128xf32, #tpu.memory_space<hbm>> -> memref<10000x128xf32, #tpu.memory_space<hbm>>
      tpu.wait_indirect_dma semaphore(%arg12 : memref<!tpu.dma_semaphore, #tpu.memory_space<semaphore_mem>>) src(%dma_wait3A_349 : memref<10000x128xf32, #tpu.memory_space<hbm>>) dst(%arg9 : memref<128x128xf32, #tpu.memory_space<vmem>>)
      %dma_start3A_350 = arith.constant 10 : i32
      %dma_start3A_351 = arith.constant 0 : i32
      %dma_start3A_352 = tpu.memref_slice %arg8[%rem3A_36, %dma_start3A_350, %dma_start3A_351] : memref<2x16x128xi32, #tpu.memory_space<vmem>> -> memref<1x1x128xi32, #tpu.memory_space<vmem>>
      %dma_start3A_353 = tpu.memref_squeeze %dma_start3A_352 : memref<1x1x128xi32, #tpu.memory_space<vmem>> -> memref<128xi32, #tpu.memory_space<vmem>>
      %dma_start3A_354 = arith.constant 0 : i32
      %dma_start3A_355 = arith.constant 0 : i32
      %dma_start3A_356 = tpu.memref_slice %arg6[%dma_start3A_354, %dma_start3A_355] : memref<10512x128xf32, #tpu.memory_space<vmem_shared>> -> memref<10512x128xf32, #tpu.memory_space<vmem_shared>>
      tpu.enqueue_indirect_dma source(%arg9 : memref<128x128xf32, #tpu.memory_space<vmem>>) target(%dma_start3A_356 : memref<10512x128xf32, #tpu.memory_space<vmem_shared>>) offsets(%dma_start3A_353 : memref<128xi32, #tpu.memory_space<vmem>>) semaphore(%arg14 : memref<!tpu.dma_semaphore, #tpu.memory_space<semaphore_mem>>) {add = true}
      %dma_wait3A_357 = arith.constant 10 : i32
      %dma_wait3A_358 = arith.constant 0 : i32
      %dma_wait3A_359 = tpu.memref_slice %arg8[%rem3A_36, %dma_wait3A_357, %dma_wait3A_358] : memref<2x16x128xi32, #tpu.memory_space<vmem>> -> memref<1x1x128xi32, #tpu.memory_space<vmem>>
      %dma_wait3A_360 = tpu.memref_squeeze %dma_wait3A_359 : memref<1x1x128xi32, #tpu.memory_space<vmem>> -> memref<128xi32, #tpu.memory_space<vmem>>
      %dma_wait3A_361 = arith.constant 0 : i32
      %dma_wait3A_362 = arith.constant 0 : i32
      %dma_wait3A_363 = tpu.memref_slice %arg6[%dma_wait3A_361, %dma_wait3A_362] : memref<10512x128xf32, #tpu.memory_space<vmem_shared>> -> memref<10512x128xf32, #tpu.memory_space<vmem_shared>>
      tpu.wait_indirect_dma semaphore(%arg14 : memref<!tpu.dma_semaphore, #tpu.memory_space<semaphore_mem>>) src(%arg9 : memref<128x128xf32, #tpu.memory_space<vmem>>) dst(%dma_wait3A_363 : memref<10512x128xf32, #tpu.memory_space<vmem_shared>>)
      %dma_start3A_364 = arith.constant 12 : i32
      %dma_start3A_365 = arith.constant 0 : i32
      %dma_start3A_366 = tpu.memref_slice %arg7[%rem3A_36, %dma_start3A_364, %dma_start3A_365] : memref<2x16x128xi32, #tpu.memory_space<vmem>> -> memref<1x1x128xi32, #tpu.memory_space<vmem>>
      %dma_start3A_367 = tpu.memref_squeeze %dma_start3A_366 : memref<1x1x128xi32, #tpu.memory_space<vmem>> -> memref<128xi32, #tpu.memory_space<vmem>>
      %dma_start3A_368 = arith.constant 0 : i32
      %dma_start3A_369 = arith.constant 0 : i32
      %dma_start3A_370 = tpu.memref_slice %arg2[%dma_start3A_368, %dma_start3A_369] : memref<10000x128xf32, #tpu.memory_space<hbm>> -> memref<10000x128xf32, #tpu.memory_space<hbm>>
      tpu.enqueue_indirect_dma source(%dma_start3A_370 : memref<10000x128xf32, #tpu.memory_space<hbm>>) target(%arg9 : memref<128x128xf32, #tpu.memory_space<vmem>>) offsets(%dma_start3A_367 : memref<128xi32, #tpu.memory_space<vmem>>) semaphore(%arg12 : memref<!tpu.dma_semaphore, #tpu.memory_space<semaphore_mem>>)
      %dma_wait3A_371 = arith.constant 11 : i32
      %dma_wait3A_372 = arith.constant 0 : i32
      %dma_wait3A_373 = tpu.memref_slice %arg7[%rem3A_36, %dma_wait3A_371, %dma_wait3A_372] : memref<2x16x128xi32, #tpu.memory_space<vmem>> -> memref<1x1x128xi32, #tpu.memory_space<vmem>>
      %dma_wait3A_374 = tpu.memref_squeeze %dma_wait3A_373 : memref<1x1x128xi32, #tpu.memory_space<vmem>> -> memref<128xi32, #tpu.memory_space<vmem>>
      %dma_wait3A_375 = arith.constant 0 : i32
      %dma_wait3A_376 = arith.constant 0 : i32
      %dma_wait3A_377 = tpu.memref_slice %arg2[%dma_wait3A_375, %dma_wait3A_376] : memref<10000x128xf32, #tpu.memory_space<hbm>> -> memref<10000x128xf32, #tpu.memory_space<hbm>>
      tpu.wait_indirect_dma semaphore(%arg13 : memref<!tpu.dma_semaphore, #tpu.memory_space<semaphore_mem>>) src(%dma_wait3A_377 : memref<10000x128xf32, #tpu.memory_space<hbm>>) dst(%arg10 : memref<128x128xf32, #tpu.memory_space<vmem>>)
      %dma_start3A_378 = arith.constant 11 : i32
      %dma_start3A_379 = arith.constant 0 : i32
      %dma_start3A_380 = tpu.memref_slice %arg8[%rem3A_36, %dma_start3A_378, %dma_start3A_379] : memref<2x16x128xi32, #tpu.memory_space<vmem>> -> memref<1x1x128xi32, #tpu.memory_space<vmem>>
      %dma_start3A_381 = tpu.memref_squeeze %dma_start3A_380 : memref<1x1x128xi32, #tpu.memory_space<vmem>> -> memref<128xi32, #tpu.memory_space<vmem>>
      %dma_start3A_382 = arith.constant 0 : i32
      %dma_start3A_383 = arith.constant 0 : i32
      %dma_start3A_384 = tpu.memref_slice %arg6[%dma_start3A_382, %dma_start3A_383] : memref<10512x128xf32, #tpu.memory_space<vmem_shared>> -> memref<10512x128xf32, #tpu.memory_space<vmem_shared>>
      tpu.enqueue_indirect_dma source(%arg10 : memref<128x128xf32, #tpu.memory_space<vmem>>) target(%dma_start3A_384 : memref<10512x128xf32, #tpu.memory_space<vmem_shared>>) offsets(%dma_start3A_381 : memref<128xi32, #tpu.memory_space<vmem>>) semaphore(%arg15 : memref<!tpu.dma_semaphore, #tpu.memory_space<semaphore_mem>>) {add = true}
      %dma_wait3A_385 = arith.constant 11 : i32
      %dma_wait3A_386 = arith.constant 0 : i32
      %dma_wait3A_387 = tpu.memref_slice %arg8[%rem3A_36, %dma_wait3A_385, %dma_wait3A_386] : memref<2x16x128xi32, #tpu.memory_space<vmem>> -> memref<1x1x128xi32, #tpu.memory_space<vmem>>
      %dma_wait3A_388 = tpu.memref_squeeze %dma_wait3A_387 : memref<1x1x128xi32, #tpu.memory_space<vmem>> -> memref<128xi32, #tpu.memory_space<vmem>>
      %dma_wait3A_389 = arith.constant 0 : i32
      %dma_wait3A_390 = arith.constant 0 : i32
      %dma_wait3A_391 = tpu.memref_slice %arg6[%dma_wait3A_389, %dma_wait3A_390] : memref<10512x128xf32, #tpu.memory_space<vmem_shared>> -> memref<10512x128xf32, #tpu.memory_space<vmem_shared>>
      tpu.wait_indirect_dma semaphore(%arg15 : memref<!tpu.dma_semaphore, #tpu.memory_space<semaphore_mem>>) src(%arg10 : memref<128x128xf32, #tpu.memory_space<vmem>>) dst(%dma_wait3A_391 : memref<10512x128xf32, #tpu.memory_space<vmem_shared>>)
      %dma_start3A_392 = arith.constant 13 : i32
      %dma_start3A_393 = arith.constant 0 : i32
      %dma_start3A_394 = tpu.memref_slice %arg7[%rem3A_36, %dma_start3A_392, %dma_start3A_393] : memref<2x16x128xi32, #tpu.memory_space<vmem>> -> memref<1x1x128xi32, #tpu.memory_space<vmem>>
      %dma_start3A_395 = tpu.memref_squeeze %dma_start3A_394 : memref<1x1x128xi32, #tpu.memory_space<vmem>> -> memref<128xi32, #tpu.memory_space<vmem>>
      %dma_start3A_396 = arith.constant 0 : i32
      %dma_start3A_397 = arith.constant 0 : i32
      %dma_start3A_398 = tpu.memref_slice %arg2[%dma_start3A_396, %dma_start3A_397] : memref<10000x128xf32, #tpu.memory_space<hbm>> -> memref<10000x128xf32, #tpu.memory_space<hbm>>
      tpu.enqueue_indirect_dma source(%dma_start3A_398 : memref<10000x128xf32, #tpu.memory_space<hbm>>) target(%arg10 : memref<128x128xf32, #tpu.memory_space<vmem>>) offsets(%dma_start3A_395 : memref<128xi32, #tpu.memory_space<vmem>>) semaphore(%arg13 : memref<!tpu.dma_semaphore, #tpu.memory_space<semaphore_mem>>)
      %dma_wait3A_399 = arith.constant 12 : i32
      %dma_wait3A_400 = arith.constant 0 : i32
      %dma_wait3A_401 = tpu.memref_slice %arg7[%rem3A_36, %dma_wait3A_399, %dma_wait3A_400] : memref<2x16x128xi32, #tpu.memory_space<vmem>> -> memref<1x1x128xi32, #tpu.memory_space<vmem>>
      %dma_wait3A_402 = tpu.memref_squeeze %dma_wait3A_401 : memref<1x1x128xi32, #tpu.memory_space<vmem>> -> memref<128xi32, #tpu.memory_space<vmem>>
      %dma_wait3A_403 = arith.constant 0 : i32
      %dma_wait3A_404 = arith.constant 0 : i32
      %dma_wait3A_405 = tpu.memref_slice %arg2[%dma_wait3A_403, %dma_wait3A_404] : memref<10000x128xf32, #tpu.memory_space<hbm>> -> memref<10000x128xf32, #tpu.memory_space<hbm>>
      tpu.wait_indirect_dma semaphore(%arg12 : memref<!tpu.dma_semaphore, #tpu.memory_space<semaphore_mem>>) src(%dma_wait3A_405 : memref<10000x128xf32, #tpu.memory_space<hbm>>) dst(%arg9 : memref<128x128xf32, #tpu.memory_space<vmem>>)
      %dma_start3A_406 = arith.constant 12 : i32
      %dma_start3A_407 = arith.constant 0 : i32
      %dma_start3A_408 = tpu.memref_slice %arg8[%rem3A_36, %dma_start3A_406, %dma_start3A_407] : memref<2x16x128xi32, #tpu.memory_space<vmem>> -> memref<1x1x128xi32, #tpu.memory_space<vmem>>
      %dma_start3A_409 = tpu.memref_squeeze %dma_start3A_408 : memref<1x1x128xi32, #tpu.memory_space<vmem>> -> memref<128xi32, #tpu.memory_space<vmem>>
      %dma_start3A_410 = arith.constant 0 : i32
      %dma_start3A_411 = arith.constant 0 : i32
      %dma_start3A_412 = tpu.memref_slice %arg6[%dma_start3A_410, %dma_start3A_411] : memref<10512x128xf32, #tpu.memory_space<vmem_shared>> -> memref<10512x128xf32, #tpu.memory_space<vmem_shared>>
      tpu.enqueue_indirect_dma source(%arg9 : memref<128x128xf32, #tpu.memory_space<vmem>>) target(%dma_start3A_412 : memref<10512x128xf32, #tpu.memory_space<vmem_shared>>) offsets(%dma_start3A_409 : memref<128xi32, #tpu.memory_space<vmem>>) semaphore(%arg14 : memref<!tpu.dma_semaphore, #tpu.memory_space<semaphore_mem>>) {add = true}
      %dma_wait3A_413 = arith.constant 12 : i32
      %dma_wait3A_414 = arith.constant 0 : i32
      %dma_wait3A_415 = tpu.memref_slice %arg8[%rem3A_36, %dma_wait3A_413, %dma_wait3A_414] : memref<2x16x128xi32, #tpu.memory_space<vmem>> -> memref<1x1x128xi32, #tpu.memory_space<vmem>>
      %dma_wait3A_416 = tpu.memref_squeeze %dma_wait3A_415 : memref<1x1x128xi32, #tpu.memory_space<vmem>> -> memref<128xi32, #tpu.memory_space<vmem>>
      %dma_wait3A_417 = arith.constant 0 : i32
      %dma_wait3A_418 = arith.constant 0 : i32
      %dma_wait3A_419 = tpu.memref_slice %arg6[%dma_wait3A_417, %dma_wait3A_418] : memref<10512x128xf32, #tpu.memory_space<vmem_shared>> -> memref<10512x128xf32, #tpu.memory_space<vmem_shared>>
      tpu.wait_indirect_dma semaphore(%arg14 : memref<!tpu.dma_semaphore, #tpu.memory_space<semaphore_mem>>) src(%arg9 : memref<128x128xf32, #tpu.memory_space<vmem>>) dst(%dma_wait3A_419 : memref<10512x128xf32, #tpu.memory_space<vmem_shared>>)
      %dma_start3A_420 = arith.constant 14 : i32
      %dma_start3A_421 = arith.constant 0 : i32
      %dma_start3A_422 = tpu.memref_slice %arg7[%rem3A_36, %dma_start3A_420, %dma_start3A_421] : memref<2x16x128xi32, #tpu.memory_space<vmem>> -> memref<1x1x128xi32, #tpu.memory_space<vmem>>
      %dma_start3A_423 = tpu.memref_squeeze %dma_start3A_422 : memref<1x1x128xi32, #tpu.memory_space<vmem>> -> memref<128xi32, #tpu.memory_space<vmem>>
      %dma_start3A_424 = arith.constant 0 : i32
      %dma_start3A_425 = arith.constant 0 : i32
      %dma_start3A_426 = tpu.memref_slice %arg2[%dma_start3A_424, %dma_start3A_425] : memref<10000x128xf32, #tpu.memory_space<hbm>> -> memref<10000x128xf32, #tpu.memory_space<hbm>>
      tpu.enqueue_indirect_dma source(%dma_start3A_426 : memref<10000x128xf32, #tpu.memory_space<hbm>>) target(%arg9 : memref<128x128xf32, #tpu.memory_space<vmem>>) offsets(%dma_start3A_423 : memref<128xi32, #tpu.memory_space<vmem>>) semaphore(%arg12 : memref<!tpu.dma_semaphore, #tpu.memory_space<semaphore_mem>>)
      %dma_wait3A_427 = arith.constant 13 : i32
      %dma_wait3A_428 = arith.constant 0 : i32
      %dma_wait3A_429 = tpu.memref_slice %arg7[%rem3A_36, %dma_wait3A_427, %dma_wait3A_428] : memref<2x16x128xi32, #tpu.memory_space<vmem>> -> memref<1x1x128xi32, #tpu.memory_space<vmem>>
      %dma_wait3A_430 = tpu.memref_squeeze %dma_wait3A_429 : memref<1x1x128xi32, #tpu.memory_space<vmem>> -> memref<128xi32, #tpu.memory_space<vmem>>
      %dma_wait3A_431 = arith.constant 0 : i32
      %dma_wait3A_432 = arith.constant 0 : i32
      %dma_wait3A_433 = tpu.memref_slice %arg2[%dma_wait3A_431, %dma_wait3A_432] : memref<10000x128xf32, #tpu.memory_space<hbm>> -> memref<10000x128xf32, #tpu.memory_space<hbm>>
      tpu.wait_indirect_dma semaphore(%arg13 : memref<!tpu.dma_semaphore, #tpu.memory_space<semaphore_mem>>) src(%dma_wait3A_433 : memref<10000x128xf32, #tpu.memory_space<hbm>>) dst(%arg10 : memref<128x128xf32, #tpu.memory_space<vmem>>)
      %dma_start3A_434 = arith.constant 13 : i32
      %dma_start3A_435 = arith.constant 0 : i32
      %dma_start3A_436 = tpu.memref_slice %arg8[%rem3A_36, %dma_start3A_434, %dma_start3A_435] : memref<2x16x128xi32, #tpu.memory_space<vmem>> -> memref<1x1x128xi32, #tpu.memory_space<vmem>>
      %dma_start3A_437 = tpu.memref_squeeze %dma_start3A_436 : memref<1x1x128xi32, #tpu.memory_space<vmem>> -> memref<128xi32, #tpu.memory_space<vmem>>
      %dma_start3A_438 = arith.constant 0 : i32
      %dma_start3A_439 = arith.constant 0 : i32
      %dma_start3A_440 = tpu.memref_slice %arg6[%dma_start3A_438, %dma_start3A_439] : memref<10512x128xf32, #tpu.memory_space<vmem_shared>> -> memref<10512x128xf32, #tpu.memory_space<vmem_shared>>
      tpu.enqueue_indirect_dma source(%arg10 : memref<128x128xf32, #tpu.memory_space<vmem>>) target(%dma_start3A_440 : memref<10512x128xf32, #tpu.memory_space<vmem_shared>>) offsets(%dma_start3A_437 : memref<128xi32, #tpu.memory_space<vmem>>) semaphore(%arg15 : memref<!tpu.dma_semaphore, #tpu.memory_space<semaphore_mem>>) {add = true}
      %dma_wait3A_441 = arith.constant 13 : i32
      %dma_wait3A_442 = arith.constant 0 : i32
      %dma_wait3A_443 = tpu.memref_slice %arg8[%rem3A_36, %dma_wait3A_441, %dma_wait3A_442] : memref<2x16x128xi32, #tpu.memory_space<vmem>> -> memref<1x1x128xi32, #tpu.memory_space<vmem>>
      %dma_wait3A_444 = tpu.memref_squeeze %dma_wait3A_443 : memref<1x1x128xi32, #tpu.memory_space<vmem>> -> memref<128xi32, #tpu.memory_space<vmem>>
      %dma_wait3A_445 = arith.constant 0 : i32
      %dma_wait3A_446 = arith.constant 0 : i32
      %dma_wait3A_447 = tpu.memref_slice %arg6[%dma_wait3A_445, %dma_wait3A_446] : memref<10512x128xf32, #tpu.memory_space<vmem_shared>> -> memref<10512x128xf32, #tpu.memory_space<vmem_shared>>
      tpu.wait_indirect_dma semaphore(%arg15 : memref<!tpu.dma_semaphore, #tpu.memory_space<semaphore_mem>>) src(%arg10 : memref<128x128xf32, #tpu.memory_space<vmem>>) dst(%dma_wait3A_447 : memref<10512x128xf32, #tpu.memory_space<vmem_shared>>)
      %dma_start3A_448 = arith.constant 15 : i32
      %dma_start3A_449 = arith.constant 0 : i32
      %dma_start3A_450 = tpu.memref_slice %arg7[%rem3A_36, %dma_start3A_448, %dma_start3A_449] : memref<2x16x128xi32, #tpu.memory_space<vmem>> -> memref<1x1x128xi32, #tpu.memory_space<vmem>>
      %dma_start3A_451 = tpu.memref_squeeze %dma_start3A_450 : memref<1x1x128xi32, #tpu.memory_space<vmem>> -> memref<128xi32, #tpu.memory_space<vmem>>
      %dma_start3A_452 = arith.constant 0 : i32
      %dma_start3A_453 = arith.constant 0 : i32
      %dma_start3A_454 = tpu.memref_slice %arg2[%dma_start3A_452, %dma_start3A_453] : memref<10000x128xf32, #tpu.memory_space<hbm>> -> memref<10000x128xf32, #tpu.memory_space<hbm>>
      tpu.enqueue_indirect_dma source(%dma_start3A_454 : memref<10000x128xf32, #tpu.memory_space<hbm>>) target(%arg10 : memref<128x128xf32, #tpu.memory_space<vmem>>) offsets(%dma_start3A_451 : memref<128xi32, #tpu.memory_space<vmem>>) semaphore(%arg13 : memref<!tpu.dma_semaphore, #tpu.memory_space<semaphore_mem>>)
      %dma_wait3A_455 = arith.constant 14 : i32
      %dma_wait3A_456 = arith.constant 0 : i32
      %dma_wait3A_457 = tpu.memref_slice %arg7[%rem3A_36, %dma_wait3A_455, %dma_wait3A_456] : memref<2x16x128xi32, #tpu.memory_space<vmem>> -> memref<1x1x128xi32, #tpu.memory_space<vmem>>
      %dma_wait3A_458 = tpu.memref_squeeze %dma_wait3A_457 : memref<1x1x128xi32, #tpu.memory_space<vmem>> -> memref<128xi32, #tpu.memory_space<vmem>>
      %dma_wait3A_459 = arith.constant 0 : i32
      %dma_wait3A_460 = arith.constant 0 : i32
      %dma_wait3A_461 = tpu.memref_slice %arg2[%dma_wait3A_459, %dma_wait3A_460] : memref<10000x128xf32, #tpu.memory_space<hbm>> -> memref<10000x128xf32, #tpu.memory_space<hbm>>
      tpu.wait_indirect_dma semaphore(%arg12 : memref<!tpu.dma_semaphore, #tpu.memory_space<semaphore_mem>>) src(%dma_wait3A_461 : memref<10000x128xf32, #tpu.memory_space<hbm>>) dst(%arg9 : memref<128x128xf32, #tpu.memory_space<vmem>>)
      %dma_start3A_462 = arith.constant 14 : i32
      %dma_start3A_463 = arith.constant 0 : i32
      %dma_start3A_464 = tpu.memref_slice %arg8[%rem3A_36, %dma_start3A_462, %dma_start3A_463] : memref<2x16x128xi32, #tpu.memory_space<vmem>> -> memref<1x1x128xi32, #tpu.memory_space<vmem>>
      %dma_start3A_465 = tpu.memref_squeeze %dma_start3A_464 : memref<1x1x128xi32, #tpu.memory_space<vmem>> -> memref<128xi32, #tpu.memory_space<vmem>>
      %dma_start3A_466 = arith.constant 0 : i32
      %dma_start3A_467 = arith.constant 0 : i32
      %dma_start3A_468 = tpu.memref_slice %arg6[%dma_start3A_466, %dma_start3A_467] : memref<10512x128xf32, #tpu.memory_space<vmem_shared>> -> memref<10512x128xf32, #tpu.memory_space<vmem_shared>>
      tpu.enqueue_indirect_dma source(%arg9 : memref<128x128xf32, #tpu.memory_space<vmem>>) target(%dma_start3A_468 : memref<10512x128xf32, #tpu.memory_space<vmem_shared>>) offsets(%dma_start3A_465 : memref<128xi32, #tpu.memory_space<vmem>>) semaphore(%arg14 : memref<!tpu.dma_semaphore, #tpu.memory_space<semaphore_mem>>) {add = true}
      %dma_wait3A_469 = arith.constant 14 : i32
      %dma_wait3A_470 = arith.constant 0 : i32
      %dma_wait3A_471 = tpu.memref_slice %arg8[%rem3A_36, %dma_wait3A_469, %dma_wait3A_470] : memref<2x16x128xi32, #tpu.memory_space<vmem>> -> memref<1x1x128xi32, #tpu.memory_space<vmem>>
      %dma_wait3A_472 = tpu.memref_squeeze %dma_wait3A_471 : memref<1x1x128xi32, #tpu.memory_space<vmem>> -> memref<128xi32, #tpu.memory_space<vmem>>
      %dma_wait3A_473 = arith.constant 0 : i32
      %dma_wait3A_474 = arith.constant 0 : i32
      %dma_wait3A_475 = tpu.memref_slice %arg6[%dma_wait3A_473, %dma_wait3A_474] : memref<10512x128xf32, #tpu.memory_space<vmem_shared>> -> memref<10512x128xf32, #tpu.memory_space<vmem_shared>>
      tpu.wait_indirect_dma semaphore(%arg14 : memref<!tpu.dma_semaphore, #tpu.memory_space<semaphore_mem>>) src(%arg9 : memref<128x128xf32, #tpu.memory_space<vmem>>) dst(%dma_wait3A_475 : memref<10512x128xf32, #tpu.memory_space<vmem_shared>>)
      %dma_wait3A_476 = arith.constant 15 : i32
      %dma_wait3A_477 = arith.constant 0 : i32
      %dma_wait3A_478 = tpu.memref_slice %arg7[%rem3A_36, %dma_wait3A_476, %dma_wait3A_477] : memref<2x16x128xi32, #tpu.memory_space<vmem>> -> memref<1x1x128xi32, #tpu.memory_space<vmem>>
      %dma_wait3A_479 = tpu.memref_squeeze %dma_wait3A_478 : memref<1x1x128xi32, #tpu.memory_space<vmem>> -> memref<128xi32, #tpu.memory_space<vmem>>
      %dma_wait3A_480 = arith.constant 0 : i32
      %dma_wait3A_481 = arith.constant 0 : i32
      %dma_wait3A_482 = tpu.memref_slice %arg2[%dma_wait3A_480, %dma_wait3A_481] : memref<10000x128xf32, #tpu.memory_space<hbm>> -> memref<10000x128xf32, #tpu.memory_space<hbm>>
      tpu.wait_indirect_dma semaphore(%arg13 : memref<!tpu.dma_semaphore, #tpu.memory_space<semaphore_mem>>) src(%dma_wait3A_482 : memref<10000x128xf32, #tpu.memory_space<hbm>>) dst(%arg10 : memref<128x128xf32, #tpu.memory_space<vmem>>)
      %dma_start3A_483 = arith.constant 15 : i32
      %dma_start3A_484 = arith.constant 0 : i32
      %dma_start3A_485 = tpu.memref_slice %arg8[%rem3A_36, %dma_start3A_483, %dma_start3A_484] : memref<2x16x128xi32, #tpu.memory_space<vmem>> -> memref<1x1x128xi32, #tpu.memory_space<vmem>>
      %dma_start3A_486 = tpu.memref_squeeze %dma_start3A_485 : memref<1x1x128xi32, #tpu.memory_space<vmem>> -> memref<128xi32, #tpu.memory_space<vmem>>
      %dma_start3A_487 = arith.constant 0 : i32
      %dma_start3A_488 = arith.constant 0 : i32
      %dma_start3A_489 = tpu.memref_slice %arg6[%dma_start3A_487, %dma_start3A_488] : memref<10512x128xf32, #tpu.memory_space<vmem_shared>> -> memref<10512x128xf32, #tpu.memory_space<vmem_shared>>
      tpu.enqueue_indirect_dma source(%arg10 : memref<128x128xf32, #tpu.memory_space<vmem>>) target(%dma_start3A_489 : memref<10512x128xf32, #tpu.memory_space<vmem_shared>>) offsets(%dma_start3A_486 : memref<128xi32, #tpu.memory_space<vmem>>) semaphore(%arg15 : memref<!tpu.dma_semaphore, #tpu.memory_space<semaphore_mem>>) {add = true}
      %dma_wait3A_490 = arith.constant 15 : i32
      %dma_wait3A_491 = arith.constant 0 : i32
      %dma_wait3A_492 = tpu.memref_slice %arg8[%rem3A_36, %dma_wait3A_490, %dma_wait3A_491] : memref<2x16x128xi32, #tpu.memory_space<vmem>> -> memref<1x1x128xi32, #tpu.memory_space<vmem>>
      %dma_wait3A_493 = tpu.memref_squeeze %dma_wait3A_492 : memref<1x1x128xi32, #tpu.memory_space<vmem>> -> memref<128xi32, #tpu.memory_space<vmem>>
      %dma_wait3A_494 = arith.constant 0 : i32
      %dma_wait3A_495 = arith.constant 0 : i32
      %dma_wait3A_496 = tpu.memref_slice %arg6[%dma_wait3A_494, %dma_wait3A_495] : memref<10512x128xf32, #tpu.memory_space<vmem_shared>> -> memref<10512x128xf32, #tpu.memory_space<vmem_shared>>
      tpu.wait_indirect_dma semaphore(%arg15 : memref<!tpu.dma_semaphore, #tpu.memory_space<semaphore_mem>>) src(%arg10 : memref<128x128xf32, #tpu.memory_space<vmem>>) dst(%dma_wait3A_496 : memref<10512x128xf32, #tpu.memory_space<vmem_shared>>)
    }
    %scan3A_22 = arith.constant 5 : i32
    %barrier3A_23 = arith.constant 0 : index
    tpu.barrier barrier_id(%barrier3A_23)
    %mul3A_24 = arith.constant 656 : i32
    %mul3A_25 = arith.muli %arg1, %mul3A_24 : i32
    "tpu.region"() ({
      %run_scoped3A_31 = tpu.sem_alloc : memref<!tpu.dma_semaphore, #tpu.memory_space<semaphore_mem>>
      %dma_start3A = arith.constant 0 : i32
      %dma_start3A_32 = tpu.memref_slice %arg5[%arg0, %mul3A_25, %dma_start3A] : memref<2x10512x128xf32, #tpu.memory_space<hbm>> -> memref<1x656x128xf32, #tpu.memory_space<hbm>>
      %dma_start3A_33 = tpu.memref_squeeze %dma_start3A_32 : memref<1x656x128xf32, #tpu.memory_space<hbm>> -> memref<656x128xf32, #tpu.memory_space<hbm>>
      %dma_start3A_34 = arith.constant 0 : i32
      %dma_start3A_35 = tpu.memref_slice %arg6[%mul3A_25, %dma_start3A_34] : memref<10512x128xf32, #tpu.memory_space<vmem_shared>> -> memref<656x128xf32, #tpu.memory_space<vmem_shared>>
      tpu.enqueue_dma source(%dma_start3A_35 : memref<656x128xf32, #tpu.memory_space<vmem_shared>>) target(%dma_start3A_33 : memref<656x128xf32, #tpu.memory_space<hbm>>) target_semaphore(%run_scoped3A_31 : memref<!tpu.dma_semaphore, #tpu.memory_space<semaphore_mem>>)
      %dma_wait3A = arith.constant 0 : i32
      %dma_wait3A_36 = tpu.memref_slice %arg5[%arg0, %mul3A_25, %dma_wait3A] : memref<2x10512x128xf32, #tpu.memory_space<hbm>> -> memref<1x656x128xf32, #tpu.memory_space<hbm>>
      %dma_wait3A_37 = tpu.memref_squeeze %dma_wait3A_36 : memref<1x656x128xf32, #tpu.memory_space<hbm>> -> memref<656x128xf32, #tpu.memory_space<hbm>>
      %dma_wait3A_38 = arith.constant 0 : i32
      %dma_wait3A_39 = tpu.memref_slice %arg6[%mul3A_25, %dma_wait3A_38] : memref<10512x128xf32, #tpu.memory_space<vmem_shared>> -> memref<656x128xf32, #tpu.memory_space<vmem_shared>>
      tpu.wait_dma2 semaphore(%run_scoped3A_31 : memref<!tpu.dma_semaphore, #tpu.memory_space<semaphore_mem>>) src(%dma_wait3A_39 : memref<656x128xf32, #tpu.memory_space<vmem_shared>>) dst(%dma_wait3A_37 : memref<656x128xf32, #tpu.memory_space<hbm>>)
      tpu.yield
    }) : () -> ()
    %eq3A_26 = arith.constant 15 : i32
    %eq3A_27 = arith.cmpi eq, %arg1, %eq3A_26 : i32
    %convert_element_type3A_28 = arith.extui %eq3A_27 : i1 to i32
    %cond3A_29 = arith.constant 0 : i32
    %cond3A_30 = arith.cmpi ne, %convert_element_type3A_28, %cond3A_29 : i32
    scf.if %cond3A_30 {
      "tpu.region"() ({
        %run_scoped3A_31 = tpu.sem_alloc : memref<!tpu.dma_semaphore, #tpu.memory_space<semaphore_mem>>
        %dma_start3A = arith.constant 10496 : i32
        %dma_start3A_32 = arith.constant 0 : i32
        %dma_start3A_33 = tpu.memref_slice %arg5[%arg0, %dma_start3A, %dma_start3A_32] : memref<2x10512x128xf32, #tpu.memory_space<hbm>> -> memref<1x16x128xf32, #tpu.memory_space<hbm>>
        %dma_start3A_34 = tpu.memref_squeeze %dma_start3A_33 : memref<1x16x128xf32, #tpu.memory_space<hbm>> -> memref<16x128xf32, #tpu.memory_space<hbm>>
        %dma_start3A_35 = arith.constant 10496 : i32
        %dma_start3A_36 = arith.constant 0 : i32
        %dma_start3A_37 = tpu.memref_slice %arg6[%dma_start3A_35, %dma_start3A_36] : memref<10512x128xf32, #tpu.memory_space<vmem_shared>> -> memref<16x128xf32, #tpu.memory_space<vmem_shared>>
        tpu.enqueue_dma source(%dma_start3A_37 : memref<16x128xf32, #tpu.memory_space<vmem_shared>>) target(%dma_start3A_34 : memref<16x128xf32, #tpu.memory_space<hbm>>) target_semaphore(%run_scoped3A_31 : memref<!tpu.dma_semaphore, #tpu.memory_space<semaphore_mem>>)
        %dma_wait3A = arith.constant 10496 : i32
        %dma_wait3A_38 = arith.constant 0 : i32
        %dma_wait3A_39 = tpu.memref_slice %arg5[%arg0, %dma_wait3A, %dma_wait3A_38] : memref<2x10512x128xf32, #tpu.memory_space<hbm>> -> memref<1x16x128xf32, #tpu.memory_space<hbm>>
        %dma_wait3A_40 = tpu.memref_squeeze %dma_wait3A_39 : memref<1x16x128xf32, #tpu.memory_space<hbm>> -> memref<16x128xf32, #tpu.memory_space<hbm>>
        %dma_wait3A_41 = arith.constant 10496 : i32
        %dma_wait3A_42 = arith.constant 0 : i32
        %dma_wait3A_43 = tpu.memref_slice %arg6[%dma_wait3A_41, %dma_wait3A_42] : memref<10512x128xf32, #tpu.memory_space<vmem_shared>> -> memref<16x128xf32, #tpu.memory_space<vmem_shared>>
        tpu.wait_dma2 semaphore(%run_scoped3A_31 : memref<!tpu.dma_semaphore, #tpu.memory_space<semaphore_mem>>) src(%dma_wait3A_43 : memref<16x128xf32, #tpu.memory_space<vmem_shared>>) dst(%dma_wait3A_40 : memref<16x128xf32, #tpu.memory_space<hbm>>)
        tpu.yield
      }) : () -> ()
    } else {
    }
    return
  }
}

module attributes {stable_mosaic.version = 14 : i64} {
  func.func @_prep_body(%arg0: memref<2x320000xi32, #tpu.memory_space<vmem>>, %arg1: memref<2560x128xi32, #tpu.memory_space<vmem>>, %arg2: memref<2560x128xi32, #tpu.memory_space<vmem>>) attributes {dimension_semantics = [], scalar_prefetch = 0 : i64, scratch_operands = 0 : i64, tpu.core_type = #tpu.core_type<tc>} {
    %get3A = arith.constant 0 : index
    %get3A_0 = arith.constant 0 : index
    %get3A_1 = vector.load %arg0[%get3A, %get3A_0] : memref<2x320000xi32, #tpu.memory_space<vmem>>, vector<1x320000xi32>
    %get3A_2 = vector.shape_cast %get3A_1 : vector<1x320000xi32> to vector<320000xi32>
    %reshape3A = vector.shape_cast %get3A_2 : vector<320000xi32> to vector<2500x128xi32>
    %get3A_3 = arith.constant 1 : index
    %get3A_4 = arith.constant 0 : index
    %get3A_5 = vector.load %arg0[%get3A_3, %get3A_4] : memref<2x320000xi32, #tpu.memory_space<vmem>>, vector<1x320000xi32>
    %get3A_6 = vector.shape_cast %get3A_5 : vector<1x320000xi32> to vector<320000xi32>
    %reshape3A_7 = vector.shape_cast %get3A_6 : vector<320000xi32> to vector<2500x128xi32>
    %iota3A = tpu.iota {dimensions = array<i32: 0>} : vector<60x128xi32>
    %mul3A = arith.constant 128 : i32
    %mul3A_8 = vector.broadcast %mul3A : i32 to vector<60x128xi32>
    %mul3A_9 = arith.muli %iota3A, %mul3A_8 : vector<60x128xi32>
    %iota3A_10 = tpu.iota {dimensions = array<i32: 1>} : vector<60x128xi32>
    %add3A = arith.addi %mul3A_9, %iota3A_10 : vector<60x128xi32>
    %mul3A_11 = arith.constant 131 : i32
    %mul3A_12 = vector.broadcast %mul3A_11 : i32 to vector<60x128xi32>
    %mul3A_13 = arith.muli %add3A, %mul3A_12 : vector<60x128xi32>
    %jit3A = arith.constant 10000 : i32
    %eq3A = arith.constant 0 : i32
    %eq3A_14 = arith.cmpi eq, %jit3A, %eq3A : i32
    %jit3A_15 = arith.constant 1 : i32
    %select_n3A = arith.select %eq3A_14, %jit3A_15, %jit3A : i32
    %rem3A = vector.broadcast %select_n3A : i32 to vector<60x128xi32>
    %rem3A_16 = arith.remsi %mul3A_13, %rem3A : vector<60x128xi32>
    %ne3A = arith.constant 0 : i32
    %ne3A_17 = vector.broadcast %ne3A : i32 to vector<60x128xi32>
    %ne3A_18 = arith.cmpi ne, %rem3A_16, %ne3A_17 : vector<60x128xi32>
    %lt3A = arith.constant 0 : i32
    %lt3A_19 = vector.broadcast %lt3A : i32 to vector<60x128xi32>
    %lt3A_20 = arith.cmpi slt, %rem3A_16, %lt3A_19 : vector<60x128xi32>
    %lt3A_21 = arith.constant 0 : i32
    %lt3A_22 = arith.cmpi slt, %select_n3A, %lt3A_21 : i32
    %ne3A_23 = vector.broadcast %lt3A_22 : i1 to vector<60x128xi1>
    %ne3A_24 = vector.broadcast %ne3A_23 : vector<60x128xi1> to vector<60x128xi1>
    %ne3A_25 = arith.xori %lt3A_20, %ne3A_24 : vector<60x128xi1>
    %and3A = arith.andi %ne3A_25, %ne3A_18 : vector<60x128xi1>
    %add3A_26 = vector.broadcast %select_n3A : i32 to vector<60x128xi32>
    %add3A_27 = arith.addi %rem3A_16, %add3A_26 : vector<60x128xi32>
    %select_n3A_28 = arith.select %and3A, %add3A_27, %rem3A_16 : vector<60x128xi1>, vector<60x128xi32>
    %jit3A_29 = arith.constant 512 : i32
    %eq3A_30 = arith.constant 0 : i32
    %eq3A_31 = arith.cmpi eq, %jit3A_29, %eq3A_30 : i32
    %jit3A_32 = arith.constant 1 : i32
    %select_n3A_33 = arith.select %eq3A_31, %jit3A_32, %jit3A_29 : i32
    %rem3A_34 = vector.broadcast %select_n3A_33 : i32 to vector<60x128xi32>
    %rem3A_35 = arith.remsi %add3A, %rem3A_34 : vector<60x128xi32>
    %ne3A_36 = arith.constant 0 : i32
    %ne3A_37 = vector.broadcast %ne3A_36 : i32 to vector<60x128xi32>
    %ne3A_38 = arith.cmpi ne, %rem3A_35, %ne3A_37 : vector<60x128xi32>
    %lt3A_39 = arith.constant 0 : i32
    %lt3A_40 = vector.broadcast %lt3A_39 : i32 to vector<60x128xi32>
    %lt3A_41 = arith.cmpi slt, %rem3A_35, %lt3A_40 : vector<60x128xi32>
    %lt3A_42 = arith.constant 0 : i32
    %lt3A_43 = arith.cmpi slt, %select_n3A_33, %lt3A_42 : i32
    %ne3A_44 = vector.broadcast %lt3A_43 : i1 to vector<60x128xi1>
    %ne3A_45 = vector.broadcast %ne3A_44 : vector<60x128xi1> to vector<60x128xi1>
    %ne3A_46 = arith.xori %lt3A_41, %ne3A_45 : vector<60x128xi1>
    %and3A_47 = arith.andi %ne3A_46, %ne3A_38 : vector<60x128xi1>
    %add3A_48 = vector.broadcast %select_n3A_33 : i32 to vector<60x128xi32>
    %add3A_49 = arith.addi %rem3A_35, %add3A_48 : vector<60x128xi32>
    %select_n3A_50 = arith.select %and3A_47, %add3A_49, %rem3A_35 : vector<60x128xi1>, vector<60x128xi32>
    %add3A_51 = arith.constant 10000 : i32
    %add3A_52 = vector.broadcast %add3A_51 : i32 to vector<60x128xi32>
    %add3A_53 = arith.addi %add3A_52, %select_n3A_50 : vector<60x128xi32>
    %concatenate3A = tpu.concatenate %reshape3A, %select_n3A_28 in 0 : vector<2500x128xi32>, vector<60x128xi32> -> vector<2560x128xi32>
    %swap3A = arith.constant 0 : index
    %swap3A_54 = arith.constant 0 : index
    %swap3A_55 = vector.load %arg1[%swap3A, %swap3A_54] : memref<2560x128xi32, #tpu.memory_space<vmem>>, vector<2560x128xi32>
    tpu.vector_store %arg1[%swap3A, %swap3A_54], %concatenate3A {strides = array<i32>} : memref<2560x128xi32, #tpu.memory_space<vmem>>, vector<2560x128xi32>,
    %concatenate3A_56 = tpu.concatenate %reshape3A_7, %add3A_53 in 0 : vector<2500x128xi32>, vector<60x128xi32> -> vector<2560x128xi32>
    %swap3A_57 = arith.constant 0 : index
    %swap3A_58 = arith.constant 0 : index
    %swap3A_59 = vector.load %arg2[%swap3A_57, %swap3A_58] : memref<2560x128xi32, #tpu.memory_space<vmem>>, vector<2560x128xi32>
    tpu.vector_store %arg2[%swap3A_57, %swap3A_58], %concatenate3A_56 {strides = array<i32>} : memref<2560x128xi32, #tpu.memory_space<vmem>>, vector<2560x128xi32>,
    return
  }
}

module attributes {stable_mosaic.version = 14 : i64} {
  func.func @_combine_body(%arg0: i32, %arg1: memref<2x1000x128xf32, #tpu.memory_space<vmem>>, %arg2: memref<2x1000x128xf32, #tpu.memory_space<vmem>>, %arg3: memref<1000x128xf32, #tpu.memory_space<vmem>>, %arg4: memref<128x128xf32, #tpu.memory_space<vmem>>, %arg5: memref<128x128xf32, #tpu.memory_space<vmem>>, %arg6: memref<1x128xf32, #tpu.memory_space<vmem>>, %arg7: memref<1000x128xf32, #tpu.memory_space<vmem>>) attributes {dimension_semantics = [#tpu.dimension_semantics<arbitrary>], iteration_bounds = array<i64: 10>, scalar_prefetch = 0 : i64, scratch_operands = 0 : i64, tpu.core_type = #tpu.core_type<tc>, window_params = [{transform_indices = @transform_0, window_bounds = array<i64: 2, 1000, 128>}, {transform_indices = @transform_1, window_bounds = array<i64: 2, 1000, 128>}, {transform_indices = @transform_2, window_bounds = array<i64: 1000, 128>}, {pipeline_mode = #tpu.pipeline_mode<synchronous>, transform_indices = @transform_3, window_bounds = array<i64: 128, 128>}, {pipeline_mode = #tpu.pipeline_mode<synchronous>, transform_indices = @transform_4, window_bounds = array<i64: 128, 128>}, {pipeline_mode = #tpu.pipeline_mode<synchronous>, transform_indices = @transform_5, window_bounds = array<i64: 1, 128>}, {transform_indices = @transform_6, window_bounds = array<i64: 1000, 128>}]} {
    %get3A = arith.constant 0 : index
    %get3A_0 = arith.constant 0 : index
    %get3A_1 = arith.constant 0 : index
    %get3A_2 = vector.load %arg1[%get3A, %get3A_0, %get3A_1] : memref<2x1000x128xf32, #tpu.memory_space<vmem>>, vector<1x1000x128xf32>
    %get3A_3 = vector.shape_cast %get3A_2 : vector<1x1000x128xf32> to vector<1000x128xf32>
    %get3A_4 = arith.constant 1 : index
    %get3A_5 = arith.constant 0 : index
    %get3A_6 = arith.constant 0 : index
    %get3A_7 = vector.load %arg1[%get3A_4, %get3A_5, %get3A_6] : memref<2x1000x128xf32, #tpu.memory_space<vmem>>, vector<1x1000x128xf32>
    %get3A_8 = vector.shape_cast %get3A_7 : vector<1x1000x128xf32> to vector<1000x128xf32>
    %add3A = arith.addf %get3A_3, %get3A_8 : vector<1000x128xf32>
    %get3A_9 = arith.constant 0 : index
    %get3A_10 = arith.constant 0 : index
    %get3A_11 = arith.constant 0 : index
    %get3A_12 = vector.load %arg2[%get3A_9, %get3A_10, %get3A_11] : memref<2x1000x128xf32, #tpu.memory_space<vmem>>, vector<1x1000x1xf32>
    %get3A_13 = vector.shape_cast %get3A_12 : vector<1x1000x1xf32> to vector<1000x1xf32>
    %get3A_14 = arith.constant 1 : index
    %get3A_15 = arith.constant 0 : index
    %get3A_16 = arith.constant 0 : index
    %get3A_17 = vector.load %arg2[%get3A_14, %get3A_15, %get3A_16] : memref<2x1000x128xf32, #tpu.memory_space<vmem>>, vector<1x1000x1xf32>
    %get3A_18 = vector.shape_cast %get3A_17 : vector<1x1000x1xf32> to vector<1000x1xf32>
    %add3A_19 = arith.addf %get3A_13, %get3A_18 : vector<1000x1xf32>
    %max3A = arith.constant 1.000000e+00 : f32
    %max3A_20 = vector.broadcast %max3A : f32 to vector<1000x1xf32>
    %max3A_21 = arith.maximumf %add3A_19, %max3A_20 : vector<1000x1xf32>
    %div3A = vector.broadcast %max3A_21 : vector<1000x1xf32> to vector<1000x128xf32>
    %div3A_22 = arith.divf %add3A, %div3A : vector<1000x128xf32>
    %convert_element_type3A = arith.truncf %div3A_22 : vector<1000x128xf32> to vector<1000x128xbf16>
    %get3A_23 = arith.constant 0 : index
    %get3A_24 = arith.constant 0 : index
    %get3A_25 = vector.load %arg4[%get3A_23, %get3A_24] : memref<128x128xf32, #tpu.memory_space<vmem>>, vector<128x128xf32>
    %convert_element_type3A_26 = arith.truncf %get3A_25 : vector<128x128xf32> to vector<128x128xbf16>
    %dot_general3A = arith.constant dense<0.000000e+00> : vector<1000x128xf32>
    %dot_general3A_27 = tpu.matmul %convert_element_type3A, %convert_element_type3A_26, %dot_general3A {dimension_numbers = #tpu.dot_dimension_numbers<[1], [0], [0], [1], [0, 0, 1, 1], [], []>, transpose_lhs_hint = false} : vector<1000x128xbf16>, vector<128x128xbf16>, vector<1000x128xf32> -> vector<1000x128xf32>
    %get3A_28 = arith.constant 0 : index
    %get3A_29 = arith.constant 0 : index
    %get3A_30 = vector.load %arg3[%get3A_28, %get3A_29] : memref<1000x128xf32, #tpu.memory_space<vmem>>, vector<1000x128xf32>
    %convert_element_type3A_31 = arith.truncf %get3A_30 : vector<1000x128xf32> to vector<1000x128xbf16>
    %get3A_32 = arith.constant 0 : index
    %get3A_33 = arith.constant 0 : index
    %get3A_34 = vector.load %arg5[%get3A_32, %get3A_33] : memref<128x128xf32, #tpu.memory_space<vmem>>, vector<128x128xf32>
    %convert_element_type3A_35 = arith.truncf %get3A_34 : vector<128x128xf32> to vector<128x128xbf16>
    %dot_general3A_36 = arith.constant dense<0.000000e+00> : vector<1000x128xf32>
    %dot_general3A_37 = tpu.matmul %convert_element_type3A_31, %convert_element_type3A_35, %dot_general3A_36 {dimension_numbers = #tpu.dot_dimension_numbers<[1], [0], [0], [1], [0, 0, 1, 1], [], []>, transpose_lhs_hint = false} : vector<1000x128xbf16>, vector<128x128xbf16>, vector<1000x128xf32> -> vector<1000x128xf32>
    %add3A_38 = arith.addf %dot_general3A_27, %dot_general3A_37 : vector<1000x128xf32>
    %get3A_39 = arith.constant 0 : index
    %get3A_40 = arith.constant 0 : index
    %get3A_41 = vector.load %arg6[%get3A_39, %get3A_40] : memref<1x128xf32, #tpu.memory_space<vmem>>, vector<1x128xf32>
    %add3A_42 = vector.broadcast %get3A_41 : vector<1x128xf32> to vector<1000x128xf32>
    %add3A_43 = arith.addf %add3A_38, %add3A_42 : vector<1000x128xf32>
    %max3A_44 = arith.constant 0.000000e+00 : f32
    %max3A_45 = vector.broadcast %max3A_44 : f32 to vector<1000x128xf32>
    %max3A_46 = arith.maximumf %add3A_43, %max3A_45 : vector<1000x128xf32>
    %swap3A = arith.constant 0 : index
    %swap3A_47 = arith.constant 0 : index
    %swap3A_48 = vector.load %arg7[%swap3A, %swap3A_47] : memref<1000x128xf32, #tpu.memory_space<vmem>>, vector<1000x128xf32>
    tpu.vector_store %arg7[%swap3A, %swap3A_47], %max3A_46 {strides = array<i32>} : memref<1000x128xf32, #tpu.memory_space<vmem>>, vector<1000x128xf32>,
    return
  }
  func.func @transform_0(%arg0: i32) -> (i32, i32, i32) {
    %c0_i32 = arith.constant 0 : i32
    %c0_i32_0 = arith.constant 0 : i32
    %c0_i32_1 = arith.constant 0 : i32
    return %c0_i32, %arg0, %c0_i32_0 : i32, i32, i32
  }
  func.func @transform_1(%arg0: i32) -> (i32, i32, i32) {
    %c0_i32 = arith.constant 0 : i32
    %c0_i32_0 = arith.constant 0 : i32
    %c0_i32_1 = arith.constant 0 : i32
    return %c0_i32, %arg0, %c0_i32_0 : i32, i32, i32
  }
  func.func @transform_2(%arg0: i32) -> (i32, i32) {
    %c0_i32 = arith.constant 0 : i32
    %c0_i32_0 = arith.constant 0 : i32
    return %arg0, %c0_i32 : i32, i32
  }
  func.func @transform_3(%arg0: i32) -> (i32, i32) {
    %c0_i32 = arith.constant 0 : i32
    %c0_i32_0 = arith.constant 0 : i32
    %c0_i32_1 = arith.constant 0 : i32
    return %c0_i32, %c0_i32_0 : i32, i32
  }
  func.func @transform_4(%arg0: i32) -> (i32, i32) {
    %c0_i32 = arith.constant 0 : i32
    %c0_i32_0 = arith.constant 0 : i32
    %c0_i32_1 = arith.constant 0 : i32
    return %c0_i32, %c0_i32_0 : i32, i32
  }
  func.func @transform_5(%arg0: i32) -> (i32, i32) {
    %c0_i32 = arith.constant 0 : i32
    %c0_i32_0 = arith.constant 0 : i32
    %c0_i32_1 = arith.constant 0 : i32
    return %c0_i32, %c0_i32_0 : i32, i32
  }
  func.func @transform_6(%arg0: i32) -> (i32, i32) {
    %c0_i32 = arith.constant 0 : i32
    %c0_i32_0 = arith.constant 0 : i32
    return %arg0, %c0_i32 : i32, i32
  }
}

module attributes {stable_mosaic.version = 14 : i64} {
  func.func @_combine_body(%arg0: i32, %arg1: memref<2x1000x128xf32, #tpu.memory_space<vmem>>, %arg2: memref<2x1000x128xf32, #tpu.memory_space<vmem>>, %arg3: memref<1000x128xf32, #tpu.memory_space<vmem>>, %arg4: memref<128x128xf32, #tpu.memory_space<vmem>>, %arg5: memref<128x128xf32, #tpu.memory_space<vmem>>, %arg6: memref<1x128xf32, #tpu.memory_space<vmem>>, %arg7: memref<1000x128xf32, #tpu.memory_space<vmem>>) attributes {dimension_semantics = [#tpu.dimension_semantics<arbitrary>], iteration_bounds = array<i64: 10>, scalar_prefetch = 0 : i64, scratch_operands = 0 : i64, tpu.core_type = #tpu.core_type<tc>, window_params = [{transform_indices = @transform_0, window_bounds = array<i64: 2, 1000, 128>}, {transform_indices = @transform_1, window_bounds = array<i64: 2, 1000, 128>}, {transform_indices = @transform_2, window_bounds = array<i64: 1000, 128>}, {pipeline_mode = #tpu.pipeline_mode<synchronous>, transform_indices = @transform_3, window_bounds = array<i64: 128, 128>}, {pipeline_mode = #tpu.pipeline_mode<synchronous>, transform_indices = @transform_4, window_bounds = array<i64: 128, 128>}, {pipeline_mode = #tpu.pipeline_mode<synchronous>, transform_indices = @transform_5, window_bounds = array<i64: 1, 128>}, {transform_indices = @transform_6, window_bounds = array<i64: 1000, 128>}]} {
    %get3A = arith.constant 0 : index
    %get3A_0 = arith.constant 0 : index
    %get3A_1 = arith.constant 0 : index
    %get3A_2 = vector.load %arg1[%get3A, %get3A_0, %get3A_1] : memref<2x1000x128xf32, #tpu.memory_space<vmem>>, vector<1x1000x128xf32>
    %get3A_3 = vector.shape_cast %get3A_2 : vector<1x1000x128xf32> to vector<1000x128xf32>
    %get3A_4 = arith.constant 1 : index
    %get3A_5 = arith.constant 0 : index
    %get3A_6 = arith.constant 0 : index
    %get3A_7 = vector.load %arg1[%get3A_4, %get3A_5, %get3A_6] : memref<2x1000x128xf32, #tpu.memory_space<vmem>>, vector<1x1000x128xf32>
    %get3A_8 = vector.shape_cast %get3A_7 : vector<1x1000x128xf32> to vector<1000x128xf32>
    %add3A = arith.addf %get3A_3, %get3A_8 : vector<1000x128xf32>
    %get3A_9 = arith.constant 0 : index
    %get3A_10 = arith.constant 0 : index
    %get3A_11 = arith.constant 0 : index
    %get3A_12 = vector.load %arg2[%get3A_9, %get3A_10, %get3A_11] : memref<2x1000x128xf32, #tpu.memory_space<vmem>>, vector<1x1000x1xf32>
    %get3A_13 = vector.shape_cast %get3A_12 : vector<1x1000x1xf32> to vector<1000x1xf32>
    %get3A_14 = arith.constant 1 : index
    %get3A_15 = arith.constant 0 : index
    %get3A_16 = arith.constant 0 : index
    %get3A_17 = vector.load %arg2[%get3A_14, %get3A_15, %get3A_16] : memref<2x1000x128xf32, #tpu.memory_space<vmem>>, vector<1x1000x1xf32>
    %get3A_18 = vector.shape_cast %get3A_17 : vector<1x1000x1xf32> to vector<1000x1xf32>
    %add3A_19 = arith.addf %get3A_13, %get3A_18 : vector<1000x1xf32>
    %max3A = arith.constant 1.000000e+00 : f32
    %max3A_20 = vector.broadcast %max3A : f32 to vector<1000x1xf32>
    %max3A_21 = arith.maximumf %add3A_19, %max3A_20 : vector<1000x1xf32>
    %div3A = vector.broadcast %max3A_21 : vector<1000x1xf32> to vector<1000x128xf32>
    %div3A_22 = arith.divf %add3A, %div3A : vector<1000x128xf32>
    %convert_element_type3A = arith.truncf %div3A_22 : vector<1000x128xf32> to vector<1000x128xbf16>
    %get3A_23 = arith.constant 0 : index
    %get3A_24 = arith.constant 0 : index
    %get3A_25 = vector.load %arg4[%get3A_23, %get3A_24] : memref<128x128xf32, #tpu.memory_space<vmem>>, vector<128x128xf32>
    %convert_element_type3A_26 = arith.truncf %get3A_25 : vector<128x128xf32> to vector<128x128xbf16>
    %dot_general3A = arith.constant dense<0.000000e+00> : vector<1000x128xf32>
    %dot_general3A_27 = tpu.matmul %convert_element_type3A, %convert_element_type3A_26, %dot_general3A {dimension_numbers = #tpu.dot_dimension_numbers<[1], [0], [0], [1], [0, 0, 1, 1], [], []>, transpose_lhs_hint = false} : vector<1000x128xbf16>, vector<128x128xbf16>, vector<1000x128xf32> -> vector<1000x128xf32>
    %get3A_28 = arith.constant 0 : index
    %get3A_29 = arith.constant 0 : index
    %get3A_30 = vector.load %arg3[%get3A_28, %get3A_29] : memref<1000x128xf32, #tpu.memory_space<vmem>>, vector<1000x128xf32>
    %convert_element_type3A_31 = arith.truncf %get3A_30 : vector<1000x128xf32> to vector<1000x128xbf16>
    %get3A_32 = arith.constant 0 : index
    %get3A_33 = arith.constant 0 : index
    %get3A_34 = vector.load %arg5[%get3A_32, %get3A_33] : memref<128x128xf32, #tpu.memory_space<vmem>>, vector<128x128xf32>
    %convert_element_type3A_35 = arith.truncf %get3A_34 : vector<128x128xf32> to vector<128x128xbf16>
    %dot_general3A_36 = arith.constant dense<0.000000e+00> : vector<1000x128xf32>
    %dot_general3A_37 = tpu.matmul %convert_element_type3A_31, %convert_element_type3A_35, %dot_general3A_36 {dimension_numbers = #tpu.dot_dimension_numbers<[1], [0], [0], [1], [0, 0, 1, 1], [], []>, transpose_lhs_hint = false} : vector<1000x128xbf16>, vector<128x128xbf16>, vector<1000x128xf32> -> vector<1000x128xf32>
    %add3A_38 = arith.addf %dot_general3A_27, %dot_general3A_37 : vector<1000x128xf32>
    %get3A_39 = arith.constant 0 : index
    %get3A_40 = arith.constant 0 : index
    %get3A_41 = vector.load %arg6[%get3A_39, %get3A_40] : memref<1x128xf32, #tpu.memory_space<vmem>>, vector<1x128xf32>
    %add3A_42 = vector.broadcast %get3A_41 : vector<1x128xf32> to vector<1000x128xf32>
    %add3A_43 = arith.addf %add3A_38, %add3A_42 : vector<1000x128xf32>
    %swap3A = arith.constant 0 : index
    %swap3A_44 = arith.constant 0 : index
    %swap3A_45 = vector.load %arg7[%swap3A, %swap3A_44] : memref<1000x128xf32, #tpu.memory_space<vmem>>, vector<1000x128xf32>
    tpu.vector_store %arg7[%swap3A, %swap3A_44], %add3A_43 {strides = array<i32>} : memref<1000x128xf32, #tpu.memory_space<vmem>>, vector<1000x128xf32>,
    return
  }
  func.func @transform_0(%arg0: i32) -> (i32, i32, i32) {
    %c0_i32 = arith.constant 0 : i32
    %c0_i32_0 = arith.constant 0 : i32
    %c0_i32_1 = arith.constant 0 : i32
    return %c0_i32, %arg0, %c0_i32_0 : i32, i32, i32
  }
  func.func @transform_1(%arg0: i32) -> (i32, i32, i32) {
    %c0_i32 = arith.constant 0 : i32
    %c0_i32_0 = arith.constant 0 : i32
    %c0_i32_1 = arith.constant 0 : i32
    return %c0_i32, %arg0, %c0_i32_0 : i32, i32, i32
  }
  func.func @transform_2(%arg0: i32) -> (i32, i32) {
    %c0_i32 = arith.constant 0 : i32
    %c0_i32_0 = arith.constant 0 : i32
    return %arg0, %c0_i32 : i32, i32
  }
  func.func @transform_3(%arg0: i32) -> (i32, i32) {
    %c0_i32 = arith.constant 0 : i32
    %c0_i32_0 = arith.constant 0 : i32
    %c0_i32_1 = arith.constant 0 : i32
    return %c0_i32, %c0_i32_0 : i32, i32
  }
  func.func @transform_4(%arg0: i32) -> (i32, i32) {
    %c0_i32 = arith.constant 0 : i32
    %c0_i32_0 = arith.constant 0 : i32
    %c0_i32_1 = arith.constant 0 : i32
    return %c0_i32, %c0_i32_0 : i32, i32
  }
  func.func @transform_5(%arg0: i32) -> (i32, i32) {
    %c0_i32 = arith.constant 0 : i32
    %c0_i32_0 = arith.constant 0 : i32
    %c0_i32_1 = arith.constant 0 : i32
    return %c0_i32, %c0_i32_0 : i32, i32
  }
  func.func @transform_6(%arg0: i32) -> (i32, i32) {
    %c0_i32 = arith.constant 0 : i32
    %c0_i32_0 = arith.constant 0 : i32
    return %arg0, %c0_i32 : i32, i32
  }
}

</mosaic_0001>

<sc_bundles>
// kernel: kernel.11.cloned.1.call-start
scs
__scs_entry_jumppad:
0x0: {  	(pc) =	sbr.rel $0x88, $3  }
0x1: {  	(tag) =	ssettag $0x0;
	lr =	simm.s32 $0x1  }
0x2: {  	[smem:$0x3F99] =	sst lr;
	_ =	strace $0xD0000000  }
0x3: {  	_ = 	snop  }
0x4: {  	_ = 	snop  }
0x5: {  	_ = 	snop  }
0x6: {  	_ = 	snop  }
0x7: {  	_ = 	snop  }
__scs_overlays_trampoline_lowered:
0x8: {  	[smem:$0x3FA8] =	sst s0  }
0x9: {  	[smem:$0x3FA9] =	sst s1  }
0xa: {  	[smem:$0x3FAA] =	sst s2  }
0xb: {  	[smem:$0x3FAB] =	sst s3  }
0xc: {  	[smem:$0x3FAC] =	sst s4  }
0xd: {  	[smem:$0x3FAD] =	sst s5  }
0xe: {  	[smem:$0x3FAE] =	sst s6  }
0xf: {  	[smem:$0x3FAF] =	sst s7  }
0x10: {  	[smem:$0x3FB0] =	sst s8  }
0x11: {  	[smem:$0x3FB1] =	sst s9;
	s0 =	simm.s32 @!p0 $0x0  }
0x12: {  	s1 =	sld [smem:$0x3F97];
	s0 =	simm.s32 @p0 $0x1  }
0x13: {  	[smem:$0x3FB2] =	sst s0;
	s0 =	simm.s32 @!p1 $0x0  }
0x14: {  	s2 =	sld [smem:$0x3F96];
	s0 =	simm.s32 @p1 $0x1  }
0x15: {  	[smem:$0x3FB3] =	sst s0;
	s0 =	simm.s32 @!p2 $0x0  }
0x16: {  	s3 =	sld [smem:$0x3FDB];
	s0 =	simm.s32 @p2 $0x1  }
0x17: {  	s4 =	simm.s32 $0x1BF5;
	[smem:$0x3FB5] =	sst s0  }
0x18: {  	s0 =	sld [smem:$0x3F98];
	_ =	swait.ge [sflag:s4], $0x0  }
0x19: {  	s7 =	sld [smem:$0x3F99]  }
0x1a: {  	s8 =	sadd.s32 $0xFFFFE003, lr  }
0x1b: {  	s9 =	sadd.s32 $0xFFFFFEF7, lr;
	s5 =	simm.s32 $0xFFFFFFFF;
	p2 =	slt.u32 s8, $0xFFFFF086  }
0x1c: {  	p1 =	slt.u32 s9, $0xF7A;
	s5 =	simm.s32 @!p2 $0x0  }
0x1d: {  	s5 =	simm.s32 @p1 $0x1;
	p0 =	seq.s32 s7, s2  }
0x1e: {  	s7 =	smul.u32 @!p0 $0xF7A, s2;
	p2 =	seq.s32 @!p0 s5, $0x0  }
0x1f: {  	s9 =	smul.u32 $0xF7A, s1;
	s8 =	simm.s32 @!p0 $0x1BF5;
	p2 =	por !p2, p0  }
0x20: {  	[sflag:s8] =	ssyncset.s32 @!p0 $0xFFFFF086;
	s6 =	sadd.s32 @!p0 s3, s7;
	s7 =	simm.s32 @!p0 $0x108  }
0x21: {  	s3 =	sadd.s32 s3, s9;
	s6 =	sadd.s32 @!p0 $0x88, s6;
	s7 =	simm.s32 @p2 $0x1082  }
0x22: {  	[simem:s7], [sflag:s8] =	dma.local @!p0 [hbm:s6], $0xF7A  }
0x23: {  	s9 =	sor.u32 $0xD0000000, s2;
	s6 =	simm.s32 $0x108;
	_ =	swait.ge @!p0 [sflag:s8], $0x0  }
0x24: {  	s3 =	sadd.s32 $0x88, s3;
	s6 =	simm.s32 @!p1 $0x1082;
	[sflag:s4] =	ssyncset.s32 $0xFFFFF086  }
0x25: {  	[simem:s6], [sflag:s4] =	dma.local [hbm:s3], $0xF7A  }
0x26: {  	[smem:$0x3F99] =	sst s1;
	(tag) =	ssettag s2;
	_ =	strace s9  }
0x27: {  	s1 =	sld [smem:$0x3FA9]  }
0x28: {  	s2 =	sld [smem:$0x3FAA]  }
0x29: {  	s4 =	sld [smem:$0x3FAC]  }
0x2a: {  	p0 =	seq.s32 s5, $0x0;
	s5 =	sld [smem:$0x3FAD]  }
0x2b: {  	s6 =	sld [smem:$0x3FAE]  }
0x2c: {  	s7 =	sld [smem:$0x3FAF]  }
0x2d: {  	s3 =	simm.s32 $0x108;
	s8 =	sld [smem:$0x3FB0]  }
0x2e: {  	s3 =	simm.s32 @!p0 $0x1082;
	s9 =	sld [smem:$0x3FB1]  }
0x2f: {  	lr =	sadd.s32 s0, s3;
	s0 =	sld [smem:$0x3FA8]  }
0x30: {  	s3 =	sld [smem:$0x3FAB]  }
0x31: {  	[smem:$0x3FB4] =	sst s10  }
0x32: {  	s10 =	sld [smem:$0x3FB2];
	_ =	sdelay $0x3  }
0x33: {  	p0 =	seq.s32 s10, $0x1;
	s10 =	sld [smem:$0x3FB4];
	_ =	sdelay $0x3  }
0x34: {  	[smem:$0x3FB4] =	sst s10  }
0x35: {  	s10 =	sld [smem:$0x3FB3];
	_ =	sdelay $0x3  }
0x36: {  	p1 =	seq.s32 s10, $0x1;
	s10 =	sld [smem:$0x3FB4];
	_ =	sdelay $0x3  }
0x37: {  	[smem:$0x3FB4] =	sst s10  }
0x38: {  	s10 =	sld [smem:$0x3FB5]  }
0x39: {  	_ = 	snop;
	(pc) =	sbr.ind lr, $3  }
0x3a: {  	_ = 	snop  }
0x3b: {  	_ = 	snop  }
0x3c: {  	p2 =	seq.s32 s10, $0x1;
	s10 =	sld [smem:$0x3FB4]  }
0x3d: {  	_ =	shalt  }
0x3e: {  	_ =	shalt  }
0x3f: {  	_ =	shalt  }
0x40: {  	_ =	shalt  }
0x41: {  	_ =	shalt  }
0x42: {  	_ =	shalt  }
0x43: {  	_ =	shalt  }
0x44: {  	_ =	shalt  }
0x45: {  	_ =	shalt  }
0x46: {  	_ =	shalt  }
0x47: {  	_ =	shalt  }
0x48: {  	_ =	shalt  }
0x49: {  	_ =	shalt  }
0x4a: {  	_ =	shalt  }
0x4b: {  	_ =	shalt  }
0x4c: {  	_ =	shalt  }
0x4d: {  	_ =	shalt  }
0x4e: {  	_ =	shalt  }
0x4f: {  	_ =	shalt  }
0x50: {  	_ =	shalt  }
0x51: {  	_ =	shalt  }
0x52: {  	_ =	shalt  }
0x53: {  	_ =	shalt  }
0x54: {  	_ =	shalt  }
0x55: {  	_ =	shalt  }
0x56: {  	_ =	shalt  }
0x57: {  	_ =	shalt  }
0x58: {  	_ =	shalt  }
0x59: {  	_ =	shalt  }
0x5a: {  	_ =	shalt  }
0x5b: {  	_ =	shalt  }
0x5c: {  	_ =	shalt  }
0x5d: {  	_ =	shalt  }
0x5e: {  	_ =	shalt  }
0x5f: {  	_ =	shalt  }
0x60: {  	_ =	shalt  }
0x61: {  	_ =	shalt  }
0x62: {  	_ =	shalt  }
0x63: {  	_ =	shalt  }
0x64: {  	_ =	shalt  }
0x65: {  	_ =	shalt  }
0x66: {  	_ =	shalt  }
0x67: {  	_ =	shalt  }
0x68: {  	_ =	shalt  }
0x69: {  	_ =	shalt  }
0x6a: {  	_ =	shalt  }
0x6b: {  	_ =	shalt  }
0x6c: {  	_ =	shalt  }
0x6d: {  	_ =	shalt  }
0x6e: {  	_ =	shalt  }
0x6f: {  	_ =	shalt  }
0x70: {  	_ =	shalt  }
0x71: {  	_ =	shalt  }
0x72: {  	_ =	shalt  }
0x73: {  	_ =	shalt  }
0x74: {  	_ =	shalt  }
0x75: {  	_ =	shalt  }
0x76: {  	_ =	shalt  }
0x77: {  	_ =	shalt  }
0x78: {  	_ =	shalt  }
0x79: {  	_ =	shalt  }
0x7a: {  	_ =	shalt  }
0x7b: {  	_ =	shalt  }
0x7c: {  	_ =	shalt  }
0x7d: {  	_ =	shalt  }
0x7e: {  	_ =	shalt  }
0x7f: {  	_ =	shalt  }
0x80: {  	_ =	shalt  }
0x81: {  	_ =	shalt  }
0x82: {  	_ =	shalt  }
0x83: {  	_ =	shalt  }
0x84: {  	_ =	shalt  }
0x85: {  	_ =	shalt  }
0x86: {  	_ =	shalt  }
0x87: {  	_ =	shalt  }
.Lfunc_end0:
.L_simem_size_0:
called_computation.1_lowered:
.L_overlay_start_0:
0x88: {  	s2 =	sld [smem:$0x3FD9]  }
0x89: {  	s3 =	sld [smem:$0x3FFE];
	_ =	sdelay $0x1  }
0x8a: {  	s1 =	srdreg.scid  }
0x8b: {  	s0 =	sand.u32 $0x1, s1  }
0x8c: {  	s17 =	sshll.u32 s0, $0xA;
	s2 =	sadd.s32 s3, s2  }
0x8d: {  	s2 =	sadd.s32 s2, s17  }
0x8e: {  	[smem:$0x3FC0] =	sst s2  }
0x8f: {  	_ = 	snop  }
0x90: {  	s2 =	sld [smem:$0x3FC9];
	(tm) =	ssettm $0x1  }
0x91: {  	s18 =	sld [smem:$0x3FFB];
	_ =	sdelay $0x3  }
0x92: {  	_ =	strace s18  }
0x93: {  	s3 =	sld [smem:$0x3FFC];
	_ =	sdelay $0x3  }
0x94: {  	_ =	strace s3  }
0x95: {  	s3 =	sld [smem:$0x3FFD];
	_ =	sdelay $0x3  }
0x96: {  	_ =	strace s3  }
0x97: {  	_ =	strace $0x8FFFFFFF  }
0x98: {  	s19 =	sld [smem:$0x3FDB];
	_ =	sdelay $0x1  }
0x99: {  	s4 =	simm.s32 $_scs_section_size  }
0x9a: {  	s5 =	simm.s32 $_size__tile_overlayer_lowered;
	s6 =	simm.s32 $_tile_overlayer_lowered  }
0x9b: {  	s22 =	simm.s32 $0x1BFF;
	s21 =	sshll.u32 s6, $0x1;
	s3 =	sadd.s32 s4, s19  }
0x9c: {  	s7 =	simm.s32 $0x0;
	s20 =	sshll.u32 s5, $0x1;
	s5 =	sadd.s32 s21, s3  }
0x9d: {  	[timem:s7], [sflag:s22] =	dma.local [hbm:s5], s20  }
0x9e: {  	_ =	swait.ge [sflag:s22], s20  }
0x9f: {  	s4 =	ssub.s32 $0x0, s20;
	[sflag:s22] =	ssyncset.done $0x0  }
0xa0: {  	[sflag:s22] =	ssyncadd.s32 s4;
	_ =	sdelay $0x1  }
0xa1: {  	s23 =	simm.s32 $0x1B8B  }
0xa2: {  	_ =	swait.ge [sflag:s23], $0x1  }
0xa3: {  	[sflag:s23] =	ssyncset.done $0x0  }
0xa4: {  	s25 =	simm.s32 $0x1B8E;
	s24 =	sld [smem:$0x3FFE];
	[sflag:s23] =	ssyncadd.s32 $0xFFFFFFFF  }
0xa5: {  	s26 =	simm.s32 $execute0_lowered;
	[smem:$0x3FD2] =	sst s25  }
0xa6: {  	s5 =	sshll.u32 s26, $0x1;
	_ =	strace $0x80000046;
	[dreg:$0x1] =	wrdreg $0xFFFFFFFF  }
0xa7: {  	s28 =	simm.s32 $_size_execute0_lowered;
	s3 =	sadd.s32 s3, s5;
	[dreg:$0x0] =	wrdreg $0x0  }
0xa8: {  	s5 =	sshll.u32 s28, $0x1;
	[dreg:$0x2] =	wrdreg s3  }
0xa9: {  	[dreg:$0x3] =	wrdreg s5  }
0xaa: {  	[dreg:$0x4] =	wrdreg $0xC0  }
0xab: {  	_ =	task [dreg:s7], $0x5FFFF  }
0xac: {  	[dreg:$0x1] =	wrdreg $0xFFFFFFFF  }
0xad: {  	[dreg:$0x0] =	wrdreg $0x60  }
0xae: {  	[dreg:$0x2] =	wrdreg s2  }
0xaf: {  	[dreg:$0x3] =	wrdreg s24  }
0xb0: {  	[dreg:$0x4] =	wrdreg $0x0  }
0xb1: {  	[dreg:$0x5] =	wrdreg $0xA  }
0xb2: {  	_ =	task.clear_ibuf [dreg:s7], $0x6FFFF;
	_ =	strace $0x90000046  }
0xb3: {  	s29 =	simm.s32 $0xA;
	_ =	strace $0x80000048  }
0xb4: {  	_ =	swait.ge [sflag:s29], $0x1  }
0xb5: {  	[sflag:s29] =	ssyncadd.s32 $0xFFFFFFFF  }
0xb6: {  	_ =	strace $0x90000048  }
0xb7: {  	_ =	sfence  }
0xb8: {  	s30 =	sld [smem:$0x0];
	_ =	sdelay $0x2  }
0xb9: {  	s31 =	sshll.u32 s1, $0xD;
	s1 =	sshrl.u32 s1, $0x2  }
0xba: {  	s3 =	sand.u32 $0x4000, s31;
	s1 =	sadd.s32 s1, s30  }
0xbb: {  	s0 =	sor.u32 s3, s0;
	s1 =	sshll.u32 s1, $0x11  }
0xbc: {  	s0 =	sor.u32 s1, s0  }
0xbd: {  	s0 =	sadd.s32 $0x8F2B, s0  }
0xbe: {  	[sflag:s0] =	ssyncadd.remote.s32 $0x1  }
0xbf: {  	_ =	sfence.sel $0xFFFF  }
0xc0: {  	[dreg:$0x0] =	wrdreg $0xFFFFFFFF;
	(pc) =	sbr.abs _section_cstart, $3  }
0xc1: {  	[dreg:$0x1] =	wrdreg $0xFFFFFFFF  }
0xc2: {  	_ =	task.clear_ibuf [dreg:s7], $0x2FFFF;
	_ =	strace $0x9FFFFFFF  }
0xc3: {  	(tm) =	ssettm $0x7FFFFFFF  }
tec
execute0_lowered:
.L_overlay_start_1:
0x0: {  	(tag) =	ssettag $0x1  }
0x1: {  	s1 =	rddreg [dreg:$0x0]  }
0x2: {  	s7 =	rddreg [dreg:$0x1]  }
0x3: {  	s2 =	rddreg [dreg:$0x2];
	s3 =	srdreg.scid  }
0x4: {  	s4 =	simm.s32 $0x0;
	s17 =	simm.s32 $0x6;
	s20 =	simm.s32 $0x80  }
0x5: {  	s21 =	simm.s32 $0x16880;
	s9 =	sand.u32 $0x1, s3;
	s3 =	stileid.u32  }
0x6: {  	s22 =	simm.s32 $0x1A880;
	s23 =	simm.s32 $0x1;
	s10 =	smul.u32 $0x52000, s3  }
0x7: {  	s24 =	simm.s32 $0x3;
	s28 =	simm.s32 $0x5;
	s13 =	smul.u32 $0x148800, s9  }
0x8: {  	[smem:$0x7FF] =	sst s4;
	s6 =	sadd.s32 $0x3000, s7;
	s14 =	smul.u32 $0x14800, s3  }
0x9: {  	s12 =	sadd.s32 $0x17000, s7;
	s5 =	sshll.u32 s9, $0x4;
	s30 =	smul.u32 $0x28000, s9  }
0xa: {  	_ =	strace $0x80000047;
	s25 =	ssub.s32 $0x2, s9;
	s16 =	smul.u32 $0x2800, s3  }
0xb: {  	p0 =	sne.s32 s3, $0xF;
	s8 =	sor.u32 s3, s5;
	s5 =	sadd.s32 $0xD000, s7  }
0xc: {  	s26 =	sshrl.u32 s25, $0x1;
	s11 =	smul.u32 $0x500, s8;
	s10 =	sshrl.u32 s10, $0x2  }
0xd: {  	s15 =	ssub.s32 s25, s26;
	s29 =	sadd.s32 s14, s13;
	s13 =	sshrl.u32 s13, $0x3  }
0xe: {  	s31 =	sadd.s32 s16, s30;
	s14 =	sadd.s32 $0x148400, s2;
	s16 =	simm.s32 $0x1E880  }
0xf: {  	s25 =	simm.s32 $0x2;
	s26 =	simm.s32 $0x4;
	s7 =	sadd.s32 s10, s2  }
0x10: {  	s10 =	sshrl.u32 s29, $0x3;
	s13 =	sadd.s32 s12, s13;
	s8 =	sadd.s32 s5, s11  }
0x11: {  	s9 =	sadd.s32 s6, s11;
	s10 =	sadd.s32 s12, s10;
	s11 =	sadd.s32 $0x29000, s13  }
0x12: {  	v0 =	vimm.f32 $0.0e+00;
	s12 =	sadd.s32 $0x148000, s2;
	s13 =	smax.u32 s15, $0x1;
	s15 =	sadd.s32 $0x800, s31  }
.LBB2_1:
0x13: {  	s29 =	simm.s32 $0x0;
	s30 =	simm.s32 $0x200  }
.LBB2_2:
0x14: {  	p1 =	sne.s32 s30, $0x1E00;
	[tilespmem:s29+$0x1E8F0] =	vst v0  }
0x15: {  	[tilespmem:s29+$0x1E880] =	vst v0  }
0x16: {  	[tilespmem:s29+$0x1E890] =	vst v0  }
.Ltmp0:
0x17: {  	[tilespmem:s29+$0x1E8A0] =	vst v0;
	(pc) =	sbr.rel @p1 .LBB2_2-.Ltmp0, $4  }
0x18: {  	[tilespmem:s29+$0x1E8B0] =	vst v0  }
0x19: {  	[tilespmem:s29+$0x1E8C0] =	vst v0  }
0x1a: {  	[tilespmem:s29+$0x1E8D0] =	vst v0  }
0x1b: {  	[tilespmem:s29+$0x1E8E0] =	vst v0;
	s29 =	sshra.s32 s30, $0x2;
	s30 =	sadd.s32 $0x200, s30  }
0x1c: {  	[tilespmem:s29+$0x1E8F0] =	vst v0  }
0x1d: {  	[tilespmem:s29+$0x1E880] =	vst v0  }
0x1e: {  	[tilespmem:s29+$0x1E890] =	vst v0  }
0x1f: {  	[tilespmem:s29+$0x1E8A0] =	vst v0  }
0x20: {  	[tilespmem:s29+$0x1E8B0] =	vst v0  }
0x21: {  	[tilespmem:s29+$0x1E8C0] =	vst v0  }
0x22: {  	[tilespmem:s29+$0x1E8D0] =	vst v0  }
0x23: {  	[tilespmem:s29+$0x1E8E0] =	vst v0;
	s29 =	sadd.s32 $0x0, s7  }
0x24: {  	[spmem:s29] =	stream.linear.scatter [tilespmem:s16], [sflag:$0x6], $0x800, $0x38;
	[tilespmem:$0x1F080] =	vst v63  }
0x25: {  	s29 =	simm.s32 $0x2000;
	_ =	swait.ge [sflag:s17], $0x800  }
.LBB2_4:
0x26: {  	s30 =	sshra.s32 s29, $0x2;
	[sflag:s17] =	ssyncset.done $0x0;
	p1 =	sne.s32 s29, $0x50000  }
.Ltmp1:
0x27: {  	s30 =	sadd.s32 s30, s7;
	[sflag:s17] =	ssyncadd.s32 $0xFFFFF800;
	(pc) =	sbr.rel @p1 .LBB2_4-.Ltmp1, $3  }
0x28: {  	[spmem:s30] =	stream.linear.scatter [tilespmem:s16], [sflag:$0x6], $0x800, $0x38;
	[tilespmem:$0x1F080] =	vst v63  }
0x29: {  	s29 =	sadd.s32 $0x2000, s29;
	_ =	sdelay $0x1  }
0x2a: {  	_ =	swait.ge [sflag:s17], $0x800  }
0x2b: {  	[sflag:s17] =	ssyncset.done $0x0  }
0x2c: {  	s29 =	simm.s32 @!p0 $0x1E880;
	s30 =	simm.s32 @!p0 $0x6;
	[sflag:s17] =	ssyncadd.s32 $0xFFFFF800  }
0x2d: {  	[spmem:s12] =	stream.linear.scatter @!p0 [tilespmem:s29], [sflag:$0x6], $0x400, $0x38;
	[tilespmem:$0x1F080] =	vst v63  }
0x2e: {  	_ =	swait.ge @!p0 [sflag:s30], $0x400  }
0x2f: {  	[sflag:s30] =	ssyncset.done @!p0 $0x0  }
0x30: {  	[sflag:s30] =	ssyncadd.s32 @!p0 $0xFFFFFC00  }
0x31: {  	[spmem:s14] =	stream.linear.scatter @!p0 [tilespmem:s29], [sflag:$0x6], $0x400, $0x38;
	[tilespmem:$0x1F080] =	vst v63  }
0x32: {  	_ =	swait.ge @!p0 [sflag:s30], $0x400  }
0x33: {  	[sflag:s30] =	ssyncset.done @!p0 $0x0  }
0x34: {  	[sflag:s30] =	ssyncadd.s32 @!p0 $0xFFFFFC00  }
0x35: {  	s0 =	simm.s32 $0x14880;
	s29 =	simm.s32 $0x0;
	[bflag:$0x0] =	sbarrier.arrive $0xFFFF  }
0x36: {  	[tilespmem:s0], [sflag:$0x6] =	stream.linear.gather [hbm4b:s8+s29], $0x800, $0x38;
	[tilespmem:$0x1F080] =	vst v63  }
0x37: {  	_ =	swait.ge [sflag:s17], $0x800  }
0x38: {  	[sflag:s17] =	ssyncset.done $0x0  }
0x39: {  	s31 =	simm.s32 $0x15880;
	[sflag:s17] =	ssyncadd.s32 $0xFFFFF800  }
0x3a: {  	[tilespmem:s31], [sflag:$0x6] =	stream.linear.gather [hbm4b:s9+s29], $0x800, $0x38;
	[tilespmem:$0x1F080] =	vst v63  }
0x3b: {  	_ =	swait.ge [sflag:s17], $0x800  }
0x3c: {  	[sflag:s17] =	ssyncset.done $0x0  }
0x3d: {  	[sflag:s17] =	ssyncadd.s32 $0xFFFFF800  }
.LBB2_6:
0x3e: {  	p1 =	seq.s32 s29, $0x2000  }
0x3f: {  	s30 =	sadd.s32 @!p1 s29, s15;
	s31 =	sxor.u32 @!p1 $0xFFFFFFFF, s29  }
0x40: {  	s31 =	sand.u32 @!p1 $0x800, s31;
	s30 =	sshrl.u32 @!p1 s30, $0x3  }
0x41: {  	s19 =	simm.s32 @!p1 $0x0;
	s0 =	sadd.s32 @!p1 $0x14880, s31;
	s18 =	sadd.s32 @!p1 s5, s30  }
0x42: {  	[tilespmem:s0], [sflag:$0x5] =	stream.linear.gather @!p1 [hbm4b:s18+s19], $0x800, $0x38;
	[tilespmem:$0x1F080] =	vst v63  }
0x43: {  	p2 =	seq.s32 @!p1 s29, $0x0;
	s0 =	sadd.s32 @!p1 $0x15880, s31;
	s18 =	sadd.s32 @!p1 s6, s30  }
0x44: {  	[tilespmem:s0], [sflag:$0x5] =	stream.linear.gather @!p1 [hbm4b:s18+s19], $0x800, $0x38;
	[tilespmem:$0x1F080] =	vst v63  }
0x45: {  	p1 =	por p1, !p2  }
0x46: {  	_ =	swait.ge @p1 [sflag:s28], $0x800  }
0x47: {  	[sflag:s28] =	ssyncset.done @p1 $0x0  }
0x48: {  	[sflag:s28] =	ssyncadd.s32 @p1 $0xFFFFF800  }
0x49: {  	_ =	swait.ge @p1 [sflag:s28], $0x800  }
0x4a: {  	s30 =	sand.u32 $0x800, s29;
	[sflag:s28] =	ssyncset.done @p1 $0x0  }
0x4b: {  	s19 =	sadd.s32 $0x14880, s30;
	[sflag:s28] =	ssyncadd.s32 @p1 $0xFFFFF800  }
0x4c: {  	[tilespmem:s21], [sflag:$0x1] =	stream.indirect.gather [hbm4b:s1+s20], $0x80, s19, s20, $0xb8;
	[tilespmem:$0x1F080] =	vst v63  }
0x4d: {  	s31 =	sadd.s32 $0x14900, s30  }
0x4e: {  	[tilespmem:s22], [sflag:$0x2] =	stream.indirect.gather [hbm4b:s1+s20], $0x80, s31, s20, $0xb8;
	[tilespmem:$0x1F080] =	vst v63  }
0x4f: {  	_ =	swait.ge [sflag:s23], $0x4000  }
0x50: {  	[sflag:s23] =	ssyncset.done $0x0  }
0x51: {  	s18 =	sadd.s32 $0x15880, s30;
	[sflag:s23] =	ssyncadd.s32 $0xFFFFC000  }
0x52: {  	[spmem:s2] =	stream.indirect.scatter.add.f32 [tilespmem:s21], [sflag:$0x3], $0x80, s18, s20, $0xb8;
	[tilespmem:$0x1F080] =	vst v63  }
0x53: {  	_ =	swait.ge [sflag:s24], $0x4000  }
0x54: {  	[sflag:s24] =	ssyncset.done $0x0  }
0x55: {  	s19 =	sadd.s32 $0x14980, s30;
	[sflag:s24] =	ssyncadd.s32 $0xFFFFC000  }
0x56: {  	[tilespmem:s21], [sflag:$0x1] =	stream.indirect.gather [hbm4b:s1+s20], $0x80, s19, s20, $0xb8;
	[tilespmem:$0x1F080] =	vst v63  }
0x57: {  	_ =	swait.ge [sflag:s25], $0x4000  }
0x58: {  	[sflag:s25] =	ssyncset.done $0x0  }
0x59: {  	s31 =	sadd.s32 $0x15900, s30;
	[sflag:s25] =	ssyncadd.s32 $0xFFFFC000  }
0x5a: {  	[spmem:s2] =	stream.indirect.scatter.add.f32 [tilespmem:s22], [sflag:$0x4], $0x80, s31, s20, $0xb8;
	[tilespmem:$0x1F080] =	vst v63  }
0x5b: {  	_ =	swait.ge [sflag:s26], $0x4000  }
0x5c: {  	[sflag:s26] =	ssyncset.done $0x0  }
0x5d: {  	s18 =	sadd.s32 $0x14A00, s30;
	[sflag:s26] =	ssyncadd.s32 $0xFFFFC000  }
0x5e: {  	[tilespmem:s22], [sflag:$0x2] =	stream.indirect.gather [hbm4b:s1+s20], $0x80, s18, s20, $0xb8;
	[tilespmem:$0x1F080] =	vst v63  }
0x5f: {  	_ =	swait.ge [sflag:s23], $0x4000  }
0x60: {  	[sflag:s23] =	ssyncset.done $0x0  }
0x61: {  	s19 =	sadd.s32 $0x15980, s30;
	[sflag:s23] =	ssyncadd.s32 $0xFFFFC000  }
0x62: {  	[spmem:s2] =	stream.indirect.scatter.add.f32 [tilespmem:s21], [sflag:$0x3], $0x80, s19, s20, $0xb8;
	[tilespmem:$0x1F080] =	vst v63  }
0x63: {  	_ =	swait.ge [sflag:s24], $0x4000  }
0x64: {  	[sflag:s24] =	ssyncset.done $0x0  }
0x65: {  	s31 =	sadd.s32 $0x14A80, s30;
	[sflag:s24] =	ssyncadd.s32 $0xFFFFC000  }
0x66: {  	[tilespmem:s21], [sflag:$0x1] =	stream.indirect.gather [hbm4b:s1+s20], $0x80, s31, s20, $0xb8;
	[tilespmem:$0x1F080] =	vst v63  }
0x67: {  	_ =	swait.ge [sflag:s25], $0x4000  }
0x68: {  	[sflag:s25] =	ssyncset.done $0x0  }
0x69: {  	s18 =	sadd.s32 $0x15A00, s30;
	[sflag:s25] =	ssyncadd.s32 $0xFFFFC000  }
0x6a: {  	[spmem:s2] =	stream.indirect.scatter.add.f32 [tilespmem:s22], [sflag:$0x4], $0x80, s18, s20, $0xb8;
	[tilespmem:$0x1F080] =	vst v63  }
0x6b: {  	_ =	swait.ge [sflag:s26], $0x4000  }
0x6c: {  	[sflag:s26] =	ssyncset.done $0x0  }
0x6d: {  	s19 =	sadd.s32 $0x14B00, s30;
	[sflag:s26] =	ssyncadd.s32 $0xFFFFC000  }
0x6e: {  	[tilespmem:s22], [sflag:$0x2] =	stream.indirect.gather [hbm4b:s1+s20], $0x80, s19, s20, $0xb8;
	[tilespmem:$0x1F080] =	vst v63  }
0x6f: {  	_ =	swait.ge [sflag:s23], $0x4000  }
0x70: {  	[sflag:s23] =	ssyncset.done $0x0  }
0x71: {  	s31 =	sadd.s32 $0x15A80, s30;
	[sflag:s23] =	ssyncadd.s32 $0xFFFFC000  }
0x72: {  	[spmem:s2] =	stream.indirect.scatter.add.f32 [tilespmem:s21], [sflag:$0x3], $0x80, s31, s20, $0xb8;
	[tilespmem:$0x1F080] =	vst v63  }
0x73: {  	_ =	swait.ge [sflag:s24], $0x4000  }
0x74: {  	[sflag:s24] =	ssyncset.done $0x0  }
0x75: {  	s18 =	sadd.s32 $0x14B80, s30;
	[sflag:s24] =	ssyncadd.s32 $0xFFFFC000  }
0x76: {  	[tilespmem:s21], [sflag:$0x1] =	stream.indirect.gather [hbm4b:s1+s20], $0x80, s18, s20, $0xb8;
	[tilespmem:$0x1F080] =	vst v63  }
0x77: {  	_ =	swait.ge [sflag:s25], $0x4000  }
0x78: {  	[sflag:s25] =	ssyncset.done $0x0  }
0x79: {  	s19 =	sadd.s32 $0x15B00, s30;
	[sflag:s25] =	ssyncadd.s32 $0xFFFFC000  }
0x7a: {  	[spmem:s2] =	stream.indirect.scatter.add.f32 [tilespmem:s22], [sflag:$0x4], $0x80, s19, s20, $0xb8;
	[tilespmem:$0x1F080] =	vst v63  }
0x7b: {  	_ =	swait.ge [sflag:s26], $0x4000  }
0x7c: {  	[sflag:s26] =	ssyncset.done $0x0  }
0x7d: {  	s31 =	sadd.s32 $0x14C00, s30;
	[sflag:s26] =	ssyncadd.s32 $0xFFFFC000  }
0x7e: {  	[tilespmem:s22], [sflag:$0x2] =	stream.indirect.gather [hbm4b:s1+s20], $0x80, s31, s20, $0xb8;
	[tilespmem:$0x1F080] =	vst v63  }
0x7f: {  	_ =	swait.ge [sflag:s23], $0x4000  }
0x80: {  	[sflag:s23] =	ssyncset.done $0x0  }
0x81: {  	s18 =	sadd.s32 $0x15B80, s30;
	[sflag:s23] =	ssyncadd.s32 $0xFFFFC000  }
0x82: {  	[spmem:s2] =	stream.indirect.scatter.add.f32 [tilespmem:s21], [sflag:$0x3], $0x80, s18, s20, $0xb8;
	[tilespmem:$0x1F080] =	vst v63  }
0x83: {  	_ =	swait.ge [sflag:s24], $0x4000  }
0x84: {  	[sflag:s24] =	ssyncset.done $0x0  }
0x85: {  	s19 =	sadd.s32 $0x14C80, s30;
	[sflag:s24] =	ssyncadd.s32 $0xFFFFC000  }
0x86: {  	[tilespmem:s21], [sflag:$0x1] =	stream.indirect.gather [hbm4b:s1+s20], $0x80, s19, s20, $0xb8;
	[tilespmem:$0x1F080] =	vst v63  }
0x87: {  	_ =	swait.ge [sflag:s25], $0x4000  }
0x88: {  	[sflag:s25] =	ssyncset.done $0x0  }
0x89: {  	s31 =	sadd.s32 $0x15C00, s30;
	[sflag:s25] =	ssyncadd.s32 $0xFFFFC000  }
0x8a: {  	[spmem:s2] =	stream.indirect.scatter.add.f32 [tilespmem:s22], [sflag:$0x4], $0x80, s31, s20, $0xb8;
	[tilespmem:$0x1F080] =	vst v63  }
0x8b: {  	_ =	swait.ge [sflag:s26], $0x4000  }
0x8c: {  	[sflag:s26] =	ssyncset.done $0x0  }
0x8d: {  	s18 =	sadd.s32 $0x14D00, s30;
	[sflag:s26] =	ssyncadd.s32 $0xFFFFC000  }
0x8e: {  	[tilespmem:s22], [sflag:$0x2] =	stream.indirect.gather [hbm4b:s1+s20], $0x80, s18, s20, $0xb8;
	[tilespmem:$0x1F080] =	vst v63  }
0x8f: {  	_ =	swait.ge [sflag:s23], $0x4000  }
0x90: {  	[sflag:s23] =	ssyncset.done $0x0  }
0x91: {  	s19 =	sadd.s32 $0x15C80, s30;
	[sflag:s23] =	ssyncadd.s32 $0xFFFFC000  }
0x92: {  	[spmem:s2] =	stream.indirect.scatter.add.f32 [tilespmem:s21], [sflag:$0x3], $0x80, s19, s20, $0xb8;
	[tilespmem:$0x1F080] =	vst v63  }
0x93: {  	_ =	swait.ge [sflag:s24], $0x4000  }
0x94: {  	[sflag:s24] =	ssyncset.done $0x0  }
0x95: {  	s31 =	sadd.s32 $0x14D80, s30;
	[sflag:s24] =	ssyncadd.s32 $0xFFFFC000  }
0x96: {  	[tilespmem:s21], [sflag:$0x1] =	stream.indirect.gather [hbm4b:s1+s20], $0x80, s31, s20, $0xb8;
	[tilespmem:$0x1F080] =	vst v63  }
0x97: {  	_ =	swait.ge [sflag:s25], $0x4000  }
0x98: {  	[sflag:s25] =	ssyncset.done $0x0  }
0x99: {  	s18 =	sadd.s32 $0x15D00, s30;
	[sflag:s25] =	ssyncadd.s32 $0xFFFFC000  }
0x9a: {  	[spmem:s2] =	stream.indirect.scatter.add.f32 [tilespmem:s22], [sflag:$0x4], $0x80, s18, s20, $0xb8;
	[tilespmem:$0x1F080] =	vst v63  }
0x9b: {  	_ =	swait.ge [sflag:s26], $0x4000  }
0x9c: {  	[sflag:s26] =	ssyncset.done $0x0  }
0x9d: {  	s19 =	sadd.s32 $0x14E00, s30;
	[sflag:s26] =	ssyncadd.s32 $0xFFFFC000  }
0x9e: {  	[tilespmem:s22], [sflag:$0x2] =	stream.indirect.gather [hbm4b:s1+s20], $0x80, s19, s20, $0xb8;
	[tilespmem:$0x1F080] =	vst v63  }
0x9f: {  	_ =	swait.ge [sflag:s23], $0x4000  }
0xa0: {  	[sflag:s23] =	ssyncset.done $0x0  }
0xa1: {  	s31 =	sadd.s32 $0x15D80, s30;
	[sflag:s23] =	ssyncadd.s32 $0xFFFFC000  }
0xa2: {  	[spmem:s2] =	stream.indirect.scatter.add.f32 [tilespmem:s21], [sflag:$0x3], $0x80, s31, s20, $0xb8;
	[tilespmem:$0x1F080] =	vst v63  }
0xa3: {  	_ =	swait.ge [sflag:s24], $0x4000  }
0xa4: {  	[sflag:s24] =	ssyncset.done $0x0  }
0xa5: {  	s18 =	sadd.s32 $0x14E80, s30;
	[sflag:s24] =	ssyncadd.s32 $0xFFFFC000  }
0xa6: {  	[tilespmem:s21], [sflag:$0x1] =	stream.indirect.gather [hbm4b:s1+s20], $0x80, s18, s20, $0xb8;
	[tilespmem:$0x1F080] =	vst v63  }
0xa7: {  	_ =	swait.ge [sflag:s25], $0x4000  }
0xa8: {  	[sflag:s25] =	ssyncset.done $0x0  }
0xa9: {  	s19 =	sadd.s32 $0x15E00, s30;
	[sflag:s25] =	ssyncadd.s32 $0xFFFFC000  }
0xaa: {  	[spmem:s2] =	stream.indirect.scatter.add.f32 [tilespmem:s22], [sflag:$0x4], $0x80, s19, s20, $0xb8;
	[tilespmem:$0x1F080] =	vst v63  }
0xab: {  	_ =	swait.ge [sflag:s26], $0x4000  }
0xac: {  	[sflag:s26] =	ssyncset.done $0x0  }
0xad: {  	s31 =	sadd.s32 $0x14F00, s30;
	[sflag:s26] =	ssyncadd.s32 $0xFFFFC000  }
0xae: {  	[tilespmem:s22], [sflag:$0x2] =	stream.indirect.gather [hbm4b:s1+s20], $0x80, s31, s20, $0xb8;
	[tilespmem:$0x1F080] =	vst v63  }
0xaf: {  	_ =	swait.ge [sflag:s23], $0x4000  }
0xb0: {  	[sflag:s23] =	ssyncset.done $0x0  }
0xb1: {  	s18 =	sadd.s32 $0x15E80, s30;
	[sflag:s23] =	ssyncadd.s32 $0xFFFFC000  }
0xb2: {  	[spmem:s2] =	stream.indirect.scatter.add.f32 [tilespmem:s21], [sflag:$0x3], $0x80, s18, s20, $0xb8;
	[tilespmem:$0x1F080] =	vst v63  }
0xb3: {  	_ =	swait.ge [sflag:s24], $0x4000  }
0xb4: {  	[sflag:s24] =	ssyncset.done $0x0  }
0xb5: {  	s19 =	sadd.s32 $0x14F80, s30;
	[sflag:s24] =	ssyncadd.s32 $0xFFFFC000  }
0xb6: {  	[tilespmem:s21], [sflag:$0x1] =	stream.indirect.gather [hbm4b:s1+s20], $0x80, s19, s20, $0xb8;
	[tilespmem:$0x1F080] =	vst v63  }
0xb7: {  	_ =	swait.ge [sflag:s25], $0x4000  }
0xb8: {  	[sflag:s25] =	ssyncset.done $0x0  }
0xb9: {  	s31 =	sadd.s32 $0x15F00, s30;
	[sflag:s25] =	ssyncadd.s32 $0xFFFFC000  }
0xba: {  	[spmem:s2] =	stream.indirect.scatter.add.f32 [tilespmem:s22], [sflag:$0x4], $0x80, s31, s20, $0xb8;
	[tilespmem:$0x1F080] =	vst v63  }
0xbb: {  	_ =	swait.ge [sflag:s26], $0x4000  }
0xbc: {  	[sflag:s26] =	ssyncset.done $0x0  }
0xbd: {  	s18 =	sor.u32 $0x15000, s30;
	[sflag:s26] =	ssyncadd.s32 $0xFFFFC000  }
0xbe: {  	[tilespmem:s22], [sflag:$0x2] =	stream.indirect.gather [hbm4b:s1+s20], $0x80, s18, s20, $0xb8;
	[tilespmem:$0x1F080] =	vst v63  }
0xbf: {  	_ =	swait.ge [sflag:s23], $0x4000  }
0xc0: {  	[sflag:s23] =	ssyncset.done $0x0  }
0xc1: {  	s19 =	sadd.s32 $0x15F80, s30;
	[sflag:s23] =	ssyncadd.s32 $0xFFFFC000  }
0xc2: {  	[spmem:s2] =	stream.indirect.scatter.add.f32 [tilespmem:s21], [sflag:$0x3], $0x80, s19, s20, $0xb8;
	[tilespmem:$0x1F080] =	vst v63  }
0xc3: {  	_ =	swait.ge [sflag:s24], $0x4000  }
0xc4: {  	[sflag:s24] =	ssyncset.done $0x0  }
0xc5: {  	[sflag:s24] =	ssyncadd.s32 $0xFFFFC000  }
0xc6: {  	s29 =	sadd.s32 $0x800, s29;
	_ =	swait.ge [sflag:s25], $0x4000  }
0xc7: {  	p1 =	sne.s32 s29, $0x2800;
	[sflag:s25] =	ssyncset.done $0x0  }
.Ltmp2:
0xc8: {  	s31 =	sor.u32 $0x16000, s30;
	[sflag:s25] =	ssyncadd.s32 $0xFFFFC000;
	(pc) =	sbr.rel @p1 .LBB2_6-.Ltmp2, $4  }
0xc9: {  	[spmem:s2] =	stream.indirect.scatter.add.f32 [tilespmem:s22], [sflag:$0x4], $0x80, s31, s20, $0xb8;
	[tilespmem:$0x1F080] =	vst v63  }
0xca: {  	_ =	swait.ge [sflag:s26], $0x4000  }
0xcb: {  	[sflag:s26] =	ssyncset.done $0x0  }
0xcc: {  	[sflag:s26] =	ssyncadd.s32 $0xFFFFC000  }
0xcd: {  	s0 =	sshll.u32 s3, $0x6  }
0xce: {  	[bflag:$0x0] =	sbarrier.arrive $0xFFFF;
	s18 =	sshrl.u32 s7, $0x3;
	s0 =	sor.u32 $0x1C06, s0  }
0xcf: {  	[hbm:s10], [sflag:s0] =	dma.local [spmem:s18], $0x2900  }
0xd0: {  	_ =	swait.ge [sflag:s17], $0x2900  }
0xd1: {  	s4 =	sadd.s32 $0x1, s4;
	[sflag:s17] =	ssyncset.done $0x0  }
0xd2: {  	p1 =	sne.s32 s4, s13;
	s18 =	sshrl.u32 @!p0 s12, $0x3;
	[sflag:s17] =	ssyncadd.s32 $0xFFFFD700  }
0xd3: {  	[hbm:s11], [sflag:s0] =	dma.local @!p0 [spmem:s18], $0x100  }
.Ltmp3:
0xd4: {  	_ = 	snop;
	(pc) =	sbr.rel @p1 .LBB2_1-.Ltmp3, $4  }
0xd5: {  	s0 =	simm.s32 @!p0 $0x6  }
0xd6: {  	_ =	swait.ge @!p0 [sflag:s0], $0x100  }
0xd7: {  	[sflag:s0] =	ssyncset.done @!p0 $0x0  }
0xd8: {  	[sflag:s0] =	ssyncadd.s32 @!p0 $0xFFFFFF00  }
0xd9: {  	_ =	sfence.sel $0x180000  }
0xda: {  	[bflag:$0x0] =	sbarrier.arrive $0xFFFF  }
0xdb: {  	_ =	strace $0x90000047  }
0xdc: {  	[bflag:$0x2] =	sbarrier.arrive $0xFFFF  }
0xdd: {  	p0 =	sne.s32 s3, $0x0;
	s0 =	rddreg [dreg:$0x3]  }
0xde: {  	s0 =	sadd.s32 @!p0 $0x100000, s0  }
0xdf: {  	[sflag:s0] =	ssyncadd.tile.s32 @!p0 $0x1;
	_ =	shalt  }
.Lfunc_end2:
_tile_overlayer_lowered:
.L_overlay_start_2:
0xe0: {  	(tag) =	ssettag $0x2  }
0xe1: {  	s0 =	rddreg [dreg:$0x0];
	s2 =	stileid.u32  }
0xe2: {  	s1 =	rddreg [dreg:$0x1];
	p0 =	sne.s32 s2, $0x0  }
0xe3: {  	s3 =	rddreg [dreg:$0x2];
	[bflag:$0x3] =	sbarrier.arrive $0xFFFF;
	s2 =	simm.s32 @!p0 $0x1C06  }
0xe4: {  	[timem:s3], [sflag:s2] =	dma.local @!p0 [hbm:s0], s1  }
0xe5: {  	s0 =	simm.s32 @!p0 $0x6  }
0xe6: {  	_ =	swait.ge @!p0 [sflag:s0], s1  }
0xe7: {  	s1 =	ssub.s32 @!p0 $0x0, s1;
	[sflag:s0] =	ssyncset.done @!p0 $0x0  }
0xe8: {  	[sflag:s0] =	ssyncadd.s32 @!p0 s1  }
0xe9: {  	[bflag:$0x3] =	sbarrier.arrive $0xFFFF  }
0xea: {  	_ =	shalt  }

// kernel: kernel.14.cloned.1.call-start
scs
__scs_entry_jumppad:
0x0: {  	(pc) =	sbr.rel $0x88, $3  }
0x1: {  	(tag) =	ssettag $0x0;
	lr =	simm.s32 $0x1  }
0x2: {  	[smem:$0x3F99] =	sst lr;
	_ =	strace $0xD0000000  }
0x3: {  	_ = 	snop  }
0x4: {  	_ = 	snop  }
0x5: {  	_ = 	snop  }
0x6: {  	_ = 	snop  }
0x7: {  	_ = 	snop  }
__scs_overlays_trampoline_lowered:
0x8: {  	[smem:$0x3FA8] =	sst s0  }
0x9: {  	[smem:$0x3FA9] =	sst s1  }
0xa: {  	[smem:$0x3FAA] =	sst s2  }
0xb: {  	[smem:$0x3FAB] =	sst s3  }
0xc: {  	[smem:$0x3FAC] =	sst s4  }
0xd: {  	[smem:$0x3FAD] =	sst s5  }
0xe: {  	[smem:$0x3FAE] =	sst s6  }
0xf: {  	[smem:$0x3FAF] =	sst s7  }
0x10: {  	[smem:$0x3FB0] =	sst s8  }
0x11: {  	[smem:$0x3FB1] =	sst s9;
	s0 =	simm.s32 @!p0 $0x0  }
0x12: {  	s1 =	sld [smem:$0x3F97];
	s0 =	simm.s32 @p0 $0x1  }
0x13: {  	[smem:$0x3FB2] =	sst s0;
	s0 =	simm.s32 @!p1 $0x0  }
0x14: {  	s2 =	sld [smem:$0x3F96];
	s0 =	simm.s32 @p1 $0x1  }
0x15: {  	[smem:$0x3FB3] =	sst s0;
	s0 =	simm.s32 @!p2 $0x0  }
0x16: {  	s3 =	sld [smem:$0x3FDB];
	s0 =	simm.s32 @p2 $0x1  }
0x17: {  	s4 =	simm.s32 $0x1BF5;
	[smem:$0x3FB5] =	sst s0  }
0x18: {  	s0 =	sld [smem:$0x3F98];
	_ =	swait.ge [sflag:s4], $0x0  }
0x19: {  	s7 =	sld [smem:$0x3F99]  }
0x1a: {  	s8 =	sadd.s32 $0xFFFFE003, lr  }
0x1b: {  	s9 =	sadd.s32 $0xFFFFFEF7, lr;
	s5 =	simm.s32 $0xFFFFFFFF;
	p2 =	slt.u32 s8, $0xFFFFF086  }
0x1c: {  	p1 =	slt.u32 s9, $0xF7A;
	s5 =	simm.s32 @!p2 $0x0  }
0x1d: {  	s5 =	simm.s32 @p1 $0x1;
	p0 =	seq.s32 s7, s2  }
0x1e: {  	s7 =	smul.u32 @!p0 $0xF7A, s2;
	p2 =	seq.s32 @!p0 s5, $0x0  }
0x1f: {  	s9 =	smul.u32 $0xF7A, s1;
	s8 =	simm.s32 @!p0 $0x1BF5;
	p2 =	por !p2, p0  }
0x20: {  	[sflag:s8] =	ssyncset.s32 @!p0 $0xFFFFF086;
	s6 =	sadd.s32 @!p0 s3, s7;
	s7 =	simm.s32 @!p0 $0x108  }
0x21: {  	s3 =	sadd.s32 s3, s9;
	s6 =	sadd.s32 @!p0 $0x88, s6;
	s7 =	simm.s32 @p2 $0x1082  }
0x22: {  	[simem:s7], [sflag:s8] =	dma.local @!p0 [hbm:s6], $0xF7A  }
0x23: {  	s9 =	sor.u32 $0xD0000000, s2;
	s6 =	simm.s32 $0x108;
	_ =	swait.ge @!p0 [sflag:s8], $0x0  }
0x24: {  	s3 =	sadd.s32 $0x88, s3;
	s6 =	simm.s32 @!p1 $0x1082;
	[sflag:s4] =	ssyncset.s32 $0xFFFFF086  }
0x25: {  	[simem:s6], [sflag:s4] =	dma.local [hbm:s3], $0xF7A  }
0x26: {  	[smem:$0x3F99] =	sst s1;
	(tag) =	ssettag s2;
	_ =	strace s9  }
0x27: {  	s1 =	sld [smem:$0x3FA9]  }
0x28: {  	s2 =	sld [smem:$0x3FAA]  }
0x29: {  	s4 =	sld [smem:$0x3FAC]  }
0x2a: {  	p0 =	seq.s32 s5, $0x0;
	s5 =	sld [smem:$0x3FAD]  }
0x2b: {  	s6 =	sld [smem:$0x3FAE]  }
0x2c: {  	s7 =	sld [smem:$0x3FAF]  }
0x2d: {  	s3 =	simm.s32 $0x108;
	s8 =	sld [smem:$0x3FB0]  }
0x2e: {  	s3 =	simm.s32 @!p0 $0x1082;
	s9 =	sld [smem:$0x3FB1]  }
0x2f: {  	lr =	sadd.s32 s0, s3;
	s0 =	sld [smem:$0x3FA8]  }
0x30: {  	s3 =	sld [smem:$0x3FAB]  }
0x31: {  	[smem:$0x3FB4] =	sst s10  }
0x32: {  	s10 =	sld [smem:$0x3FB2];
	_ =	sdelay $0x3  }
0x33: {  	p0 =	seq.s32 s10, $0x1;
	s10 =	sld [smem:$0x3FB4];
	_ =	sdelay $0x3  }
0x34: {  	[smem:$0x3FB4] =	sst s10  }
0x35: {  	s10 =	sld [smem:$0x3FB3];
	_ =	sdelay $0x3  }
0x36: {  	p1 =	seq.s32 s10, $0x1;
	s10 =	sld [smem:$0x3FB4];
	_ =	sdelay $0x3  }
0x37: {  	[smem:$0x3FB4] =	sst s10  }
0x38: {  	s10 =	sld [smem:$0x3FB5]  }
0x39: {  	_ = 	snop;
	(pc) =	sbr.ind lr, $3  }
0x3a: {  	_ = 	snop  }
0x3b: {  	_ = 	snop  }
0x3c: {  	p2 =	seq.s32 s10, $0x1;
	s10 =	sld [smem:$0x3FB4]  }
0x3d: {  	_ =	shalt  }
0x3e: {  	_ =	shalt  }
0x3f: {  	_ =	shalt  }
0x40: {  	_ =	shalt  }
0x41: {  	_ =	shalt  }
0x42: {  	_ =	shalt  }
0x43: {  	_ =	shalt  }
0x44: {  	_ =	shalt  }
0x45: {  	_ =	shalt  }
0x46: {  	_ =	shalt  }
0x47: {  	_ =	shalt  }
0x48: {  	_ =	shalt  }
0x49: {  	_ =	shalt  }
0x4a: {  	_ =	shalt  }
0x4b: {  	_ =	shalt  }
0x4c: {  	_ =	shalt  }
0x4d: {  	_ =	shalt  }
0x4e: {  	_ =	shalt  }
0x4f: {  	_ =	shalt  }
0x50: {  	_ =	shalt  }
0x51: {  	_ =	shalt  }
0x52: {  	_ =	shalt  }
0x53: {  	_ =	shalt  }
0x54: {  	_ =	shalt  }
0x55: {  	_ =	shalt  }
0x56: {  	_ =	shalt  }
0x57: {  	_ =	shalt  }
0x58: {  	_ =	shalt  }
0x59: {  	_ =	shalt  }
0x5a: {  	_ =	shalt  }
0x5b: {  	_ =	shalt  }
0x5c: {  	_ =	shalt  }
0x5d: {  	_ =	shalt  }
0x5e: {  	_ =	shalt  }
0x5f: {  	_ =	shalt  }
0x60: {  	_ =	shalt  }
0x61: {  	_ =	shalt  }
0x62: {  	_ =	shalt  }
0x63: {  	_ =	shalt  }
0x64: {  	_ =	shalt  }
0x65: {  	_ =	shalt  }
0x66: {  	_ =	shalt  }
0x67: {  	_ =	shalt  }
0x68: {  	_ =	shalt  }
0x69: {  	_ =	shalt  }
0x6a: {  	_ =	shalt  }
0x6b: {  	_ =	shalt  }
0x6c: {  	_ =	shalt  }
0x6d: {  	_ =	shalt  }
0x6e: {  	_ =	shalt  }
0x6f: {  	_ =	shalt  }
0x70: {  	_ =	shalt  }
0x71: {  	_ =	shalt  }
0x72: {  	_ =	shalt  }
0x73: {  	_ =	shalt  }
0x74: {  	_ =	shalt  }
0x75: {  	_ =	shalt  }
0x76: {  	_ =	shalt  }
0x77: {  	_ =	shalt  }
0x78: {  	_ =	shalt  }
0x79: {  	_ =	shalt  }
0x7a: {  	_ =	shalt  }
0x7b: {  	_ =	shalt  }
0x7c: {  	_ =	shalt  }
0x7d: {  	_ =	shalt  }
0x7e: {  	_ =	shalt  }
0x7f: {  	_ =	shalt  }
0x80: {  	_ =	shalt  }
0x81: {  	_ =	shalt  }
0x82: {  	_ =	shalt  }
0x83: {  	_ =	shalt  }
0x84: {  	_ =	shalt  }
0x85: {  	_ =	shalt  }
0x86: {  	_ =	shalt  }
0x87: {  	_ =	shalt  }
.Lfunc_end0:
.L_simem_size_0:
called_computation.2_lowered:
.L_overlay_start_0:
0x88: {  	s2 =	sld [smem:$0x3FD9]  }
0x89: {  	s3 =	sld [smem:$0x3FFE];
	_ =	sdelay $0x1  }
0x8a: {  	s1 =	srdreg.scid  }
0x8b: {  	s0 =	sand.u32 $0x1, s1  }
0x8c: {  	s17 =	sshll.u32 s0, $0xA;
	s2 =	sadd.s32 s3, s2  }
0x8d: {  	s2 =	sadd.s32 s2, s17  }
0x8e: {  	[smem:$0x3FC0] =	sst s2  }
0x8f: {  	_ = 	snop  }
0x90: {  	s2 =	sld [smem:$0x3FD0];
	(tm) =	ssettm $0x1  }
0x91: {  	s18 =	sld [smem:$0x3FFB];
	_ =	sdelay $0x3  }
0x92: {  	_ =	strace s18  }
0x93: {  	s3 =	sld [smem:$0x3FFC];
	_ =	sdelay $0x3  }
0x94: {  	_ =	strace s3  }
0x95: {  	s3 =	sld [smem:$0x3FFD];
	_ =	sdelay $0x3  }
0x96: {  	_ =	strace s3  }
0x97: {  	_ =	strace $0x8FFFFFFF  }
0x98: {  	s19 =	sld [smem:$0x3FDB];
	_ =	sdelay $0x1  }
0x99: {  	s4 =	simm.s32 $_scs_section_size  }
0x9a: {  	s5 =	simm.s32 $_size__tile_overlayer_lowered;
	s6 =	simm.s32 $_tile_overlayer_lowered  }
0x9b: {  	s22 =	simm.s32 $0x1BFF;
	s21 =	sshll.u32 s6, $0x1;
	s3 =	sadd.s32 s4, s19  }
0x9c: {  	s7 =	simm.s32 $0x0;
	s20 =	sshll.u32 s5, $0x1;
	s5 =	sadd.s32 s21, s3  }
0x9d: {  	[timem:s7], [sflag:s22] =	dma.local [hbm:s5], s20  }
0x9e: {  	_ =	swait.ge [sflag:s22], s20  }
0x9f: {  	s4 =	ssub.s32 $0x0, s20;
	[sflag:s22] =	ssyncset.done $0x0  }
0xa0: {  	[sflag:s22] =	ssyncadd.s32 s4;
	_ =	sdelay $0x1  }
0xa1: {  	s23 =	simm.s32 $0x1B8B  }
0xa2: {  	_ =	swait.ge [sflag:s23], $0x1  }
0xa3: {  	[sflag:s23] =	ssyncset.done $0x0  }
0xa4: {  	s25 =	simm.s32 $0x1B8E;
	s24 =	sld [smem:$0x3FFE];
	[sflag:s23] =	ssyncadd.s32 $0xFFFFFFFF  }
0xa5: {  	s26 =	simm.s32 $execute0_lowered;
	[smem:$0x3FD2] =	sst s25  }
0xa6: {  	s5 =	sshll.u32 s26, $0x1;
	_ =	strace $0x8000004C;
	[dreg:$0x1] =	wrdreg $0xFFFFFFFF  }
0xa7: {  	s28 =	simm.s32 $_size_execute0_lowered;
	s3 =	sadd.s32 s3, s5;
	[dreg:$0x0] =	wrdreg $0x0  }
0xa8: {  	s5 =	sshll.u32 s28, $0x1;
	[dreg:$0x2] =	wrdreg s3  }
0xa9: {  	[dreg:$0x3] =	wrdreg s5  }
0xaa: {  	[dreg:$0x4] =	wrdreg $0xC0  }
0xab: {  	_ =	task [dreg:s7], $0x5FFFF  }
0xac: {  	[dreg:$0x1] =	wrdreg $0xFFFFFFFF  }
0xad: {  	[dreg:$0x0] =	wrdreg $0x60  }
0xae: {  	[dreg:$0x2] =	wrdreg s2  }
0xaf: {  	[dreg:$0x3] =	wrdreg s24  }
0xb0: {  	[dreg:$0x4] =	wrdreg $0x0  }
0xb1: {  	[dreg:$0x5] =	wrdreg $0x9  }
0xb2: {  	_ =	task.clear_ibuf [dreg:s7], $0x6FFFF;
	_ =	strace $0x9000004C  }
0xb3: {  	s29 =	simm.s32 $0x9;
	_ =	strace $0x8000004E  }
0xb4: {  	_ =	swait.ge [sflag:s29], $0x1  }
0xb5: {  	[sflag:s29] =	ssyncadd.s32 $0xFFFFFFFF  }
0xb6: {  	_ =	strace $0x9000004E  }
0xb7: {  	_ =	sfence  }
0xb8: {  	s30 =	sld [smem:$0x0];
	_ =	sdelay $0x2  }
0xb9: {  	s31 =	sshll.u32 s1, $0xD;
	s1 =	sshrl.u32 s1, $0x2  }
0xba: {  	s3 =	sand.u32 $0x4000, s31;
	s1 =	sadd.s32 s1, s30  }
0xbb: {  	s0 =	sor.u32 s3, s0;
	s1 =	sshll.u32 s1, $0x11  }
0xbc: {  	s0 =	sor.u32 s1, s0  }
0xbd: {  	s0 =	sadd.s32 $0x8F2B, s0  }
0xbe: {  	[sflag:s0] =	ssyncadd.remote.s32 $0x1  }
0xbf: {  	_ =	sfence.sel $0xFFFF  }
0xc0: {  	[dreg:$0x0] =	wrdreg $0xFFFFFFFF;
	(pc) =	sbr.abs _section_cstart, $3  }
0xc1: {  	[dreg:$0x1] =	wrdreg $0xFFFFFFFF  }
0xc2: {  	_ =	task.clear_ibuf [dreg:s7], $0x2FFFF;
	_ =	strace $0x9FFFFFFF  }
0xc3: {  	(tm) =	ssettm $0x7FFFFFFF  }
tec
execute0_lowered:
.L_overlay_start_1:
0x0: {  	(tag) =	ssettag $0x1  }
0x1: {  	s1 =	rddreg [dreg:$0x0]  }
0x2: {  	s7 =	rddreg [dreg:$0x1]  }
0x3: {  	s2 =	rddreg [dreg:$0x2];
	s3 =	srdreg.scid  }
0x4: {  	s4 =	simm.s32 $0x0;
	s17 =	simm.s32 $0x6;
	s20 =	simm.s32 $0x80  }
0x5: {  	s21 =	simm.s32 $0x16880;
	s9 =	sand.u32 $0x1, s3;
	s3 =	stileid.u32  }
0x6: {  	s22 =	simm.s32 $0x1A880;
	s23 =	simm.s32 $0x1;
	s10 =	smul.u32 $0x52000, s3  }
0x7: {  	s24 =	simm.s32 $0x3;
	s28 =	simm.s32 $0x5;
	s13 =	smul.u32 $0x148800, s9  }
0x8: {  	[smem:$0x7FF] =	sst s4;
	s6 =	sadd.s32 $0x3000, s7;
	s14 =	smul.u32 $0x14800, s3  }
0x9: {  	s12 =	sadd.s32 $0x17000, s7;
	s5 =	sshll.u32 s9, $0x4;
	s30 =	smul.u32 $0x28000, s9  }
0xa: {  	_ =	strace $0x8000004D;
	s25 =	ssub.s32 $0x2, s9;
	s16 =	smul.u32 $0x2800, s3  }
0xb: {  	p0 =	sne.s32 s3, $0xF;
	s8 =	sor.u32 s3, s5;
	s5 =	sadd.s32 $0xD000, s7  }
0xc: {  	s26 =	sshrl.u32 s25, $0x1;
	s11 =	smul.u32 $0x500, s8;
	s10 =	sshrl.u32 s10, $0x2  }
0xd: {  	s15 =	ssub.s32 s25, s26;
	s29 =	sadd.s32 s14, s13;
	s13 =	sshrl.u32 s13, $0x3  }
0xe: {  	s31 =	sadd.s32 s16, s30;
	s14 =	sadd.s32 $0x148400, s2;
	s16 =	simm.s32 $0x1E880  }
0xf: {  	s25 =	simm.s32 $0x2;
	s26 =	simm.s32 $0x4;
	s7 =	sadd.s32 s10, s2  }
0x10: {  	s10 =	sshrl.u32 s29, $0x3;
	s13 =	sadd.s32 s12, s13;
	s8 =	sadd.s32 s5, s11  }
0x11: {  	s9 =	sadd.s32 s6, s11;
	s10 =	sadd.s32 s12, s10;
	s11 =	sadd.s32 $0x29000, s13  }
0x12: {  	v0 =	vimm.f32 $0.0e+00;
	s12 =	sadd.s32 $0x148000, s2;
	s13 =	smax.u32 s15, $0x1;
	s15 =	sadd.s32 $0x800, s31  }
.LBB2_1:
0x13: {  	s29 =	simm.s32 $0x0;
	s30 =	simm.s32 $0x200  }
.LBB2_2:
0x14: {  	p1 =	sne.s32 s30, $0x1E00;
	[tilespmem:s29+$0x1E8F0] =	vst v0  }
0x15: {  	[tilespmem:s29+$0x1E880] =	vst v0  }
0x16: {  	[tilespmem:s29+$0x1E890] =	vst v0  }
.Ltmp0:
0x17: {  	[tilespmem:s29+$0x1E8A0] =	vst v0;
	(pc) =	sbr.rel @p1 .LBB2_2-.Ltmp0, $4  }
0x18: {  	[tilespmem:s29+$0x1E8B0] =	vst v0  }
0x19: {  	[tilespmem:s29+$0x1E8C0] =	vst v0  }
0x1a: {  	[tilespmem:s29+$0x1E8D0] =	vst v0  }
0x1b: {  	[tilespmem:s29+$0x1E8E0] =	vst v0;
	s29 =	sshra.s32 s30, $0x2;
	s30 =	sadd.s32 $0x200, s30  }
0x1c: {  	[tilespmem:s29+$0x1E8F0] =	vst v0  }
0x1d: {  	[tilespmem:s29+$0x1E880] =	vst v0  }
0x1e: {  	[tilespmem:s29+$0x1E890] =	vst v0  }
0x1f: {  	[tilespmem:s29+$0x1E8A0] =	vst v0  }
0x20: {  	[tilespmem:s29+$0x1E8B0] =	vst v0  }
0x21: {  	[tilespmem:s29+$0x1E8C0] =	vst v0  }
0x22: {  	[tilespmem:s29+$0x1E8D0] =	vst v0  }
0x23: {  	[tilespmem:s29+$0x1E8E0] =	vst v0;
	s29 =	sadd.s32 $0x0, s7  }
0x24: {  	[spmem:s29] =	stream.linear.scatter [tilespmem:s16], [sflag:$0x6], $0x800, $0x38;
	[tilespmem:$0x1F080] =	vst v63  }
0x25: {  	s29 =	simm.s32 $0x2000;
	_ =	swait.ge [sflag:s17], $0x800  }
.LBB2_4:
0x26: {  	s30 =	sshra.s32 s29, $0x2;
	[sflag:s17] =	ssyncset.done $0x0;
	p1 =	sne.s32 s29, $0x50000  }
.Ltmp1:
0x27: {  	s30 =	sadd.s32 s30, s7;
	[sflag:s17] =	ssyncadd.s32 $0xFFFFF800;
	(pc) =	sbr.rel @p1 .LBB2_4-.Ltmp1, $3  }
0x28: {  	[spmem:s30] =	stream.linear.scatter [tilespmem:s16], [sflag:$0x6], $0x800, $0x38;
	[tilespmem:$0x1F080] =	vst v63  }
0x29: {  	s29 =	sadd.s32 $0x2000, s29;
	_ =	sdelay $0x1  }
0x2a: {  	_ =	swait.ge [sflag:s17], $0x800  }
0x2b: {  	[sflag:s17] =	ssyncset.done $0x0  }
0x2c: {  	s29 =	simm.s32 @!p0 $0x1E880;
	s30 =	simm.s32 @!p0 $0x6;
	[sflag:s17] =	ssyncadd.s32 $0xFFFFF800  }
0x2d: {  	[spmem:s12] =	stream.linear.scatter @!p0 [tilespmem:s29], [sflag:$0x6], $0x400, $0x38;
	[tilespmem:$0x1F080] =	vst v63  }
0x2e: {  	_ =	swait.ge @!p0 [sflag:s30], $0x400  }
0x2f: {  	[sflag:s30] =	ssyncset.done @!p0 $0x0  }
0x30: {  	[sflag:s30] =	ssyncadd.s32 @!p0 $0xFFFFFC00  }
0x31: {  	[spmem:s14] =	stream.linear.scatter @!p0 [tilespmem:s29], [sflag:$0x6], $0x400, $0x38;
	[tilespmem:$0x1F080] =	vst v63  }
0x32: {  	_ =	swait.ge @!p0 [sflag:s30], $0x400  }
0x33: {  	[sflag:s30] =	ssyncset.done @!p0 $0x0  }
0x34: {  	[sflag:s30] =	ssyncadd.s32 @!p0 $0xFFFFFC00  }
0x35: {  	s0 =	simm.s32 $0x14880;
	s29 =	simm.s32 $0x0;
	[bflag:$0x0] =	sbarrier.arrive $0xFFFF  }
0x36: {  	[tilespmem:s0], [sflag:$0x6] =	stream.linear.gather [hbm4b:s8+s29], $0x800, $0x38;
	[tilespmem:$0x1F080] =	vst v63  }
0x37: {  	_ =	swait.ge [sflag:s17], $0x800  }
0x38: {  	[sflag:s17] =	ssyncset.done $0x0  }
0x39: {  	s31 =	simm.s32 $0x15880;
	[sflag:s17] =	ssyncadd.s32 $0xFFFFF800  }
0x3a: {  	[tilespmem:s31], [sflag:$0x6] =	stream.linear.gather [hbm4b:s9+s29], $0x800, $0x38;
	[tilespmem:$0x1F080] =	vst v63  }
0x3b: {  	_ =	swait.ge [sflag:s17], $0x800  }
0x3c: {  	[sflag:s17] =	ssyncset.done $0x0  }
0x3d: {  	[sflag:s17] =	ssyncadd.s32 $0xFFFFF800  }
.LBB2_6:
0x3e: {  	p1 =	seq.s32 s29, $0x2000  }
0x3f: {  	s30 =	sadd.s32 @!p1 s29, s15;
	s31 =	sxor.u32 @!p1 $0xFFFFFFFF, s29  }
0x40: {  	s31 =	sand.u32 @!p1 $0x800, s31;
	s30 =	sshrl.u32 @!p1 s30, $0x3  }
0x41: {  	s19 =	simm.s32 @!p1 $0x0;
	s0 =	sadd.s32 @!p1 $0x14880, s31;
	s18 =	sadd.s32 @!p1 s5, s30  }
0x42: {  	[tilespmem:s0], [sflag:$0x5] =	stream.linear.gather @!p1 [hbm4b:s18+s19], $0x800, $0x38;
	[tilespmem:$0x1F080] =	vst v63  }
0x43: {  	p2 =	seq.s32 @!p1 s29, $0x0;
	s0 =	sadd.s32 @!p1 $0x15880, s31;
	s18 =	sadd.s32 @!p1 s6, s30  }
0x44: {  	[tilespmem:s0], [sflag:$0x5] =	stream.linear.gather @!p1 [hbm4b:s18+s19], $0x800, $0x38;
	[tilespmem:$0x1F080] =	vst v63  }
0x45: {  	p1 =	por p1, !p2  }
0x46: {  	_ =	swait.ge @p1 [sflag:s28], $0x800  }
0x47: {  	[sflag:s28] =	ssyncset.done @p1 $0x0  }
0x48: {  	[sflag:s28] =	ssyncadd.s32 @p1 $0xFFFFF800  }
0x49: {  	_ =	swait.ge @p1 [sflag:s28], $0x800  }
0x4a: {  	s30 =	sand.u32 $0x800, s29;
	[sflag:s28] =	ssyncset.done @p1 $0x0  }
0x4b: {  	s19 =	sadd.s32 $0x14880, s30;
	[sflag:s28] =	ssyncadd.s32 @p1 $0xFFFFF800  }
0x4c: {  	[tilespmem:s21], [sflag:$0x1] =	stream.indirect.gather [hbm4b:s1+s20], $0x80, s19, s20, $0xb8;
	[tilespmem:$0x1F080] =	vst v63  }
0x4d: {  	s31 =	sadd.s32 $0x14900, s30  }
0x4e: {  	[tilespmem:s22], [sflag:$0x2] =	stream.indirect.gather [hbm4b:s1+s20], $0x80, s31, s20, $0xb8;
	[tilespmem:$0x1F080] =	vst v63  }
0x4f: {  	_ =	swait.ge [sflag:s23], $0x4000  }
0x50: {  	[sflag:s23] =	ssyncset.done $0x0  }
0x51: {  	s18 =	sadd.s32 $0x15880, s30;
	[sflag:s23] =	ssyncadd.s32 $0xFFFFC000  }
0x52: {  	[spmem:s2] =	stream.indirect.scatter.add.f32 [tilespmem:s21], [sflag:$0x3], $0x80, s18, s20, $0xb8;
	[tilespmem:$0x1F080] =	vst v63  }
0x53: {  	_ =	swait.ge [sflag:s24], $0x4000  }
0x54: {  	[sflag:s24] =	ssyncset.done $0x0  }
0x55: {  	s19 =	sadd.s32 $0x14980, s30;
	[sflag:s24] =	ssyncadd.s32 $0xFFFFC000  }
0x56: {  	[tilespmem:s21], [sflag:$0x1] =	stream.indirect.gather [hbm4b:s1+s20], $0x80, s19, s20, $0xb8;
	[tilespmem:$0x1F080] =	vst v63  }
0x57: {  	_ =	swait.ge [sflag:s25], $0x4000  }
0x58: {  	[sflag:s25] =	ssyncset.done $0x0  }
0x59: {  	s31 =	sadd.s32 $0x15900, s30;
	[sflag:s25] =	ssyncadd.s32 $0xFFFFC000  }
0x5a: {  	[spmem:s2] =	stream.indirect.scatter.add.f32 [tilespmem:s22], [sflag:$0x4], $0x80, s31, s20, $0xb8;
	[tilespmem:$0x1F080] =	vst v63  }
0x5b: {  	_ =	swait.ge [sflag:s26], $0x4000  }
0x5c: {  	[sflag:s26] =	ssyncset.done $0x0  }
0x5d: {  	s18 =	sadd.s32 $0x14A00, s30;
	[sflag:s26] =	ssyncadd.s32 $0xFFFFC000  }
0x5e: {  	[tilespmem:s22], [sflag:$0x2] =	stream.indirect.gather [hbm4b:s1+s20], $0x80, s18, s20, $0xb8;
	[tilespmem:$0x1F080] =	vst v63  }
0x5f: {  	_ =	swait.ge [sflag:s23], $0x4000  }
0x60: {  	[sflag:s23] =	ssyncset.done $0x0  }
0x61: {  	s19 =	sadd.s32 $0x15980, s30;
	[sflag:s23] =	ssyncadd.s32 $0xFFFFC000  }
0x62: {  	[spmem:s2] =	stream.indirect.scatter.add.f32 [tilespmem:s21], [sflag:$0x3], $0x80, s19, s20, $0xb8;
	[tilespmem:$0x1F080] =	vst v63  }
0x63: {  	_ =	swait.ge [sflag:s24], $0x4000  }
0x64: {  	[sflag:s24] =	ssyncset.done $0x0  }
0x65: {  	s31 =	sadd.s32 $0x14A80, s30;
	[sflag:s24] =	ssyncadd.s32 $0xFFFFC000  }
0x66: {  	[tilespmem:s21], [sflag:$0x1] =	stream.indirect.gather [hbm4b:s1+s20], $0x80, s31, s20, $0xb8;
	[tilespmem:$0x1F080] =	vst v63  }
0x67: {  	_ =	swait.ge [sflag:s25], $0x4000  }
0x68: {  	[sflag:s25] =	ssyncset.done $0x0  }
0x69: {  	s18 =	sadd.s32 $0x15A00, s30;
	[sflag:s25] =	ssyncadd.s32 $0xFFFFC000  }
0x6a: {  	[spmem:s2] =	stream.indirect.scatter.add.f32 [tilespmem:s22], [sflag:$0x4], $0x80, s18, s20, $0xb8;
	[tilespmem:$0x1F080] =	vst v63  }
0x6b: {  	_ =	swait.ge [sflag:s26], $0x4000  }
0x6c: {  	[sflag:s26] =	ssyncset.done $0x0  }
0x6d: {  	s19 =	sadd.s32 $0x14B00, s30;
	[sflag:s26] =	ssyncadd.s32 $0xFFFFC000  }
0x6e: {  	[tilespmem:s22], [sflag:$0x2] =	stream.indirect.gather [hbm4b:s1+s20], $0x80, s19, s20, $0xb8;
	[tilespmem:$0x1F080] =	vst v63  }
0x6f: {  	_ =	swait.ge [sflag:s23], $0x4000  }
0x70: {  	[sflag:s23] =	ssyncset.done $0x0  }
0x71: {  	s31 =	sadd.s32 $0x15A80, s30;
	[sflag:s23] =	ssyncadd.s32 $0xFFFFC000  }
0x72: {  	[spmem:s2] =	stream.indirect.scatter.add.f32 [tilespmem:s21], [sflag:$0x3], $0x80, s31, s20, $0xb8;
	[tilespmem:$0x1F080] =	vst v63  }
0x73: {  	_ =	swait.ge [sflag:s24], $0x4000  }
0x74: {  	[sflag:s24] =	ssyncset.done $0x0  }
0x75: {  	s18 =	sadd.s32 $0x14B80, s30;
	[sflag:s24] =	ssyncadd.s32 $0xFFFFC000  }
0x76: {  	[tilespmem:s21], [sflag:$0x1] =	stream.indirect.gather [hbm4b:s1+s20], $0x80, s18, s20, $0xb8;
	[tilespmem:$0x1F080] =	vst v63  }
0x77: {  	_ =	swait.ge [sflag:s25], $0x4000  }
0x78: {  	[sflag:s25] =	ssyncset.done $0x0  }
0x79: {  	s19 =	sadd.s32 $0x15B00, s30;
	[sflag:s25] =	ssyncadd.s32 $0xFFFFC000  }
0x7a: {  	[spmem:s2] =	stream.indirect.scatter.add.f32 [tilespmem:s22], [sflag:$0x4], $0x80, s19, s20, $0xb8;
	[tilespmem:$0x1F080] =	vst v63  }
0x7b: {  	_ =	swait.ge [sflag:s26], $0x4000  }
0x7c: {  	[sflag:s26] =	ssyncset.done $0x0  }
0x7d: {  	s31 =	sadd.s32 $0x14C00, s30;
	[sflag:s26] =	ssyncadd.s32 $0xFFFFC000  }
0x7e: {  	[tilespmem:s22], [sflag:$0x2] =	stream.indirect.gather [hbm4b:s1+s20], $0x80, s31, s20, $0xb8;
	[tilespmem:$0x1F080] =	vst v63  }
0x7f: {  	_ =	swait.ge [sflag:s23], $0x4000  }
0x80: {  	[sflag:s23] =	ssyncset.done $0x0  }
0x81: {  	s18 =	sadd.s32 $0x15B80, s30;
	[sflag:s23] =	ssyncadd.s32 $0xFFFFC000  }
0x82: {  	[spmem:s2] =	stream.indirect.scatter.add.f32 [tilespmem:s21], [sflag:$0x3], $0x80, s18, s20, $0xb8;
	[tilespmem:$0x1F080] =	vst v63  }
0x83: {  	_ =	swait.ge [sflag:s24], $0x4000  }
0x84: {  	[sflag:s24] =	ssyncset.done $0x0  }
0x85: {  	s19 =	sadd.s32 $0x14C80, s30;
	[sflag:s24] =	ssyncadd.s32 $0xFFFFC000  }
0x86: {  	[tilespmem:s21], [sflag:$0x1] =	stream.indirect.gather [hbm4b:s1+s20], $0x80, s19, s20, $0xb8;
	[tilespmem:$0x1F080] =	vst v63  }
0x87: {  	_ =	swait.ge [sflag:s25], $0x4000  }
0x88: {  	[sflag:s25] =	ssyncset.done $0x0  }
0x89: {  	s31 =	sadd.s32 $0x15C00, s30;
	[sflag:s25] =	ssyncadd.s32 $0xFFFFC000  }
0x8a: {  	[spmem:s2] =	stream.indirect.scatter.add.f32 [tilespmem:s22], [sflag:$0x4], $0x80, s31, s20, $0xb8;
	[tilespmem:$0x1F080] =	vst v63  }
0x8b: {  	_ =	swait.ge [sflag:s26], $0x4000  }
0x8c: {  	[sflag:s26] =	ssyncset.done $0x0  }
0x8d: {  	s18 =	sadd.s32 $0x14D00, s30;
	[sflag:s26] =	ssyncadd.s32 $0xFFFFC000  }
0x8e: {  	[tilespmem:s22], [sflag:$0x2] =	stream.indirect.gather [hbm4b:s1+s20], $0x80, s18, s20, $0xb8;
	[tilespmem:$0x1F080] =	vst v63  }
0x8f: {  	_ =	swait.ge [sflag:s23], $0x4000  }
0x90: {  	[sflag:s23] =	ssyncset.done $0x0  }
0x91: {  	s19 =	sadd.s32 $0x15C80, s30;
	[sflag:s23] =	ssyncadd.s32 $0xFFFFC000  }
0x92: {  	[spmem:s2] =	stream.indirect.scatter.add.f32 [tilespmem:s21], [sflag:$0x3], $0x80, s19, s20, $0xb8;
	[tilespmem:$0x1F080] =	vst v63  }
0x93: {  	_ =	swait.ge [sflag:s24], $0x4000  }
0x94: {  	[sflag:s24] =	ssyncset.done $0x0  }
0x95: {  	s31 =	sadd.s32 $0x14D80, s30;
	[sflag:s24] =	ssyncadd.s32 $0xFFFFC000  }
0x96: {  	[tilespmem:s21], [sflag:$0x1] =	stream.indirect.gather [hbm4b:s1+s20], $0x80, s31, s20, $0xb8;
	[tilespmem:$0x1F080] =	vst v63  }
0x97: {  	_ =	swait.ge [sflag:s25], $0x4000  }
0x98: {  	[sflag:s25] =	ssyncset.done $0x0  }
0x99: {  	s18 =	sadd.s32 $0x15D00, s30;
	[sflag:s25] =	ssyncadd.s32 $0xFFFFC000  }
0x9a: {  	[spmem:s2] =	stream.indirect.scatter.add.f32 [tilespmem:s22], [sflag:$0x4], $0x80, s18, s20, $0xb8;
	[tilespmem:$0x1F080] =	vst v63  }
0x9b: {  	_ =	swait.ge [sflag:s26], $0x4000  }
0x9c: {  	[sflag:s26] =	ssyncset.done $0x0  }
0x9d: {  	s19 =	sadd.s32 $0x14E00, s30;
	[sflag:s26] =	ssyncadd.s32 $0xFFFFC000  }
0x9e: {  	[tilespmem:s22], [sflag:$0x2] =	stream.indirect.gather [hbm4b:s1+s20], $0x80, s19, s20, $0xb8;
	[tilespmem:$0x1F080] =	vst v63  }
0x9f: {  	_ =	swait.ge [sflag:s23], $0x4000  }
0xa0: {  	[sflag:s23] =	ssyncset.done $0x0  }
0xa1: {  	s31 =	sadd.s32 $0x15D80, s30;
	[sflag:s23] =	ssyncadd.s32 $0xFFFFC000  }
0xa2: {  	[spmem:s2] =	stream.indirect.scatter.add.f32 [tilespmem:s21], [sflag:$0x3], $0x80, s31, s20, $0xb8;
	[tilespmem:$0x1F080] =	vst v63  }
0xa3: {  	_ =	swait.ge [sflag:s24], $0x4000  }
0xa4: {  	[sflag:s24] =	ssyncset.done $0x0  }
0xa5: {  	s18 =	sadd.s32 $0x14E80, s30;
	[sflag:s24] =	ssyncadd.s32 $0xFFFFC000  }
0xa6: {  	[tilespmem:s21], [sflag:$0x1] =	stream.indirect.gather [hbm4b:s1+s20], $0x80, s18, s20, $0xb8;
	[tilespmem:$0x1F080] =	vst v63  }
0xa7: {  	_ =	swait.ge [sflag:s25], $0x4000  }
0xa8: {  	[sflag:s25] =	ssyncset.done $0x0  }
0xa9: {  	s19 =	sadd.s32 $0x15E00, s30;
	[sflag:s25] =	ssyncadd.s32 $0xFFFFC000  }
0xaa: {  	[spmem:s2] =	stream.indirect.scatter.add.f32 [tilespmem:s22], [sflag:$0x4], $0x80, s19, s20, $0xb8;
	[tilespmem:$0x1F080] =	vst v63  }
0xab: {  	_ =	swait.ge [sflag:s26], $0x4000  }
0xac: {  	[sflag:s26] =	ssyncset.done $0x0  }
0xad: {  	s31 =	sadd.s32 $0x14F00, s30;
	[sflag:s26] =	ssyncadd.s32 $0xFFFFC000  }
0xae: {  	[tilespmem:s22], [sflag:$0x2] =	stream.indirect.gather [hbm4b:s1+s20], $0x80, s31, s20, $0xb8;
	[tilespmem:$0x1F080] =	vst v63  }
0xaf: {  	_ =	swait.ge [sflag:s23], $0x4000  }
0xb0: {  	[sflag:s23] =	ssyncset.done $0x0  }
0xb1: {  	s18 =	sadd.s32 $0x15E80, s30;
	[sflag:s23] =	ssyncadd.s32 $0xFFFFC000  }
0xb2: {  	[spmem:s2] =	stream.indirect.scatter.add.f32 [tilespmem:s21], [sflag:$0x3], $0x80, s18, s20, $0xb8;
	[tilespmem:$0x1F080] =	vst v63  }
0xb3: {  	_ =	swait.ge [sflag:s24], $0x4000  }
0xb4: {  	[sflag:s24] =	ssyncset.done $0x0  }
0xb5: {  	s19 =	sadd.s32 $0x14F80, s30;
	[sflag:s24] =	ssyncadd.s32 $0xFFFFC000  }
0xb6: {  	[tilespmem:s21], [sflag:$0x1] =	stream.indirect.gather [hbm4b:s1+s20], $0x80, s19, s20, $0xb8;
	[tilespmem:$0x1F080] =	vst v63  }
0xb7: {  	_ =	swait.ge [sflag:s25], $0x4000  }
0xb8: {  	[sflag:s25] =	ssyncset.done $0x0  }
0xb9: {  	s31 =	sadd.s32 $0x15F00, s30;
	[sflag:s25] =	ssyncadd.s32 $0xFFFFC000  }
0xba: {  	[spmem:s2] =	stream.indirect.scatter.add.f32 [tilespmem:s22], [sflag:$0x4], $0x80, s31, s20, $0xb8;
	[tilespmem:$0x1F080] =	vst v63  }
0xbb: {  	_ =	swait.ge [sflag:s26], $0x4000  }
0xbc: {  	[sflag:s26] =	ssyncset.done $0x0  }
0xbd: {  	s18 =	sor.u32 $0x15000, s30;
	[sflag:s26] =	ssyncadd.s32 $0xFFFFC000  }
0xbe: {  	[tilespmem:s22], [sflag:$0x2] =	stream.indirect.gather [hbm4b:s1+s20], $0x80, s18, s20, $0xb8;
	[tilespmem:$0x1F080] =	vst v63  }
0xbf: {  	_ =	swait.ge [sflag:s23], $0x4000  }
0xc0: {  	[sflag:s23] =	ssyncset.done $0x0  }
0xc1: {  	s19 =	sadd.s32 $0x15F80, s30;
	[sflag:s23] =	ssyncadd.s32 $0xFFFFC000  }
0xc2: {  	[spmem:s2] =	stream.indirect.scatter.add.f32 [tilespmem:s21], [sflag:$0x3], $0x80, s19, s20, $0xb8;
	[tilespmem:$0x1F080] =	vst v63  }
0xc3: {  	_ =	swait.ge [sflag:s24], $0x4000  }
0xc4: {  	[sflag:s24] =	ssyncset.done $0x0  }
0xc5: {  	[sflag:s24] =	ssyncadd.s32 $0xFFFFC000  }
0xc6: {  	s29 =	sadd.s32 $0x800, s29;
	_ =	swait.ge [sflag:s25], $0x4000  }
0xc7: {  	p1 =	sne.s32 s29, $0x2800;
	[sflag:s25] =	ssyncset.done $0x0  }
.Ltmp2:
0xc8: {  	s31 =	sor.u32 $0x16000, s30;
	[sflag:s25] =	ssyncadd.s32 $0xFFFFC000;
	(pc) =	sbr.rel @p1 .LBB2_6-.Ltmp2, $4  }
0xc9: {  	[spmem:s2] =	stream.indirect.scatter.add.f32 [tilespmem:s22], [sflag:$0x4], $0x80, s31, s20, $0xb8;
	[tilespmem:$0x1F080] =	vst v63  }
0xca: {  	_ =	swait.ge [sflag:s26], $0x4000  }
0xcb: {  	[sflag:s26] =	ssyncset.done $0x0  }
0xcc: {  	[sflag:s26] =	ssyncadd.s32 $0xFFFFC000  }
0xcd: {  	s0 =	sshll.u32 s3, $0x6  }
0xce: {  	[bflag:$0x0] =	sbarrier.arrive $0xFFFF;
	s18 =	sshrl.u32 s7, $0x3;
	s0 =	sor.u32 $0x1C06, s0  }
0xcf: {  	[hbm:s10], [sflag:s0] =	dma.local [spmem:s18], $0x2900  }
0xd0: {  	_ =	swait.ge [sflag:s17], $0x2900  }
0xd1: {  	s4 =	sadd.s32 $0x1, s4;
	[sflag:s17] =	ssyncset.done $0x0  }
0xd2: {  	p1 =	sne.s32 s4, s13;
	s18 =	sshrl.u32 @!p0 s12, $0x3;
	[sflag:s17] =	ssyncadd.s32 $0xFFFFD700  }
0xd3: {  	[hbm:s11], [sflag:s0] =	dma.local @!p0 [spmem:s18], $0x100  }
.Ltmp3:
0xd4: {  	_ = 	snop;
	(pc) =	sbr.rel @p1 .LBB2_1-.Ltmp3, $4  }
0xd5: {  	s0 =	simm.s32 @!p0 $0x6  }
0xd6: {  	_ =	swait.ge @!p0 [sflag:s0], $0x100  }
0xd7: {  	[sflag:s0] =	ssyncset.done @!p0 $0x0  }
0xd8: {  	[sflag:s0] =	ssyncadd.s32 @!p0 $0xFFFFFF00  }
0xd9: {  	_ =	sfence.sel $0x180000  }
0xda: {  	[bflag:$0x0] =	sbarrier.arrive $0xFFFF  }
0xdb: {  	_ =	strace $0x9000004D  }
0xdc: {  	[bflag:$0x2] =	sbarrier.arrive $0xFFFF  }
0xdd: {  	p0 =	sne.s32 s3, $0x0;
	s0 =	rddreg [dreg:$0x3]  }
0xde: {  	s0 =	sadd.s32 @!p0 $0x100000, s0  }
0xdf: {  	[sflag:s0] =	ssyncadd.tile.s32 @!p0 $0x1;
	_ =	shalt  }
.Lfunc_end2:
_tile_overlayer_lowered:
.L_overlay_start_2:
0xe0: {  	(tag) =	ssettag $0x2  }
0xe1: {  	s0 =	rddreg [dreg:$0x0];
	s2 =	stileid.u32  }
0xe2: {  	s1 =	rddreg [dreg:$0x1];
	p0 =	sne.s32 s2, $0x0  }
0xe3: {  	s3 =	rddreg [dreg:$0x2];
	[bflag:$0x3] =	sbarrier.arrive $0xFFFF;
	s2 =	simm.s32 @!p0 $0x1C06  }
0xe4: {  	[timem:s3], [sflag:s2] =	dma.local @!p0 [hbm:s0], s1  }
0xe5: {  	s0 =	simm.s32 @!p0 $0x6  }
0xe6: {  	_ =	swait.ge @!p0 [sflag:s0], s1  }
0xe7: {  	s1 =	ssub.s32 @!p0 $0x0, s1;
	[sflag:s0] =	ssyncset.done @!p0 $0x0  }
0xe8: {  	[sflag:s0] =	ssyncadd.s32 @!p0 s1  }
0xe9: {  	[bflag:$0x3] =	sbarrier.arrive $0xFFFF  }
0xea: {  	_ =	shalt  }

// kernel: kernel.8.cloned.1.call-start
scs
__scs_entry_jumppad:
0x0: {  	(pc) =	sbr.rel $0x88, $3  }
0x1: {  	(tag) =	ssettag $0x0;
	lr =	simm.s32 $0x1  }
0x2: {  	[smem:$0x3F99] =	sst lr;
	_ =	strace $0xD0000000  }
0x3: {  	_ = 	snop  }
0x4: {  	_ = 	snop  }
0x5: {  	_ = 	snop  }
0x6: {  	_ = 	snop  }
0x7: {  	_ = 	snop  }
__scs_overlays_trampoline_lowered:
0x8: {  	[smem:$0x3FA8] =	sst s0  }
0x9: {  	[smem:$0x3FA9] =	sst s1  }
0xa: {  	[smem:$0x3FAA] =	sst s2  }
0xb: {  	[smem:$0x3FAB] =	sst s3  }
0xc: {  	[smem:$0x3FAC] =	sst s4  }
0xd: {  	[smem:$0x3FAD] =	sst s5  }
0xe: {  	[smem:$0x3FAE] =	sst s6  }
0xf: {  	[smem:$0x3FAF] =	sst s7  }
0x10: {  	[smem:$0x3FB0] =	sst s8  }
0x11: {  	[smem:$0x3FB1] =	sst s9;
	s0 =	simm.s32 @!p0 $0x0  }
0x12: {  	s1 =	sld [smem:$0x3F97];
	s0 =	simm.s32 @p0 $0x1  }
0x13: {  	[smem:$0x3FB2] =	sst s0;
	s0 =	simm.s32 @!p1 $0x0  }
0x14: {  	s2 =	sld [smem:$0x3F96];
	s0 =	simm.s32 @p1 $0x1  }
0x15: {  	[smem:$0x3FB3] =	sst s0;
	s0 =	simm.s32 @!p2 $0x0  }
0x16: {  	s3 =	sld [smem:$0x3FDB];
	s0 =	simm.s32 @p2 $0x1  }
0x17: {  	s4 =	simm.s32 $0x1BF5;
	[smem:$0x3FB5] =	sst s0  }
0x18: {  	s0 =	sld [smem:$0x3F98];
	_ =	swait.ge [sflag:s4], $0x0  }
0x19: {  	s7 =	sld [smem:$0x3F99]  }
0x1a: {  	s8 =	sadd.s32 $0xFFFFE003, lr  }
0x1b: {  	s9 =	sadd.s32 $0xFFFFFEF7, lr;
	s5 =	simm.s32 $0xFFFFFFFF;
	p2 =	slt.u32 s8, $0xFFFFF086  }
0x1c: {  	p1 =	slt.u32 s9, $0xF7A;
	s5 =	simm.s32 @!p2 $0x0  }
0x1d: {  	s5 =	simm.s32 @p1 $0x1;
	p0 =	seq.s32 s7, s2  }
0x1e: {  	s7 =	smul.u32 @!p0 $0xF7A, s2;
	p2 =	seq.s32 @!p0 s5, $0x0  }
0x1f: {  	s9 =	smul.u32 $0xF7A, s1;
	s8 =	simm.s32 @!p0 $0x1BF5;
	p2 =	por !p2, p0  }
0x20: {  	[sflag:s8] =	ssyncset.s32 @!p0 $0xFFFFF086;
	s6 =	sadd.s32 @!p0 s3, s7;
	s7 =	simm.s32 @!p0 $0x108  }
0x21: {  	s3 =	sadd.s32 s3, s9;
	s6 =	sadd.s32 @!p0 $0x88, s6;
	s7 =	simm.s32 @p2 $0x1082  }
0x22: {  	[simem:s7], [sflag:s8] =	dma.local @!p0 [hbm:s6], $0xF7A  }
0x23: {  	s9 =	sor.u32 $0xD0000000, s2;
	s6 =	simm.s32 $0x108;
	_ =	swait.ge @!p0 [sflag:s8], $0x0  }
0x24: {  	s3 =	sadd.s32 $0x88, s3;
	s6 =	simm.s32 @!p1 $0x1082;
	[sflag:s4] =	ssyncset.s32 $0xFFFFF086  }
0x25: {  	[simem:s6], [sflag:s4] =	dma.local [hbm:s3], $0xF7A  }
0x26: {  	[smem:$0x3F99] =	sst s1;
	(tag) =	ssettag s2;
	_ =	strace s9  }
0x27: {  	s1 =	sld [smem:$0x3FA9]  }
0x28: {  	s2 =	sld [smem:$0x3FAA]  }
0x29: {  	s4 =	sld [smem:$0x3FAC]  }
0x2a: {  	p0 =	seq.s32 s5, $0x0;
	s5 =	sld [smem:$0x3FAD]  }
0x2b: {  	s6 =	sld [smem:$0x3FAE]  }
0x2c: {  	s7 =	sld [smem:$0x3FAF]  }
0x2d: {  	s3 =	simm.s32 $0x108;
	s8 =	sld [smem:$0x3FB0]  }
0x2e: {  	s3 =	simm.s32 @!p0 $0x1082;
	s9 =	sld [smem:$0x3FB1]  }
0x2f: {  	lr =	sadd.s32 s0, s3;
	s0 =	sld [smem:$0x3FA8]  }
0x30: {  	s3 =	sld [smem:$0x3FAB]  }
0x31: {  	[smem:$0x3FB4] =	sst s10  }
0x32: {  	s10 =	sld [smem:$0x3FB2];
	_ =	sdelay $0x3  }
0x33: {  	p0 =	seq.s32 s10, $0x1;
	s10 =	sld [smem:$0x3FB4];
	_ =	sdelay $0x3  }
0x34: {  	[smem:$0x3FB4] =	sst s10  }
0x35: {  	s10 =	sld [smem:$0x3FB3];
	_ =	sdelay $0x3  }
0x36: {  	p1 =	seq.s32 s10, $0x1;
	s10 =	sld [smem:$0x3FB4];
	_ =	sdelay $0x3  }
0x37: {  	[smem:$0x3FB4] =	sst s10  }
0x38: {  	s10 =	sld [smem:$0x3FB5]  }
0x39: {  	_ = 	snop;
	(pc) =	sbr.ind lr, $3  }
0x3a: {  	_ = 	snop  }
0x3b: {  	_ = 	snop  }
0x3c: {  	p2 =	seq.s32 s10, $0x1;
	s10 =	sld [smem:$0x3FB4]  }
0x3d: {  	_ =	shalt  }
0x3e: {  	_ =	shalt  }
0x3f: {  	_ =	shalt  }
0x40: {  	_ =	shalt  }
0x41: {  	_ =	shalt  }
0x42: {  	_ =	shalt  }
0x43: {  	_ =	shalt  }
0x44: {  	_ =	shalt  }
0x45: {  	_ =	shalt  }
0x46: {  	_ =	shalt  }
0x47: {  	_ =	shalt  }
0x48: {  	_ =	shalt  }
0x49: {  	_ =	shalt  }
0x4a: {  	_ =	shalt  }
0x4b: {  	_ =	shalt  }
0x4c: {  	_ =	shalt  }
0x4d: {  	_ =	shalt  }
0x4e: {  	_ =	shalt  }
0x4f: {  	_ =	shalt  }
0x50: {  	_ =	shalt  }
0x51: {  	_ =	shalt  }
0x52: {  	_ =	shalt  }
0x53: {  	_ =	shalt  }
0x54: {  	_ =	shalt  }
0x55: {  	_ =	shalt  }
0x56: {  	_ =	shalt  }
0x57: {  	_ =	shalt  }
0x58: {  	_ =	shalt  }
0x59: {  	_ =	shalt  }
0x5a: {  	_ =	shalt  }
0x5b: {  	_ =	shalt  }
0x5c: {  	_ =	shalt  }
0x5d: {  	_ =	shalt  }
0x5e: {  	_ =	shalt  }
0x5f: {  	_ =	shalt  }
0x60: {  	_ =	shalt  }
0x61: {  	_ =	shalt  }
0x62: {  	_ =	shalt  }
0x63: {  	_ =	shalt  }
0x64: {  	_ =	shalt  }
0x65: {  	_ =	shalt  }
0x66: {  	_ =	shalt  }
0x67: {  	_ =	shalt  }
0x68: {  	_ =	shalt  }
0x69: {  	_ =	shalt  }
0x6a: {  	_ =	shalt  }
0x6b: {  	_ =	shalt  }
0x6c: {  	_ =	shalt  }
0x6d: {  	_ =	shalt  }
0x6e: {  	_ =	shalt  }
0x6f: {  	_ =	shalt  }
0x70: {  	_ =	shalt  }
0x71: {  	_ =	shalt  }
0x72: {  	_ =	shalt  }
0x73: {  	_ =	shalt  }
0x74: {  	_ =	shalt  }
0x75: {  	_ =	shalt  }
0x76: {  	_ =	shalt  }
0x77: {  	_ =	shalt  }
0x78: {  	_ =	shalt  }
0x79: {  	_ =	shalt  }
0x7a: {  	_ =	shalt  }
0x7b: {  	_ =	shalt  }
0x7c: {  	_ =	shalt  }
0x7d: {  	_ =	shalt  }
0x7e: {  	_ =	shalt  }
0x7f: {  	_ =	shalt  }
0x80: {  	_ =	shalt  }
0x81: {  	_ =	shalt  }
0x82: {  	_ =	shalt  }
0x83: {  	_ =	shalt  }
0x84: {  	_ =	shalt  }
0x85: {  	_ =	shalt  }
0x86: {  	_ =	shalt  }
0x87: {  	_ =	shalt  }
.Lfunc_end0:
.L_simem_size_0:
called_computation_lowered:
.L_overlay_start_0:
0x88: {  	s2 =	sld [smem:$0x3FD9]  }
0x89: {  	s3 =	sld [smem:$0x3FFE];
	_ =	sdelay $0x1  }
0x8a: {  	s1 =	srdreg.scid  }
0x8b: {  	s0 =	sand.u32 $0x1, s1  }
0x8c: {  	s17 =	sshll.u32 s0, $0xA;
	s2 =	sadd.s32 s3, s2  }
0x8d: {  	s2 =	sadd.s32 s2, s17  }
0x8e: {  	[smem:$0x3FC0] =	sst s2  }
0x8f: {  	_ = 	snop  }
0x90: {  	(tm) =	ssettm $0x1  }
0x91: {  	s18 =	sld [smem:$0x3FFB];
	_ =	sdelay $0x3  }
0x92: {  	_ =	strace s18  }
0x93: {  	s2 =	sld [smem:$0x3FFC];
	_ =	sdelay $0x3  }
0x94: {  	_ =	strace s2  }
0x95: {  	s2 =	sld [smem:$0x3FFD];
	_ =	sdelay $0x3  }
0x96: {  	_ =	strace s2  }
0x97: {  	_ =	strace $0x8FFFFFFF  }
0x98: {  	s19 =	sld [smem:$0x3FDB];
	_ =	sdelay $0x1  }
0x99: {  	s20 =	simm.s32 $_scs_section_size  }
0x9a: {  	s4 =	simm.s32 $_size__tile_overlayer_lowered;
	s5 =	simm.s32 $_tile_overlayer_lowered  }
0x9b: {  	s6 =	simm.s32 $0x1BFF;
	s21 =	sshll.u32 s5, $0x1;
	s3 =	sadd.s32 s20, s19  }
0x9c: {  	s22 =	simm.s32 $0x0;
	s4 =	sshll.u32 s4, $0x1;
	s5 =	sadd.s32 s21, s3  }
0x9d: {  	[timem:s22], [sflag:s6] =	dma.local [hbm:s5], s4  }
0x9e: {  	_ =	swait.ge [sflag:s6], s4  }
0x9f: {  	s4 =	ssub.s32 $0x0, s4;
	[sflag:s6] =	ssyncset.done $0x0  }
0xa0: {  	[sflag:s6] =	ssyncadd.s32 s4;
	_ =	sdelay $0x1  }
0xa1: {  	s23 =	simm.s32 $0x1B8B  }
0xa2: {  	_ =	swait.ge [sflag:s23], $0x1  }
0xa3: {  	[sflag:s23] =	ssyncset.done $0x0  }
0xa4: {  	[sflag:s23] =	ssyncadd.s32 $0xFFFFFFFF  }
0xa5: {  	s4 =	sld [smem:$0x0]  }
0xa6: {  	s5 =	sand.u32 $0xFFFFFFFE, s1  }
0xa7: {  	p0 =	sne.s32 s1, s5  }
0xa8: {  	s5 =	sshll.u32 @p0 s5, $0xE  }
0xa9: {  	s5 =	sadd.s32 @p0 $0x11B8D, s5;
	s6 =	sshll.u32 @p0 s4, $0x11  }
0xaa: {  	s5 =	sor.u32 @p0 s6, s5  }
0xab: {  	[sflag:s5] =	ssyncadd.remote.s32 @p0 $0x1;
	_ =	sdelay $0x1  }
0xac: {  	s5 =	simm.s32 @p0 $0x1B8D  }
0xad: {  	_ =	swait.eq @p0 [sflag:s5], $0x1  }
0xae: {  	[sflag:s5] =	ssyncadd.s32 @p0 $0xFFFFFFFF  }
0xaf: {  	s6 =	sshll.u32 @!p0 s1, $0xE  }
0xb0: {  	s6 =	sor.u32 @!p0 $0x4000, s6;
	s5 =	simm.s32 @!p0 $0x1B8D  }
0xb1: {  	s4 =	sshll.u32 @!p0 s4, $0x11;
	s6 =	sadd.s32 @!p0 $0x11B8D, s6;
	_ =	swait.eq @!p0 [sflag:s5], $0x1  }
0xb2: {  	s4 =	sor.u32 @!p0 s4, s6;
	[sflag:s5] =	ssyncadd.s32 @!p0 $0xFFFFFFFF  }
0xb3: {  	s25 =	simm.s32 $0x1B8E;
	s24 =	sld [smem:$0x3FFE];
	[sflag:s4] =	ssyncadd.remote.s32 @!p0 $0x1  }
0xb4: {  	s26 =	simm.s32 $execute0_lowered;
	[smem:$0x3FD2] =	sst s25  }
0xb5: {  	s5 =	sshll.u32 s26, $0x1;
	_ =	strace $0x80000049;
	[dreg:$0x1] =	wrdreg $0xFFFFFFFF  }
0xb6: {  	s28 =	simm.s32 $_size_execute0_lowered;
	s3 =	sadd.s32 s3, s5;
	[dreg:$0x0] =	wrdreg $0x0  }
0xb7: {  	s5 =	sshll.u32 s28, $0x1;
	[dreg:$0x2] =	wrdreg s3  }
0xb8: {  	[dreg:$0x3] =	wrdreg s5  }
0xb9: {  	[dreg:$0x4] =	wrdreg $0xC0  }
0xba: {  	_ =	task [dreg:s22], $0x5FFFF  }
0xbb: {  	[dreg:$0x1] =	wrdreg $0xFFFFFFFF  }
0xbc: {  	[dreg:$0x0] =	wrdreg $0x60  }
0xbd: {  	[dreg:$0x2] =	wrdreg s24  }
0xbe: {  	[dreg:$0x3] =	wrdreg $0x0  }
0xbf: {  	[dreg:$0x4] =	wrdreg $0x9  }
0xc0: {  	_ =	task.clear_ibuf [dreg:s22], $0x5FFFF;
	_ =	strace $0x90000049  }
0xc1: {  	s29 =	simm.s32 $0x9;
	_ =	strace $0x8000004B  }
0xc2: {  	_ =	swait.ge [sflag:s29], $0x1  }
0xc3: {  	[sflag:s29] =	ssyncadd.s32 $0xFFFFFFFF  }
0xc4: {  	_ =	strace $0x9000004B  }
0xc5: {  	_ =	sfence  }
0xc6: {  	s30 =	sld [smem:$0x0];
	_ =	sdelay $0x2  }
0xc7: {  	s31 =	sshll.u32 s1, $0xD;
	s1 =	sshrl.u32 s1, $0x2  }
0xc8: {  	s4 =	sand.u32 $0x4000, s31;
	s1 =	sadd.s32 s1, s30  }
0xc9: {  	s0 =	sor.u32 s4, s0;
	s1 =	sshll.u32 s1, $0x11  }
0xca: {  	s0 =	sor.u32 s1, s0  }
0xcb: {  	s0 =	sadd.s32 $0x8F2B, s0  }
0xcc: {  	[sflag:s0] =	ssyncadd.remote.s32 $0x1  }
0xcd: {  	_ =	sfence.sel $0xFFFF  }
0xce: {  	[dreg:$0x0] =	wrdreg $0xFFFFFFFF;
	(pc) =	sbr.abs _section_cstart, $3  }
0xcf: {  	[dreg:$0x1] =	wrdreg $0xFFFFFFFF  }
0xd0: {  	_ =	task.clear_ibuf [dreg:s22], $0x2FFFF;
	_ =	strace $0x9FFFFFFF  }
0xd1: {  	(tm) =	ssettm $0x7FFFFFFF  }
tec
execute0_lowered:
.L_overlay_start_1:
0x0: {  	(tag) =	ssettag $0x1  }
0x1: {  	s0 =	rddreg [dreg:$0x0]  }
0x2: {  	s1 =	rddreg [dreg:$0x1];
	s2 =	srdreg.scid;
	s3 =	simm.s32 $0x0  }
0x3: {  	s13 =	stileid.u32;
	s11 =	simm.s32 $0x19080;
	s12 =	simm.s32 $0x3  }
0x4: {  	s14 =	simm.s32 $0x80;
	s15 =	simm.s32 $0x15080;
	s16 =	simm.s32 $0x14900  }
0x5: {  	s17 =	simm.s32 $0x1;
	s18 =	simm.s32 $0x14980;
	s19 =	simm.s32 $0x2  }
0x6: {  	s28 =	simm.s32 $0x14D80;
	s29 =	simm.s32 $0x14E00;
	s5 =	smul.u32 $0x2800, s13  }
0x7: {  	s30 =	simm.s32 $0x14E80;
	s31 =	simm.s32 $0x14F00;
	s6 =	smul.u32 $0x52000, s13  }
0x8: {  	s2 =	sand.u32 $0x1, s2;
	[smem:$0x7FF] =	sst s3;
	s8 =	smul.u32 $0x14800, s13  }
0x9: {  	s24 =	sadd.s32 $0x148000, s1;
	s26 =	sadd.s32 $0x148400, s1;
	p0 =	sne.s32 s13, $0xF  }
0xa: {  	s13 =	simm.s32 $0x14880;
	s4 =	smul.u32 $0x28000, s2;
	_ =	strace $0x8000004A  }
0xb: {  	s20 =	ssub.s32 $0x2, s2;
	s2 =	smul.u32 $0x148800, s2;
	[dreg:$0x5] =	wrdreg s24  }
0xc: {  	[dreg:$0x7] =	wrdreg s26;
	s24 =	simm.s32 $0x14C00;
	s26 =	simm.s32 $0x14D00  }
0xd: {  	s7 =	sshrl.u32 s20, $0x1;
	s21 =	sshrl.u32 s6, $0x2;
	s4 =	sadd.s32 s5, s4  }
0xe: {  	s5 =	ssub.s32 s20, s7;
	s22 =	sadd.s32 s8, s2;
	s2 =	sshrl.u32 s2, $0x3  }
0xf: {  	s20 =	simm.s32 $0x14A00;
	s4 =	sshrl.u32 s4, $0x3;
	s6 =	sshrl.u32 s22, $0x3  }
0x10: {  	s25 =	smax.u32 s5, $0x1;
	s22 =	simm.s32 $0x14B00;
	s5 =	simm.s32 $0x0  }
0x11: {  	s9 =	sadd.s32 s4, s0;
	s0 =	sadd.s32 $0x69200, s0;
	s4 =	sadd.s32 s21, s1  }
0x12: {  	[dreg:$0x6] =	wrdreg s25;
	s21 =	simm.s32 $0x14A80;
	s25 =	simm.s32 $0x14C80  }
0x13: {  	s2 =	sadd.s32 s0, s2;
	s0 =	sadd.s32 s0, s6;
	s10 =	sadd.s32 $0x3000, s9  }
0x14: {  	[dreg:$0x3] =	wrdreg s0;
	s23 =	sadd.s32 $0x29000, s2;
	s0 =	simm.s32 $0x14F80  }
0x15: {  	v0 =	vimm.f32 $0.0e+00;
	v1 =	vimm.f32 $1.000000000e+00;
	s2 =	simm.s32 $0x15000;
	[dreg:$0x4] =	wrdreg s23;
	s23 =	simm.s32 $0x14B80  }
.LBB2_1:
0x16: {  	s6 =	simm.s32 $0x0;
	s8 =	simm.s32 $0x200  }
.LBB2_2:
0x17: {  	p1 =	sne.s32 s8, $0x1E00;
	[tilespmem:s6+$0x190F0] =	vst v0  }
0x18: {  	[tilespmem:s6+$0x19080] =	vst v0  }
0x19: {  	[tilespmem:s6+$0x19090] =	vst v0  }
.Ltmp0:
0x1a: {  	[tilespmem:s6+$0x190A0] =	vst v0;
	(pc) =	sbr.rel @p1 .LBB2_2-.Ltmp0, $4  }
0x1b: {  	[tilespmem:s6+$0x190B0] =	vst v0  }
0x1c: {  	[tilespmem:s6+$0x190C0] =	vst v0  }
0x1d: {  	[tilespmem:s6+$0x190D0] =	vst v0  }
0x1e: {  	[tilespmem:s6+$0x190E0] =	vst v0;
	s6 =	sshra.s32 s8, $0x2;
	s8 =	sadd.s32 $0x200, s8  }
0x1f: {  	[tilespmem:s6+$0x190F0] =	vst v0  }
0x20: {  	[tilespmem:s6+$0x19080] =	vst v0  }
0x21: {  	[tilespmem:s6+$0x19090] =	vst v0  }
0x22: {  	[tilespmem:s6+$0x190A0] =	vst v0  }
0x23: {  	[tilespmem:s6+$0x190B0] =	vst v0  }
0x24: {  	[tilespmem:s6+$0x190C0] =	vst v0  }
0x25: {  	[tilespmem:s6+$0x190D0] =	vst v0  }
0x26: {  	[tilespmem:s6+$0x190E0] =	vst v0;
	s6 =	simm.s32 $0x0;
	s8 =	simm.s32 $0x200  }
.LBB2_4:
0x27: {  	p1 =	sne.s32 s8, $0xFE00;
	[tilespmem:s6+$0x150F0] =	vst v1  }
0x28: {  	[tilespmem:s6+$0x15080] =	vst v1  }
0x29: {  	[tilespmem:s6+$0x15090] =	vst v1  }
.Ltmp1:
0x2a: {  	[tilespmem:s6+$0x150A0] =	vst v1;
	(pc) =	sbr.rel @p1 .LBB2_4-.Ltmp1, $4  }
0x2b: {  	[tilespmem:s6+$0x150B0] =	vst v1  }
0x2c: {  	[tilespmem:s6+$0x150C0] =	vst v1  }
0x2d: {  	[tilespmem:s6+$0x150D0] =	vst v1  }
0x2e: {  	[tilespmem:s6+$0x150E0] =	vst v1;
	s6 =	sshra.s32 s8, $0x2;
	s8 =	sadd.s32 $0x200, s8  }
0x2f: {  	[tilespmem:s6+$0x150F0] =	vst v1  }
0x30: {  	[tilespmem:s6+$0x15080] =	vst v1  }
0x31: {  	[tilespmem:s6+$0x15090] =	vst v1  }
0x32: {  	[tilespmem:s6+$0x150A0] =	vst v1  }
0x33: {  	[tilespmem:s6+$0x150B0] =	vst v1  }
0x34: {  	[tilespmem:s6+$0x150C0] =	vst v1  }
0x35: {  	[tilespmem:s6+$0x150D0] =	vst v1  }
0x36: {  	[tilespmem:s6+$0x150E0] =	vst v1;
	s9 =	sadd.s32 $0x0, s4  }
0x37: {  	[spmem:s9] =	stream.linear.scatter [tilespmem:s11], [sflag:$0x3], $0x800, $0x38;
	[tilespmem:$0x19880] =	vst v63  }
0x38: {  	s6 =	simm.s32 $0x2000;
	_ =	swait.ge [sflag:s12], $0x800  }
.LBB2_6:
0x39: {  	s8 =	sshra.s32 s6, $0x2;
	[sflag:s12] =	ssyncset.done $0x0;
	p1 =	sne.s32 s6, $0x50000  }
.Ltmp2:
0x3a: {  	s8 =	sadd.s32 s8, s4;
	[sflag:s12] =	ssyncadd.s32 $0xFFFFF800;
	(pc) =	sbr.rel @p1 .LBB2_6-.Ltmp2, $3  }
0x3b: {  	[spmem:s8] =	stream.linear.scatter [tilespmem:s11], [sflag:$0x3], $0x800, $0x38;
	[tilespmem:$0x19880] =	vst v63  }
0x3c: {  	s6 =	sadd.s32 $0x2000, s6;
	_ =	sdelay $0x1  }
0x3d: {  	_ =	swait.ge [sflag:s12], $0x800  }
0x3e: {  	[sflag:s12] =	ssyncset.done $0x0;
	s6 =	simm.s32 @!p0 $0x19080  }
0x3f: {  	s7 =	rddreg [dreg:$0x5];
	s8 =	simm.s32 @!p0 $0x3;
	[sflag:s12] =	ssyncadd.s32 $0xFFFFF800  }
0x40: {  	[spmem:s7] =	stream.linear.scatter @!p0 [tilespmem:s6], [sflag:$0x3], $0x400, $0x38;
	[tilespmem:$0x19880] =	vst v63  }
0x41: {  	_ =	swait.ge @!p0 [sflag:s8], $0x400  }
0x42: {  	[sflag:s8] =	ssyncset.done @!p0 $0x0  }
0x43: {  	s7 =	rddreg [dreg:$0x7];
	[sflag:s8] =	ssyncadd.s32 @!p0 $0xFFFFFC00  }
0x44: {  	[spmem:s7] =	stream.linear.scatter @!p0 [tilespmem:s6], [sflag:$0x3], $0x400, $0x38;
	[tilespmem:$0x19880] =	vst v63  }
0x45: {  	_ =	swait.ge @!p0 [sflag:s8], $0x400  }
0x46: {  	[sflag:s8] =	ssyncset.done @!p0 $0x0  }
0x47: {  	[sflag:s8] =	ssyncadd.s32 @!p0 $0xFFFFFC00  }
0x48: {  	s9 =	sadd.s32 $0x0, s10;
	[bflag:$0x0] =	sbarrier.arrive $0xFFFF  }
0x49: {  	[tilespmem:s13], [sflag:$0x3] =	stream.linear.gather [hbm4b:s9+s3], $0x800, $0x38;
	[tilespmem:$0x19880] =	vst v63  }
0x4a: {  	_ =	swait.ge [sflag:s12], $0x800  }
0x4b: {  	[sflag:s12] =	ssyncset.done $0x0  }
0x4c: {  	[sflag:s12] =	ssyncadd.s32 $0xFFFFF800  }
0x4d: {  	[spmem:s1] =	stream.indirect.scatter.add.f32 [tilespmem:s15], [sflag:$0x1], $0x80, s13, s14, $0xb8;
	[tilespmem:$0x19880] =	vst v63  }
0x4e: {  	_ = 	snop  }
0x4f: {  	[spmem:s1] =	stream.indirect.scatter.add.f32 [tilespmem:s15], [sflag:$0x2], $0x80, s16, s14, $0xb8;
	[tilespmem:$0x19880] =	vst v63  }
0x50: {  	_ =	swait.ge [sflag:s17], $0x4000  }
0x51: {  	[sflag:s17] =	ssyncset.done $0x0  }
0x52: {  	[sflag:s17] =	ssyncadd.s32 $0xFFFFC000  }
0x53: {  	[spmem:s1] =	stream.indirect.scatter.add.f32 [tilespmem:s15], [sflag:$0x1], $0x80, s18, s14, $0xb8;
	[tilespmem:$0x19880] =	vst v63  }
0x54: {  	_ =	swait.ge [sflag:s19], $0x4000  }
0x55: {  	[sflag:s19] =	ssyncset.done $0x0  }
0x56: {  	[sflag:s19] =	ssyncadd.s32 $0xFFFFC000  }
0x57: {  	[spmem:s1] =	stream.indirect.scatter.add.f32 [tilespmem:s15], [sflag:$0x2], $0x80, s20, s14, $0xb8;
	[tilespmem:$0x19880] =	vst v63  }
0x58: {  	_ =	swait.ge [sflag:s17], $0x4000  }
0x59: {  	[sflag:s17] =	ssyncset.done $0x0  }
0x5a: {  	[sflag:s17] =	ssyncadd.s32 $0xFFFFC000  }
0x5b: {  	[spmem:s1] =	stream.indirect.scatter.add.f32 [tilespmem:s15], [sflag:$0x1], $0x80, s21, s14, $0xb8;
	[tilespmem:$0x19880] =	vst v63  }
0x5c: {  	_ =	swait.ge [sflag:s19], $0x4000  }
0x5d: {  	[sflag:s19] =	ssyncset.done $0x0  }
0x5e: {  	[sflag:s19] =	ssyncadd.s32 $0xFFFFC000  }
0x5f: {  	[spmem:s1] =	stream.indirect.scatter.add.f32 [tilespmem:s15], [sflag:$0x2], $0x80, s22, s14, $0xb8;
	[tilespmem:$0x19880] =	vst v63  }
0x60: {  	_ =	swait.ge [sflag:s17], $0x4000  }
0x61: {  	[sflag:s17] =	ssyncset.done $0x0  }
0x62: {  	[sflag:s17] =	ssyncadd.s32 $0xFFFFC000  }
0x63: {  	[spmem:s1] =	stream.indirect.scatter.add.f32 [tilespmem:s15], [sflag:$0x1], $0x80, s23, s14, $0xb8;
	[tilespmem:$0x19880] =	vst v63  }
0x64: {  	_ =	swait.ge [sflag:s19], $0x4000  }
0x65: {  	[sflag:s19] =	ssyncset.done $0x0  }
0x66: {  	[sflag:s19] =	ssyncadd.s32 $0xFFFFC000  }
0x67: {  	[spmem:s1] =	stream.indirect.scatter.add.f32 [tilespmem:s15], [sflag:$0x2], $0x80, s24, s14, $0xb8;
	[tilespmem:$0x19880] =	vst v63  }
0x68: {  	_ =	swait.ge [sflag:s17], $0x4000  }
0x69: {  	[sflag:s17] =	ssyncset.done $0x0  }
0x6a: {  	[sflag:s17] =	ssyncadd.s32 $0xFFFFC000  }
0x6b: {  	[spmem:s1] =	stream.indirect.scatter.add.f32 [tilespmem:s15], [sflag:$0x1], $0x80, s25, s14, $0xb8;
	[tilespmem:$0x19880] =	vst v63  }
0x6c: {  	_ =	swait.ge [sflag:s19], $0x4000  }
0x6d: {  	[sflag:s19] =	ssyncset.done $0x0  }
0x6e: {  	[sflag:s19] =	ssyncadd.s32 $0xFFFFC000  }
0x6f: {  	[spmem:s1] =	stream.indirect.scatter.add.f32 [tilespmem:s15], [sflag:$0x2], $0x80, s26, s14, $0xb8;
	[tilespmem:$0x19880] =	vst v63  }
0x70: {  	_ =	swait.ge [sflag:s17], $0x4000  }
0x71: {  	[sflag:s17] =	ssyncset.done $0x0  }
0x72: {  	[sflag:s17] =	ssyncadd.s32 $0xFFFFC000  }
0x73: {  	[spmem:s1] =	stream.indirect.scatter.add.f32 [tilespmem:s15], [sflag:$0x1], $0x80, s28, s14, $0xb8;
	[tilespmem:$0x19880] =	vst v63  }
0x74: {  	_ =	swait.ge [sflag:s19], $0x4000  }
0x75: {  	[sflag:s19] =	ssyncset.done $0x0  }
0x76: {  	[sflag:s19] =	ssyncadd.s32 $0xFFFFC000  }
0x77: {  	[spmem:s1] =	stream.indirect.scatter.add.f32 [tilespmem:s15], [sflag:$0x2], $0x80, s29, s14, $0xb8;
	[tilespmem:$0x19880] =	vst v63  }
0x78: {  	_ =	swait.ge [sflag:s17], $0x4000  }
0x79: {  	[sflag:s17] =	ssyncset.done $0x0  }
0x7a: {  	[sflag:s17] =	ssyncadd.s32 $0xFFFFC000  }
0x7b: {  	[spmem:s1] =	stream.indirect.scatter.add.f32 [tilespmem:s15], [sflag:$0x1], $0x80, s30, s14, $0xb8;
	[tilespmem:$0x19880] =	vst v63  }
0x7c: {  	_ =	swait.ge [sflag:s19], $0x4000  }
0x7d: {  	[sflag:s19] =	ssyncset.done $0x0  }
0x7e: {  	[sflag:s19] =	ssyncadd.s32 $0xFFFFC000  }
0x7f: {  	[spmem:s1] =	stream.indirect.scatter.add.f32 [tilespmem:s15], [sflag:$0x2], $0x80, s31, s14, $0xb8;
	[tilespmem:$0x19880] =	vst v63  }
0x80: {  	_ =	swait.ge [sflag:s17], $0x4000  }
0x81: {  	[sflag:s17] =	ssyncset.done $0x0  }
0x82: {  	[sflag:s17] =	ssyncadd.s32 $0xFFFFC000  }
0x83: {  	[spmem:s1] =	stream.indirect.scatter.add.f32 [tilespmem:s15], [sflag:$0x1], $0x80, s0, s14, $0xb8;
	[tilespmem:$0x19880] =	vst v63  }
0x84: {  	_ =	swait.ge [sflag:s19], $0x4000  }
0x85: {  	[sflag:s19] =	ssyncset.done $0x0  }
0x86: {  	[sflag:s19] =	ssyncadd.s32 $0xFFFFC000  }
0x87: {  	[spmem:s1] =	stream.indirect.scatter.add.f32 [tilespmem:s15], [sflag:$0x2], $0x80, s2, s14, $0xb8;
	[tilespmem:$0x19880] =	vst v63  }
0x88: {  	_ =	swait.ge [sflag:s17], $0x4000  }
0x89: {  	[sflag:s17] =	ssyncset.done $0x0  }
0x8a: {  	[sflag:s17] =	ssyncadd.s32 $0xFFFFC000  }
0x8b: {  	_ =	swait.ge [sflag:s19], $0x4000  }
0x8c: {  	s6 =	simm.s32 $0x100;
	s8 =	simm.s32 $0x200;
	[sflag:s19] =	ssyncset.done $0x0  }
.LBB2_8:
0x8d: {  	s7 =	sadd.s32 s6, s10  }
0x8e: {  	[sflag:s19] =	ssyncadd.s32 $0xFFFFC000;
	s6 =	smov.u32 s8;
	s9 =	sadd.s32 $0x100, s8  }
0x8f: {  	[tilespmem:s13], [sflag:$0x3] =	stream.linear.gather [hbm4b:s7+s3], $0x800, $0x38;
	[tilespmem:$0x19880] =	vst v63  }
0x90: {  	p1 =	sne.s32 s8, $0x400;
	_ =	swait.ge [sflag:s12], $0x800  }
0x91: {  	[sflag:s12] =	ssyncset.done $0x0  }
0x92: {  	[sflag:s12] =	ssyncadd.s32 $0xFFFFF800  }
0x93: {  	[spmem:s1] =	stream.indirect.scatter.add.f32 [tilespmem:s15], [sflag:$0x1], $0x80, s13, s14, $0xb8;
	[tilespmem:$0x19880] =	vst v63  }
0x94: {  	_ = 	snop  }
0x95: {  	[spmem:s1] =	stream.indirect.scatter.add.f32 [tilespmem:s15], [sflag:$0x2], $0x80, s16, s14, $0xb8;
	[tilespmem:$0x19880] =	vst v63  }
0x96: {  	_ =	swait.ge [sflag:s17], $0x4000  }
0x97: {  	[sflag:s17] =	ssyncset.done $0x0  }
0x98: {  	[sflag:s17] =	ssyncadd.s32 $0xFFFFC000  }
0x99: {  	[spmem:s1] =	stream.indirect.scatter.add.f32 [tilespmem:s15], [sflag:$0x1], $0x80, s18, s14, $0xb8;
	[tilespmem:$0x19880] =	vst v63  }
0x9a: {  	_ =	swait.ge [sflag:s19], $0x4000  }
0x9b: {  	[sflag:s19] =	ssyncset.done $0x0  }
0x9c: {  	[sflag:s19] =	ssyncadd.s32 $0xFFFFC000  }
0x9d: {  	[spmem:s1] =	stream.indirect.scatter.add.f32 [tilespmem:s15], [sflag:$0x2], $0x80, s20, s14, $0xb8;
	[tilespmem:$0x19880] =	vst v63  }
0x9e: {  	_ =	swait.ge [sflag:s17], $0x4000  }
0x9f: {  	[sflag:s17] =	ssyncset.done $0x0  }
0xa0: {  	[sflag:s17] =	ssyncadd.s32 $0xFFFFC000  }
0xa1: {  	[spmem:s1] =	stream.indirect.scatter.add.f32 [tilespmem:s15], [sflag:$0x1], $0x80, s21, s14, $0xb8;
	[tilespmem:$0x19880] =	vst v63  }
0xa2: {  	_ =	swait.ge [sflag:s19], $0x4000  }
0xa3: {  	[sflag:s19] =	ssyncset.done $0x0  }
0xa4: {  	[sflag:s19] =	ssyncadd.s32 $0xFFFFC000  }
0xa5: {  	[spmem:s1] =	stream.indirect.scatter.add.f32 [tilespmem:s15], [sflag:$0x2], $0x80, s22, s14, $0xb8;
	[tilespmem:$0x19880] =	vst v63  }
0xa6: {  	_ =	swait.ge [sflag:s17], $0x4000  }
0xa7: {  	[sflag:s17] =	ssyncset.done $0x0  }
0xa8: {  	[sflag:s17] =	ssyncadd.s32 $0xFFFFC000  }
0xa9: {  	[spmem:s1] =	stream.indirect.scatter.add.f32 [tilespmem:s15], [sflag:$0x1], $0x80, s23, s14, $0xb8;
	[tilespmem:$0x19880] =	vst v63  }
0xaa: {  	_ =	swait.ge [sflag:s19], $0x4000  }
0xab: {  	[sflag:s19] =	ssyncset.done $0x0  }
0xac: {  	[sflag:s19] =	ssyncadd.s32 $0xFFFFC000  }
0xad: {  	[spmem:s1] =	stream.indirect.scatter.add.f32 [tilespmem:s15], [sflag:$0x2], $0x80, s24, s14, $0xb8;
	[tilespmem:$0x19880] =	vst v63  }
0xae: {  	_ =	swait.ge [sflag:s17], $0x4000  }
0xaf: {  	[sflag:s17] =	ssyncset.done $0x0  }
0xb0: {  	[sflag:s17] =	ssyncadd.s32 $0xFFFFC000  }
0xb1: {  	[spmem:s1] =	stream.indirect.scatter.add.f32 [tilespmem:s15], [sflag:$0x1], $0x80, s25, s14, $0xb8;
	[tilespmem:$0x19880] =	vst v63  }
0xb2: {  	_ =	swait.ge [sflag:s19], $0x4000  }
0xb3: {  	[sflag:s19] =	ssyncset.done $0x0  }
0xb4: {  	[sflag:s19] =	ssyncadd.s32 $0xFFFFC000  }
0xb5: {  	[spmem:s1] =	stream.indirect.scatter.add.f32 [tilespmem:s15], [sflag:$0x2], $0x80, s26, s14, $0xb8;
	[tilespmem:$0x19880] =	vst v63  }
0xb6: {  	_ =	swait.ge [sflag:s17], $0x4000  }
0xb7: {  	[sflag:s17] =	ssyncset.done $0x0  }
0xb8: {  	[sflag:s17] =	ssyncadd.s32 $0xFFFFC000  }
0xb9: {  	[spmem:s1] =	stream.indirect.scatter.add.f32 [tilespmem:s15], [sflag:$0x1], $0x80, s28, s14, $0xb8;
	[tilespmem:$0x19880] =	vst v63  }
0xba: {  	_ =	swait.ge [sflag:s19], $0x4000  }
0xbb: {  	[sflag:s19] =	ssyncset.done $0x0  }
0xbc: {  	[sflag:s19] =	ssyncadd.s32 $0xFFFFC000  }
0xbd: {  	[spmem:s1] =	stream.indirect.scatter.add.f32 [tilespmem:s15], [sflag:$0x2], $0x80, s29, s14, $0xb8;
	[tilespmem:$0x19880] =	vst v63  }
0xbe: {  	_ =	swait.ge [sflag:s17], $0x4000  }
0xbf: {  	[sflag:s17] =	ssyncset.done $0x0  }
0xc0: {  	[sflag:s17] =	ssyncadd.s32 $0xFFFFC000  }
0xc1: {  	[spmem:s1] =	stream.indirect.scatter.add.f32 [tilespmem:s15], [sflag:$0x1], $0x80, s30, s14, $0xb8;
	[tilespmem:$0x19880] =	vst v63  }
0xc2: {  	_ =	swait.ge [sflag:s19], $0x4000  }
0xc3: {  	[sflag:s19] =	ssyncset.done $0x0  }
0xc4: {  	[sflag:s19] =	ssyncadd.s32 $0xFFFFC000  }
0xc5: {  	[spmem:s1] =	stream.indirect.scatter.add.f32 [tilespmem:s15], [sflag:$0x2], $0x80, s31, s14, $0xb8;
	[tilespmem:$0x19880] =	vst v63  }
0xc6: {  	_ =	swait.ge [sflag:s17], $0x4000  }
0xc7: {  	[sflag:s17] =	ssyncset.done $0x0  }
0xc8: {  	[sflag:s17] =	ssyncadd.s32 $0xFFFFC000  }
0xc9: {  	[spmem:s1] =	stream.indirect.scatter.add.f32 [tilespmem:s15], [sflag:$0x1], $0x80, s0, s14, $0xb8;
	[tilespmem:$0x19880] =	vst v63  }
0xca: {  	_ =	swait.ge [sflag:s19], $0x4000  }
0xcb: {  	[sflag:s19] =	ssyncset.done $0x0  }
0xcc: {  	[sflag:s19] =	ssyncadd.s32 $0xFFFFC000  }
0xcd: {  	[spmem:s1] =	stream.indirect.scatter.add.f32 [tilespmem:s15], [sflag:$0x2], $0x80, s2, s14, $0xb8;
	[tilespmem:$0x19880] =	vst v63  }
.Ltmp3:
0xce: {  	_ =	swait.ge [sflag:s17], $0x4000;
	(pc) =	sbr.rel @p1 .LBB2_8-.Ltmp3, $4  }
0xcf: {  	[sflag:s17] =	ssyncset.done $0x0  }
0xd0: {  	[sflag:s17] =	ssyncadd.s32 $0xFFFFC000  }
0xd1: {  	_ =	swait.ge [sflag:s19], $0x4000  }
0xd2: {  	s8 =	smov.u32 s9;
	[sflag:s19] =	ssyncset.done $0x0  }
0xd3: {  	s6 =	sadd.s32 s6, s10;
	[sflag:s19] =	ssyncadd.s32 $0xFFFFC000  }
0xd4: {  	[tilespmem:s13], [sflag:$0x3] =	stream.linear.gather [hbm4b:s6+s3], $0x800, $0x38;
	[tilespmem:$0x19880] =	vst v63  }
0xd5: {  	_ =	swait.ge [sflag:s12], $0x800  }
0xd6: {  	[sflag:s12] =	ssyncset.done $0x0  }
0xd7: {  	[sflag:s12] =	ssyncadd.s32 $0xFFFFF800  }
0xd8: {  	[spmem:s1] =	stream.indirect.scatter.add.f32 [tilespmem:s15], [sflag:$0x1], $0x80, s13, s14, $0xb8;
	[tilespmem:$0x19880] =	vst v63  }
0xd9: {  	_ = 	snop  }
0xda: {  	[spmem:s1] =	stream.indirect.scatter.add.f32 [tilespmem:s15], [sflag:$0x2], $0x80, s16, s14, $0xb8;
	[tilespmem:$0x19880] =	vst v63  }
0xdb: {  	_ =	swait.ge [sflag:s17], $0x4000  }
0xdc: {  	[sflag:s17] =	ssyncset.done $0x0  }
0xdd: {  	[sflag:s17] =	ssyncadd.s32 $0xFFFFC000  }
0xde: {  	[spmem:s1] =	stream.indirect.scatter.add.f32 [tilespmem:s15], [sflag:$0x1], $0x80, s18, s14, $0xb8;
	[tilespmem:$0x19880] =	vst v63  }
0xdf: {  	_ =	swait.ge [sflag:s19], $0x4000  }
0xe0: {  	[sflag:s19] =	ssyncset.done $0x0  }
0xe1: {  	[sflag:s19] =	ssyncadd.s32 $0xFFFFC000  }
0xe2: {  	[spmem:s1] =	stream.indirect.scatter.add.f32 [tilespmem:s15], [sflag:$0x2], $0x80, s20, s14, $0xb8;
	[tilespmem:$0x19880] =	vst v63  }
0xe3: {  	_ =	swait.ge [sflag:s17], $0x4000  }
0xe4: {  	[sflag:s17] =	ssyncset.done $0x0  }
0xe5: {  	[sflag:s17] =	ssyncadd.s32 $0xFFFFC000  }
0xe6: {  	[spmem:s1] =	stream.indirect.scatter.add.f32 [tilespmem:s15], [sflag:$0x1], $0x80, s21, s14, $0xb8;
	[tilespmem:$0x19880] =	vst v63  }
0xe7: {  	_ =	swait.ge [sflag:s19], $0x4000  }
0xe8: {  	[sflag:s19] =	ssyncset.done $0x0  }
0xe9: {  	[sflag:s19] =	ssyncadd.s32 $0xFFFFC000  }
0xea: {  	[spmem:s1] =	stream.indirect.scatter.add.f32 [tilespmem:s15], [sflag:$0x2], $0x80, s22, s14, $0xb8;
	[tilespmem:$0x19880] =	vst v63  }
0xeb: {  	_ =	swait.ge [sflag:s17], $0x4000  }
0xec: {  	[sflag:s17] =	ssyncset.done $0x0  }
0xed: {  	[sflag:s17] =	ssyncadd.s32 $0xFFFFC000  }
0xee: {  	[spmem:s1] =	stream.indirect.scatter.add.f32 [tilespmem:s15], [sflag:$0x1], $0x80, s23, s14, $0xb8;
	[tilespmem:$0x19880] =	vst v63  }
0xef: {  	_ =	swait.ge [sflag:s19], $0x4000  }
0xf0: {  	[sflag:s19] =	ssyncset.done $0x0  }
0xf1: {  	[sflag:s19] =	ssyncadd.s32 $0xFFFFC000  }
0xf2: {  	[spmem:s1] =	stream.indirect.scatter.add.f32 [tilespmem:s15], [sflag:$0x2], $0x80, s24, s14, $0xb8;
	[tilespmem:$0x19880] =	vst v63  }
0xf3: {  	_ =	swait.ge [sflag:s17], $0x4000  }
0xf4: {  	[sflag:s17] =	ssyncset.done $0x0  }
0xf5: {  	[sflag:s17] =	ssyncadd.s32 $0xFFFFC000  }
0xf6: {  	[spmem:s1] =	stream.indirect.scatter.add.f32 [tilespmem:s15], [sflag:$0x1], $0x80, s25, s14, $0xb8;
	[tilespmem:$0x19880] =	vst v63  }
0xf7: {  	_ =	swait.ge [sflag:s19], $0x4000  }
0xf8: {  	[sflag:s19] =	ssyncset.done $0x0  }
0xf9: {  	[sflag:s19] =	ssyncadd.s32 $0xFFFFC000  }
0xfa: {  	[spmem:s1] =	stream.indirect.scatter.add.f32 [tilespmem:s15], [sflag:$0x2], $0x80, s26, s14, $0xb8;
	[tilespmem:$0x19880] =	vst v63  }
0xfb: {  	_ =	swait.ge [sflag:s17], $0x4000  }
0xfc: {  	[sflag:s17] =	ssyncset.done $0x0  }
0xfd: {  	[sflag:s17] =	ssyncadd.s32 $0xFFFFC000  }
0xfe: {  	[spmem:s1] =	stream.indirect.scatter.add.f32 [tilespmem:s15], [sflag:$0x1], $0x80, s28, s14, $0xb8;
	[tilespmem:$0x19880] =	vst v63  }
0xff: {  	_ =	swait.ge [sflag:s19], $0x4000  }
0x100: {  	[sflag:s19] =	ssyncset.done $0x0  }
0x101: {  	[sflag:s19] =	ssyncadd.s32 $0xFFFFC000  }
0x102: {  	[spmem:s1] =	stream.indirect.scatter.add.f32 [tilespmem:s15], [sflag:$0x2], $0x80, s29, s14, $0xb8;
	[tilespmem:$0x19880] =	vst v63  }
0x103: {  	_ =	swait.ge [sflag:s17], $0x4000  }
0x104: {  	[sflag:s17] =	ssyncset.done $0x0  }
0x105: {  	[sflag:s17] =	ssyncadd.s32 $0xFFFFC000  }
0x106: {  	[spmem:s1] =	stream.indirect.scatter.add.f32 [tilespmem:s15], [sflag:$0x1], $0x80, s30, s14, $0xb8;
	[tilespmem:$0x19880] =	vst v63  }
0x107: {  	_ =	swait.ge [sflag:s19], $0x4000  }
0x108: {  	[sflag:s19] =	ssyncset.done $0x0  }
0x109: {  	[sflag:s19] =	ssyncadd.s32 $0xFFFFC000  }
0x10a: {  	[spmem:s1] =	stream.indirect.scatter.add.f32 [tilespmem:s15], [sflag:$0x2], $0x80, s31, s14, $0xb8;
	[tilespmem:$0x19880] =	vst v63  }
0x10b: {  	_ =	swait.ge [sflag:s17], $0x4000  }
0x10c: {  	[sflag:s17] =	ssyncset.done $0x0  }
0x10d: {  	[sflag:s17] =	ssyncadd.s32 $0xFFFFC000  }
0x10e: {  	[spmem:s1] =	stream.indirect.scatter.add.f32 [tilespmem:s15], [sflag:$0x1], $0x80, s0, s14, $0xb8;
	[tilespmem:$0x19880] =	vst v63  }
0x10f: {  	_ =	swait.ge [sflag:s19], $0x4000  }
0x110: {  	[sflag:s19] =	ssyncset.done $0x0  }
0x111: {  	[sflag:s19] =	ssyncadd.s32 $0xFFFFC000  }
0x112: {  	[spmem:s1] =	stream.indirect.scatter.add.f32 [tilespmem:s15], [sflag:$0x2], $0x80, s2, s14, $0xb8;
	[tilespmem:$0x19880] =	vst v63  }
0x113: {  	_ =	swait.ge [sflag:s17], $0x4000  }
0x114: {  	[sflag:s17] =	ssyncset.done $0x0  }
0x115: {  	[sflag:s17] =	ssyncadd.s32 $0xFFFFC000  }
0x116: {  	_ =	swait.ge [sflag:s19], $0x4000  }
0x117: {  	[sflag:s19] =	ssyncset.done $0x0  }
0x118: {  	s8 =	stileid.u32;
	[sflag:s19] =	ssyncadd.s32 $0xFFFFC000  }
0x119: {  	s6 =	sshll.u32 s8, $0x6;
	[bflag:$0x0] =	sbarrier.arrive $0xFFFF  }
0x11a: {  	s7 =	sshrl.u32 s4, $0x3;
	s6 =	sor.u32 $0x1C03, s6;
	s8 =	rddreg [dreg:$0x3]  }
0x11b: {  	[hbm:s8], [sflag:s6] =	dma.local [spmem:s7], $0x2900  }
0x11c: {  	_ =	swait.ge [sflag:s12], $0x2900  }
0x11d: {  	[sflag:s12] =	ssyncset.done $0x0;
	s7 =	rddreg [dreg:$0x5]  }
0x11e: {  	s8 =	rddreg [dreg:$0x4];
	[sflag:s12] =	ssyncadd.s32 $0xFFFFD700;
	s7 =	sshrl.u32 @!p0 s7, $0x3  }
0x11f: {  	[hbm:s8], [sflag:s6] =	dma.local @!p0 [spmem:s7], $0x100  }
0x120: {  	s6 =	simm.s32 @!p0 $0x3  }
0x121: {  	_ =	swait.ge @!p0 [sflag:s6], $0x100  }
0x122: {  	s5 =	sadd.s32 $0x1, s5;
	s9 =	rddreg [dreg:$0x6]  }
0x123: {  	p1 =	sne.s32 s5, s9  }
.Ltmp4:
0x124: {  	_ = 	snop;
	(pc) =	sbr.rel @p1 .LBB2_1-.Ltmp4, $3  }
0x125: {  	_ =	sdelay $0x1  }
0x126: {  	[sflag:s6] =	ssyncset.done @!p0 $0x0  }
0x127: {  	[sflag:s6] =	ssyncadd.s32 @!p0 $0xFFFFFF00  }
0x128: {  	_ =	sfence.sel $0x180000  }
0x129: {  	[bflag:$0x0] =	sbarrier.arrive $0xFFFF  }
0x12a: {  	_ =	strace $0x9000004A  }
0x12b: {  	s0 =	stileid.u32;
	[bflag:$0x2] =	sbarrier.arrive $0xFFFF  }
0x12c: {  	p0 =	sne.s32 s0, $0x0;
	s0 =	rddreg [dreg:$0x2]  }
0x12d: {  	s0 =	sadd.s32 @!p0 $0x100000, s0  }
0x12e: {  	[sflag:s0] =	ssyncadd.tile.s32 @!p0 $0x1;
	_ =	shalt  }
.Lfunc_end2:
_tile_overlayer_lowered:
.L_overlay_start_2:
0x12f: {  	(tag) =	ssettag $0x2  }
0x130: {  	s0 =	rddreg [dreg:$0x0];
	s2 =	stileid.u32  }
0x131: {  	s1 =	rddreg [dreg:$0x1];
	p0 =	sne.s32 s2, $0x0  }
0x132: {  	s3 =	rddreg [dreg:$0x2];
	[bflag:$0x3] =	sbarrier.arrive $0xFFFF;
	s2 =	simm.s32 @!p0 $0x1C03  }
0x133: {  	[timem:s3], [sflag:s2] =	dma.local @!p0 [hbm:s0], s1  }
0x134: {  	s0 =	simm.s32 @!p0 $0x3  }
0x135: {  	_ =	swait.ge @!p0 [sflag:s0], s1  }
0x136: {  	s1 =	ssub.s32 @!p0 $0x0, s1;
	[sflag:s0] =	ssyncset.done @!p0 $0x0  }
0x137: {  	[sflag:s0] =	ssyncadd.s32 @!p0 s1  }
0x138: {  	[bflag:$0x3] =	sbarrier.arrive $0xFFFF  }
0x139: {  	_ =	shalt  }

</sc_bundles>
